<compile_context>
chip_gen: v7x
topology: tpu7x:2x2x1
jax: 0.10.2.dev20260603
libtpu: 0.0.44.dev20260713+nightly
codegen_flags: <defaults>
</compile_context>

<pallas_src>
import dataclasses
import functools
import jax
import jax.numpy as jnp
from jax import lax
from jax.experimental import pallas as pl
from jax.experimental.pallas import tpu as pltpu
from jax.experimental.pallas import tpu_sc as plsc

B, N, K = 4, 10000, 17
KN = K - 1
NT = B * N
D = 128
EPS = 1e-5
ROWS_BLK = 2000
N_BLKS = NT // ROWS_BLK


def _main_body(x_ref, accx_ref, hist_ref, w_ref, b_ref, z_ref, stats_ref):
    i = pl.program_id(0)
    hist = hist_ref[0].astype(jnp.float32)
    dinv = jax.lax.rsqrt(1.0 + hist)
    xb = x_ref[0]
    accx = accx_ref[0]
    y = dinv * accx + (dinv * dinv) * xb
    z = jnp.dot(y, w_ref[...], preferred_element_type=jnp.float32)
    z = z + b_ref[0, :][None, :]
    z_ref[0] = z

    @pl.when(i == 0)
    def _():
        stats_ref[...] = jnp.zeros_like(stats_ref)

    s = jnp.sum(z, axis=0)
    s2 = jnp.sum(z * z, axis=0)
    stats_ref[0, :] += s
    stats_ref[1, :] += s2


def _finish_body(z_ref, stats_ref, g_ref, beta_ref, a_ref, o_ref):
    m = float(NT * D)
    mu = jnp.sum(stats_ref[0, :]) / m
    var = jnp.sum(stats_ref[1, :]) / m - mu * mu
    rstd = jax.lax.rsqrt(var + EPS)
    z = z_ref[0]
    h = (z - mu) * rstd * g_ref[0, :][None, :] + beta_ref[0, :][None, :]
    a = a_ref[0, 0]
    o_ref[0] = jnp.where(h >= 0, h, a * h)


def _scale_body(x_ref, hist_ref, xs_ref):
    dinv = jax.lax.rsqrt(1.0 + hist_ref[...].astype(jnp.float32))
    xs_ref[...] = x_ref[...] * dinv


def _scale(x2, hist):
    return pl.pallas_call(
        _scale_body,
        grid=(N_BLKS,),
        in_specs=[
            pl.BlockSpec((ROWS_BLK, D), lambda i: (i, 0)),
            pl.BlockSpec((ROWS_BLK, 1), lambda i: (i, 0)),
        ],
        out_specs=pl.BlockSpec((ROWS_BLK, D), lambda i: (i, 0)),
        out_shape=jax.ShapeDtypeStruct((NT, D), jnp.float32),
    )(x2, hist.reshape(NT, 1))


def _dense_part(x3, acc, hist3, W, b, gamma, beta, prelu_a):
    NB = N // ROWS_BLK
    z, stats = pl.pallas_call(
        _main_body,
        grid=(B * NB,),
        in_specs=[
            pl.BlockSpec((1, ROWS_BLK, D), lambda i: (i // NB, i % NB, 0)),
            pl.BlockSpec((1, ROWS_BLK, D), lambda i: (i // NB, i % NB, 0)),
            pl.BlockSpec((1, ROWS_BLK, 1), lambda i: (i // NB, i % NB, 0)),
            pl.BlockSpec((D, D), lambda i: (0, 0)),
            pl.BlockSpec((1, D), lambda i: (0, 0)),
        ],
        out_specs=[
            pl.BlockSpec((1, ROWS_BLK, D), lambda i: (i // NB, i % NB, 0)),
            pl.BlockSpec((8, D), lambda i: (0, 0)),
        ],
        out_shape=[
            jax.ShapeDtypeStruct((B, N, D), jnp.float32),
            jax.ShapeDtypeStruct((8, D), jnp.float32),
        ],
    )(x3, acc, hist3, W, b.reshape(1, D))

    out = pl.pallas_call(
        _finish_body,
        grid=(B * NB,),
        in_specs=[
            pl.BlockSpec((1, ROWS_BLK, D), lambda i: (i // NB, i % NB, 0)),
            pl.BlockSpec((8, D), lambda i: (0, 0)),
            pl.BlockSpec((1, D), lambda i: (0, 0)),
            pl.BlockSpec((1, D), lambda i: (0, 0)),
            pl.BlockSpec((1, 1), lambda i: (0, 0)),
        ],
        out_specs=pl.BlockSpec((1, ROWS_BLK, D), lambda i: (i // NB, i % NB, 0)),
        out_shape=jax.ShapeDtypeStruct((B, N, D), jnp.float32),
    )(z, stats, gamma.reshape(1, D), beta.reshape(1, D),
      prelu_a.reshape(1, 1))
    return out


RH = 640
EPT = N * KN // 8


def _sc_params():
    cp = pltpu.CompilerParams()
    if "needs_layout_passes" in pltpu.CompilerParams.__dataclass_fields__:
        cp = dataclasses.replace(cp, needs_layout_passes=False)
    return cp


def _hist_sc(dst):
    mesh = plsc.VectorSubcoreMesh(core_axis_name="c", subcore_axis_name="s")

    @functools.partial(
        pl.kernel,
        out_type=jax.ShapeDtypeStruct((B, RH, 16), jnp.int32),
        mesh=mesh,
        scratch_types=[
            pltpu.VMEM((EPT,), jnp.int32),
            pltpu.VMEM((RH, 16), jnp.int32),
            pltpu.VMEM((RH,), jnp.int32),
            pltpu.VMEM_SHARED((2, RH, 16), jnp.int32),
            pltpu.SemaphoreType.DMA,
        ],
        compiler_params=_sc_params(),
    )
    def hist_kernel(dst_hbm, out_hbm, dstv, histv, idsv, slab, sem):
        c = lax.axis_index("c")
        s = lax.axis_index("s")
        half = s // 8
        j = s % 8
        batch = 2 * c + half
        iota16 = lax.iota(jnp.int32, 16)

        @pl.loop(0, RH)
        def _(i):
            histv[i, :] = jnp.zeros((16,), jnp.int32)

        @pl.loop(0, RH // 16)
        def _(i):
            idsv[pl.ds(i * 16, 16)] = iota16 + i * 16

        @pl.when(j == 0)
        def _():
            pltpu.sync_copy(histv, slab.at[half])

        e0 = pl.multiple_of((batch * 8 + j) * EPT, 8)
        pltpu.async_copy(dst_hbm.at[pl.ds(e0, EPT)], dstv, sem).wait()
        plsc.subcore_barrier()

        ones16 = jnp.ones((16,), jnp.int32)

        @pl.loop(0, EPT // 16)
        def _(i):
            d = dstv[pl.ds(i * 16, 16)]
            plsc.addupdate_scatter(histv, [d >> 4, d & 15], ones16)

        pltpu.sync_copy(histv, slab.at[half].at[idsv], add=True)
        plsc.subcore_barrier()

        rows = RH // 8
        r0 = pl.multiple_of(j * rows, 8)
        pltpu.sync_copy(slab.at[half, pl.ds(r0, rows)],
                        out_hbm.at[batch, pl.ds(r0, rows)])

    return hist_kernel(dst)


RS = 10240
SPT = N // 16
SPAD = 640


CHA = 125
CHP = 128
NCHA = SPT // CHA


def _agg_sc(xs_grp, dst_flat):
    mesh = plsc.VectorSubcoreMesh(core_axis_name="c", subcore_axis_name="s")

    @functools.partial(
        pl.kernel,
        out_type=jax.ShapeDtypeStruct((B, RS, D), jnp.float32),
        mesh=mesh,
        scratch_types=[
            pltpu.VMEM((CHP, D), jnp.float32),
            pltpu.VMEM((CHP, D), jnp.float32),
            pltpu.VMEM((32, D), jnp.float32),
            pltpu.VMEM_SHARED((RS, D), jnp.float32),
            pltpu.SemaphoreType.DMA,
            pltpu.SemaphoreType.DMA,
        ] + [pltpu.VMEM((CHP,), jnp.int32) for _ in range(2 * KN)],
        compiler_params=_sc_params(),
    )
    def agg_kernel(xs_hbm, dst_hbm, out_hbm, xsv0, xsv1, zv, slab,
                   fsem, ssem, *idxs):
        c = lax.axis_index("c")
        t = lax.axis_index("s")
        z16 = jnp.zeros((16,), jnp.float32)
        bufs = [(xsv0, idxs[:KN]), (xsv1, idxs[KN:])]

        @pl.loop(0, 32)
        def _(i):
            @pl.loop(0, D // 16)
            def _(k):
                zv[i, pl.ds(k * 16, 16)] = z16

        @pl.loop(0, 2)
        def _(q):
            batch = 2 * c + q
            w = batch * 16 + t

            @pl.loop(0, RS // 16 // 32)
            def _(zb):
                r0 = pl.multiple_of(t * (RS // 16) + zb * 32, 32)
                pltpu.sync_copy(zv, slab.at[pl.ds(r0, 32)])

            plsc.subcore_barrier()

            def fill(ch, buf):
                xsv, idx = buf
                g0 = batch * 80 + t * NCHA + ch
                cps = [pltpu.async_copy(
                    xs_hbm.at[g0], xsv.at[pl.ds(0, CHA)], fsem)]
                for k in range(KN):
                    e0 = pl.multiple_of(
                        ((w * KN + k) * NCHA + ch) * CHP, 8)
                    cps.append(pltpu.async_copy(
                        dst_hbm.at[pl.ds(e0, CHP)], idx[k], fsem))
                return cps

            fills = fill(0, bufs[0])
            for ch in range(NCHA):
                xsv, idx = bufs[ch % 2]
                for cp in fills:
                    cp.wait()
                if ch + 1 < NCHA:
                    fills = fill(ch + 1, bufs[(ch + 1) % 2])
                for k in range(KN):
                    pltpu.sync_copy(xsv, slab.at[idx[k]], add=True)

            plsc.subcore_barrier()

            rows = RS // 16
            r0 = pl.multiple_of(t * rows, 8)
            pltpu.sync_copy(slab.at[pl.ds(r0, rows)],
                            out_hbm.at[batch, pl.ds(r0, rows)])
            plsc.subcore_barrier()

    return agg_kernel(xs_grp, dst_flat)


def kernel(x, edge_index, edge_mask, W, b, gamma, beta, prelu_a):
    x2 = x[:, 0, :]
    ei = edge_index[:, :, 1:].astype(jnp.int32)
    mask = edge_mask[:, :, 1:]

    flat_pos = jnp.arange(N * KN, dtype=jnp.int32).reshape(1, N, KN)
    dump = N + (flat_pos % 128)
    dst = jnp.where(mask, ei, dump)

    hist_b = _hist_sc(dst.reshape(-1)).reshape(B, RH * 16)
    hist = hist_b[:, :N].reshape(NT)

    xs = _scale(x2, hist)

    dst_tile = dst.reshape(B * 16, SPT, KN).transpose(0, 2, 1)
    dst_tile = dst_tile.reshape(B * 16, KN, NCHA, CHA)
    pad = jnp.broadcast_to(
        (N + jnp.arange(CHP - CHA, dtype=jnp.int32))[None, None, None, :],
        (B * 16, KN, NCHA, CHP - CHA))
    dst_pad = jnp.concatenate([dst_tile, pad], axis=-1)

    acc = _agg_sc(xs.reshape(B * 16 * NCHA, CHA, D),
                  dst_pad.reshape(-1))

    out = _dense_part(x2.reshape(B, N, D), acc,
                      hist_b.reshape(B, RH * 16, 1),
                      W, b, gamma, beta, prelu_a)
    return out.reshape(NT, D)

# --- scband reference (transcript-rebuilt; emitter-appended) ---
"""Pipeline reference for scband-gnnlayer-7241314861531 (READ-ONLY COPY).

The authoritative reference and input builder live on the scoring server;
editing this copy changes nothing except your own understanding.
"""

import jax, jax.numpy as jnp
import numpy as np

B, N, K = 4, 10000, 17
D_IN, D_OUT = 128, 128


def setup_inputs(seed: int = 0) -> dict:
    key = jax.random.key(seed)
    k1, k2, k3, k4, k5, k6, k7 = jax.random.split(key, 7)
    x = jax.random.normal(k1, (B * N, 1, D_IN), dtype=jnp.float32)
    edge_index = jax.random.randint(k2, (B, N, K), 0, N, dtype=jnp.int64)
    edge_mask = jax.random.randint(k3, (B, N, K), 0, 2).astype(bool)
    # GCNConv params (glorot weight, zero bias)
    limit = float(np.sqrt(6.0 / (D_IN + D_OUT)))
    W = jax.random.uniform(k4, (D_IN, D_OUT), minval=-limit, maxval=limit, dtype=jnp.float32)
    b = jnp.zeros((D_OUT,), dtype=jnp.float32)
    gamma = jnp.ones((D_OUT,), dtype=jnp.float32)
    beta = jnp.zeros((D_OUT,), dtype=jnp.float32)
    prelu_a = jnp.full((1,), 0.25, dtype=jnp.float32)
    return {"x": x, "edge_index": edge_index, "edge_mask": edge_mask,
            "W": W, "b": b, "gamma": gamma, "beta": beta, "prelu_a": prelu_a}


def knn_edges_to_edge_index(knn_edges, knn_edge_mask):
    knn_edges = knn_edges[:, :, 1:]
    knn_edge_mask = knn_edge_mask[:, :, 1:]
    bsz, n_nodes, n_nb = knn_edges.shape
    batch_offsets = (jnp.arange(bsz, dtype=knn_edges.dtype) * n_nodes)[:, None]
    src = jnp.broadcast_to(jnp.arange(n_nodes, dtype=knn_edges.dtype)[None, :], (bsz, n_nodes)) + batch_offsets
    src = jnp.broadcast_to(src[:, :, None], (bsz, n_nodes, n_nb)).reshape(-1)
    dst = (knn_edges + batch_offsets[:, :, None]).reshape(-1)
    valid = knn_edge_mask.reshape(-1)
    return jnp.stack([src, dst], axis=0), valid


def gcn_conv(h, edge_index, valid, W, b):
    n = h.shape[0]
    row, col = edge_index[0], edge_index[1]
    row = jnp.where(valid, row, n)
    col = jnp.where(valid, col, n)
    loop = jnp.arange(n, dtype=row.dtype)
    row = jnp.concatenate([row, loop])
    col = jnp.concatenate([col, loop])
    deg = jnp.zeros((n + 1,), dtype=h.dtype).at[col].add(1.0)
    dinv = jnp.where(deg > 0, deg ** -0.5, 0.0)
    norm = dinv[row] * dinv[col]
    h = h @ W
    h_pad = jnp.concatenate([h, jnp.zeros((1, h.shape[1]), dtype=h.dtype)], axis=0)
    msg = h_pad[row] * norm[:, None]
    out = jnp.zeros((n + 1, h.shape[1]), dtype=h.dtype).at[col].add(msg)
    return out[:n] + b


def layer_norm_graph(h, gamma, beta, eps=1e-5):
    # torch_geometric.nn.LayerNorm default mode='graph' (single graph, no batch vec)
    mu = jnp.mean(h)
    hc = h - mu
    var = jnp.mean(hc * hc)
    return hc / jnp.sqrt(var + eps) * gamma + beta


def prelu(h, a):
    return jnp.where(h >= 0, h, a * h)


def reference(x, edge_index, edge_mask, W, b, gamma, beta, prelu_a):
    ei, valid = knn_edges_to_edge_index(edge_index, edge_mask)
    h = x[:, 0, :]
    h = gcn_conv(h, ei, valid, W, b)
    h = layer_norm_graph(h, gamma, beta)
    h = prelu(h, prelu_a)
    return h

if __name__ == "__main__":
    import jax
    _d = setup_inputs()
    print(jax.jit(kernel)(*tuple(_d.values())))

</pallas_src>

<mosaic_0001>
#map = affine_map<(d0, d1) -> (0, 0, 0)>
#map1 = affine_map<(d0, d1) -> (0)>
module attributes {stable_mosaic.version = 14 : i64} {
  func.func @agg_kernel(%arg0: i32, %arg1: i32, %arg2: memref<320x125x128xf32, #tpu.memory_space<hbm>>, %arg3: memref<655360xi32, #tpu.memory_space<hbm>>, %arg4: memref<4x10240x128xf32, #tpu.memory_space<hbm>>, %arg5: memref<128x128xf32, #tpu.memory_space<vmem>>, %arg6: memref<128x128xf32, #tpu.memory_space<vmem>>, %arg7: memref<32x128xf32, #tpu.memory_space<vmem>>, %arg8: memref<10240x128xf32, #tpu.memory_space<vmem_shared>>, %arg9: memref<!tpu.dma_semaphore, #tpu.memory_space<semaphore_mem>>, %arg10: memref<!tpu.dma_semaphore, #tpu.memory_space<semaphore_mem>>, %arg11: memref<128xi32, #tpu.memory_space<vmem>>, %arg12: memref<128xi32, #tpu.memory_space<vmem>>, %arg13: memref<128xi32, #tpu.memory_space<vmem>>, %arg14: memref<128xi32, #tpu.memory_space<vmem>>, %arg15: memref<128xi32, #tpu.memory_space<vmem>>, %arg16: memref<128xi32, #tpu.memory_space<vmem>>, %arg17: memref<128xi32, #tpu.memory_space<vmem>>, %arg18: memref<128xi32, #tpu.memory_space<vmem>>, %arg19: memref<128xi32, #tpu.memory_space<vmem>>, %arg20: memref<128xi32, #tpu.memory_space<vmem>>, %arg21: memref<128xi32, #tpu.memory_space<vmem>>, %arg22: memref<128xi32, #tpu.memory_space<vmem>>, %arg23: memref<128xi32, #tpu.memory_space<vmem>>, %arg24: memref<128xi32, #tpu.memory_space<vmem>>, %arg25: memref<128xi32, #tpu.memory_space<vmem>>, %arg26: memref<128xi32, #tpu.memory_space<vmem>>, %arg27: memref<128xi32, #tpu.memory_space<vmem>>, %arg28: memref<128xi32, #tpu.memory_space<vmem>>, %arg29: memref<128xi32, #tpu.memory_space<vmem>>, %arg30: memref<128xi32, #tpu.memory_space<vmem>>, %arg31: memref<128xi32, #tpu.memory_space<vmem>>, %arg32: memref<128xi32, #tpu.memory_space<vmem>>, %arg33: memref<128xi32, #tpu.memory_space<vmem>>, %arg34: memref<128xi32, #tpu.memory_space<vmem>>, %arg35: memref<128xi32, #tpu.memory_space<vmem>>, %arg36: memref<128xi32, #tpu.memory_space<vmem>>, %arg37: memref<128xi32, #tpu.memory_space<vmem>>, %arg38: memref<128xi32, #tpu.memory_space<vmem>>, %arg39: memref<128xi32, #tpu.memory_space<vmem>>, %arg40: memref<128xi32, #tpu.memory_space<vmem>>, %arg41: memref<128xi32, #tpu.memory_space<vmem>>, %arg42: memref<128xi32, #tpu.memory_space<vmem>>) attributes {dimension_semantics = [#tpu.dimension_semantics<core_parallel>, #tpu.dimension_semantics<subcore_parallel>], iteration_bounds = array<i64: 2, 16>, scalar_prefetch = 0 : i64, scratch_operands = 38 : i64, tpu.core_type = #tpu.core_type<sc_vector_subcore>, window_params = [{transform_indices = #map}, {transform_indices = #map1}, {transform_indices = #map}]} {
    %broadcast_in_dim3A = arith.constant 0.000000e+00 : f32
    %broadcast_in_dim3A_0 = vector.broadcast %broadcast_in_dim3A : f32 to vector<16xf32>
    %scan3A = arith.constant 0 : i32
    %scan3A_1 = arith.constant 32 : i32
    %scan3A_2 = arith.addi %scan3A, %scan3A_1 : i32
    %scan3A_3 = arith.constant 1 : i32
    scf.for %scan3A_10 = %scan3A to %scan3A_2 step %scan3A_3  : i32 {
      %mul3A = arith.constant 1 : i32
      %mul3A_11 = arith.muli %scan3A_10, %mul3A : i32
      %add3A = arith.constant 0 : i32
      %add3A_12 = arith.addi %add3A, %mul3A_11 : i32
      %scan3A_13 = arith.constant 0 : i32
      %scan3A_14 = arith.constant 8 : i32
      %scan3A_15 = arith.addi %scan3A_13, %scan3A_14 : i32
      %scan3A_16 = arith.constant 1 : i32
      scf.for %scan3A_18 = %scan3A_13 to %scan3A_15 step %scan3A_16  : i32 {
        %mul3A_19 = arith.constant 1 : i32
        %mul3A_20 = arith.muli %scan3A_18, %mul3A_19 : i32
        %add3A_21 = arith.constant 0 : i32
        %add3A_22 = arith.addi %add3A_21, %mul3A_20 : i32
        %mul3A_23 = arith.constant 16 : i32
        %mul3A_24 = arith.muli %add3A_22, %mul3A_23 : i32
        %swap3A = arith.index_cast %add3A_12 : i32 to index
        %swap3A_25 = arith.index_cast %mul3A_24 : i32 to index
        %swap3A_26 = tpu.vector_load %arg7[%swap3A, %swap3A_25] {strides = array<i32>} : memref<32x128xf32, #tpu.memory_space<vmem>>, vector<16xf32>,
        tpu.vector_store %arg7[%swap3A, %swap3A_25], %broadcast_in_dim3A_0 {strides = array<i32>} : memref<32x128xf32, #tpu.memory_space<vmem>>, vector<16xf32>,
      }
      %scan3A_17 = arith.constant 8 : i32
    }
    %scan3A_4 = arith.constant 32 : i32
    %scan3A_5 = arith.constant 0 : i32
    %scan3A_6 = arith.constant 2 : i32
    %scan3A_7 = arith.addi %scan3A_5, %scan3A_6 : i32
    %scan3A_8 = arith.constant 1 : i32
    scf.for %scan3A_10 = %scan3A_5 to %scan3A_7 step %scan3A_8  : i32 {
      %mul3A = arith.constant 1 : i32
      %mul3A_11 = arith.muli %scan3A_10, %mul3A : i32
      %add3A = arith.constant 0 : i32
      %add3A_12 = arith.addi %add3A, %mul3A_11 : i32
      %mul3A_13 = arith.constant 2 : i32
      %mul3A_14 = arith.muli %mul3A_13, %arg0 : i32
      %add3A_15 = arith.addi %mul3A_14, %add3A_12 : i32
      %mul3A_16 = arith.constant 16 : i32
      %mul3A_17 = arith.muli %add3A_15, %mul3A_16 : i32
      %add3A_18 = arith.addi %mul3A_17, %arg1 : i32
      %scan3A_19 = arith.constant 0 : i32
      %scan3A_20 = arith.constant 20 : i32
      %scan3A_21 = arith.addi %scan3A_19, %scan3A_20 : i32
      %scan3A_22 = arith.constant 1 : i32
      scf.for %scan3A_1401 = %scan3A_19 to %scan3A_21 step %scan3A_22  : i32 {
        %mul3A_1402 = arith.constant 1 : i32
        %mul3A_1403 = arith.muli %scan3A_1401, %mul3A_1402 : i32
        %add3A_1404 = arith.constant 0 : i32
        %add3A_1405 = arith.addi %add3A_1404, %mul3A_1403 : i32
        %mul3A_1406 = arith.constant 640 : i32
        %mul3A_1407 = arith.muli %arg1, %mul3A_1406 : i32
        %mul3A_1408 = arith.constant 32 : i32
        %mul3A_1409 = arith.muli %add3A_1405, %mul3A_1408 : i32
        %add3A_1410 = arith.addi %mul3A_1407, %mul3A_1409 : i32
        %multiple_of3A_1411 = tpu.assume_multiple %add3A_1410, 32 : i32
        "tpu.region"() ({
          %run_scoped3A = tpu.sem_alloc : memref<!tpu.dma_semaphore, #tpu.memory_space<semaphore_mem>>
          %dma_start3A_1412 = arith.constant 0 : i32
          %dma_start3A_1413 = tpu.memref_slice %arg8[%multiple_of3A_1411, %dma_start3A_1412] : memref<10240x128xf32, #tpu.memory_space<vmem_shared>> -> memref<32x128xf32, #tpu.memory_space<vmem_shared>>
          %dma_start3A_1414 = arith.constant 0 : i32
          %dma_start3A_1415 = tpu.memref_slice %arg8[%multiple_of3A_1411, %dma_start3A_1414] : memref<10240x128xf32, #tpu.memory_space<vmem_shared>> -> memref<32x128xf32, #tpu.memory_space<vmem_shared>>
          tpu.enqueue_dma source(%arg7 : memref<32x128xf32, #tpu.memory_space<vmem>>) target(%dma_start3A_1415 : memref<32x128xf32, #tpu.memory_space<vmem_shared>>) target_semaphore(%run_scoped3A : memref<!tpu.dma_semaphore, #tpu.memory_space<semaphore_mem>>)
          %dma_wait3A_1416 = arith.constant 0 : i32
          %dma_wait3A_1417 = tpu.memref_slice %arg8[%multiple_of3A_1411, %dma_wait3A_1416] : memref<10240x128xf32, #tpu.memory_space<vmem_shared>> -> memref<32x128xf32, #tpu.memory_space<vmem_shared>>
          %dma_wait3A_1418 = arith.constant 0 : i32
          %dma_wait3A_1419 = tpu.memref_slice %arg8[%multiple_of3A_1411, %dma_wait3A_1418] : memref<10240x128xf32, #tpu.memory_space<vmem_shared>> -> memref<32x128xf32, #tpu.memory_space<vmem_shared>>
          tpu.wait_dma2 semaphore(%run_scoped3A : memref<!tpu.dma_semaphore, #tpu.memory_space<semaphore_mem>>) src(%arg7 : memref<32x128xf32, #tpu.memory_space<vmem>>) dst(%dma_wait3A_1419 : memref<32x128xf32, #tpu.memory_space<vmem_shared>>)
          tpu.yield
        }) : () -> ()
      }
      %scan3A_23 = arith.constant 20 : i32
      %barrier3A = arith.constant 0 : index
      tpu.barrier barrier_id(%barrier3A)
      %mul3A_24 = arith.constant 80 : i32
      %mul3A_25 = arith.muli %add3A_15, %mul3A_24 : i32
      %mul3A_26 = arith.constant 5 : i32
      %mul3A_27 = arith.muli %arg1, %mul3A_26 : i32
      %add3A_28 = arith.addi %mul3A_25, %mul3A_27 : i32
      %add3A_29 = arith.constant 0 : i32
      %add3A_30 = arith.addi %add3A_28, %add3A_29 : i32
      %dma_start3A = arith.constant 0 : i32
      %dma_start3A_31 = arith.constant 0 : i32
      %dma_start3A_32 = tpu.memref_slice %arg5[%dma_start3A, %dma_start3A_31] : memref<128x128xf32, #tpu.memory_space<vmem>> -> memref<125x128xf32, #tpu.memory_space<vmem>>
      %dma_start3A_33 = arith.constant 0 : i32
      %dma_start3A_34 = arith.constant 0 : i32
      %dma_start3A_35 = tpu.memref_slice %arg2[%add3A_30, %dma_start3A_33, %dma_start3A_34] : memref<320x125x128xf32, #tpu.memory_space<hbm>> -> memref<1x125x128xf32, #tpu.memory_space<hbm>>
      %dma_start3A_36 = tpu.memref_squeeze %dma_start3A_35 : memref<1x125x128xf32, #tpu.memory_space<hbm>> -> memref<125x128xf32, #tpu.memory_space<hbm>>
      %dma_start3A_37 = arith.constant 0 : i32
      %dma_start3A_38 = arith.constant 0 : i32
      %dma_start3A_39 = tpu.memref_slice %arg5[%dma_start3A_37, %dma_start3A_38] : memref<128x128xf32, #tpu.memory_space<vmem>> -> memref<125x128xf32, #tpu.memory_space<vmem>>
      %dma_start3A_40 = arith.constant 0 : i32
      %dma_start3A_41 = arith.constant 0 : i32
      %dma_start3A_42 = tpu.memref_slice %arg2[%add3A_30, %dma_start3A_40, %dma_start3A_41] : memref<320x125x128xf32, #tpu.memory_space<hbm>> -> memref<1x125x128xf32, #tpu.memory_space<hbm>>
      %dma_start3A_43 = tpu.memref_squeeze %dma_start3A_42 : memref<1x125x128xf32, #tpu.memory_space<hbm>> -> memref<125x128xf32, #tpu.memory_space<hbm>>
      tpu.enqueue_dma source(%dma_start3A_43 : memref<125x128xf32, #tpu.memory_space<hbm>>) target(%dma_start3A_39 : memref<125x128xf32, #tpu.memory_space<vmem>>) target_semaphore(%arg9 : memref<!tpu.dma_semaphore, #tpu.memory_space<semaphore_mem>>)
      %mul3A_44 = arith.constant 16 : i32
      %mul3A_45 = arith.muli %add3A_18, %mul3A_44 : i32
      %add3A_46 = arith.constant 0 : i32
      %add3A_47 = arith.addi %mul3A_45, %add3A_46 : i32
      %mul3A_48 = arith.constant 5 : i32
      %mul3A_49 = arith.muli %add3A_47, %mul3A_48 : i32
      %add3A_50 = arith.constant 0 : i32
      %add3A_51 = arith.addi %mul3A_49, %add3A_50 : i32
      %mul3A_52 = arith.constant 128 : i32
      %mul3A_53 = arith.muli %add3A_51, %mul3A_52 : i32
      %multiple_of3A = tpu.assume_multiple %mul3A_53, 8 : i32
      %dma_start3A_54 = tpu.memref_slice %arg3[%multiple_of3A] : memref<655360xi32, #tpu.memory_space<hbm>> -> memref<128xi32, #tpu.memory_space<hbm>>
      %dma_start3A_55 = tpu.memref_slice %arg3[%multiple_of3A] : memref<655360xi32, #tpu.memory_space<hbm>> -> memref<128xi32, #tpu.memory_space<hbm>>
      tpu.enqueue_dma source(%dma_start3A_55 : memref<128xi32, #tpu.memory_space<hbm>>) target(%arg11 : memref<128xi32, #tpu.memory_space<vmem>>) target_semaphore(%arg9 : memref<!tpu.dma_semaphore, #tpu.memory_space<semaphore_mem>>)
      %mul3A_56 = arith.constant 16 : i32
      %mul3A_57 = arith.muli %add3A_18, %mul3A_56 : i32
      %add3A_58 = arith.constant 1 : i32
      %add3A_59 = arith.addi %mul3A_57, %add3A_58 : i32
      %mul3A_60 = arith.constant 5 : i32
      %mul3A_61 = arith.muli %add3A_59, %mul3A_60 : i32
      %add3A_62 = arith.constant 0 : i32
      %add3A_63 = arith.addi %mul3A_61, %add3A_62 : i32
      %mul3A_64 = arith.constant 128 : i32
      %mul3A_65 = arith.muli %add3A_63, %mul3A_64 : i32
      %multiple_of3A_66 = tpu.assume_multiple %mul3A_65, 8 : i32
      %dma_start3A_67 = tpu.memref_slice %arg3[%multiple_of3A_66] : memref<655360xi32, #tpu.memory_space<hbm>> -> memref<128xi32, #tpu.memory_space<hbm>>
      %dma_start3A_68 = tpu.memref_slice %arg3[%multiple_of3A_66] : memref<655360xi32, #tpu.memory_space<hbm>> -> memref<128xi32, #tpu.memory_space<hbm>>
      tpu.enqueue_dma source(%dma_start3A_68 : memref<128xi32, #tpu.memory_space<hbm>>) target(%arg12 : memref<128xi32, #tpu.memory_space<vmem>>) target_semaphore(%arg9 : memref<!tpu.dma_semaphore, #tpu.memory_space<semaphore_mem>>)
      %mul3A_69 = arith.constant 16 : i32
      %mul3A_70 = arith.muli %add3A_18, %mul3A_69 : i32
      %add3A_71 = arith.constant 2 : i32
      %add3A_72 = arith.addi %mul3A_70, %add3A_71 : i32
      %mul3A_73 = arith.constant 5 : i32
      %mul3A_74 = arith.muli %add3A_72, %mul3A_73 : i32
      %add3A_75 = arith.constant 0 : i32
      %add3A_76 = arith.addi %mul3A_74, %add3A_75 : i32
      %mul3A_77 = arith.constant 128 : i32
      %mul3A_78 = arith.muli %add3A_76, %mul3A_77 : i32
      %multiple_of3A_79 = tpu.assume_multiple %mul3A_78, 8 : i32
      %dma_start3A_80 = tpu.memref_slice %arg3[%multiple_of3A_79] : memref<655360xi32, #tpu.memory_space<hbm>> -> memref<128xi32, #tpu.memory_space<hbm>>
      %dma_start3A_81 = tpu.memref_slice %arg3[%multiple_of3A_79] : memref<655360xi32, #tpu.memory_space<hbm>> -> memref<128xi32, #tpu.memory_space<hbm>>
      tpu.enqueue_dma source(%dma_start3A_81 : memref<128xi32, #tpu.memory_space<hbm>>) target(%arg13 : memref<128xi32, #tpu.memory_space<vmem>>) target_semaphore(%arg9 : memref<!tpu.dma_semaphore, #tpu.memory_space<semaphore_mem>>)
      %mul3A_82 = arith.constant 16 : i32
      %mul3A_83 = arith.muli %add3A_18, %mul3A_82 : i32
      %add3A_84 = arith.constant 3 : i32
      %add3A_85 = arith.addi %mul3A_83, %add3A_84 : i32
      %mul3A_86 = arith.constant 5 : i32
      %mul3A_87 = arith.muli %add3A_85, %mul3A_86 : i32
      %add3A_88 = arith.constant 0 : i32
      %add3A_89 = arith.addi %mul3A_87, %add3A_88 : i32
      %mul3A_90 = arith.constant 128 : i32
      %mul3A_91 = arith.muli %add3A_89, %mul3A_90 : i32
      %multiple_of3A_92 = tpu.assume_multiple %mul3A_91, 8 : i32
      %dma_start3A_93 = tpu.memref_slice %arg3[%multiple_of3A_92] : memref<655360xi32, #tpu.memory_space<hbm>> -> memref<128xi32, #tpu.memory_space<hbm>>
      %dma_start3A_94 = tpu.memref_slice %arg3[%multiple_of3A_92] : memref<655360xi32, #tpu.memory_space<hbm>> -> memref<128xi32, #tpu.memory_space<hbm>>
      tpu.enqueue_dma source(%dma_start3A_94 : memref<128xi32, #tpu.memory_space<hbm>>) target(%arg14 : memref<128xi32, #tpu.memory_space<vmem>>) target_semaphore(%arg9 : memref<!tpu.dma_semaphore, #tpu.memory_space<semaphore_mem>>)
      %mul3A_95 = arith.constant 16 : i32
      %mul3A_96 = arith.muli %add3A_18, %mul3A_95 : i32
      %add3A_97 = arith.constant 4 : i32
      %add3A_98 = arith.addi %mul3A_96, %add3A_97 : i32
      %mul3A_99 = arith.constant 5 : i32
      %mul3A_100 = arith.muli %add3A_98, %mul3A_99 : i32
      %add3A_101 = arith.constant 0 : i32
      %add3A_102 = arith.addi %mul3A_100, %add3A_101 : i32
      %mul3A_103 = arith.constant 128 : i32
      %mul3A_104 = arith.muli %add3A_102, %mul3A_103 : i32
      %multiple_of3A_105 = tpu.assume_multiple %mul3A_104, 8 : i32
      %dma_start3A_106 = tpu.memref_slice %arg3[%multiple_of3A_105] : memref<655360xi32, #tpu.memory_space<hbm>> -> memref<128xi32, #tpu.memory_space<hbm>>
      %dma_start3A_107 = tpu.memref_slice %arg3[%multiple_of3A_105] : memref<655360xi32, #tpu.memory_space<hbm>> -> memref<128xi32, #tpu.memory_space<hbm>>
      tpu.enqueue_dma source(%dma_start3A_107 : memref<128xi32, #tpu.memory_space<hbm>>) target(%arg15 : memref<128xi32, #tpu.memory_space<vmem>>) target_semaphore(%arg9 : memref<!tpu.dma_semaphore, #tpu.memory_space<semaphore_mem>>)
      %mul3A_108 = arith.constant 16 : i32
      %mul3A_109 = arith.muli %add3A_18, %mul3A_108 : i32
      %add3A_110 = arith.constant 5 : i32
      %add3A_111 = arith.addi %mul3A_109, %add3A_110 : i32
      %mul3A_112 = arith.constant 5 : i32
      %mul3A_113 = arith.muli %add3A_111, %mul3A_112 : i32
      %add3A_114 = arith.constant 0 : i32
      %add3A_115 = arith.addi %mul3A_113, %add3A_114 : i32
      %mul3A_116 = arith.constant 128 : i32
      %mul3A_117 = arith.muli %add3A_115, %mul3A_116 : i32
      %multiple_of3A_118 = tpu.assume_multiple %mul3A_117, 8 : i32
      %dma_start3A_119 = tpu.memref_slice %arg3[%multiple_of3A_118] : memref<655360xi32, #tpu.memory_space<hbm>> -> memref<128xi32, #tpu.memory_space<hbm>>
      %dma_start3A_120 = tpu.memref_slice %arg3[%multiple_of3A_118] : memref<655360xi32, #tpu.memory_space<hbm>> -> memref<128xi32, #tpu.memory_space<hbm>>
      tpu.enqueue_dma source(%dma_start3A_120 : memref<128xi32, #tpu.memory_space<hbm>>) target(%arg16 : memref<128xi32, #tpu.memory_space<vmem>>) target_semaphore(%arg9 : memref<!tpu.dma_semaphore, #tpu.memory_space<semaphore_mem>>)
      %mul3A_121 = arith.constant 16 : i32
      %mul3A_122 = arith.muli %add3A_18, %mul3A_121 : i32
      %add3A_123 = arith.constant 6 : i32
      %add3A_124 = arith.addi %mul3A_122, %add3A_123 : i32
      %mul3A_125 = arith.constant 5 : i32
      %mul3A_126 = arith.muli %add3A_124, %mul3A_125 : i32
      %add3A_127 = arith.constant 0 : i32
      %add3A_128 = arith.addi %mul3A_126, %add3A_127 : i32
      %mul3A_129 = arith.constant 128 : i32
      %mul3A_130 = arith.muli %add3A_128, %mul3A_129 : i32
      %multiple_of3A_131 = tpu.assume_multiple %mul3A_130, 8 : i32
      %dma_start3A_132 = tpu.memref_slice %arg3[%multiple_of3A_131] : memref<655360xi32, #tpu.memory_space<hbm>> -> memref<128xi32, #tpu.memory_space<hbm>>
      %dma_start3A_133 = tpu.memref_slice %arg3[%multiple_of3A_131] : memref<655360xi32, #tpu.memory_space<hbm>> -> memref<128xi32, #tpu.memory_space<hbm>>
      tpu.enqueue_dma source(%dma_start3A_133 : memref<128xi32, #tpu.memory_space<hbm>>) target(%arg17 : memref<128xi32, #tpu.memory_space<vmem>>) target_semaphore(%arg9 : memref<!tpu.dma_semaphore, #tpu.memory_space<semaphore_mem>>)
      %mul3A_134 = arith.constant 16 : i32
      %mul3A_135 = arith.muli %add3A_18, %mul3A_134 : i32
      %add3A_136 = arith.constant 7 : i32
      %add3A_137 = arith.addi %mul3A_135, %add3A_136 : i32
      %mul3A_138 = arith.constant 5 : i32
      %mul3A_139 = arith.muli %add3A_137, %mul3A_138 : i32
      %add3A_140 = arith.constant 0 : i32
      %add3A_141 = arith.addi %mul3A_139, %add3A_140 : i32
      %mul3A_142 = arith.constant 128 : i32
      %mul3A_143 = arith.muli %add3A_141, %mul3A_142 : i32
      %multiple_of3A_144 = tpu.assume_multiple %mul3A_143, 8 : i32
      %dma_start3A_145 = tpu.memref_slice %arg3[%multiple_of3A_144] : memref<655360xi32, #tpu.memory_space<hbm>> -> memref<128xi32, #tpu.memory_space<hbm>>
      %dma_start3A_146 = tpu.memref_slice %arg3[%multiple_of3A_144] : memref<655360xi32, #tpu.memory_space<hbm>> -> memref<128xi32, #tpu.memory_space<hbm>>
      tpu.enqueue_dma source(%dma_start3A_146 : memref<128xi32, #tpu.memory_space<hbm>>) target(%arg18 : memref<128xi32, #tpu.memory_space<vmem>>) target_semaphore(%arg9 : memref<!tpu.dma_semaphore, #tpu.memory_space<semaphore_mem>>)
      %mul3A_147 = arith.constant 16 : i32
      %mul3A_148 = arith.muli %add3A_18, %mul3A_147 : i32
      %add3A_149 = arith.constant 8 : i32
      %add3A_150 = arith.addi %mul3A_148, %add3A_149 : i32
      %mul3A_151 = arith.constant 5 : i32
      %mul3A_152 = arith.muli %add3A_150, %mul3A_151 : i32
      %add3A_153 = arith.constant 0 : i32
      %add3A_154 = arith.addi %mul3A_152, %add3A_153 : i32
      %mul3A_155 = arith.constant 128 : i32
      %mul3A_156 = arith.muli %add3A_154, %mul3A_155 : i32
      %multiple_of3A_157 = tpu.assume_multiple %mul3A_156, 8 : i32
      %dma_start3A_158 = tpu.memref_slice %arg3[%multiple_of3A_157] : memref<655360xi32, #tpu.memory_space<hbm>> -> memref<128xi32, #tpu.memory_space<hbm>>
      %dma_start3A_159 = tpu.memref_slice %arg3[%multiple_of3A_157] : memref<655360xi32, #tpu.memory_space<hbm>> -> memref<128xi32, #tpu.memory_space<hbm>>
      tpu.enqueue_dma source(%dma_start3A_159 : memref<128xi32, #tpu.memory_space<hbm>>) target(%arg19 : memref<128xi32, #tpu.memory_space<vmem>>) target_semaphore(%arg9 : memref<!tpu.dma_semaphore, #tpu.memory_space<semaphore_mem>>)
      %mul3A_160 = arith.constant 16 : i32
      %mul3A_161 = arith.muli %add3A_18, %mul3A_160 : i32
      %add3A_162 = arith.constant 9 : i32
      %add3A_163 = arith.addi %mul3A_161, %add3A_162 : i32
      %mul3A_164 = arith.constant 5 : i32
      %mul3A_165 = arith.muli %add3A_163, %mul3A_164 : i32
      %add3A_166 = arith.constant 0 : i32
      %add3A_167 = arith.addi %mul3A_165, %add3A_166 : i32
      %mul3A_168 = arith.constant 128 : i32
      %mul3A_169 = arith.muli %add3A_167, %mul3A_168 : i32
      %multiple_of3A_170 = tpu.assume_multiple %mul3A_169, 8 : i32
      %dma_start3A_171 = tpu.memref_slice %arg3[%multiple_of3A_170] : memref<655360xi32, #tpu.memory_space<hbm>> -> memref<128xi32, #tpu.memory_space<hbm>>
      %dma_start3A_172 = tpu.memref_slice %arg3[%multiple_of3A_170] : memref<655360xi32, #tpu.memory_space<hbm>> -> memref<128xi32, #tpu.memory_space<hbm>>
      tpu.enqueue_dma source(%dma_start3A_172 : memref<128xi32, #tpu.memory_space<hbm>>) target(%arg20 : memref<128xi32, #tpu.memory_space<vmem>>) target_semaphore(%arg9 : memref<!tpu.dma_semaphore, #tpu.memory_space<semaphore_mem>>)
      %mul3A_173 = arith.constant 16 : i32
      %mul3A_174 = arith.muli %add3A_18, %mul3A_173 : i32
      %add3A_175 = arith.constant 10 : i32
      %add3A_176 = arith.addi %mul3A_174, %add3A_175 : i32
      %mul3A_177 = arith.constant 5 : i32
      %mul3A_178 = arith.muli %add3A_176, %mul3A_177 : i32
      %add3A_179 = arith.constant 0 : i32
      %add3A_180 = arith.addi %mul3A_178, %add3A_179 : i32
      %mul3A_181 = arith.constant 128 : i32
      %mul3A_182 = arith.muli %add3A_180, %mul3A_181 : i32
      %multiple_of3A_183 = tpu.assume_multiple %mul3A_182, 8 : i32
      %dma_start3A_184 = tpu.memref_slice %arg3[%multiple_of3A_183] : memref<655360xi32, #tpu.memory_space<hbm>> -> memref<128xi32, #tpu.memory_space<hbm>>
      %dma_start3A_185 = tpu.memref_slice %arg3[%multiple_of3A_183] : memref<655360xi32, #tpu.memory_space<hbm>> -> memref<128xi32, #tpu.memory_space<hbm>>
      tpu.enqueue_dma source(%dma_start3A_185 : memref<128xi32, #tpu.memory_space<hbm>>) target(%arg21 : memref<128xi32, #tpu.memory_space<vmem>>) target_semaphore(%arg9 : memref<!tpu.dma_semaphore, #tpu.memory_space<semaphore_mem>>)
      %mul3A_186 = arith.constant 16 : i32
      %mul3A_187 = arith.muli %add3A_18, %mul3A_186 : i32
      %add3A_188 = arith.constant 11 : i32
      %add3A_189 = arith.addi %mul3A_187, %add3A_188 : i32
      %mul3A_190 = arith.constant 5 : i32
      %mul3A_191 = arith.muli %add3A_189, %mul3A_190 : i32
      %add3A_192 = arith.constant 0 : i32
      %add3A_193 = arith.addi %mul3A_191, %add3A_192 : i32
      %mul3A_194 = arith.constant 128 : i32
      %mul3A_195 = arith.muli %add3A_193, %mul3A_194 : i32
      %multiple_of3A_196 = tpu.assume_multiple %mul3A_195, 8 : i32
      %dma_start3A_197 = tpu.memref_slice %arg3[%multiple_of3A_196] : memref<655360xi32, #tpu.memory_space<hbm>> -> memref<128xi32, #tpu.memory_space<hbm>>
      %dma_start3A_198 = tpu.memref_slice %arg3[%multiple_of3A_196] : memref<655360xi32, #tpu.memory_space<hbm>> -> memref<128xi32, #tpu.memory_space<hbm>>
      tpu.enqueue_dma source(%dma_start3A_198 : memref<128xi32, #tpu.memory_space<hbm>>) target(%arg22 : memref<128xi32, #tpu.memory_space<vmem>>) target_semaphore(%arg9 : memref<!tpu.dma_semaphore, #tpu.memory_space<semaphore_mem>>)
      %mul3A_199 = arith.constant 16 : i32
      %mul3A_200 = arith.muli %add3A_18, %mul3A_199 : i32
      %add3A_201 = arith.constant 12 : i32
      %add3A_202 = arith.addi %mul3A_200, %add3A_201 : i32
      %mul3A_203 = arith.constant 5 : i32
      %mul3A_204 = arith.muli %add3A_202, %mul3A_203 : i32
      %add3A_205 = arith.constant 0 : i32
      %add3A_206 = arith.addi %mul3A_204, %add3A_205 : i32
      %mul3A_207 = arith.constant 128 : i32
      %mul3A_208 = arith.muli %add3A_206, %mul3A_207 : i32
      %multiple_of3A_209 = tpu.assume_multiple %mul3A_208, 8 : i32
      %dma_start3A_210 = tpu.memref_slice %arg3[%multiple_of3A_209] : memref<655360xi32, #tpu.memory_space<hbm>> -> memref<128xi32, #tpu.memory_space<hbm>>
      %dma_start3A_211 = tpu.memref_slice %arg3[%multiple_of3A_209] : memref<655360xi32, #tpu.memory_space<hbm>> -> memref<128xi32, #tpu.memory_space<hbm>>
      tpu.enqueue_dma source(%dma_start3A_211 : memref<128xi32, #tpu.memory_space<hbm>>) target(%arg23 : memref<128xi32, #tpu.memory_space<vmem>>) target_semaphore(%arg9 : memref<!tpu.dma_semaphore, #tpu.memory_space<semaphore_mem>>)
      %mul3A_212 = arith.constant 16 : i32
      %mul3A_213 = arith.muli %add3A_18, %mul3A_212 : i32
      %add3A_214 = arith.constant 13 : i32
      %add3A_215 = arith.addi %mul3A_213, %add3A_214 : i32
      %mul3A_216 = arith.constant 5 : i32
      %mul3A_217 = arith.muli %add3A_215, %mul3A_216 : i32
      %add3A_218 = arith.constant 0 : i32
      %add3A_219 = arith.addi %mul3A_217, %add3A_218 : i32
      %mul3A_220 = arith.constant 128 : i32
      %mul3A_221 = arith.muli %add3A_219, %mul3A_220 : i32
      %multiple_of3A_222 = tpu.assume_multiple %mul3A_221, 8 : i32
      %dma_start3A_223 = tpu.memref_slice %arg3[%multiple_of3A_222] : memref<655360xi32, #tpu.memory_space<hbm>> -> memref<128xi32, #tpu.memory_space<hbm>>
      %dma_start3A_224 = tpu.memref_slice %arg3[%multiple_of3A_222] : memref<655360xi32, #tpu.memory_space<hbm>> -> memref<128xi32, #tpu.memory_space<hbm>>
      tpu.enqueue_dma source(%dma_start3A_224 : memref<128xi32, #tpu.memory_space<hbm>>) target(%arg24 : memref<128xi32, #tpu.memory_space<vmem>>) target_semaphore(%arg9 : memref<!tpu.dma_semaphore, #tpu.memory_space<semaphore_mem>>)
      %mul3A_225 = arith.constant 16 : i32
      %mul3A_226 = arith.muli %add3A_18, %mul3A_225 : i32
      %add3A_227 = arith.constant 14 : i32
      %add3A_228 = arith.addi %mul3A_226, %add3A_227 : i32
      %mul3A_229 = arith.constant 5 : i32
      %mul3A_230 = arith.muli %add3A_228, %mul3A_229 : i32
      %add3A_231 = arith.constant 0 : i32
      %add3A_232 = arith.addi %mul3A_230, %add3A_231 : i32
      %mul3A_233 = arith.constant 128 : i32
      %mul3A_234 = arith.muli %add3A_232, %mul3A_233 : i32
      %multiple_of3A_235 = tpu.assume_multiple %mul3A_234, 8 : i32
      %dma_start3A_236 = tpu.memref_slice %arg3[%multiple_of3A_235] : memref<655360xi32, #tpu.memory_space<hbm>> -> memref<128xi32, #tpu.memory_space<hbm>>
      %dma_start3A_237 = tpu.memref_slice %arg3[%multiple_of3A_235] : memref<655360xi32, #tpu.memory_space<hbm>> -> memref<128xi32, #tpu.memory_space<hbm>>
      tpu.enqueue_dma source(%dma_start3A_237 : memref<128xi32, #tpu.memory_space<hbm>>) target(%arg25 : memref<128xi32, #tpu.memory_space<vmem>>) target_semaphore(%arg9 : memref<!tpu.dma_semaphore, #tpu.memory_space<semaphore_mem>>)
      %mul3A_238 = arith.constant 16 : i32
      %mul3A_239 = arith.muli %add3A_18, %mul3A_238 : i32
      %add3A_240 = arith.constant 15 : i32
      %add3A_241 = arith.addi %mul3A_239, %add3A_240 : i32
      %mul3A_242 = arith.constant 5 : i32
      %mul3A_243 = arith.muli %add3A_241, %mul3A_242 : i32
      %add3A_244 = arith.constant 0 : i32
      %add3A_245 = arith.addi %mul3A_243, %add3A_244 : i32
      %mul3A_246 = arith.constant 128 : i32
      %mul3A_247 = arith.muli %add3A_245, %mul3A_246 : i32
      %multiple_of3A_248 = tpu.assume_multiple %mul3A_247, 8 : i32
      %dma_start3A_249 = tpu.memref_slice %arg3[%multiple_of3A_248] : memref<655360xi32, #tpu.memory_space<hbm>> -> memref<128xi32, #tpu.memory_space<hbm>>
      %dma_start3A_250 = tpu.memref_slice %arg3[%multiple_of3A_248] : memref<655360xi32, #tpu.memory_space<hbm>> -> memref<128xi32, #tpu.memory_space<hbm>>
      tpu.enqueue_dma source(%dma_start3A_250 : memref<128xi32, #tpu.memory_space<hbm>>) target(%arg26 : memref<128xi32, #tpu.memory_space<vmem>>) target_semaphore(%arg9 : memref<!tpu.dma_semaphore, #tpu.memory_space<semaphore_mem>>)
      %dma_wait3A = arith.constant 0 : i32
      %dma_wait3A_251 = arith.constant 0 : i32
      %dma_wait3A_252 = tpu.memref_slice %arg5[%dma_wait3A, %dma_wait3A_251] : memref<128x128xf32, #tpu.memory_space<vmem>> -> memref<125x128xf32, #tpu.memory_space<vmem>>
      %dma_wait3A_253 = arith.constant 0 : i32
      %dma_wait3A_254 = arith.constant 0 : i32
      %dma_wait3A_255 = tpu.memref_slice %arg2[%add3A_30, %dma_wait3A_253, %dma_wait3A_254] : memref<320x125x128xf32, #tpu.memory_space<hbm>> -> memref<1x125x128xf32, #tpu.memory_space<hbm>>
      %dma_wait3A_256 = tpu.memref_squeeze %dma_wait3A_255 : memref<1x125x128xf32, #tpu.memory_space<hbm>> -> memref<125x128xf32, #tpu.memory_space<hbm>>
      %dma_wait3A_257 = arith.constant 0 : i32
      %dma_wait3A_258 = arith.constant 0 : i32
      %dma_wait3A_259 = tpu.memref_slice %arg5[%dma_wait3A_257, %dma_wait3A_258] : memref<128x128xf32, #tpu.memory_space<vmem>> -> memref<125x128xf32, #tpu.memory_space<vmem>>
      %dma_wait3A_260 = arith.constant 0 : i32
      %dma_wait3A_261 = arith.constant 0 : i32
      %dma_wait3A_262 = tpu.memref_slice %arg2[%add3A_30, %dma_wait3A_260, %dma_wait3A_261] : memref<320x125x128xf32, #tpu.memory_space<hbm>> -> memref<1x125x128xf32, #tpu.memory_space<hbm>>
      %dma_wait3A_263 = tpu.memref_squeeze %dma_wait3A_262 : memref<1x125x128xf32, #tpu.memory_space<hbm>> -> memref<125x128xf32, #tpu.memory_space<hbm>>
      tpu.wait_dma2 semaphore(%arg9 : memref<!tpu.dma_semaphore, #tpu.memory_space<semaphore_mem>>) src(%dma_wait3A_263 : memref<125x128xf32, #tpu.memory_space<hbm>>) dst(%dma_wait3A_259 : memref<125x128xf32, #tpu.memory_space<vmem>>)
      %dma_wait3A_264 = tpu.memref_slice %arg3[%multiple_of3A] : memref<655360xi32, #tpu.memory_space<hbm>> -> memref<128xi32, #tpu.memory_space<hbm>>
      %dma_wait3A_265 = tpu.memref_slice %arg3[%multiple_of3A] : memref<655360xi32, #tpu.memory_space<hbm>> -> memref<128xi32, #tpu.memory_space<hbm>>
      tpu.wait_dma2 semaphore(%arg9 : memref<!tpu.dma_semaphore, #tpu.memory_space<semaphore_mem>>) src(%dma_wait3A_265 : memref<128xi32, #tpu.memory_space<hbm>>) dst(%arg11 : memref<128xi32, #tpu.memory_space<vmem>>)
      %dma_wait3A_266 = tpu.memref_slice %arg3[%multiple_of3A_66] : memref<655360xi32, #tpu.memory_space<hbm>> -> memref<128xi32, #tpu.memory_space<hbm>>
      %dma_wait3A_267 = tpu.memref_slice %arg3[%multiple_of3A_66] : memref<655360xi32, #tpu.memory_space<hbm>> -> memref<128xi32, #tpu.memory_space<hbm>>
      tpu.wait_dma2 semaphore(%arg9 : memref<!tpu.dma_semaphore, #tpu.memory_space<semaphore_mem>>) src(%dma_wait3A_267 : memref<128xi32, #tpu.memory_space<hbm>>) dst(%arg12 : memref<128xi32, #tpu.memory_space<vmem>>)
      %dma_wait3A_268 = tpu.memref_slice %arg3[%multiple_of3A_79] : memref<655360xi32, #tpu.memory_space<hbm>> -> memref<128xi32, #tpu.memory_space<hbm>>
      %dma_wait3A_269 = tpu.memref_slice %arg3[%multiple_of3A_79] : memref<655360xi32, #tpu.memory_space<hbm>> -> memref<128xi32, #tpu.memory_space<hbm>>
      tpu.wait_dma2 semaphore(%arg9 : memref<!tpu.dma_semaphore, #tpu.memory_space<semaphore_mem>>) src(%dma_wait3A_269 : memref<128xi32, #tpu.memory_space<hbm>>) dst(%arg13 : memref<128xi32, #tpu.memory_space<vmem>>)
      %dma_wait3A_270 = tpu.memref_slice %arg3[%multiple_of3A_92] : memref<655360xi32, #tpu.memory_space<hbm>> -> memref<128xi32, #tpu.memory_space<hbm>>
      %dma_wait3A_271 = tpu.memref_slice %arg3[%multiple_of3A_92] : memref<655360xi32, #tpu.memory_space<hbm>> -> memref<128xi32, #tpu.memory_space<hbm>>
      tpu.wait_dma2 semaphore(%arg9 : memref<!tpu.dma_semaphore, #tpu.memory_space<semaphore_mem>>) src(%dma_wait3A_271 : memref<128xi32, #tpu.memory_space<hbm>>) dst(%arg14 : memref<128xi32, #tpu.memory_space<vmem>>)
      %dma_wait3A_272 = tpu.memref_slice %arg3[%multiple_of3A_105] : memref<655360xi32, #tpu.memory_space<hbm>> -> memref<128xi32, #tpu.memory_space<hbm>>
      %dma_wait3A_273 = tpu.memref_slice %arg3[%multiple_of3A_105] : memref<655360xi32, #tpu.memory_space<hbm>> -> memref<128xi32, #tpu.memory_space<hbm>>
      tpu.wait_dma2 semaphore(%arg9 : memref<!tpu.dma_semaphore, #tpu.memory_space<semaphore_mem>>) src(%dma_wait3A_273 : memref<128xi32, #tpu.memory_space<hbm>>) dst(%arg15 : memref<128xi32, #tpu.memory_space<vmem>>)
      %dma_wait3A_274 = tpu.memref_slice %arg3[%multiple_of3A_118] : memref<655360xi32, #tpu.memory_space<hbm>> -> memref<128xi32, #tpu.memory_space<hbm>>
      %dma_wait3A_275 = tpu.memref_slice %arg3[%multiple_of3A_118] : memref<655360xi32, #tpu.memory_space<hbm>> -> memref<128xi32, #tpu.memory_space<hbm>>
      tpu.wait_dma2 semaphore(%arg9 : memref<!tpu.dma_semaphore, #tpu.memory_space<semaphore_mem>>) src(%dma_wait3A_275 : memref<128xi32, #tpu.memory_space<hbm>>) dst(%arg16 : memref<128xi32, #tpu.memory_space<vmem>>)
      %dma_wait3A_276 = tpu.memref_slice %arg3[%multiple_of3A_131] : memref<655360xi32, #tpu.memory_space<hbm>> -> memref<128xi32, #tpu.memory_space<hbm>>
      %dma_wait3A_277 = tpu.memref_slice %arg3[%multiple_of3A_131] : memref<655360xi32, #tpu.memory_space<hbm>> -> memref<128xi32, #tpu.memory_space<hbm>>
      tpu.wait_dma2 semaphore(%arg9 : memref<!tpu.dma_semaphore, #tpu.memory_space<semaphore_mem>>) src(%dma_wait3A_277 : memref<128xi32, #tpu.memory_space<hbm>>) dst(%arg17 : memref<128xi32, #tpu.memory_space<vmem>>)
      %dma_wait3A_278 = tpu.memref_slice %arg3[%multiple_of3A_144] : memref<655360xi32, #tpu.memory_space<hbm>> -> memref<128xi32, #tpu.memory_space<hbm>>
      %dma_wait3A_279 = tpu.memref_slice %arg3[%multiple_of3A_144] : memref<655360xi32, #tpu.memory_space<hbm>> -> memref<128xi32, #tpu.memory_space<hbm>>
      tpu.wait_dma2 semaphore(%arg9 : memref<!tpu.dma_semaphore, #tpu.memory_space<semaphore_mem>>) src(%dma_wait3A_279 : memref<128xi32, #tpu.memory_space<hbm>>) dst(%arg18 : memref<128xi32, #tpu.memory_space<vmem>>)
      %dma_wait3A_280 = tpu.memref_slice %arg3[%multiple_of3A_157] : memref<655360xi32, #tpu.memory_space<hbm>> -> memref<128xi32, #tpu.memory_space<hbm>>
      %dma_wait3A_281 = tpu.memref_slice %arg3[%multiple_of3A_157] : memref<655360xi32, #tpu.memory_space<hbm>> -> memref<128xi32, #tpu.memory_space<hbm>>
      tpu.wait_dma2 semaphore(%arg9 : memref<!tpu.dma_semaphore, #tpu.memory_space<semaphore_mem>>) src(%dma_wait3A_281 : memref<128xi32, #tpu.memory_space<hbm>>) dst(%arg19 : memref<128xi32, #tpu.memory_space<vmem>>)
      %dma_wait3A_282 = tpu.memref_slice %arg3[%multiple_of3A_170] : memref<655360xi32, #tpu.memory_space<hbm>> -> memref<128xi32, #tpu.memory_space<hbm>>
      %dma_wait3A_283 = tpu.memref_slice %arg3[%multiple_of3A_170] : memref<655360xi32, #tpu.memory_space<hbm>> -> memref<128xi32, #tpu.memory_space<hbm>>
      tpu.wait_dma2 semaphore(%arg9 : memref<!tpu.dma_semaphore, #tpu.memory_space<semaphore_mem>>) src(%dma_wait3A_283 : memref<128xi32, #tpu.memory_space<hbm>>) dst(%arg20 : memref<128xi32, #tpu.memory_space<vmem>>)
      %dma_wait3A_284 = tpu.memref_slice %arg3[%multiple_of3A_183] : memref<655360xi32, #tpu.memory_space<hbm>> -> memref<128xi32, #tpu.memory_space<hbm>>
      %dma_wait3A_285 = tpu.memref_slice %arg3[%multiple_of3A_183] : memref<655360xi32, #tpu.memory_space<hbm>> -> memref<128xi32, #tpu.memory_space<hbm>>
      tpu.wait_dma2 semaphore(%arg9 : memref<!tpu.dma_semaphore, #tpu.memory_space<semaphore_mem>>) src(%dma_wait3A_285 : memref<128xi32, #tpu.memory_space<hbm>>) dst(%arg21 : memref<128xi32, #tpu.memory_space<vmem>>)
      %dma_wait3A_286 = tpu.memref_slice %arg3[%multiple_of3A_196] : memref<655360xi32, #tpu.memory_space<hbm>> -> memref<128xi32, #tpu.memory_space<hbm>>
      %dma_wait3A_287 = tpu.memref_slice %arg3[%multiple_of3A_196] : memref<655360xi32, #tpu.memory_space<hbm>> -> memref<128xi32, #tpu.memory_space<hbm>>
      tpu.wait_dma2 semaphore(%arg9 : memref<!tpu.dma_semaphore, #tpu.memory_space<semaphore_mem>>) src(%dma_wait3A_287 : memref<128xi32, #tpu.memory_space<hbm>>) dst(%arg22 : memref<128xi32, #tpu.memory_space<vmem>>)
      %dma_wait3A_288 = tpu.memref_slice %arg3[%multiple_of3A_209] : memref<655360xi32, #tpu.memory_space<hbm>> -> memref<128xi32, #tpu.memory_space<hbm>>
      %dma_wait3A_289 = tpu.memref_slice %arg3[%multiple_of3A_209] : memref<655360xi32, #tpu.memory_space<hbm>> -> memref<128xi32, #tpu.memory_space<hbm>>
      tpu.wait_dma2 semaphore(%arg9 : memref<!tpu.dma_semaphore, #tpu.memory_space<semaphore_mem>>) src(%dma_wait3A_289 : memref<128xi32, #tpu.memory_space<hbm>>) dst(%arg23 : memref<128xi32, #tpu.memory_space<vmem>>)
      %dma_wait3A_290 = tpu.memref_slice %arg3[%multiple_of3A_222] : memref<655360xi32, #tpu.memory_space<hbm>> -> memref<128xi32, #tpu.memory_space<hbm>>
      %dma_wait3A_291 = tpu.memref_slice %arg3[%multiple_of3A_222] : memref<655360xi32, #tpu.memory_space<hbm>> -> memref<128xi32, #tpu.memory_space<hbm>>
      tpu.wait_dma2 semaphore(%arg9 : memref<!tpu.dma_semaphore, #tpu.memory_space<semaphore_mem>>) src(%dma_wait3A_291 : memref<128xi32, #tpu.memory_space<hbm>>) dst(%arg24 : memref<128xi32, #tpu.memory_space<vmem>>)
      %dma_wait3A_292 = tpu.memref_slice %arg3[%multiple_of3A_235] : memref<655360xi32, #tpu.memory_space<hbm>> -> memref<128xi32, #tpu.memory_space<hbm>>
      %dma_wait3A_293 = tpu.memref_slice %arg3[%multiple_of3A_235] : memref<655360xi32, #tpu.memory_space<hbm>> -> memref<128xi32, #tpu.memory_space<hbm>>
      tpu.wait_dma2 semaphore(%arg9 : memref<!tpu.dma_semaphore, #tpu.memory_space<semaphore_mem>>) src(%dma_wait3A_293 : memref<128xi32, #tpu.memory_space<hbm>>) dst(%arg25 : memref<128xi32, #tpu.memory_space<vmem>>)
      %dma_wait3A_294 = tpu.memref_slice %arg3[%multiple_of3A_248] : memref<655360xi32, #tpu.memory_space<hbm>> -> memref<128xi32, #tpu.memory_space<hbm>>
      %dma_wait3A_295 = tpu.memref_slice %arg3[%multiple_of3A_248] : memref<655360xi32, #tpu.memory_space<hbm>> -> memref<128xi32, #tpu.memory_space<hbm>>
      tpu.wait_dma2 semaphore(%arg9 : memref<!tpu.dma_semaphore, #tpu.memory_space<semaphore_mem>>) src(%dma_wait3A_295 : memref<128xi32, #tpu.memory_space<hbm>>) dst(%arg26 : memref<128xi32, #tpu.memory_space<vmem>>)
      %mul3A_296 = arith.constant 80 : i32
      %mul3A_297 = arith.muli %add3A_15, %mul3A_296 : i32
      %mul3A_298 = arith.constant 5 : i32
      %mul3A_299 = arith.muli %arg1, %mul3A_298 : i32
      %add3A_300 = arith.addi %mul3A_297, %mul3A_299 : i32
      %add3A_301 = arith.constant 1 : i32
      %add3A_302 = arith.addi %add3A_300, %add3A_301 : i32
      %dma_start3A_303 = arith.constant 0 : i32
      %dma_start3A_304 = arith.constant 0 : i32
      %dma_start3A_305 = tpu.memref_slice %arg6[%dma_start3A_303, %dma_start3A_304] : memref<128x128xf32, #tpu.memory_space<vmem>> -> memref<125x128xf32, #tpu.memory_space<vmem>>
      %dma_start3A_306 = arith.constant 0 : i32
      %dma_start3A_307 = arith.constant 0 : i32
      %dma_start3A_308 = tpu.memref_slice %arg2[%add3A_302, %dma_start3A_306, %dma_start3A_307] : memref<320x125x128xf32, #tpu.memory_space<hbm>> -> memref<1x125x128xf32, #tpu.memory_space<hbm>>
      %dma_start3A_309 = tpu.memref_squeeze %dma_start3A_308 : memref<1x125x128xf32, #tpu.memory_space<hbm>> -> memref<125x128xf32, #tpu.memory_space<hbm>>
      %dma_start3A_310 = arith.constant 0 : i32
      %dma_start3A_311 = arith.constant 0 : i32
      %dma_start3A_312 = tpu.memref_slice %arg6[%dma_start3A_310, %dma_start3A_311] : memref<128x128xf32, #tpu.memory_space<vmem>> -> memref<125x128xf32, #tpu.memory_space<vmem>>
      %dma_start3A_313 = arith.constant 0 : i32
      %dma_start3A_314 = arith.constant 0 : i32
      %dma_start3A_315 = tpu.memref_slice %arg2[%add3A_302, %dma_start3A_313, %dma_start3A_314] : memref<320x125x128xf32, #tpu.memory_space<hbm>> -> memref<1x125x128xf32, #tpu.memory_space<hbm>>
      %dma_start3A_316 = tpu.memref_squeeze %dma_start3A_315 : memref<1x125x128xf32, #tpu.memory_space<hbm>> -> memref<125x128xf32, #tpu.memory_space<hbm>>
      tpu.enqueue_dma source(%dma_start3A_316 : memref<125x128xf32, #tpu.memory_space<hbm>>) target(%dma_start3A_312 : memref<125x128xf32, #tpu.memory_space<vmem>>) target_semaphore(%arg9 : memref<!tpu.dma_semaphore, #tpu.memory_space<semaphore_mem>>)
      %mul3A_317 = arith.constant 16 : i32
      %mul3A_318 = arith.muli %add3A_18, %mul3A_317 : i32
      %add3A_319 = arith.constant 0 : i32
      %add3A_320 = arith.addi %mul3A_318, %add3A_319 : i32
      %mul3A_321 = arith.constant 5 : i32
      %mul3A_322 = arith.muli %add3A_320, %mul3A_321 : i32
      %add3A_323 = arith.constant 1 : i32
      %add3A_324 = arith.addi %mul3A_322, %add3A_323 : i32
      %mul3A_325 = arith.constant 128 : i32
      %mul3A_326 = arith.muli %add3A_324, %mul3A_325 : i32
      %multiple_of3A_327 = tpu.assume_multiple %mul3A_326, 8 : i32
      %dma_start3A_328 = tpu.memref_slice %arg3[%multiple_of3A_327] : memref<655360xi32, #tpu.memory_space<hbm>> -> memref<128xi32, #tpu.memory_space<hbm>>
      %dma_start3A_329 = tpu.memref_slice %arg3[%multiple_of3A_327] : memref<655360xi32, #tpu.memory_space<hbm>> -> memref<128xi32, #tpu.memory_space<hbm>>
      tpu.enqueue_dma source(%dma_start3A_329 : memref<128xi32, #tpu.memory_space<hbm>>) target(%arg27 : memref<128xi32, #tpu.memory_space<vmem>>) target_semaphore(%arg9 : memref<!tpu.dma_semaphore, #tpu.memory_space<semaphore_mem>>)
      %mul3A_330 = arith.constant 16 : i32
      %mul3A_331 = arith.muli %add3A_18, %mul3A_330 : i32
      %add3A_332 = arith.constant 1 : i32
      %add3A_333 = arith.addi %mul3A_331, %add3A_332 : i32
      %mul3A_334 = arith.constant 5 : i32
      %mul3A_335 = arith.muli %add3A_333, %mul3A_334 : i32
      %add3A_336 = arith.constant 1 : i32
      %add3A_337 = arith.addi %mul3A_335, %add3A_336 : i32
      %mul3A_338 = arith.constant 128 : i32
      %mul3A_339 = arith.muli %add3A_337, %mul3A_338 : i32
      %multiple_of3A_340 = tpu.assume_multiple %mul3A_339, 8 : i32
      %dma_start3A_341 = tpu.memref_slice %arg3[%multiple_of3A_340] : memref<655360xi32, #tpu.memory_space<hbm>> -> memref<128xi32, #tpu.memory_space<hbm>>
      %dma_start3A_342 = tpu.memref_slice %arg3[%multiple_of3A_340] : memref<655360xi32, #tpu.memory_space<hbm>> -> memref<128xi32, #tpu.memory_space<hbm>>
      tpu.enqueue_dma source(%dma_start3A_342 : memref<128xi32, #tpu.memory_space<hbm>>) target(%arg28 : memref<128xi32, #tpu.memory_space<vmem>>) target_semaphore(%arg9 : memref<!tpu.dma_semaphore, #tpu.memory_space<semaphore_mem>>)
      %mul3A_343 = arith.constant 16 : i32
      %mul3A_344 = arith.muli %add3A_18, %mul3A_343 : i32
      %add3A_345 = arith.constant 2 : i32
      %add3A_346 = arith.addi %mul3A_344, %add3A_345 : i32
      %mul3A_347 = arith.constant 5 : i32
      %mul3A_348 = arith.muli %add3A_346, %mul3A_347 : i32
      %add3A_349 = arith.constant 1 : i32
      %add3A_350 = arith.addi %mul3A_348, %add3A_349 : i32
      %mul3A_351 = arith.constant 128 : i32
      %mul3A_352 = arith.muli %add3A_350, %mul3A_351 : i32
      %multiple_of3A_353 = tpu.assume_multiple %mul3A_352, 8 : i32
      %dma_start3A_354 = tpu.memref_slice %arg3[%multiple_of3A_353] : memref<655360xi32, #tpu.memory_space<hbm>> -> memref<128xi32, #tpu.memory_space<hbm>>
      %dma_start3A_355 = tpu.memref_slice %arg3[%multiple_of3A_353] : memref<655360xi32, #tpu.memory_space<hbm>> -> memref<128xi32, #tpu.memory_space<hbm>>
      tpu.enqueue_dma source(%dma_start3A_355 : memref<128xi32, #tpu.memory_space<hbm>>) target(%arg29 : memref<128xi32, #tpu.memory_space<vmem>>) target_semaphore(%arg9 : memref<!tpu.dma_semaphore, #tpu.memory_space<semaphore_mem>>)
      %mul3A_356 = arith.constant 16 : i32
      %mul3A_357 = arith.muli %add3A_18, %mul3A_356 : i32
      %add3A_358 = arith.constant 3 : i32
      %add3A_359 = arith.addi %mul3A_357, %add3A_358 : i32
      %mul3A_360 = arith.constant 5 : i32
      %mul3A_361 = arith.muli %add3A_359, %mul3A_360 : i32
      %add3A_362 = arith.constant 1 : i32
      %add3A_363 = arith.addi %mul3A_361, %add3A_362 : i32
      %mul3A_364 = arith.constant 128 : i32
      %mul3A_365 = arith.muli %add3A_363, %mul3A_364 : i32
      %multiple_of3A_366 = tpu.assume_multiple %mul3A_365, 8 : i32
      %dma_start3A_367 = tpu.memref_slice %arg3[%multiple_of3A_366] : memref<655360xi32, #tpu.memory_space<hbm>> -> memref<128xi32, #tpu.memory_space<hbm>>
      %dma_start3A_368 = tpu.memref_slice %arg3[%multiple_of3A_366] : memref<655360xi32, #tpu.memory_space<hbm>> -> memref<128xi32, #tpu.memory_space<hbm>>
      tpu.enqueue_dma source(%dma_start3A_368 : memref<128xi32, #tpu.memory_space<hbm>>) target(%arg30 : memref<128xi32, #tpu.memory_space<vmem>>) target_semaphore(%arg9 : memref<!tpu.dma_semaphore, #tpu.memory_space<semaphore_mem>>)
      %mul3A_369 = arith.constant 16 : i32
      %mul3A_370 = arith.muli %add3A_18, %mul3A_369 : i32
      %add3A_371 = arith.constant 4 : i32
      %add3A_372 = arith.addi %mul3A_370, %add3A_371 : i32
      %mul3A_373 = arith.constant 5 : i32
      %mul3A_374 = arith.muli %add3A_372, %mul3A_373 : i32
      %add3A_375 = arith.constant 1 : i32
      %add3A_376 = arith.addi %mul3A_374, %add3A_375 : i32
      %mul3A_377 = arith.constant 128 : i32
      %mul3A_378 = arith.muli %add3A_376, %mul3A_377 : i32
      %multiple_of3A_379 = tpu.assume_multiple %mul3A_378, 8 : i32
      %dma_start3A_380 = tpu.memref_slice %arg3[%multiple_of3A_379] : memref<655360xi32, #tpu.memory_space<hbm>> -> memref<128xi32, #tpu.memory_space<hbm>>
      %dma_start3A_381 = tpu.memref_slice %arg3[%multiple_of3A_379] : memref<655360xi32, #tpu.memory_space<hbm>> -> memref<128xi32, #tpu.memory_space<hbm>>
      tpu.enqueue_dma source(%dma_start3A_381 : memref<128xi32, #tpu.memory_space<hbm>>) target(%arg31 : memref<128xi32, #tpu.memory_space<vmem>>) target_semaphore(%arg9 : memref<!tpu.dma_semaphore, #tpu.memory_space<semaphore_mem>>)
      %mul3A_382 = arith.constant 16 : i32
      %mul3A_383 = arith.muli %add3A_18, %mul3A_382 : i32
      %add3A_384 = arith.constant 5 : i32
      %add3A_385 = arith.addi %mul3A_383, %add3A_384 : i32
      %mul3A_386 = arith.constant 5 : i32
      %mul3A_387 = arith.muli %add3A_385, %mul3A_386 : i32
      %add3A_388 = arith.constant 1 : i32
      %add3A_389 = arith.addi %mul3A_387, %add3A_388 : i32
      %mul3A_390 = arith.constant 128 : i32
      %mul3A_391 = arith.muli %add3A_389, %mul3A_390 : i32
      %multiple_of3A_392 = tpu.assume_multiple %mul3A_391, 8 : i32
      %dma_start3A_393 = tpu.memref_slice %arg3[%multiple_of3A_392] : memref<655360xi32, #tpu.memory_space<hbm>> -> memref<128xi32, #tpu.memory_space<hbm>>
      %dma_start3A_394 = tpu.memref_slice %arg3[%multiple_of3A_392] : memref<655360xi32, #tpu.memory_space<hbm>> -> memref<128xi32, #tpu.memory_space<hbm>>
      tpu.enqueue_dma source(%dma_start3A_394 : memref<128xi32, #tpu.memory_space<hbm>>) target(%arg32 : memref<128xi32, #tpu.memory_space<vmem>>) target_semaphore(%arg9 : memref<!tpu.dma_semaphore, #tpu.memory_space<semaphore_mem>>)
      %mul3A_395 = arith.constant 16 : i32
      %mul3A_396 = arith.muli %add3A_18, %mul3A_395 : i32
      %add3A_397 = arith.constant 6 : i32
      %add3A_398 = arith.addi %mul3A_396, %add3A_397 : i32
      %mul3A_399 = arith.constant 5 : i32
      %mul3A_400 = arith.muli %add3A_398, %mul3A_399 : i32
      %add3A_401 = arith.constant 1 : i32
      %add3A_402 = arith.addi %mul3A_400, %add3A_401 : i32
      %mul3A_403 = arith.constant 128 : i32
      %mul3A_404 = arith.muli %add3A_402, %mul3A_403 : i32
      %multiple_of3A_405 = tpu.assume_multiple %mul3A_404, 8 : i32
      %dma_start3A_406 = tpu.memref_slice %arg3[%multiple_of3A_405] : memref<655360xi32, #tpu.memory_space<hbm>> -> memref<128xi32, #tpu.memory_space<hbm>>
      %dma_start3A_407 = tpu.memref_slice %arg3[%multiple_of3A_405] : memref<655360xi32, #tpu.memory_space<hbm>> -> memref<128xi32, #tpu.memory_space<hbm>>
      tpu.enqueue_dma source(%dma_start3A_407 : memref<128xi32, #tpu.memory_space<hbm>>) target(%arg33 : memref<128xi32, #tpu.memory_space<vmem>>) target_semaphore(%arg9 : memref<!tpu.dma_semaphore, #tpu.memory_space<semaphore_mem>>)
      %mul3A_408 = arith.constant 16 : i32
      %mul3A_409 = arith.muli %add3A_18, %mul3A_408 : i32
      %add3A_410 = arith.constant 7 : i32
      %add3A_411 = arith.addi %mul3A_409, %add3A_410 : i32
      %mul3A_412 = arith.constant 5 : i32
      %mul3A_413 = arith.muli %add3A_411, %mul3A_412 : i32
      %add3A_414 = arith.constant 1 : i32
      %add3A_415 = arith.addi %mul3A_413, %add3A_414 : i32
      %mul3A_416 = arith.constant 128 : i32
      %mul3A_417 = arith.muli %add3A_415, %mul3A_416 : i32
      %multiple_of3A_418 = tpu.assume_multiple %mul3A_417, 8 : i32
      %dma_start3A_419 = tpu.memref_slice %arg3[%multiple_of3A_418] : memref<655360xi32, #tpu.memory_space<hbm>> -> memref<128xi32, #tpu.memory_space<hbm>>
      %dma_start3A_420 = tpu.memref_slice %arg3[%multiple_of3A_418] : memref<655360xi32, #tpu.memory_space<hbm>> -> memref<128xi32, #tpu.memory_space<hbm>>
      tpu.enqueue_dma source(%dma_start3A_420 : memref<128xi32, #tpu.memory_space<hbm>>) target(%arg34 : memref<128xi32, #tpu.memory_space<vmem>>) target_semaphore(%arg9 : memref<!tpu.dma_semaphore, #tpu.memory_space<semaphore_mem>>)
      %mul3A_421 = arith.constant 16 : i32
      %mul3A_422 = arith.muli %add3A_18, %mul3A_421 : i32
      %add3A_423 = arith.constant 8 : i32
      %add3A_424 = arith.addi %mul3A_422, %add3A_423 : i32
      %mul3A_425 = arith.constant 5 : i32
      %mul3A_426 = arith.muli %add3A_424, %mul3A_425 : i32
      %add3A_427 = arith.constant 1 : i32
      %add3A_428 = arith.addi %mul3A_426, %add3A_427 : i32
      %mul3A_429 = arith.constant 128 : i32
      %mul3A_430 = arith.muli %add3A_428, %mul3A_429 : i32
      %multiple_of3A_431 = tpu.assume_multiple %mul3A_430, 8 : i32
      %dma_start3A_432 = tpu.memref_slice %arg3[%multiple_of3A_431] : memref<655360xi32, #tpu.memory_space<hbm>> -> memref<128xi32, #tpu.memory_space<hbm>>
      %dma_start3A_433 = tpu.memref_slice %arg3[%multiple_of3A_431] : memref<655360xi32, #tpu.memory_space<hbm>> -> memref<128xi32, #tpu.memory_space<hbm>>
      tpu.enqueue_dma source(%dma_start3A_433 : memref<128xi32, #tpu.memory_space<hbm>>) target(%arg35 : memref<128xi32, #tpu.memory_space<vmem>>) target_semaphore(%arg9 : memref<!tpu.dma_semaphore, #tpu.memory_space<semaphore_mem>>)
      %mul3A_434 = arith.constant 16 : i32
      %mul3A_435 = arith.muli %add3A_18, %mul3A_434 : i32
      %add3A_436 = arith.constant 9 : i32
      %add3A_437 = arith.addi %mul3A_435, %add3A_436 : i32
      %mul3A_438 = arith.constant 5 : i32
      %mul3A_439 = arith.muli %add3A_437, %mul3A_438 : i32
      %add3A_440 = arith.constant 1 : i32
      %add3A_441 = arith.addi %mul3A_439, %add3A_440 : i32
      %mul3A_442 = arith.constant 128 : i32
      %mul3A_443 = arith.muli %add3A_441, %mul3A_442 : i32
      %multiple_of3A_444 = tpu.assume_multiple %mul3A_443, 8 : i32
      %dma_start3A_445 = tpu.memref_slice %arg3[%multiple_of3A_444] : memref<655360xi32, #tpu.memory_space<hbm>> -> memref<128xi32, #tpu.memory_space<hbm>>
      %dma_start3A_446 = tpu.memref_slice %arg3[%multiple_of3A_444] : memref<655360xi32, #tpu.memory_space<hbm>> -> memref<128xi32, #tpu.memory_space<hbm>>
      tpu.enqueue_dma source(%dma_start3A_446 : memref<128xi32, #tpu.memory_space<hbm>>) target(%arg36 : memref<128xi32, #tpu.memory_space<vmem>>) target_semaphore(%arg9 : memref<!tpu.dma_semaphore, #tpu.memory_space<semaphore_mem>>)
      %mul3A_447 = arith.constant 16 : i32
      %mul3A_448 = arith.muli %add3A_18, %mul3A_447 : i32
      %add3A_449 = arith.constant 10 : i32
      %add3A_450 = arith.addi %mul3A_448, %add3A_449 : i32
      %mul3A_451 = arith.constant 5 : i32
      %mul3A_452 = arith.muli %add3A_450, %mul3A_451 : i32
      %add3A_453 = arith.constant 1 : i32
      %add3A_454 = arith.addi %mul3A_452, %add3A_453 : i32
      %mul3A_455 = arith.constant 128 : i32
      %mul3A_456 = arith.muli %add3A_454, %mul3A_455 : i32
      %multiple_of3A_457 = tpu.assume_multiple %mul3A_456, 8 : i32
      %dma_start3A_458 = tpu.memref_slice %arg3[%multiple_of3A_457] : memref<655360xi32, #tpu.memory_space<hbm>> -> memref<128xi32, #tpu.memory_space<hbm>>
      %dma_start3A_459 = tpu.memref_slice %arg3[%multiple_of3A_457] : memref<655360xi32, #tpu.memory_space<hbm>> -> memref<128xi32, #tpu.memory_space<hbm>>
      tpu.enqueue_dma source(%dma_start3A_459 : memref<128xi32, #tpu.memory_space<hbm>>) target(%arg37 : memref<128xi32, #tpu.memory_space<vmem>>) target_semaphore(%arg9 : memref<!tpu.dma_semaphore, #tpu.memory_space<semaphore_mem>>)
      %mul3A_460 = arith.constant 16 : i32
      %mul3A_461 = arith.muli %add3A_18, %mul3A_460 : i32
      %add3A_462 = arith.constant 11 : i32
      %add3A_463 = arith.addi %mul3A_461, %add3A_462 : i32
      %mul3A_464 = arith.constant 5 : i32
      %mul3A_465 = arith.muli %add3A_463, %mul3A_464 : i32
      %add3A_466 = arith.constant 1 : i32
      %add3A_467 = arith.addi %mul3A_465, %add3A_466 : i32
      %mul3A_468 = arith.constant 128 : i32
      %mul3A_469 = arith.muli %add3A_467, %mul3A_468 : i32
      %multiple_of3A_470 = tpu.assume_multiple %mul3A_469, 8 : i32
      %dma_start3A_471 = tpu.memref_slice %arg3[%multiple_of3A_470] : memref<655360xi32, #tpu.memory_space<hbm>> -> memref<128xi32, #tpu.memory_space<hbm>>
      %dma_start3A_472 = tpu.memref_slice %arg3[%multiple_of3A_470] : memref<655360xi32, #tpu.memory_space<hbm>> -> memref<128xi32, #tpu.memory_space<hbm>>
      tpu.enqueue_dma source(%dma_start3A_472 : memref<128xi32, #tpu.memory_space<hbm>>) target(%arg38 : memref<128xi32, #tpu.memory_space<vmem>>) target_semaphore(%arg9 : memref<!tpu.dma_semaphore, #tpu.memory_space<semaphore_mem>>)
      %mul3A_473 = arith.constant 16 : i32
      %mul3A_474 = arith.muli %add3A_18, %mul3A_473 : i32
      %add3A_475 = arith.constant 12 : i32
      %add3A_476 = arith.addi %mul3A_474, %add3A_475 : i32
      %mul3A_477 = arith.constant 5 : i32
      %mul3A_478 = arith.muli %add3A_476, %mul3A_477 : i32
      %add3A_479 = arith.constant 1 : i32
      %add3A_480 = arith.addi %mul3A_478, %add3A_479 : i32
      %mul3A_481 = arith.constant 128 : i32
      %mul3A_482 = arith.muli %add3A_480, %mul3A_481 : i32
      %multiple_of3A_483 = tpu.assume_multiple %mul3A_482, 8 : i32
      %dma_start3A_484 = tpu.memref_slice %arg3[%multiple_of3A_483] : memref<655360xi32, #tpu.memory_space<hbm>> -> memref<128xi32, #tpu.memory_space<hbm>>
      %dma_start3A_485 = tpu.memref_slice %arg3[%multiple_of3A_483] : memref<655360xi32, #tpu.memory_space<hbm>> -> memref<128xi32, #tpu.memory_space<hbm>>
      tpu.enqueue_dma source(%dma_start3A_485 : memref<128xi32, #tpu.memory_space<hbm>>) target(%arg39 : memref<128xi32, #tpu.memory_space<vmem>>) target_semaphore(%arg9 : memref<!tpu.dma_semaphore, #tpu.memory_space<semaphore_mem>>)
      %mul3A_486 = arith.constant 16 : i32
      %mul3A_487 = arith.muli %add3A_18, %mul3A_486 : i32
      %add3A_488 = arith.constant 13 : i32
      %add3A_489 = arith.addi %mul3A_487, %add3A_488 : i32
      %mul3A_490 = arith.constant 5 : i32
      %mul3A_491 = arith.muli %add3A_489, %mul3A_490 : i32
      %add3A_492 = arith.constant 1 : i32
      %add3A_493 = arith.addi %mul3A_491, %add3A_492 : i32
      %mul3A_494 = arith.constant 128 : i32
      %mul3A_495 = arith.muli %add3A_493, %mul3A_494 : i32
      %multiple_of3A_496 = tpu.assume_multiple %mul3A_495, 8 : i32
      %dma_start3A_497 = tpu.memref_slice %arg3[%multiple_of3A_496] : memref<655360xi32, #tpu.memory_space<hbm>> -> memref<128xi32, #tpu.memory_space<hbm>>
      %dma_start3A_498 = tpu.memref_slice %arg3[%multiple_of3A_496] : memref<655360xi32, #tpu.memory_space<hbm>> -> memref<128xi32, #tpu.memory_space<hbm>>
      tpu.enqueue_dma source(%dma_start3A_498 : memref<128xi32, #tpu.memory_space<hbm>>) target(%arg40 : memref<128xi32, #tpu.memory_space<vmem>>) target_semaphore(%arg9 : memref<!tpu.dma_semaphore, #tpu.memory_space<semaphore_mem>>)
      %mul3A_499 = arith.constant 16 : i32
      %mul3A_500 = arith.muli %add3A_18, %mul3A_499 : i32
      %add3A_501 = arith.constant 14 : i32
      %add3A_502 = arith.addi %mul3A_500, %add3A_501 : i32
      %mul3A_503 = arith.constant 5 : i32
      %mul3A_504 = arith.muli %add3A_502, %mul3A_503 : i32
      %add3A_505 = arith.constant 1 : i32
      %add3A_506 = arith.addi %mul3A_504, %add3A_505 : i32
      %mul3A_507 = arith.constant 128 : i32
      %mul3A_508 = arith.muli %add3A_506, %mul3A_507 : i32
      %multiple_of3A_509 = tpu.assume_multiple %mul3A_508, 8 : i32
      %dma_start3A_510 = tpu.memref_slice %arg3[%multiple_of3A_509] : memref<655360xi32, #tpu.memory_space<hbm>> -> memref<128xi32, #tpu.memory_space<hbm>>
      %dma_start3A_511 = tpu.memref_slice %arg3[%multiple_of3A_509] : memref<655360xi32, #tpu.memory_space<hbm>> -> memref<128xi32, #tpu.memory_space<hbm>>
      tpu.enqueue_dma source(%dma_start3A_511 : memref<128xi32, #tpu.memory_space<hbm>>) target(%arg41 : memref<128xi32, #tpu.memory_space<vmem>>) target_semaphore(%arg9 : memref<!tpu.dma_semaphore, #tpu.memory_space<semaphore_mem>>)
      %mul3A_512 = arith.constant 16 : i32
      %mul3A_513 = arith.muli %add3A_18, %mul3A_512 : i32
      %add3A_514 = arith.constant 15 : i32
      %add3A_515 = arith.addi %mul3A_513, %add3A_514 : i32
      %mul3A_516 = arith.constant 5 : i32
      %mul3A_517 = arith.muli %add3A_515, %mul3A_516 : i32
      %add3A_518 = arith.constant 1 : i32
      %add3A_519 = arith.addi %mul3A_517, %add3A_518 : i32
      %mul3A_520 = arith.constant 128 : i32
      %mul3A_521 = arith.muli %add3A_519, %mul3A_520 : i32
      %multiple_of3A_522 = tpu.assume_multiple %mul3A_521, 8 : i32
      %dma_start3A_523 = tpu.memref_slice %arg3[%multiple_of3A_522] : memref<655360xi32, #tpu.memory_space<hbm>> -> memref<128xi32, #tpu.memory_space<hbm>>
      %dma_start3A_524 = tpu.memref_slice %arg3[%multiple_of3A_522] : memref<655360xi32, #tpu.memory_space<hbm>> -> memref<128xi32, #tpu.memory_space<hbm>>
      tpu.enqueue_dma source(%dma_start3A_524 : memref<128xi32, #tpu.memory_space<hbm>>) target(%arg42 : memref<128xi32, #tpu.memory_space<vmem>>) target_semaphore(%arg9 : memref<!tpu.dma_semaphore, #tpu.memory_space<semaphore_mem>>)
      "tpu.region"() ({
        %run_scoped3A = tpu.sem_alloc : memref<!tpu.dma_semaphore, #tpu.memory_space<semaphore_mem>>
        %dma_start3A_1401 = arith.constant 0 : i32
        %dma_start3A_1402 = arith.constant 0 : i32
        %dma_start3A_1403 = tpu.memref_slice %arg8[%dma_start3A_1401, %dma_start3A_1402] : memref<10240x128xf32, #tpu.memory_space<vmem_shared>> -> memref<10240x128xf32, #tpu.memory_space<vmem_shared>>
        tpu.enqueue_indirect_dma source(%arg5 : memref<128x128xf32, #tpu.memory_space<vmem>>) target(%dma_start3A_1403 : memref<10240x128xf32, #tpu.memory_space<vmem_shared>>) offsets(%arg11 : memref<128xi32, #tpu.memory_space<vmem>>) semaphore(%run_scoped3A : memref<!tpu.dma_semaphore, #tpu.memory_space<semaphore_mem>>) {add = true}
        %dma_wait3A_1404 = arith.constant 0 : i32
        %dma_wait3A_1405 = arith.constant 0 : i32
        %dma_wait3A_1406 = tpu.memref_slice %arg8[%dma_wait3A_1404, %dma_wait3A_1405] : memref<10240x128xf32, #tpu.memory_space<vmem_shared>> -> memref<10240x128xf32, #tpu.memory_space<vmem_shared>>
        tpu.wait_indirect_dma semaphore(%run_scoped3A : memref<!tpu.dma_semaphore, #tpu.memory_space<semaphore_mem>>) src(%arg5 : memref<128x128xf32, #tpu.memory_space<vmem>>) dst(%dma_wait3A_1406 : memref<10240x128xf32, #tpu.memory_space<vmem_shared>>)
        tpu.yield
      }) : () -> ()
      "tpu.region"() ({
        %run_scoped3A = tpu.sem_alloc : memref<!tpu.dma_semaphore, #tpu.memory_space<semaphore_mem>>
        %dma_start3A_1401 = arith.constant 0 : i32
        %dma_start3A_1402 = arith.constant 0 : i32
        %dma_start3A_1403 = tpu.memref_slice %arg8[%dma_start3A_1401, %dma_start3A_1402] : memref<10240x128xf32, #tpu.memory_space<vmem_shared>> -> memref<10240x128xf32, #tpu.memory_space<vmem_shared>>
        tpu.enqueue_indirect_dma source(%arg5 : memref<128x128xf32, #tpu.memory_space<vmem>>) target(%dma_start3A_1403 : memref<10240x128xf32, #tpu.memory_space<vmem_shared>>) offsets(%arg12 : memref<128xi32, #tpu.memory_space<vmem>>) semaphore(%run_scoped3A : memref<!tpu.dma_semaphore, #tpu.memory_space<semaphore_mem>>) {add = true}
        %dma_wait3A_1404 = arith.constant 0 : i32
        %dma_wait3A_1405 = arith.constant 0 : i32
        %dma_wait3A_1406 = tpu.memref_slice %arg8[%dma_wait3A_1404, %dma_wait3A_1405] : memref<10240x128xf32, #tpu.memory_space<vmem_shared>> -> memref<10240x128xf32, #tpu.memory_space<vmem_shared>>
        tpu.wait_indirect_dma semaphore(%run_scoped3A : memref<!tpu.dma_semaphore, #tpu.memory_space<semaphore_mem>>) src(%arg5 : memref<128x128xf32, #tpu.memory_space<vmem>>) dst(%dma_wait3A_1406 : memref<10240x128xf32, #tpu.memory_space<vmem_shared>>)
        tpu.yield
      }) : () -> ()
      "tpu.region"() ({
        %run_scoped3A = tpu.sem_alloc : memref<!tpu.dma_semaphore, #tpu.memory_space<semaphore_mem>>
        %dma_start3A_1401 = arith.constant 0 : i32
        %dma_start3A_1402 = arith.constant 0 : i32
        %dma_start3A_1403 = tpu.memref_slice %arg8[%dma_start3A_1401, %dma_start3A_1402] : memref<10240x128xf32, #tpu.memory_space<vmem_shared>> -> memref<10240x128xf32, #tpu.memory_space<vmem_shared>>
        tpu.enqueue_indirect_dma source(%arg5 : memref<128x128xf32, #tpu.memory_space<vmem>>) target(%dma_start3A_1403 : memref<10240x128xf32, #tpu.memory_space<vmem_shared>>) offsets(%arg13 : memref<128xi32, #tpu.memory_space<vmem>>) semaphore(%run_scoped3A : memref<!tpu.dma_semaphore, #tpu.memory_space<semaphore_mem>>) {add = true}
        %dma_wait3A_1404 = arith.constant 0 : i32
        %dma_wait3A_1405 = arith.constant 0 : i32
        %dma_wait3A_1406 = tpu.memref_slice %arg8[%dma_wait3A_1404, %dma_wait3A_1405] : memref<10240x128xf32, #tpu.memory_space<vmem_shared>> -> memref<10240x128xf32, #tpu.memory_space<vmem_shared>>
        tpu.wait_indirect_dma semaphore(%run_scoped3A : memref<!tpu.dma_semaphore, #tpu.memory_space<semaphore_mem>>) src(%arg5 : memref<128x128xf32, #tpu.memory_space<vmem>>) dst(%dma_wait3A_1406 : memref<10240x128xf32, #tpu.memory_space<vmem_shared>>)
        tpu.yield
      }) : () -> ()
      "tpu.region"() ({
        %run_scoped3A = tpu.sem_alloc : memref<!tpu.dma_semaphore, #tpu.memory_space<semaphore_mem>>
        %dma_start3A_1401 = arith.constant 0 : i32
        %dma_start3A_1402 = arith.constant 0 : i32
        %dma_start3A_1403 = tpu.memref_slice %arg8[%dma_start3A_1401, %dma_start3A_1402] : memref<10240x128xf32, #tpu.memory_space<vmem_shared>> -> memref<10240x128xf32, #tpu.memory_space<vmem_shared>>
        tpu.enqueue_indirect_dma source(%arg5 : memref<128x128xf32, #tpu.memory_space<vmem>>) target(%dma_start3A_1403 : memref<10240x128xf32, #tpu.memory_space<vmem_shared>>) offsets(%arg14 : memref<128xi32, #tpu.memory_space<vmem>>) semaphore(%run_scoped3A : memref<!tpu.dma_semaphore, #tpu.memory_space<semaphore_mem>>) {add = true}
        %dma_wait3A_1404 = arith.constant 0 : i32
        %dma_wait3A_1405 = arith.constant 0 : i32
        %dma_wait3A_1406 = tpu.memref_slice %arg8[%dma_wait3A_1404, %dma_wait3A_1405] : memref<10240x128xf32, #tpu.memory_space<vmem_shared>> -> memref<10240x128xf32, #tpu.memory_space<vmem_shared>>
        tpu.wait_indirect_dma semaphore(%run_scoped3A : memref<!tpu.dma_semaphore, #tpu.memory_space<semaphore_mem>>) src(%arg5 : memref<128x128xf32, #tpu.memory_space<vmem>>) dst(%dma_wait3A_1406 : memref<10240x128xf32, #tpu.memory_space<vmem_shared>>)
        tpu.yield
      }) : () -> ()
      "tpu.region"() ({
        %run_scoped3A = tpu.sem_alloc : memref<!tpu.dma_semaphore, #tpu.memory_space<semaphore_mem>>
        %dma_start3A_1401 = arith.constant 0 : i32
        %dma_start3A_1402 = arith.constant 0 : i32
        %dma_start3A_1403 = tpu.memref_slice %arg8[%dma_start3A_1401, %dma_start3A_1402] : memref<10240x128xf32, #tpu.memory_space<vmem_shared>> -> memref<10240x128xf32, #tpu.memory_space<vmem_shared>>
        tpu.enqueue_indirect_dma source(%arg5 : memref<128x128xf32, #tpu.memory_space<vmem>>) target(%dma_start3A_1403 : memref<10240x128xf32, #tpu.memory_space<vmem_shared>>) offsets(%arg15 : memref<128xi32, #tpu.memory_space<vmem>>) semaphore(%run_scoped3A : memref<!tpu.dma_semaphore, #tpu.memory_space<semaphore_mem>>) {add = true}
        %dma_wait3A_1404 = arith.constant 0 : i32
        %dma_wait3A_1405 = arith.constant 0 : i32
        %dma_wait3A_1406 = tpu.memref_slice %arg8[%dma_wait3A_1404, %dma_wait3A_1405] : memref<10240x128xf32, #tpu.memory_space<vmem_shared>> -> memref<10240x128xf32, #tpu.memory_space<vmem_shared>>
        tpu.wait_indirect_dma semaphore(%run_scoped3A : memref<!tpu.dma_semaphore, #tpu.memory_space<semaphore_mem>>) src(%arg5 : memref<128x128xf32, #tpu.memory_space<vmem>>) dst(%dma_wait3A_1406 : memref<10240x128xf32, #tpu.memory_space<vmem_shared>>)
        tpu.yield
      }) : () -> ()
      "tpu.region"() ({
        %run_scoped3A = tpu.sem_alloc : memref<!tpu.dma_semaphore, #tpu.memory_space<semaphore_mem>>
        %dma_start3A_1401 = arith.constant 0 : i32
        %dma_start3A_1402 = arith.constant 0 : i32
        %dma_start3A_1403 = tpu.memref_slice %arg8[%dma_start3A_1401, %dma_start3A_1402] : memref<10240x128xf32, #tpu.memory_space<vmem_shared>> -> memref<10240x128xf32, #tpu.memory_space<vmem_shared>>
        tpu.enqueue_indirect_dma source(%arg5 : memref<128x128xf32, #tpu.memory_space<vmem>>) target(%dma_start3A_1403 : memref<10240x128xf32, #tpu.memory_space<vmem_shared>>) offsets(%arg16 : memref<128xi32, #tpu.memory_space<vmem>>) semaphore(%run_scoped3A : memref<!tpu.dma_semaphore, #tpu.memory_space<semaphore_mem>>) {add = true}
        %dma_wait3A_1404 = arith.constant 0 : i32
        %dma_wait3A_1405 = arith.constant 0 : i32
        %dma_wait3A_1406 = tpu.memref_slice %arg8[%dma_wait3A_1404, %dma_wait3A_1405] : memref<10240x128xf32, #tpu.memory_space<vmem_shared>> -> memref<10240x128xf32, #tpu.memory_space<vmem_shared>>
        tpu.wait_indirect_dma semaphore(%run_scoped3A : memref<!tpu.dma_semaphore, #tpu.memory_space<semaphore_mem>>) src(%arg5 : memref<128x128xf32, #tpu.memory_space<vmem>>) dst(%dma_wait3A_1406 : memref<10240x128xf32, #tpu.memory_space<vmem_shared>>)
        tpu.yield
      }) : () -> ()
      "tpu.region"() ({
        %run_scoped3A = tpu.sem_alloc : memref<!tpu.dma_semaphore, #tpu.memory_space<semaphore_mem>>
        %dma_start3A_1401 = arith.constant 0 : i32
        %dma_start3A_1402 = arith.constant 0 : i32
        %dma_start3A_1403 = tpu.memref_slice %arg8[%dma_start3A_1401, %dma_start3A_1402] : memref<10240x128xf32, #tpu.memory_space<vmem_shared>> -> memref<10240x128xf32, #tpu.memory_space<vmem_shared>>
        tpu.enqueue_indirect_dma source(%arg5 : memref<128x128xf32, #tpu.memory_space<vmem>>) target(%dma_start3A_1403 : memref<10240x128xf32, #tpu.memory_space<vmem_shared>>) offsets(%arg17 : memref<128xi32, #tpu.memory_space<vmem>>) semaphore(%run_scoped3A : memref<!tpu.dma_semaphore, #tpu.memory_space<semaphore_mem>>) {add = true}
        %dma_wait3A_1404 = arith.constant 0 : i32
        %dma_wait3A_1405 = arith.constant 0 : i32
        %dma_wait3A_1406 = tpu.memref_slice %arg8[%dma_wait3A_1404, %dma_wait3A_1405] : memref<10240x128xf32, #tpu.memory_space<vmem_shared>> -> memref<10240x128xf32, #tpu.memory_space<vmem_shared>>
        tpu.wait_indirect_dma semaphore(%run_scoped3A : memref<!tpu.dma_semaphore, #tpu.memory_space<semaphore_mem>>) src(%arg5 : memref<128x128xf32, #tpu.memory_space<vmem>>) dst(%dma_wait3A_1406 : memref<10240x128xf32, #tpu.memory_space<vmem_shared>>)
        tpu.yield
      }) : () -> ()
      "tpu.region"() ({
        %run_scoped3A = tpu.sem_alloc : memref<!tpu.dma_semaphore, #tpu.memory_space<semaphore_mem>>
        %dma_start3A_1401 = arith.constant 0 : i32
        %dma_start3A_1402 = arith.constant 0 : i32
        %dma_start3A_1403 = tpu.memref_slice %arg8[%dma_start3A_1401, %dma_start3A_1402] : memref<10240x128xf32, #tpu.memory_space<vmem_shared>> -> memref<10240x128xf32, #tpu.memory_space<vmem_shared>>
        tpu.enqueue_indirect_dma source(%arg5 : memref<128x128xf32, #tpu.memory_space<vmem>>) target(%dma_start3A_1403 : memref<10240x128xf32, #tpu.memory_space<vmem_shared>>) offsets(%arg18 : memref<128xi32, #tpu.memory_space<vmem>>) semaphore(%run_scoped3A : memref<!tpu.dma_semaphore, #tpu.memory_space<semaphore_mem>>) {add = true}
        %dma_wait3A_1404 = arith.constant 0 : i32
        %dma_wait3A_1405 = arith.constant 0 : i32
        %dma_wait3A_1406 = tpu.memref_slice %arg8[%dma_wait3A_1404, %dma_wait3A_1405] : memref<10240x128xf32, #tpu.memory_space<vmem_shared>> -> memref<10240x128xf32, #tpu.memory_space<vmem_shared>>
        tpu.wait_indirect_dma semaphore(%run_scoped3A : memref<!tpu.dma_semaphore, #tpu.memory_space<semaphore_mem>>) src(%arg5 : memref<128x128xf32, #tpu.memory_space<vmem>>) dst(%dma_wait3A_1406 : memref<10240x128xf32, #tpu.memory_space<vmem_shared>>)
        tpu.yield
      }) : () -> ()
      "tpu.region"() ({
        %run_scoped3A = tpu.sem_alloc : memref<!tpu.dma_semaphore, #tpu.memory_space<semaphore_mem>>
        %dma_start3A_1401 = arith.constant 0 : i32
        %dma_start3A_1402 = arith.constant 0 : i32
        %dma_start3A_1403 = tpu.memref_slice %arg8[%dma_start3A_1401, %dma_start3A_1402] : memref<10240x128xf32, #tpu.memory_space<vmem_shared>> -> memref<10240x128xf32, #tpu.memory_space<vmem_shared>>
        tpu.enqueue_indirect_dma source(%arg5 : memref<128x128xf32, #tpu.memory_space<vmem>>) target(%dma_start3A_1403 : memref<10240x128xf32, #tpu.memory_space<vmem_shared>>) offsets(%arg19 : memref<128xi32, #tpu.memory_space<vmem>>) semaphore(%run_scoped3A : memref<!tpu.dma_semaphore, #tpu.memory_space<semaphore_mem>>) {add = true}
        %dma_wait3A_1404 = arith.constant 0 : i32
        %dma_wait3A_1405 = arith.constant 0 : i32
        %dma_wait3A_1406 = tpu.memref_slice %arg8[%dma_wait3A_1404, %dma_wait3A_1405] : memref<10240x128xf32, #tpu.memory_space<vmem_shared>> -> memref<10240x128xf32, #tpu.memory_space<vmem_shared>>
        tpu.wait_indirect_dma semaphore(%run_scoped3A : memref<!tpu.dma_semaphore, #tpu.memory_space<semaphore_mem>>) src(%arg5 : memref<128x128xf32, #tpu.memory_space<vmem>>) dst(%dma_wait3A_1406 : memref<10240x128xf32, #tpu.memory_space<vmem_shared>>)
        tpu.yield
      }) : () -> ()
      "tpu.region"() ({
        %run_scoped3A = tpu.sem_alloc : memref<!tpu.dma_semaphore, #tpu.memory_space<semaphore_mem>>
        %dma_start3A_1401 = arith.constant 0 : i32
        %dma_start3A_1402 = arith.constant 0 : i32
        %dma_start3A_1403 = tpu.memref_slice %arg8[%dma_start3A_1401, %dma_start3A_1402] : memref<10240x128xf32, #tpu.memory_space<vmem_shared>> -> memref<10240x128xf32, #tpu.memory_space<vmem_shared>>
        tpu.enqueue_indirect_dma source(%arg5 : memref<128x128xf32, #tpu.memory_space<vmem>>) target(%dma_start3A_1403 : memref<10240x128xf32, #tpu.memory_space<vmem_shared>>) offsets(%arg20 : memref<128xi32, #tpu.memory_space<vmem>>) semaphore(%run_scoped3A : memref<!tpu.dma_semaphore, #tpu.memory_space<semaphore_mem>>) {add = true}
        %dma_wait3A_1404 = arith.constant 0 : i32
        %dma_wait3A_1405 = arith.constant 0 : i32
        %dma_wait3A_1406 = tpu.memref_slice %arg8[%dma_wait3A_1404, %dma_wait3A_1405] : memref<10240x128xf32, #tpu.memory_space<vmem_shared>> -> memref<10240x128xf32, #tpu.memory_space<vmem_shared>>
        tpu.wait_indirect_dma semaphore(%run_scoped3A : memref<!tpu.dma_semaphore, #tpu.memory_space<semaphore_mem>>) src(%arg5 : memref<128x128xf32, #tpu.memory_space<vmem>>) dst(%dma_wait3A_1406 : memref<10240x128xf32, #tpu.memory_space<vmem_shared>>)
        tpu.yield
      }) : () -> ()
      "tpu.region"() ({
        %run_scoped3A = tpu.sem_alloc : memref<!tpu.dma_semaphore, #tpu.memory_space<semaphore_mem>>
        %dma_start3A_1401 = arith.constant 0 : i32
        %dma_start3A_1402 = arith.constant 0 : i32
        %dma_start3A_1403 = tpu.memref_slice %arg8[%dma_start3A_1401, %dma_start3A_1402] : memref<10240x128xf32, #tpu.memory_space<vmem_shared>> -> memref<10240x128xf32, #tpu.memory_space<vmem_shared>>
        tpu.enqueue_indirect_dma source(%arg5 : memref<128x128xf32, #tpu.memory_space<vmem>>) target(%dma_start3A_1403 : memref<10240x128xf32, #tpu.memory_space<vmem_shared>>) offsets(%arg21 : memref<128xi32, #tpu.memory_space<vmem>>) semaphore(%run_scoped3A : memref<!tpu.dma_semaphore, #tpu.memory_space<semaphore_mem>>) {add = true}
        %dma_wait3A_1404 = arith.constant 0 : i32
        %dma_wait3A_1405 = arith.constant 0 : i32
        %dma_wait3A_1406 = tpu.memref_slice %arg8[%dma_wait3A_1404, %dma_wait3A_1405] : memref<10240x128xf32, #tpu.memory_space<vmem_shared>> -> memref<10240x128xf32, #tpu.memory_space<vmem_shared>>
        tpu.wait_indirect_dma semaphore(%run_scoped3A : memref<!tpu.dma_semaphore, #tpu.memory_space<semaphore_mem>>) src(%arg5 : memref<128x128xf32, #tpu.memory_space<vmem>>) dst(%dma_wait3A_1406 : memref<10240x128xf32, #tpu.memory_space<vmem_shared>>)
        tpu.yield
      }) : () -> ()
      "tpu.region"() ({
        %run_scoped3A = tpu.sem_alloc : memref<!tpu.dma_semaphore, #tpu.memory_space<semaphore_mem>>
        %dma_start3A_1401 = arith.constant 0 : i32
        %dma_start3A_1402 = arith.constant 0 : i32
        %dma_start3A_1403 = tpu.memref_slice %arg8[%dma_start3A_1401, %dma_start3A_1402] : memref<10240x128xf32, #tpu.memory_space<vmem_shared>> -> memref<10240x128xf32, #tpu.memory_space<vmem_shared>>
        tpu.enqueue_indirect_dma source(%arg5 : memref<128x128xf32, #tpu.memory_space<vmem>>) target(%dma_start3A_1403 : memref<10240x128xf32, #tpu.memory_space<vmem_shared>>) offsets(%arg22 : memref<128xi32, #tpu.memory_space<vmem>>) semaphore(%run_scoped3A : memref<!tpu.dma_semaphore, #tpu.memory_space<semaphore_mem>>) {add = true}
        %dma_wait3A_1404 = arith.constant 0 : i32
        %dma_wait3A_1405 = arith.constant 0 : i32
        %dma_wait3A_1406 = tpu.memref_slice %arg8[%dma_wait3A_1404, %dma_wait3A_1405] : memref<10240x128xf32, #tpu.memory_space<vmem_shared>> -> memref<10240x128xf32, #tpu.memory_space<vmem_shared>>
        tpu.wait_indirect_dma semaphore(%run_scoped3A : memref<!tpu.dma_semaphore, #tpu.memory_space<semaphore_mem>>) src(%arg5 : memref<128x128xf32, #tpu.memory_space<vmem>>) dst(%dma_wait3A_1406 : memref<10240x128xf32, #tpu.memory_space<vmem_shared>>)
        tpu.yield
      }) : () -> ()
      "tpu.region"() ({
        %run_scoped3A = tpu.sem_alloc : memref<!tpu.dma_semaphore, #tpu.memory_space<semaphore_mem>>
        %dma_start3A_1401 = arith.constant 0 : i32
        %dma_start3A_1402 = arith.constant 0 : i32
        %dma_start3A_1403 = tpu.memref_slice %arg8[%dma_start3A_1401, %dma_start3A_1402] : memref<10240x128xf32, #tpu.memory_space<vmem_shared>> -> memref<10240x128xf32, #tpu.memory_space<vmem_shared>>
        tpu.enqueue_indirect_dma source(%arg5 : memref<128x128xf32, #tpu.memory_space<vmem>>) target(%dma_start3A_1403 : memref<10240x128xf32, #tpu.memory_space<vmem_shared>>) offsets(%arg23 : memref<128xi32, #tpu.memory_space<vmem>>) semaphore(%run_scoped3A : memref<!tpu.dma_semaphore, #tpu.memory_space<semaphore_mem>>) {add = true}
        %dma_wait3A_1404 = arith.constant 0 : i32
        %dma_wait3A_1405 = arith.constant 0 : i32
        %dma_wait3A_1406 = tpu.memref_slice %arg8[%dma_wait3A_1404, %dma_wait3A_1405] : memref<10240x128xf32, #tpu.memory_space<vmem_shared>> -> memref<10240x128xf32, #tpu.memory_space<vmem_shared>>
        tpu.wait_indirect_dma semaphore(%run_scoped3A : memref<!tpu.dma_semaphore, #tpu.memory_space<semaphore_mem>>) src(%arg5 : memref<128x128xf32, #tpu.memory_space<vmem>>) dst(%dma_wait3A_1406 : memref<10240x128xf32, #tpu.memory_space<vmem_shared>>)
        tpu.yield
      }) : () -> ()
      "tpu.region"() ({
        %run_scoped3A = tpu.sem_alloc : memref<!tpu.dma_semaphore, #tpu.memory_space<semaphore_mem>>
        %dma_start3A_1401 = arith.constant 0 : i32
        %dma_start3A_1402 = arith.constant 0 : i32
        %dma_start3A_1403 = tpu.memref_slice %arg8[%dma_start3A_1401, %dma_start3A_1402] : memref<10240x128xf32, #tpu.memory_space<vmem_shared>> -> memref<10240x128xf32, #tpu.memory_space<vmem_shared>>
        tpu.enqueue_indirect_dma source(%arg5 : memref<128x128xf32, #tpu.memory_space<vmem>>) target(%dma_start3A_1403 : memref<10240x128xf32, #tpu.memory_space<vmem_shared>>) offsets(%arg24 : memref<128xi32, #tpu.memory_space<vmem>>) semaphore(%run_scoped3A : memref<!tpu.dma_semaphore, #tpu.memory_space<semaphore_mem>>) {add = true}
        %dma_wait3A_1404 = arith.constant 0 : i32
        %dma_wait3A_1405 = arith.constant 0 : i32
        %dma_wait3A_1406 = tpu.memref_slice %arg8[%dma_wait3A_1404, %dma_wait3A_1405] : memref<10240x128xf32, #tpu.memory_space<vmem_shared>> -> memref<10240x128xf32, #tpu.memory_space<vmem_shared>>
        tpu.wait_indirect_dma semaphore(%run_scoped3A : memref<!tpu.dma_semaphore, #tpu.memory_space<semaphore_mem>>) src(%arg5 : memref<128x128xf32, #tpu.memory_space<vmem>>) dst(%dma_wait3A_1406 : memref<10240x128xf32, #tpu.memory_space<vmem_shared>>)
        tpu.yield
      }) : () -> ()
      "tpu.region"() ({
        %run_scoped3A = tpu.sem_alloc : memref<!tpu.dma_semaphore, #tpu.memory_space<semaphore_mem>>
        %dma_start3A_1401 = arith.constant 0 : i32
        %dma_start3A_1402 = arith.constant 0 : i32
        %dma_start3A_1403 = tpu.memref_slice %arg8[%dma_start3A_1401, %dma_start3A_1402] : memref<10240x128xf32, #tpu.memory_space<vmem_shared>> -> memref<10240x128xf32, #tpu.memory_space<vmem_shared>>
        tpu.enqueue_indirect_dma source(%arg5 : memref<128x128xf32, #tpu.memory_space<vmem>>) target(%dma_start3A_1403 : memref<10240x128xf32, #tpu.memory_space<vmem_shared>>) offsets(%arg25 : memref<128xi32, #tpu.memory_space<vmem>>) semaphore(%run_scoped3A : memref<!tpu.dma_semaphore, #tpu.memory_space<semaphore_mem>>) {add = true}
        %dma_wait3A_1404 = arith.constant 0 : i32
        %dma_wait3A_1405 = arith.constant 0 : i32
        %dma_wait3A_1406 = tpu.memref_slice %arg8[%dma_wait3A_1404, %dma_wait3A_1405] : memref<10240x128xf32, #tpu.memory_space<vmem_shared>> -> memref<10240x128xf32, #tpu.memory_space<vmem_shared>>
        tpu.wait_indirect_dma semaphore(%run_scoped3A : memref<!tpu.dma_semaphore, #tpu.memory_space<semaphore_mem>>) src(%arg5 : memref<128x128xf32, #tpu.memory_space<vmem>>) dst(%dma_wait3A_1406 : memref<10240x128xf32, #tpu.memory_space<vmem_shared>>)
        tpu.yield
      }) : () -> ()
      "tpu.region"() ({
        %run_scoped3A = tpu.sem_alloc : memref<!tpu.dma_semaphore, #tpu.memory_space<semaphore_mem>>
        %dma_start3A_1401 = arith.constant 0 : i32
        %dma_start3A_1402 = arith.constant 0 : i32
        %dma_start3A_1403 = tpu.memref_slice %arg8[%dma_start3A_1401, %dma_start3A_1402] : memref<10240x128xf32, #tpu.memory_space<vmem_shared>> -> memref<10240x128xf32, #tpu.memory_space<vmem_shared>>
        tpu.enqueue_indirect_dma source(%arg5 : memref<128x128xf32, #tpu.memory_space<vmem>>) target(%dma_start3A_1403 : memref<10240x128xf32, #tpu.memory_space<vmem_shared>>) offsets(%arg26 : memref<128xi32, #tpu.memory_space<vmem>>) semaphore(%run_scoped3A : memref<!tpu.dma_semaphore, #tpu.memory_space<semaphore_mem>>) {add = true}
        %dma_wait3A_1404 = arith.constant 0 : i32
        %dma_wait3A_1405 = arith.constant 0 : i32
        %dma_wait3A_1406 = tpu.memref_slice %arg8[%dma_wait3A_1404, %dma_wait3A_1405] : memref<10240x128xf32, #tpu.memory_space<vmem_shared>> -> memref<10240x128xf32, #tpu.memory_space<vmem_shared>>
        tpu.wait_indirect_dma semaphore(%run_scoped3A : memref<!tpu.dma_semaphore, #tpu.memory_space<semaphore_mem>>) src(%arg5 : memref<128x128xf32, #tpu.memory_space<vmem>>) dst(%dma_wait3A_1406 : memref<10240x128xf32, #tpu.memory_space<vmem_shared>>)
        tpu.yield
      }) : () -> ()
      %dma_wait3A_525 = arith.constant 0 : i32
      %dma_wait3A_526 = arith.constant 0 : i32
      %dma_wait3A_527 = tpu.memref_slice %arg6[%dma_wait3A_525, %dma_wait3A_526] : memref<128x128xf32, #tpu.memory_space<vmem>> -> memref<125x128xf32, #tpu.memory_space<vmem>>
      %dma_wait3A_528 = arith.constant 0 : i32
      %dma_wait3A_529 = arith.constant 0 : i32
      %dma_wait3A_530 = tpu.memref_slice %arg2[%add3A_302, %dma_wait3A_528, %dma_wait3A_529] : memref<320x125x128xf32, #tpu.memory_space<hbm>> -> memref<1x125x128xf32, #tpu.memory_space<hbm>>
      %dma_wait3A_531 = tpu.memref_squeeze %dma_wait3A_530 : memref<1x125x128xf32, #tpu.memory_space<hbm>> -> memref<125x128xf32, #tpu.memory_space<hbm>>
      %dma_wait3A_532 = arith.constant 0 : i32
      %dma_wait3A_533 = arith.constant 0 : i32
      %dma_wait3A_534 = tpu.memref_slice %arg6[%dma_wait3A_532, %dma_wait3A_533] : memref<128x128xf32, #tpu.memory_space<vmem>> -> memref<125x128xf32, #tpu.memory_space<vmem>>
      %dma_wait3A_535 = arith.constant 0 : i32
      %dma_wait3A_536 = arith.constant 0 : i32
      %dma_wait3A_537 = tpu.memref_slice %arg2[%add3A_302, %dma_wait3A_535, %dma_wait3A_536] : memref<320x125x128xf32, #tpu.memory_space<hbm>> -> memref<1x125x128xf32, #tpu.memory_space<hbm>>
      %dma_wait3A_538 = tpu.memref_squeeze %dma_wait3A_537 : memref<1x125x128xf32, #tpu.memory_space<hbm>> -> memref<125x128xf32, #tpu.memory_space<hbm>>
      tpu.wait_dma2 semaphore(%arg9 : memref<!tpu.dma_semaphore, #tpu.memory_space<semaphore_mem>>) src(%dma_wait3A_538 : memref<125x128xf32, #tpu.memory_space<hbm>>) dst(%dma_wait3A_534 : memref<125x128xf32, #tpu.memory_space<vmem>>)
      %dma_wait3A_539 = tpu.memref_slice %arg3[%multiple_of3A_327] : memref<655360xi32, #tpu.memory_space<hbm>> -> memref<128xi32, #tpu.memory_space<hbm>>
      %dma_wait3A_540 = tpu.memref_slice %arg3[%multiple_of3A_327] : memref<655360xi32, #tpu.memory_space<hbm>> -> memref<128xi32, #tpu.memory_space<hbm>>
      tpu.wait_dma2 semaphore(%arg9 : memref<!tpu.dma_semaphore, #tpu.memory_space<semaphore_mem>>) src(%dma_wait3A_540 : memref<128xi32, #tpu.memory_space<hbm>>) dst(%arg27 : memref<128xi32, #tpu.memory_space<vmem>>)
      %dma_wait3A_541 = tpu.memref_slice %arg3[%multiple_of3A_340] : memref<655360xi32, #tpu.memory_space<hbm>> -> memref<128xi32, #tpu.memory_space<hbm>>
      %dma_wait3A_542 = tpu.memref_slice %arg3[%multiple_of3A_340] : memref<655360xi32, #tpu.memory_space<hbm>> -> memref<128xi32, #tpu.memory_space<hbm>>
      tpu.wait_dma2 semaphore(%arg9 : memref<!tpu.dma_semaphore, #tpu.memory_space<semaphore_mem>>) src(%dma_wait3A_542 : memref<128xi32, #tpu.memory_space<hbm>>) dst(%arg28 : memref<128xi32, #tpu.memory_space<vmem>>)
      %dma_wait3A_543 = tpu.memref_slice %arg3[%multiple_of3A_353] : memref<655360xi32, #tpu.memory_space<hbm>> -> memref<128xi32, #tpu.memory_space<hbm>>
      %dma_wait3A_544 = tpu.memref_slice %arg3[%multiple_of3A_353] : memref<655360xi32, #tpu.memory_space<hbm>> -> memref<128xi32, #tpu.memory_space<hbm>>
      tpu.wait_dma2 semaphore(%arg9 : memref<!tpu.dma_semaphore, #tpu.memory_space<semaphore_mem>>) src(%dma_wait3A_544 : memref<128xi32, #tpu.memory_space<hbm>>) dst(%arg29 : memref<128xi32, #tpu.memory_space<vmem>>)
      %dma_wait3A_545 = tpu.memref_slice %arg3[%multiple_of3A_366] : memref<655360xi32, #tpu.memory_space<hbm>> -> memref<128xi32, #tpu.memory_space<hbm>>
      %dma_wait3A_546 = tpu.memref_slice %arg3[%multiple_of3A_366] : memref<655360xi32, #tpu.memory_space<hbm>> -> memref<128xi32, #tpu.memory_space<hbm>>
      tpu.wait_dma2 semaphore(%arg9 : memref<!tpu.dma_semaphore, #tpu.memory_space<semaphore_mem>>) src(%dma_wait3A_546 : memref<128xi32, #tpu.memory_space<hbm>>) dst(%arg30 : memref<128xi32, #tpu.memory_space<vmem>>)
      %dma_wait3A_547 = tpu.memref_slice %arg3[%multiple_of3A_379] : memref<655360xi32, #tpu.memory_space<hbm>> -> memref<128xi32, #tpu.memory_space<hbm>>
      %dma_wait3A_548 = tpu.memref_slice %arg3[%multiple_of3A_379] : memref<655360xi32, #tpu.memory_space<hbm>> -> memref<128xi32, #tpu.memory_space<hbm>>
      tpu.wait_dma2 semaphore(%arg9 : memref<!tpu.dma_semaphore, #tpu.memory_space<semaphore_mem>>) src(%dma_wait3A_548 : memref<128xi32, #tpu.memory_space<hbm>>) dst(%arg31 : memref<128xi32, #tpu.memory_space<vmem>>)
      %dma_wait3A_549 = tpu.memref_slice %arg3[%multiple_of3A_392] : memref<655360xi32, #tpu.memory_space<hbm>> -> memref<128xi32, #tpu.memory_space<hbm>>
      %dma_wait3A_550 = tpu.memref_slice %arg3[%multiple_of3A_392] : memref<655360xi32, #tpu.memory_space<hbm>> -> memref<128xi32, #tpu.memory_space<hbm>>
      tpu.wait_dma2 semaphore(%arg9 : memref<!tpu.dma_semaphore, #tpu.memory_space<semaphore_mem>>) src(%dma_wait3A_550 : memref<128xi32, #tpu.memory_space<hbm>>) dst(%arg32 : memref<128xi32, #tpu.memory_space<vmem>>)
      %dma_wait3A_551 = tpu.memref_slice %arg3[%multiple_of3A_405] : memref<655360xi32, #tpu.memory_space<hbm>> -> memref<128xi32, #tpu.memory_space<hbm>>
      %dma_wait3A_552 = tpu.memref_slice %arg3[%multiple_of3A_405] : memref<655360xi32, #tpu.memory_space<hbm>> -> memref<128xi32, #tpu.memory_space<hbm>>
      tpu.wait_dma2 semaphore(%arg9 : memref<!tpu.dma_semaphore, #tpu.memory_space<semaphore_mem>>) src(%dma_wait3A_552 : memref<128xi32, #tpu.memory_space<hbm>>) dst(%arg33 : memref<128xi32, #tpu.memory_space<vmem>>)
      %dma_wait3A_553 = tpu.memref_slice %arg3[%multiple_of3A_418] : memref<655360xi32, #tpu.memory_space<hbm>> -> memref<128xi32, #tpu.memory_space<hbm>>
      %dma_wait3A_554 = tpu.memref_slice %arg3[%multiple_of3A_418] : memref<655360xi32, #tpu.memory_space<hbm>> -> memref<128xi32, #tpu.memory_space<hbm>>
      tpu.wait_dma2 semaphore(%arg9 : memref<!tpu.dma_semaphore, #tpu.memory_space<semaphore_mem>>) src(%dma_wait3A_554 : memref<128xi32, #tpu.memory_space<hbm>>) dst(%arg34 : memref<128xi32, #tpu.memory_space<vmem>>)
      %dma_wait3A_555 = tpu.memref_slice %arg3[%multiple_of3A_431] : memref<655360xi32, #tpu.memory_space<hbm>> -> memref<128xi32, #tpu.memory_space<hbm>>
      %dma_wait3A_556 = tpu.memref_slice %arg3[%multiple_of3A_431] : memref<655360xi32, #tpu.memory_space<hbm>> -> memref<128xi32, #tpu.memory_space<hbm>>
      tpu.wait_dma2 semaphore(%arg9 : memref<!tpu.dma_semaphore, #tpu.memory_space<semaphore_mem>>) src(%dma_wait3A_556 : memref<128xi32, #tpu.memory_space<hbm>>) dst(%arg35 : memref<128xi32, #tpu.memory_space<vmem>>)
      %dma_wait3A_557 = tpu.memref_slice %arg3[%multiple_of3A_444] : memref<655360xi32, #tpu.memory_space<hbm>> -> memref<128xi32, #tpu.memory_space<hbm>>
      %dma_wait3A_558 = tpu.memref_slice %arg3[%multiple_of3A_444] : memref<655360xi32, #tpu.memory_space<hbm>> -> memref<128xi32, #tpu.memory_space<hbm>>
      tpu.wait_dma2 semaphore(%arg9 : memref<!tpu.dma_semaphore, #tpu.memory_space<semaphore_mem>>) src(%dma_wait3A_558 : memref<128xi32, #tpu.memory_space<hbm>>) dst(%arg36 : memref<128xi32, #tpu.memory_space<vmem>>)
      %dma_wait3A_559 = tpu.memref_slice %arg3[%multiple_of3A_457] : memref<655360xi32, #tpu.memory_space<hbm>> -> memref<128xi32, #tpu.memory_space<hbm>>
      %dma_wait3A_560 = tpu.memref_slice %arg3[%multiple_of3A_457] : memref<655360xi32, #tpu.memory_space<hbm>> -> memref<128xi32, #tpu.memory_space<hbm>>
      tpu.wait_dma2 semaphore(%arg9 : memref<!tpu.dma_semaphore, #tpu.memory_space<semaphore_mem>>) src(%dma_wait3A_560 : memref<128xi32, #tpu.memory_space<hbm>>) dst(%arg37 : memref<128xi32, #tpu.memory_space<vmem>>)
      %dma_wait3A_561 = tpu.memref_slice %arg3[%multiple_of3A_470] : memref<655360xi32, #tpu.memory_space<hbm>> -> memref<128xi32, #tpu.memory_space<hbm>>
      %dma_wait3A_562 = tpu.memref_slice %arg3[%multiple_of3A_470] : memref<655360xi32, #tpu.memory_space<hbm>> -> memref<128xi32, #tpu.memory_space<hbm>>
      tpu.wait_dma2 semaphore(%arg9 : memref<!tpu.dma_semaphore, #tpu.memory_space<semaphore_mem>>) src(%dma_wait3A_562 : memref<128xi32, #tpu.memory_space<hbm>>) dst(%arg38 : memref<128xi32, #tpu.memory_space<vmem>>)
      %dma_wait3A_563 = tpu.memref_slice %arg3[%multiple_of3A_483] : memref<655360xi32, #tpu.memory_space<hbm>> -> memref<128xi32, #tpu.memory_space<hbm>>
      %dma_wait3A_564 = tpu.memref_slice %arg3[%multiple_of3A_483] : memref<655360xi32, #tpu.memory_space<hbm>> -> memref<128xi32, #tpu.memory_space<hbm>>
      tpu.wait_dma2 semaphore(%arg9 : memref<!tpu.dma_semaphore, #tpu.memory_space<semaphore_mem>>) src(%dma_wait3A_564 : memref<128xi32, #tpu.memory_space<hbm>>) dst(%arg39 : memref<128xi32, #tpu.memory_space<vmem>>)
      %dma_wait3A_565 = tpu.memref_slice %arg3[%multiple_of3A_496] : memref<655360xi32, #tpu.memory_space<hbm>> -> memref<128xi32, #tpu.memory_space<hbm>>
      %dma_wait3A_566 = tpu.memref_slice %arg3[%multiple_of3A_496] : memref<655360xi32, #tpu.memory_space<hbm>> -> memref<128xi32, #tpu.memory_space<hbm>>
      tpu.wait_dma2 semaphore(%arg9 : memref<!tpu.dma_semaphore, #tpu.memory_space<semaphore_mem>>) src(%dma_wait3A_566 : memref<128xi32, #tpu.memory_space<hbm>>) dst(%arg40 : memref<128xi32, #tpu.memory_space<vmem>>)
      %dma_wait3A_567 = tpu.memref_slice %arg3[%multiple_of3A_509] : memref<655360xi32, #tpu.memory_space<hbm>> -> memref<128xi32, #tpu.memory_space<hbm>>
      %dma_wait3A_568 = tpu.memref_slice %arg3[%multiple_of3A_509] : memref<655360xi32, #tpu.memory_space<hbm>> -> memref<128xi32, #tpu.memory_space<hbm>>
      tpu.wait_dma2 semaphore(%arg9 : memref<!tpu.dma_semaphore, #tpu.memory_space<semaphore_mem>>) src(%dma_wait3A_568 : memref<128xi32, #tpu.memory_space<hbm>>) dst(%arg41 : memref<128xi32, #tpu.memory_space<vmem>>)
      %dma_wait3A_569 = tpu.memref_slice %arg3[%multiple_of3A_522] : memref<655360xi32, #tpu.memory_space<hbm>> -> memref<128xi32, #tpu.memory_space<hbm>>
      %dma_wait3A_570 = tpu.memref_slice %arg3[%multiple_of3A_522] : memref<655360xi32, #tpu.memory_space<hbm>> -> memref<128xi32, #tpu.memory_space<hbm>>
      tpu.wait_dma2 semaphore(%arg9 : memref<!tpu.dma_semaphore, #tpu.memory_space<semaphore_mem>>) src(%dma_wait3A_570 : memref<128xi32, #tpu.memory_space<hbm>>) dst(%arg42 : memref<128xi32, #tpu.memory_space<vmem>>)
      %mul3A_571 = arith.constant 80 : i32
      %mul3A_572 = arith.muli %add3A_15, %mul3A_571 : i32
      %mul3A_573 = arith.constant 5 : i32
      %mul3A_574 = arith.muli %arg1, %mul3A_573 : i32
      %add3A_575 = arith.addi %mul3A_572, %mul3A_574 : i32
      %add3A_576 = arith.constant 2 : i32
      %add3A_577 = arith.addi %add3A_575, %add3A_576 : i32
      %dma_start3A_578 = arith.constant 0 : i32
      %dma_start3A_579 = arith.constant 0 : i32
      %dma_start3A_580 = tpu.memref_slice %arg5[%dma_start3A_578, %dma_start3A_579] : memref<128x128xf32, #tpu.memory_space<vmem>> -> memref<125x128xf32, #tpu.memory_space<vmem>>
      %dma_start3A_581 = arith.constant 0 : i32
      %dma_start3A_582 = arith.constant 0 : i32
      %dma_start3A_583 = tpu.memref_slice %arg2[%add3A_577, %dma_start3A_581, %dma_start3A_582] : memref<320x125x128xf32, #tpu.memory_space<hbm>> -> memref<1x125x128xf32, #tpu.memory_space<hbm>>
      %dma_start3A_584 = tpu.memref_squeeze %dma_start3A_583 : memref<1x125x128xf32, #tpu.memory_space<hbm>> -> memref<125x128xf32, #tpu.memory_space<hbm>>
      %dma_start3A_585 = arith.constant 0 : i32
      %dma_start3A_586 = arith.constant 0 : i32
      %dma_start3A_587 = tpu.memref_slice %arg5[%dma_start3A_585, %dma_start3A_586] : memref<128x128xf32, #tpu.memory_space<vmem>> -> memref<125x128xf32, #tpu.memory_space<vmem>>
      %dma_start3A_588 = arith.constant 0 : i32
      %dma_start3A_589 = arith.constant 0 : i32
      %dma_start3A_590 = tpu.memref_slice %arg2[%add3A_577, %dma_start3A_588, %dma_start3A_589] : memref<320x125x128xf32, #tpu.memory_space<hbm>> -> memref<1x125x128xf32, #tpu.memory_space<hbm>>
      %dma_start3A_591 = tpu.memref_squeeze %dma_start3A_590 : memref<1x125x128xf32, #tpu.memory_space<hbm>> -> memref<125x128xf32, #tpu.memory_space<hbm>>
      tpu.enqueue_dma source(%dma_start3A_591 : memref<125x128xf32, #tpu.memory_space<hbm>>) target(%dma_start3A_587 : memref<125x128xf32, #tpu.memory_space<vmem>>) target_semaphore(%arg9 : memref<!tpu.dma_semaphore, #tpu.memory_space<semaphore_mem>>)
      %mul3A_592 = arith.constant 16 : i32
      %mul3A_593 = arith.muli %add3A_18, %mul3A_592 : i32
      %add3A_594 = arith.constant 0 : i32
      %add3A_595 = arith.addi %mul3A_593, %add3A_594 : i32
      %mul3A_596 = arith.constant 5 : i32
      %mul3A_597 = arith.muli %add3A_595, %mul3A_596 : i32
      %add3A_598 = arith.constant 2 : i32
      %add3A_599 = arith.addi %mul3A_597, %add3A_598 : i32
      %mul3A_600 = arith.constant 128 : i32
      %mul3A_601 = arith.muli %add3A_599, %mul3A_600 : i32
      %multiple_of3A_602 = tpu.assume_multiple %mul3A_601, 8 : i32
      %dma_start3A_603 = tpu.memref_slice %arg3[%multiple_of3A_602] : memref<655360xi32, #tpu.memory_space<hbm>> -> memref<128xi32, #tpu.memory_space<hbm>>
      %dma_start3A_604 = tpu.memref_slice %arg3[%multiple_of3A_602] : memref<655360xi32, #tpu.memory_space<hbm>> -> memref<128xi32, #tpu.memory_space<hbm>>
      tpu.enqueue_dma source(%dma_start3A_604 : memref<128xi32, #tpu.memory_space<hbm>>) target(%arg11 : memref<128xi32, #tpu.memory_space<vmem>>) target_semaphore(%arg9 : memref<!tpu.dma_semaphore, #tpu.memory_space<semaphore_mem>>)
      %mul3A_605 = arith.constant 16 : i32
      %mul3A_606 = arith.muli %add3A_18, %mul3A_605 : i32
      %add3A_607 = arith.constant 1 : i32
      %add3A_608 = arith.addi %mul3A_606, %add3A_607 : i32
      %mul3A_609 = arith.constant 5 : i32
      %mul3A_610 = arith.muli %add3A_608, %mul3A_609 : i32
      %add3A_611 = arith.constant 2 : i32
      %add3A_612 = arith.addi %mul3A_610, %add3A_611 : i32
      %mul3A_613 = arith.constant 128 : i32
      %mul3A_614 = arith.muli %add3A_612, %mul3A_613 : i32
      %multiple_of3A_615 = tpu.assume_multiple %mul3A_614, 8 : i32
      %dma_start3A_616 = tpu.memref_slice %arg3[%multiple_of3A_615] : memref<655360xi32, #tpu.memory_space<hbm>> -> memref<128xi32, #tpu.memory_space<hbm>>
      %dma_start3A_617 = tpu.memref_slice %arg3[%multiple_of3A_615] : memref<655360xi32, #tpu.memory_space<hbm>> -> memref<128xi32, #tpu.memory_space<hbm>>
      tpu.enqueue_dma source(%dma_start3A_617 : memref<128xi32, #tpu.memory_space<hbm>>) target(%arg12 : memref<128xi32, #tpu.memory_space<vmem>>) target_semaphore(%arg9 : memref<!tpu.dma_semaphore, #tpu.memory_space<semaphore_mem>>)
      %mul3A_618 = arith.constant 16 : i32
      %mul3A_619 = arith.muli %add3A_18, %mul3A_618 : i32
      %add3A_620 = arith.constant 2 : i32
      %add3A_621 = arith.addi %mul3A_619, %add3A_620 : i32
      %mul3A_622 = arith.constant 5 : i32
      %mul3A_623 = arith.muli %add3A_621, %mul3A_622 : i32
      %add3A_624 = arith.constant 2 : i32
      %add3A_625 = arith.addi %mul3A_623, %add3A_624 : i32
      %mul3A_626 = arith.constant 128 : i32
      %mul3A_627 = arith.muli %add3A_625, %mul3A_626 : i32
      %multiple_of3A_628 = tpu.assume_multiple %mul3A_627, 8 : i32
      %dma_start3A_629 = tpu.memref_slice %arg3[%multiple_of3A_628] : memref<655360xi32, #tpu.memory_space<hbm>> -> memref<128xi32, #tpu.memory_space<hbm>>
      %dma_start3A_630 = tpu.memref_slice %arg3[%multiple_of3A_628] : memref<655360xi32, #tpu.memory_space<hbm>> -> memref<128xi32, #tpu.memory_space<hbm>>
      tpu.enqueue_dma source(%dma_start3A_630 : memref<128xi32, #tpu.memory_space<hbm>>) target(%arg13 : memref<128xi32, #tpu.memory_space<vmem>>) target_semaphore(%arg9 : memref<!tpu.dma_semaphore, #tpu.memory_space<semaphore_mem>>)
      %mul3A_631 = arith.constant 16 : i32
      %mul3A_632 = arith.muli %add3A_18, %mul3A_631 : i32
      %add3A_633 = arith.constant 3 : i32
      %add3A_634 = arith.addi %mul3A_632, %add3A_633 : i32
      %mul3A_635 = arith.constant 5 : i32
      %mul3A_636 = arith.muli %add3A_634, %mul3A_635 : i32
      %add3A_637 = arith.constant 2 : i32
      %add3A_638 = arith.addi %mul3A_636, %add3A_637 : i32
      %mul3A_639 = arith.constant 128 : i32
      %mul3A_640 = arith.muli %add3A_638, %mul3A_639 : i32
      %multiple_of3A_641 = tpu.assume_multiple %mul3A_640, 8 : i32
      %dma_start3A_642 = tpu.memref_slice %arg3[%multiple_of3A_641] : memref<655360xi32, #tpu.memory_space<hbm>> -> memref<128xi32, #tpu.memory_space<hbm>>
      %dma_start3A_643 = tpu.memref_slice %arg3[%multiple_of3A_641] : memref<655360xi32, #tpu.memory_space<hbm>> -> memref<128xi32, #tpu.memory_space<hbm>>
      tpu.enqueue_dma source(%dma_start3A_643 : memref<128xi32, #tpu.memory_space<hbm>>) target(%arg14 : memref<128xi32, #tpu.memory_space<vmem>>) target_semaphore(%arg9 : memref<!tpu.dma_semaphore, #tpu.memory_space<semaphore_mem>>)
      %mul3A_644 = arith.constant 16 : i32
      %mul3A_645 = arith.muli %add3A_18, %mul3A_644 : i32
      %add3A_646 = arith.constant 4 : i32
      %add3A_647 = arith.addi %mul3A_645, %add3A_646 : i32
      %mul3A_648 = arith.constant 5 : i32
      %mul3A_649 = arith.muli %add3A_647, %mul3A_648 : i32
      %add3A_650 = arith.constant 2 : i32
      %add3A_651 = arith.addi %mul3A_649, %add3A_650 : i32
      %mul3A_652 = arith.constant 128 : i32
      %mul3A_653 = arith.muli %add3A_651, %mul3A_652 : i32
      %multiple_of3A_654 = tpu.assume_multiple %mul3A_653, 8 : i32
      %dma_start3A_655 = tpu.memref_slice %arg3[%multiple_of3A_654] : memref<655360xi32, #tpu.memory_space<hbm>> -> memref<128xi32, #tpu.memory_space<hbm>>
      %dma_start3A_656 = tpu.memref_slice %arg3[%multiple_of3A_654] : memref<655360xi32, #tpu.memory_space<hbm>> -> memref<128xi32, #tpu.memory_space<hbm>>
      tpu.enqueue_dma source(%dma_start3A_656 : memref<128xi32, #tpu.memory_space<hbm>>) target(%arg15 : memref<128xi32, #tpu.memory_space<vmem>>) target_semaphore(%arg9 : memref<!tpu.dma_semaphore, #tpu.memory_space<semaphore_mem>>)
      %mul3A_657 = arith.constant 16 : i32
      %mul3A_658 = arith.muli %add3A_18, %mul3A_657 : i32
      %add3A_659 = arith.constant 5 : i32
      %add3A_660 = arith.addi %mul3A_658, %add3A_659 : i32
      %mul3A_661 = arith.constant 5 : i32
      %mul3A_662 = arith.muli %add3A_660, %mul3A_661 : i32
      %add3A_663 = arith.constant 2 : i32
      %add3A_664 = arith.addi %mul3A_662, %add3A_663 : i32
      %mul3A_665 = arith.constant 128 : i32
      %mul3A_666 = arith.muli %add3A_664, %mul3A_665 : i32
      %multiple_of3A_667 = tpu.assume_multiple %mul3A_666, 8 : i32
      %dma_start3A_668 = tpu.memref_slice %arg3[%multiple_of3A_667] : memref<655360xi32, #tpu.memory_space<hbm>> -> memref<128xi32, #tpu.memory_space<hbm>>
      %dma_start3A_669 = tpu.memref_slice %arg3[%multiple_of3A_667] : memref<655360xi32, #tpu.memory_space<hbm>> -> memref<128xi32, #tpu.memory_space<hbm>>
      tpu.enqueue_dma source(%dma_start3A_669 : memref<128xi32, #tpu.memory_space<hbm>>) target(%arg16 : memref<128xi32, #tpu.memory_space<vmem>>) target_semaphore(%arg9 : memref<!tpu.dma_semaphore, #tpu.memory_space<semaphore_mem>>)
      %mul3A_670 = arith.constant 16 : i32
      %mul3A_671 = arith.muli %add3A_18, %mul3A_670 : i32
      %add3A_672 = arith.constant 6 : i32
      %add3A_673 = arith.addi %mul3A_671, %add3A_672 : i32
      %mul3A_674 = arith.constant 5 : i32
      %mul3A_675 = arith.muli %add3A_673, %mul3A_674 : i32
      %add3A_676 = arith.constant 2 : i32
      %add3A_677 = arith.addi %mul3A_675, %add3A_676 : i32
      %mul3A_678 = arith.constant 128 : i32
      %mul3A_679 = arith.muli %add3A_677, %mul3A_678 : i32
      %multiple_of3A_680 = tpu.assume_multiple %mul3A_679, 8 : i32
      %dma_start3A_681 = tpu.memref_slice %arg3[%multiple_of3A_680] : memref<655360xi32, #tpu.memory_space<hbm>> -> memref<128xi32, #tpu.memory_space<hbm>>
      %dma_start3A_682 = tpu.memref_slice %arg3[%multiple_of3A_680] : memref<655360xi32, #tpu.memory_space<hbm>> -> memref<128xi32, #tpu.memory_space<hbm>>
      tpu.enqueue_dma source(%dma_start3A_682 : memref<128xi32, #tpu.memory_space<hbm>>) target(%arg17 : memref<128xi32, #tpu.memory_space<vmem>>) target_semaphore(%arg9 : memref<!tpu.dma_semaphore, #tpu.memory_space<semaphore_mem>>)
      %mul3A_683 = arith.constant 16 : i32
      %mul3A_684 = arith.muli %add3A_18, %mul3A_683 : i32
      %add3A_685 = arith.constant 7 : i32
      %add3A_686 = arith.addi %mul3A_684, %add3A_685 : i32
      %mul3A_687 = arith.constant 5 : i32
      %mul3A_688 = arith.muli %add3A_686, %mul3A_687 : i32
      %add3A_689 = arith.constant 2 : i32
      %add3A_690 = arith.addi %mul3A_688, %add3A_689 : i32
      %mul3A_691 = arith.constant 128 : i32
      %mul3A_692 = arith.muli %add3A_690, %mul3A_691 : i32
      %multiple_of3A_693 = tpu.assume_multiple %mul3A_692, 8 : i32
      %dma_start3A_694 = tpu.memref_slice %arg3[%multiple_of3A_693] : memref<655360xi32, #tpu.memory_space<hbm>> -> memref<128xi32, #tpu.memory_space<hbm>>
      %dma_start3A_695 = tpu.memref_slice %arg3[%multiple_of3A_693] : memref<655360xi32, #tpu.memory_space<hbm>> -> memref<128xi32, #tpu.memory_space<hbm>>
      tpu.enqueue_dma source(%dma_start3A_695 : memref<128xi32, #tpu.memory_space<hbm>>) target(%arg18 : memref<128xi32, #tpu.memory_space<vmem>>) target_semaphore(%arg9 : memref<!tpu.dma_semaphore, #tpu.memory_space<semaphore_mem>>)
      %mul3A_696 = arith.constant 16 : i32
      %mul3A_697 = arith.muli %add3A_18, %mul3A_696 : i32
      %add3A_698 = arith.constant 8 : i32
      %add3A_699 = arith.addi %mul3A_697, %add3A_698 : i32
      %mul3A_700 = arith.constant 5 : i32
      %mul3A_701 = arith.muli %add3A_699, %mul3A_700 : i32
      %add3A_702 = arith.constant 2 : i32
      %add3A_703 = arith.addi %mul3A_701, %add3A_702 : i32
      %mul3A_704 = arith.constant 128 : i32
      %mul3A_705 = arith.muli %add3A_703, %mul3A_704 : i32
      %multiple_of3A_706 = tpu.assume_multiple %mul3A_705, 8 : i32
      %dma_start3A_707 = tpu.memref_slice %arg3[%multiple_of3A_706] : memref<655360xi32, #tpu.memory_space<hbm>> -> memref<128xi32, #tpu.memory_space<hbm>>
      %dma_start3A_708 = tpu.memref_slice %arg3[%multiple_of3A_706] : memref<655360xi32, #tpu.memory_space<hbm>> -> memref<128xi32, #tpu.memory_space<hbm>>
      tpu.enqueue_dma source(%dma_start3A_708 : memref<128xi32, #tpu.memory_space<hbm>>) target(%arg19 : memref<128xi32, #tpu.memory_space<vmem>>) target_semaphore(%arg9 : memref<!tpu.dma_semaphore, #tpu.memory_space<semaphore_mem>>)
      %mul3A_709 = arith.constant 16 : i32
      %mul3A_710 = arith.muli %add3A_18, %mul3A_709 : i32
      %add3A_711 = arith.constant 9 : i32
      %add3A_712 = arith.addi %mul3A_710, %add3A_711 : i32
      %mul3A_713 = arith.constant 5 : i32
      %mul3A_714 = arith.muli %add3A_712, %mul3A_713 : i32
      %add3A_715 = arith.constant 2 : i32
      %add3A_716 = arith.addi %mul3A_714, %add3A_715 : i32
      %mul3A_717 = arith.constant 128 : i32
      %mul3A_718 = arith.muli %add3A_716, %mul3A_717 : i32
      %multiple_of3A_719 = tpu.assume_multiple %mul3A_718, 8 : i32
      %dma_start3A_720 = tpu.memref_slice %arg3[%multiple_of3A_719] : memref<655360xi32, #tpu.memory_space<hbm>> -> memref<128xi32, #tpu.memory_space<hbm>>
      %dma_start3A_721 = tpu.memref_slice %arg3[%multiple_of3A_719] : memref<655360xi32, #tpu.memory_space<hbm>> -> memref<128xi32, #tpu.memory_space<hbm>>
      tpu.enqueue_dma source(%dma_start3A_721 : memref<128xi32, #tpu.memory_space<hbm>>) target(%arg20 : memref<128xi32, #tpu.memory_space<vmem>>) target_semaphore(%arg9 : memref<!tpu.dma_semaphore, #tpu.memory_space<semaphore_mem>>)
      %mul3A_722 = arith.constant 16 : i32
      %mul3A_723 = arith.muli %add3A_18, %mul3A_722 : i32
      %add3A_724 = arith.constant 10 : i32
      %add3A_725 = arith.addi %mul3A_723, %add3A_724 : i32
      %mul3A_726 = arith.constant 5 : i32
      %mul3A_727 = arith.muli %add3A_725, %mul3A_726 : i32
      %add3A_728 = arith.constant 2 : i32
      %add3A_729 = arith.addi %mul3A_727, %add3A_728 : i32
      %mul3A_730 = arith.constant 128 : i32
      %mul3A_731 = arith.muli %add3A_729, %mul3A_730 : i32
      %multiple_of3A_732 = tpu.assume_multiple %mul3A_731, 8 : i32
      %dma_start3A_733 = tpu.memref_slice %arg3[%multiple_of3A_732] : memref<655360xi32, #tpu.memory_space<hbm>> -> memref<128xi32, #tpu.memory_space<hbm>>
      %dma_start3A_734 = tpu.memref_slice %arg3[%multiple_of3A_732] : memref<655360xi32, #tpu.memory_space<hbm>> -> memref<128xi32, #tpu.memory_space<hbm>>
      tpu.enqueue_dma source(%dma_start3A_734 : memref<128xi32, #tpu.memory_space<hbm>>) target(%arg21 : memref<128xi32, #tpu.memory_space<vmem>>) target_semaphore(%arg9 : memref<!tpu.dma_semaphore, #tpu.memory_space<semaphore_mem>>)
      %mul3A_735 = arith.constant 16 : i32
      %mul3A_736 = arith.muli %add3A_18, %mul3A_735 : i32
      %add3A_737 = arith.constant 11 : i32
      %add3A_738 = arith.addi %mul3A_736, %add3A_737 : i32
      %mul3A_739 = arith.constant 5 : i32
      %mul3A_740 = arith.muli %add3A_738, %mul3A_739 : i32
      %add3A_741 = arith.constant 2 : i32
      %add3A_742 = arith.addi %mul3A_740, %add3A_741 : i32
      %mul3A_743 = arith.constant 128 : i32
      %mul3A_744 = arith.muli %add3A_742, %mul3A_743 : i32
      %multiple_of3A_745 = tpu.assume_multiple %mul3A_744, 8 : i32
      %dma_start3A_746 = tpu.memref_slice %arg3[%multiple_of3A_745] : memref<655360xi32, #tpu.memory_space<hbm>> -> memref<128xi32, #tpu.memory_space<hbm>>
      %dma_start3A_747 = tpu.memref_slice %arg3[%multiple_of3A_745] : memref<655360xi32, #tpu.memory_space<hbm>> -> memref<128xi32, #tpu.memory_space<hbm>>
      tpu.enqueue_dma source(%dma_start3A_747 : memref<128xi32, #tpu.memory_space<hbm>>) target(%arg22 : memref<128xi32, #tpu.memory_space<vmem>>) target_semaphore(%arg9 : memref<!tpu.dma_semaphore, #tpu.memory_space<semaphore_mem>>)
      %mul3A_748 = arith.constant 16 : i32
      %mul3A_749 = arith.muli %add3A_18, %mul3A_748 : i32
      %add3A_750 = arith.constant 12 : i32
      %add3A_751 = arith.addi %mul3A_749, %add3A_750 : i32
      %mul3A_752 = arith.constant 5 : i32
      %mul3A_753 = arith.muli %add3A_751, %mul3A_752 : i32
      %add3A_754 = arith.constant 2 : i32
      %add3A_755 = arith.addi %mul3A_753, %add3A_754 : i32
      %mul3A_756 = arith.constant 128 : i32
      %mul3A_757 = arith.muli %add3A_755, %mul3A_756 : i32
      %multiple_of3A_758 = tpu.assume_multiple %mul3A_757, 8 : i32
      %dma_start3A_759 = tpu.memref_slice %arg3[%multiple_of3A_758] : memref<655360xi32, #tpu.memory_space<hbm>> -> memref<128xi32, #tpu.memory_space<hbm>>
      %dma_start3A_760 = tpu.memref_slice %arg3[%multiple_of3A_758] : memref<655360xi32, #tpu.memory_space<hbm>> -> memref<128xi32, #tpu.memory_space<hbm>>
      tpu.enqueue_dma source(%dma_start3A_760 : memref<128xi32, #tpu.memory_space<hbm>>) target(%arg23 : memref<128xi32, #tpu.memory_space<vmem>>) target_semaphore(%arg9 : memref<!tpu.dma_semaphore, #tpu.memory_space<semaphore_mem>>)
      %mul3A_761 = arith.constant 16 : i32
      %mul3A_762 = arith.muli %add3A_18, %mul3A_761 : i32
      %add3A_763 = arith.constant 13 : i32
      %add3A_764 = arith.addi %mul3A_762, %add3A_763 : i32
      %mul3A_765 = arith.constant 5 : i32
      %mul3A_766 = arith.muli %add3A_764, %mul3A_765 : i32
      %add3A_767 = arith.constant 2 : i32
      %add3A_768 = arith.addi %mul3A_766, %add3A_767 : i32
      %mul3A_769 = arith.constant 128 : i32
      %mul3A_770 = arith.muli %add3A_768, %mul3A_769 : i32
      %multiple_of3A_771 = tpu.assume_multiple %mul3A_770, 8 : i32
      %dma_start3A_772 = tpu.memref_slice %arg3[%multiple_of3A_771] : memref<655360xi32, #tpu.memory_space<hbm>> -> memref<128xi32, #tpu.memory_space<hbm>>
      %dma_start3A_773 = tpu.memref_slice %arg3[%multiple_of3A_771] : memref<655360xi32, #tpu.memory_space<hbm>> -> memref<128xi32, #tpu.memory_space<hbm>>
      tpu.enqueue_dma source(%dma_start3A_773 : memref<128xi32, #tpu.memory_space<hbm>>) target(%arg24 : memref<128xi32, #tpu.memory_space<vmem>>) target_semaphore(%arg9 : memref<!tpu.dma_semaphore, #tpu.memory_space<semaphore_mem>>)
      %mul3A_774 = arith.constant 16 : i32
      %mul3A_775 = arith.muli %add3A_18, %mul3A_774 : i32
      %add3A_776 = arith.constant 14 : i32
      %add3A_777 = arith.addi %mul3A_775, %add3A_776 : i32
      %mul3A_778 = arith.constant 5 : i32
      %mul3A_779 = arith.muli %add3A_777, %mul3A_778 : i32
      %add3A_780 = arith.constant 2 : i32
      %add3A_781 = arith.addi %mul3A_779, %add3A_780 : i32
      %mul3A_782 = arith.constant 128 : i32
      %mul3A_783 = arith.muli %add3A_781, %mul3A_782 : i32
      %multiple_of3A_784 = tpu.assume_multiple %mul3A_783, 8 : i32
      %dma_start3A_785 = tpu.memref_slice %arg3[%multiple_of3A_784] : memref<655360xi32, #tpu.memory_space<hbm>> -> memref<128xi32, #tpu.memory_space<hbm>>
      %dma_start3A_786 = tpu.memref_slice %arg3[%multiple_of3A_784] : memref<655360xi32, #tpu.memory_space<hbm>> -> memref<128xi32, #tpu.memory_space<hbm>>
      tpu.enqueue_dma source(%dma_start3A_786 : memref<128xi32, #tpu.memory_space<hbm>>) target(%arg25 : memref<128xi32, #tpu.memory_space<vmem>>) target_semaphore(%arg9 : memref<!tpu.dma_semaphore, #tpu.memory_space<semaphore_mem>>)
      %mul3A_787 = arith.constant 16 : i32
      %mul3A_788 = arith.muli %add3A_18, %mul3A_787 : i32
      %add3A_789 = arith.constant 15 : i32
      %add3A_790 = arith.addi %mul3A_788, %add3A_789 : i32
      %mul3A_791 = arith.constant 5 : i32
      %mul3A_792 = arith.muli %add3A_790, %mul3A_791 : i32
      %add3A_793 = arith.constant 2 : i32
      %add3A_794 = arith.addi %mul3A_792, %add3A_793 : i32
      %mul3A_795 = arith.constant 128 : i32
      %mul3A_796 = arith.muli %add3A_794, %mul3A_795 : i32
      %multiple_of3A_797 = tpu.assume_multiple %mul3A_796, 8 : i32
      %dma_start3A_798 = tpu.memref_slice %arg3[%multiple_of3A_797] : memref<655360xi32, #tpu.memory_space<hbm>> -> memref<128xi32, #tpu.memory_space<hbm>>
      %dma_start3A_799 = tpu.memref_slice %arg3[%multiple_of3A_797] : memref<655360xi32, #tpu.memory_space<hbm>> -> memref<128xi32, #tpu.memory_space<hbm>>
      tpu.enqueue_dma source(%dma_start3A_799 : memref<128xi32, #tpu.memory_space<hbm>>) target(%arg26 : memref<128xi32, #tpu.memory_space<vmem>>) target_semaphore(%arg9 : memref<!tpu.dma_semaphore, #tpu.memory_space<semaphore_mem>>)
      "tpu.region"() ({
        %run_scoped3A = tpu.sem_alloc : memref<!tpu.dma_semaphore, #tpu.memory_space<semaphore_mem>>
        %dma_start3A_1401 = arith.constant 0 : i32
        %dma_start3A_1402 = arith.constant 0 : i32
        %dma_start3A_1403 = tpu.memref_slice %arg8[%dma_start3A_1401, %dma_start3A_1402] : memref<10240x128xf32, #tpu.memory_space<vmem_shared>> -> memref<10240x128xf32, #tpu.memory_space<vmem_shared>>
        tpu.enqueue_indirect_dma source(%arg6 : memref<128x128xf32, #tpu.memory_space<vmem>>) target(%dma_start3A_1403 : memref<10240x128xf32, #tpu.memory_space<vmem_shared>>) offsets(%arg27 : memref<128xi32, #tpu.memory_space<vmem>>) semaphore(%run_scoped3A : memref<!tpu.dma_semaphore, #tpu.memory_space<semaphore_mem>>) {add = true}
        %dma_wait3A_1404 = arith.constant 0 : i32
        %dma_wait3A_1405 = arith.constant 0 : i32
        %dma_wait3A_1406 = tpu.memref_slice %arg8[%dma_wait3A_1404, %dma_wait3A_1405] : memref<10240x128xf32, #tpu.memory_space<vmem_shared>> -> memref<10240x128xf32, #tpu.memory_space<vmem_shared>>
        tpu.wait_indirect_dma semaphore(%run_scoped3A : memref<!tpu.dma_semaphore, #tpu.memory_space<semaphore_mem>>) src(%arg6 : memref<128x128xf32, #tpu.memory_space<vmem>>) dst(%dma_wait3A_1406 : memref<10240x128xf32, #tpu.memory_space<vmem_shared>>)
        tpu.yield
      }) : () -> ()
      "tpu.region"() ({
        %run_scoped3A = tpu.sem_alloc : memref<!tpu.dma_semaphore, #tpu.memory_space<semaphore_mem>>
        %dma_start3A_1401 = arith.constant 0 : i32
        %dma_start3A_1402 = arith.constant 0 : i32
        %dma_start3A_1403 = tpu.memref_slice %arg8[%dma_start3A_1401, %dma_start3A_1402] : memref<10240x128xf32, #tpu.memory_space<vmem_shared>> -> memref<10240x128xf32, #tpu.memory_space<vmem_shared>>
        tpu.enqueue_indirect_dma source(%arg6 : memref<128x128xf32, #tpu.memory_space<vmem>>) target(%dma_start3A_1403 : memref<10240x128xf32, #tpu.memory_space<vmem_shared>>) offsets(%arg28 : memref<128xi32, #tpu.memory_space<vmem>>) semaphore(%run_scoped3A : memref<!tpu.dma_semaphore, #tpu.memory_space<semaphore_mem>>) {add = true}
        %dma_wait3A_1404 = arith.constant 0 : i32
        %dma_wait3A_1405 = arith.constant 0 : i32
        %dma_wait3A_1406 = tpu.memref_slice %arg8[%dma_wait3A_1404, %dma_wait3A_1405] : memref<10240x128xf32, #tpu.memory_space<vmem_shared>> -> memref<10240x128xf32, #tpu.memory_space<vmem_shared>>
        tpu.wait_indirect_dma semaphore(%run_scoped3A : memref<!tpu.dma_semaphore, #tpu.memory_space<semaphore_mem>>) src(%arg6 : memref<128x128xf32, #tpu.memory_space<vmem>>) dst(%dma_wait3A_1406 : memref<10240x128xf32, #tpu.memory_space<vmem_shared>>)
        tpu.yield
      }) : () -> ()
      "tpu.region"() ({
        %run_scoped3A = tpu.sem_alloc : memref<!tpu.dma_semaphore, #tpu.memory_space<semaphore_mem>>
        %dma_start3A_1401 = arith.constant 0 : i32
        %dma_start3A_1402 = arith.constant 0 : i32
        %dma_start3A_1403 = tpu.memref_slice %arg8[%dma_start3A_1401, %dma_start3A_1402] : memref<10240x128xf32, #tpu.memory_space<vmem_shared>> -> memref<10240x128xf32, #tpu.memory_space<vmem_shared>>
        tpu.enqueue_indirect_dma source(%arg6 : memref<128x128xf32, #tpu.memory_space<vmem>>) target(%dma_start3A_1403 : memref<10240x128xf32, #tpu.memory_space<vmem_shared>>) offsets(%arg29 : memref<128xi32, #tpu.memory_space<vmem>>) semaphore(%run_scoped3A : memref<!tpu.dma_semaphore, #tpu.memory_space<semaphore_mem>>) {add = true}
        %dma_wait3A_1404 = arith.constant 0 : i32
        %dma_wait3A_1405 = arith.constant 0 : i32
        %dma_wait3A_1406 = tpu.memref_slice %arg8[%dma_wait3A_1404, %dma_wait3A_1405] : memref<10240x128xf32, #tpu.memory_space<vmem_shared>> -> memref<10240x128xf32, #tpu.memory_space<vmem_shared>>
        tpu.wait_indirect_dma semaphore(%run_scoped3A : memref<!tpu.dma_semaphore, #tpu.memory_space<semaphore_mem>>) src(%arg6 : memref<128x128xf32, #tpu.memory_space<vmem>>) dst(%dma_wait3A_1406 : memref<10240x128xf32, #tpu.memory_space<vmem_shared>>)
        tpu.yield
      }) : () -> ()
      "tpu.region"() ({
        %run_scoped3A = tpu.sem_alloc : memref<!tpu.dma_semaphore, #tpu.memory_space<semaphore_mem>>
        %dma_start3A_1401 = arith.constant 0 : i32
        %dma_start3A_1402 = arith.constant 0 : i32
        %dma_start3A_1403 = tpu.memref_slice %arg8[%dma_start3A_1401, %dma_start3A_1402] : memref<10240x128xf32, #tpu.memory_space<vmem_shared>> -> memref<10240x128xf32, #tpu.memory_space<vmem_shared>>
        tpu.enqueue_indirect_dma source(%arg6 : memref<128x128xf32, #tpu.memory_space<vmem>>) target(%dma_start3A_1403 : memref<10240x128xf32, #tpu.memory_space<vmem_shared>>) offsets(%arg30 : memref<128xi32, #tpu.memory_space<vmem>>) semaphore(%run_scoped3A : memref<!tpu.dma_semaphore, #tpu.memory_space<semaphore_mem>>) {add = true}
        %dma_wait3A_1404 = arith.constant 0 : i32
        %dma_wait3A_1405 = arith.constant 0 : i32
        %dma_wait3A_1406 = tpu.memref_slice %arg8[%dma_wait3A_1404, %dma_wait3A_1405] : memref<10240x128xf32, #tpu.memory_space<vmem_shared>> -> memref<10240x128xf32, #tpu.memory_space<vmem_shared>>
        tpu.wait_indirect_dma semaphore(%run_scoped3A : memref<!tpu.dma_semaphore, #tpu.memory_space<semaphore_mem>>) src(%arg6 : memref<128x128xf32, #tpu.memory_space<vmem>>) dst(%dma_wait3A_1406 : memref<10240x128xf32, #tpu.memory_space<vmem_shared>>)
        tpu.yield
      }) : () -> ()
      "tpu.region"() ({
        %run_scoped3A = tpu.sem_alloc : memref<!tpu.dma_semaphore, #tpu.memory_space<semaphore_mem>>
        %dma_start3A_1401 = arith.constant 0 : i32
        %dma_start3A_1402 = arith.constant 0 : i32
        %dma_start3A_1403 = tpu.memref_slice %arg8[%dma_start3A_1401, %dma_start3A_1402] : memref<10240x128xf32, #tpu.memory_space<vmem_shared>> -> memref<10240x128xf32, #tpu.memory_space<vmem_shared>>
        tpu.enqueue_indirect_dma source(%arg6 : memref<128x128xf32, #tpu.memory_space<vmem>>) target(%dma_start3A_1403 : memref<10240x128xf32, #tpu.memory_space<vmem_shared>>) offsets(%arg31 : memref<128xi32, #tpu.memory_space<vmem>>) semaphore(%run_scoped3A : memref<!tpu.dma_semaphore, #tpu.memory_space<semaphore_mem>>) {add = true}
        %dma_wait3A_1404 = arith.constant 0 : i32
        %dma_wait3A_1405 = arith.constant 0 : i32
        %dma_wait3A_1406 = tpu.memref_slice %arg8[%dma_wait3A_1404, %dma_wait3A_1405] : memref<10240x128xf32, #tpu.memory_space<vmem_shared>> -> memref<10240x128xf32, #tpu.memory_space<vmem_shared>>
        tpu.wait_indirect_dma semaphore(%run_scoped3A : memref<!tpu.dma_semaphore, #tpu.memory_space<semaphore_mem>>) src(%arg6 : memref<128x128xf32, #tpu.memory_space<vmem>>) dst(%dma_wait3A_1406 : memref<10240x128xf32, #tpu.memory_space<vmem_shared>>)
        tpu.yield
      }) : () -> ()
      "tpu.region"() ({
        %run_scoped3A = tpu.sem_alloc : memref<!tpu.dma_semaphore, #tpu.memory_space<semaphore_mem>>
        %dma_start3A_1401 = arith.constant 0 : i32
        %dma_start3A_1402 = arith.constant 0 : i32
        %dma_start3A_1403 = tpu.memref_slice %arg8[%dma_start3A_1401, %dma_start3A_1402] : memref<10240x128xf32, #tpu.memory_space<vmem_shared>> -> memref<10240x128xf32, #tpu.memory_space<vmem_shared>>
        tpu.enqueue_indirect_dma source(%arg6 : memref<128x128xf32, #tpu.memory_space<vmem>>) target(%dma_start3A_1403 : memref<10240x128xf32, #tpu.memory_space<vmem_shared>>) offsets(%arg32 : memref<128xi32, #tpu.memory_space<vmem>>) semaphore(%run_scoped3A : memref<!tpu.dma_semaphore, #tpu.memory_space<semaphore_mem>>) {add = true}
        %dma_wait3A_1404 = arith.constant 0 : i32
        %dma_wait3A_1405 = arith.constant 0 : i32
        %dma_wait3A_1406 = tpu.memref_slice %arg8[%dma_wait3A_1404, %dma_wait3A_1405] : memref<10240x128xf32, #tpu.memory_space<vmem_shared>> -> memref<10240x128xf32, #tpu.memory_space<vmem_shared>>
        tpu.wait_indirect_dma semaphore(%run_scoped3A : memref<!tpu.dma_semaphore, #tpu.memory_space<semaphore_mem>>) src(%arg6 : memref<128x128xf32, #tpu.memory_space<vmem>>) dst(%dma_wait3A_1406 : memref<10240x128xf32, #tpu.memory_space<vmem_shared>>)
        tpu.yield
      }) : () -> ()
      "tpu.region"() ({
        %run_scoped3A = tpu.sem_alloc : memref<!tpu.dma_semaphore, #tpu.memory_space<semaphore_mem>>
        %dma_start3A_1401 = arith.constant 0 : i32
        %dma_start3A_1402 = arith.constant 0 : i32
        %dma_start3A_1403 = tpu.memref_slice %arg8[%dma_start3A_1401, %dma_start3A_1402] : memref<10240x128xf32, #tpu.memory_space<vmem_shared>> -> memref<10240x128xf32, #tpu.memory_space<vmem_shared>>
        tpu.enqueue_indirect_dma source(%arg6 : memref<128x128xf32, #tpu.memory_space<vmem>>) target(%dma_start3A_1403 : memref<10240x128xf32, #tpu.memory_space<vmem_shared>>) offsets(%arg33 : memref<128xi32, #tpu.memory_space<vmem>>) semaphore(%run_scoped3A : memref<!tpu.dma_semaphore, #tpu.memory_space<semaphore_mem>>) {add = true}
        %dma_wait3A_1404 = arith.constant 0 : i32
        %dma_wait3A_1405 = arith.constant 0 : i32
        %dma_wait3A_1406 = tpu.memref_slice %arg8[%dma_wait3A_1404, %dma_wait3A_1405] : memref<10240x128xf32, #tpu.memory_space<vmem_shared>> -> memref<10240x128xf32, #tpu.memory_space<vmem_shared>>
        tpu.wait_indirect_dma semaphore(%run_scoped3A : memref<!tpu.dma_semaphore, #tpu.memory_space<semaphore_mem>>) src(%arg6 : memref<128x128xf32, #tpu.memory_space<vmem>>) dst(%dma_wait3A_1406 : memref<10240x128xf32, #tpu.memory_space<vmem_shared>>)
        tpu.yield
      }) : () -> ()
      "tpu.region"() ({
        %run_scoped3A = tpu.sem_alloc : memref<!tpu.dma_semaphore, #tpu.memory_space<semaphore_mem>>
        %dma_start3A_1401 = arith.constant 0 : i32
        %dma_start3A_1402 = arith.constant 0 : i32
        %dma_start3A_1403 = tpu.memref_slice %arg8[%dma_start3A_1401, %dma_start3A_1402] : memref<10240x128xf32, #tpu.memory_space<vmem_shared>> -> memref<10240x128xf32, #tpu.memory_space<vmem_shared>>
        tpu.enqueue_indirect_dma source(%arg6 : memref<128x128xf32, #tpu.memory_space<vmem>>) target(%dma_start3A_1403 : memref<10240x128xf32, #tpu.memory_space<vmem_shared>>) offsets(%arg34 : memref<128xi32, #tpu.memory_space<vmem>>) semaphore(%run_scoped3A : memref<!tpu.dma_semaphore, #tpu.memory_space<semaphore_mem>>) {add = true}
        %dma_wait3A_1404 = arith.constant 0 : i32
        %dma_wait3A_1405 = arith.constant 0 : i32
        %dma_wait3A_1406 = tpu.memref_slice %arg8[%dma_wait3A_1404, %dma_wait3A_1405] : memref<10240x128xf32, #tpu.memory_space<vmem_shared>> -> memref<10240x128xf32, #tpu.memory_space<vmem_shared>>
        tpu.wait_indirect_dma semaphore(%run_scoped3A : memref<!tpu.dma_semaphore, #tpu.memory_space<semaphore_mem>>) src(%arg6 : memref<128x128xf32, #tpu.memory_space<vmem>>) dst(%dma_wait3A_1406 : memref<10240x128xf32, #tpu.memory_space<vmem_shared>>)
        tpu.yield
      }) : () -> ()
      "tpu.region"() ({
        %run_scoped3A = tpu.sem_alloc : memref<!tpu.dma_semaphore, #tpu.memory_space<semaphore_mem>>
        %dma_start3A_1401 = arith.constant 0 : i32
        %dma_start3A_1402 = arith.constant 0 : i32
        %dma_start3A_1403 = tpu.memref_slice %arg8[%dma_start3A_1401, %dma_start3A_1402] : memref<10240x128xf32, #tpu.memory_space<vmem_shared>> -> memref<10240x128xf32, #tpu.memory_space<vmem_shared>>
        tpu.enqueue_indirect_dma source(%arg6 : memref<128x128xf32, #tpu.memory_space<vmem>>) target(%dma_start3A_1403 : memref<10240x128xf32, #tpu.memory_space<vmem_shared>>) offsets(%arg35 : memref<128xi32, #tpu.memory_space<vmem>>) semaphore(%run_scoped3A : memref<!tpu.dma_semaphore, #tpu.memory_space<semaphore_mem>>) {add = true}
        %dma_wait3A_1404 = arith.constant 0 : i32
        %dma_wait3A_1405 = arith.constant 0 : i32
        %dma_wait3A_1406 = tpu.memref_slice %arg8[%dma_wait3A_1404, %dma_wait3A_1405] : memref<10240x128xf32, #tpu.memory_space<vmem_shared>> -> memref<10240x128xf32, #tpu.memory_space<vmem_shared>>
        tpu.wait_indirect_dma semaphore(%run_scoped3A : memref<!tpu.dma_semaphore, #tpu.memory_space<semaphore_mem>>) src(%arg6 : memref<128x128xf32, #tpu.memory_space<vmem>>) dst(%dma_wait3A_1406 : memref<10240x128xf32, #tpu.memory_space<vmem_shared>>)
        tpu.yield
      }) : () -> ()
      "tpu.region"() ({
        %run_scoped3A = tpu.sem_alloc : memref<!tpu.dma_semaphore, #tpu.memory_space<semaphore_mem>>
        %dma_start3A_1401 = arith.constant 0 : i32
        %dma_start3A_1402 = arith.constant 0 : i32
        %dma_start3A_1403 = tpu.memref_slice %arg8[%dma_start3A_1401, %dma_start3A_1402] : memref<10240x128xf32, #tpu.memory_space<vmem_shared>> -> memref<10240x128xf32, #tpu.memory_space<vmem_shared>>
        tpu.enqueue_indirect_dma source(%arg6 : memref<128x128xf32, #tpu.memory_space<vmem>>) target(%dma_start3A_1403 : memref<10240x128xf32, #tpu.memory_space<vmem_shared>>) offsets(%arg36 : memref<128xi32, #tpu.memory_space<vmem>>) semaphore(%run_scoped3A : memref<!tpu.dma_semaphore, #tpu.memory_space<semaphore_mem>>) {add = true}
        %dma_wait3A_1404 = arith.constant 0 : i32
        %dma_wait3A_1405 = arith.constant 0 : i32
        %dma_wait3A_1406 = tpu.memref_slice %arg8[%dma_wait3A_1404, %dma_wait3A_1405] : memref<10240x128xf32, #tpu.memory_space<vmem_shared>> -> memref<10240x128xf32, #tpu.memory_space<vmem_shared>>
        tpu.wait_indirect_dma semaphore(%run_scoped3A : memref<!tpu.dma_semaphore, #tpu.memory_space<semaphore_mem>>) src(%arg6 : memref<128x128xf32, #tpu.memory_space<vmem>>) dst(%dma_wait3A_1406 : memref<10240x128xf32, #tpu.memory_space<vmem_shared>>)
        tpu.yield
      }) : () -> ()
      "tpu.region"() ({
        %run_scoped3A = tpu.sem_alloc : memref<!tpu.dma_semaphore, #tpu.memory_space<semaphore_mem>>
        %dma_start3A_1401 = arith.constant 0 : i32
        %dma_start3A_1402 = arith.constant 0 : i32
        %dma_start3A_1403 = tpu.memref_slice %arg8[%dma_start3A_1401, %dma_start3A_1402] : memref<10240x128xf32, #tpu.memory_space<vmem_shared>> -> memref<10240x128xf32, #tpu.memory_space<vmem_shared>>
        tpu.enqueue_indirect_dma source(%arg6 : memref<128x128xf32, #tpu.memory_space<vmem>>) target(%dma_start3A_1403 : memref<10240x128xf32, #tpu.memory_space<vmem_shared>>) offsets(%arg37 : memref<128xi32, #tpu.memory_space<vmem>>) semaphore(%run_scoped3A : memref<!tpu.dma_semaphore, #tpu.memory_space<semaphore_mem>>) {add = true}
        %dma_wait3A_1404 = arith.constant 0 : i32
        %dma_wait3A_1405 = arith.constant 0 : i32
        %dma_wait3A_1406 = tpu.memref_slice %arg8[%dma_wait3A_1404, %dma_wait3A_1405] : memref<10240x128xf32, #tpu.memory_space<vmem_shared>> -> memref<10240x128xf32, #tpu.memory_space<vmem_shared>>
        tpu.wait_indirect_dma semaphore(%run_scoped3A : memref<!tpu.dma_semaphore, #tpu.memory_space<semaphore_mem>>) src(%arg6 : memref<128x128xf32, #tpu.memory_space<vmem>>) dst(%dma_wait3A_1406 : memref<10240x128xf32, #tpu.memory_space<vmem_shared>>)
        tpu.yield
      }) : () -> ()
      "tpu.region"() ({
        %run_scoped3A = tpu.sem_alloc : memref<!tpu.dma_semaphore, #tpu.memory_space<semaphore_mem>>
        %dma_start3A_1401 = arith.constant 0 : i32
        %dma_start3A_1402 = arith.constant 0 : i32
        %dma_start3A_1403 = tpu.memref_slice %arg8[%dma_start3A_1401, %dma_start3A_1402] : memref<10240x128xf32, #tpu.memory_space<vmem_shared>> -> memref<10240x128xf32, #tpu.memory_space<vmem_shared>>
        tpu.enqueue_indirect_dma source(%arg6 : memref<128x128xf32, #tpu.memory_space<vmem>>) target(%dma_start3A_1403 : memref<10240x128xf32, #tpu.memory_space<vmem_shared>>) offsets(%arg38 : memref<128xi32, #tpu.memory_space<vmem>>) semaphore(%run_scoped3A : memref<!tpu.dma_semaphore, #tpu.memory_space<semaphore_mem>>) {add = true}
        %dma_wait3A_1404 = arith.constant 0 : i32
        %dma_wait3A_1405 = arith.constant 0 : i32
        %dma_wait3A_1406 = tpu.memref_slice %arg8[%dma_wait3A_1404, %dma_wait3A_1405] : memref<10240x128xf32, #tpu.memory_space<vmem_shared>> -> memref<10240x128xf32, #tpu.memory_space<vmem_shared>>
        tpu.wait_indirect_dma semaphore(%run_scoped3A : memref<!tpu.dma_semaphore, #tpu.memory_space<semaphore_mem>>) src(%arg6 : memref<128x128xf32, #tpu.memory_space<vmem>>) dst(%dma_wait3A_1406 : memref<10240x128xf32, #tpu.memory_space<vmem_shared>>)
        tpu.yield
      }) : () -> ()
      "tpu.region"() ({
        %run_scoped3A = tpu.sem_alloc : memref<!tpu.dma_semaphore, #tpu.memory_space<semaphore_mem>>
        %dma_start3A_1401 = arith.constant 0 : i32
        %dma_start3A_1402 = arith.constant 0 : i32
        %dma_start3A_1403 = tpu.memref_slice %arg8[%dma_start3A_1401, %dma_start3A_1402] : memref<10240x128xf32, #tpu.memory_space<vmem_shared>> -> memref<10240x128xf32, #tpu.memory_space<vmem_shared>>
        tpu.enqueue_indirect_dma source(%arg6 : memref<128x128xf32, #tpu.memory_space<vmem>>) target(%dma_start3A_1403 : memref<10240x128xf32, #tpu.memory_space<vmem_shared>>) offsets(%arg39 : memref<128xi32, #tpu.memory_space<vmem>>) semaphore(%run_scoped3A : memref<!tpu.dma_semaphore, #tpu.memory_space<semaphore_mem>>) {add = true}
        %dma_wait3A_1404 = arith.constant 0 : i32
        %dma_wait3A_1405 = arith.constant 0 : i32
        %dma_wait3A_1406 = tpu.memref_slice %arg8[%dma_wait3A_1404, %dma_wait3A_1405] : memref<10240x128xf32, #tpu.memory_space<vmem_shared>> -> memref<10240x128xf32, #tpu.memory_space<vmem_shared>>
        tpu.wait_indirect_dma semaphore(%run_scoped3A : memref<!tpu.dma_semaphore, #tpu.memory_space<semaphore_mem>>) src(%arg6 : memref<128x128xf32, #tpu.memory_space<vmem>>) dst(%dma_wait3A_1406 : memref<10240x128xf32, #tpu.memory_space<vmem_shared>>)
        tpu.yield
      }) : () -> ()
      "tpu.region"() ({
        %run_scoped3A = tpu.sem_alloc : memref<!tpu.dma_semaphore, #tpu.memory_space<semaphore_mem>>
        %dma_start3A_1401 = arith.constant 0 : i32
        %dma_start3A_1402 = arith.constant 0 : i32
        %dma_start3A_1403 = tpu.memref_slice %arg8[%dma_start3A_1401, %dma_start3A_1402] : memref<10240x128xf32, #tpu.memory_space<vmem_shared>> -> memref<10240x128xf32, #tpu.memory_space<vmem_shared>>
        tpu.enqueue_indirect_dma source(%arg6 : memref<128x128xf32, #tpu.memory_space<vmem>>) target(%dma_start3A_1403 : memref<10240x128xf32, #tpu.memory_space<vmem_shared>>) offsets(%arg40 : memref<128xi32, #tpu.memory_space<vmem>>) semaphore(%run_scoped3A : memref<!tpu.dma_semaphore, #tpu.memory_space<semaphore_mem>>) {add = true}
        %dma_wait3A_1404 = arith.constant 0 : i32
        %dma_wait3A_1405 = arith.constant 0 : i32
        %dma_wait3A_1406 = tpu.memref_slice %arg8[%dma_wait3A_1404, %dma_wait3A_1405] : memref<10240x128xf32, #tpu.memory_space<vmem_shared>> -> memref<10240x128xf32, #tpu.memory_space<vmem_shared>>
        tpu.wait_indirect_dma semaphore(%run_scoped3A : memref<!tpu.dma_semaphore, #tpu.memory_space<semaphore_mem>>) src(%arg6 : memref<128x128xf32, #tpu.memory_space<vmem>>) dst(%dma_wait3A_1406 : memref<10240x128xf32, #tpu.memory_space<vmem_shared>>)
        tpu.yield
      }) : () -> ()
      "tpu.region"() ({
        %run_scoped3A = tpu.sem_alloc : memref<!tpu.dma_semaphore, #tpu.memory_space<semaphore_mem>>
        %dma_start3A_1401 = arith.constant 0 : i32
        %dma_start3A_1402 = arith.constant 0 : i32
        %dma_start3A_1403 = tpu.memref_slice %arg8[%dma_start3A_1401, %dma_start3A_1402] : memref<10240x128xf32, #tpu.memory_space<vmem_shared>> -> memref<10240x128xf32, #tpu.memory_space<vmem_shared>>
        tpu.enqueue_indirect_dma source(%arg6 : memref<128x128xf32, #tpu.memory_space<vmem>>) target(%dma_start3A_1403 : memref<10240x128xf32, #tpu.memory_space<vmem_shared>>) offsets(%arg41 : memref<128xi32, #tpu.memory_space<vmem>>) semaphore(%run_scoped3A : memref<!tpu.dma_semaphore, #tpu.memory_space<semaphore_mem>>) {add = true}
        %dma_wait3A_1404 = arith.constant 0 : i32
        %dma_wait3A_1405 = arith.constant 0 : i32
        %dma_wait3A_1406 = tpu.memref_slice %arg8[%dma_wait3A_1404, %dma_wait3A_1405] : memref<10240x128xf32, #tpu.memory_space<vmem_shared>> -> memref<10240x128xf32, #tpu.memory_space<vmem_shared>>
        tpu.wait_indirect_dma semaphore(%run_scoped3A : memref<!tpu.dma_semaphore, #tpu.memory_space<semaphore_mem>>) src(%arg6 : memref<128x128xf32, #tpu.memory_space<vmem>>) dst(%dma_wait3A_1406 : memref<10240x128xf32, #tpu.memory_space<vmem_shared>>)
        tpu.yield
      }) : () -> ()
      "tpu.region"() ({
        %run_scoped3A = tpu.sem_alloc : memref<!tpu.dma_semaphore, #tpu.memory_space<semaphore_mem>>
        %dma_start3A_1401 = arith.constant 0 : i32
        %dma_start3A_1402 = arith.constant 0 : i32
        %dma_start3A_1403 = tpu.memref_slice %arg8[%dma_start3A_1401, %dma_start3A_1402] : memref<10240x128xf32, #tpu.memory_space<vmem_shared>> -> memref<10240x128xf32, #tpu.memory_space<vmem_shared>>
        tpu.enqueue_indirect_dma source(%arg6 : memref<128x128xf32, #tpu.memory_space<vmem>>) target(%dma_start3A_1403 : memref<10240x128xf32, #tpu.memory_space<vmem_shared>>) offsets(%arg42 : memref<128xi32, #tpu.memory_space<vmem>>) semaphore(%run_scoped3A : memref<!tpu.dma_semaphore, #tpu.memory_space<semaphore_mem>>) {add = true}
        %dma_wait3A_1404 = arith.constant 0 : i32
        %dma_wait3A_1405 = arith.constant 0 : i32
        %dma_wait3A_1406 = tpu.memref_slice %arg8[%dma_wait3A_1404, %dma_wait3A_1405] : memref<10240x128xf32, #tpu.memory_space<vmem_shared>> -> memref<10240x128xf32, #tpu.memory_space<vmem_shared>>
        tpu.wait_indirect_dma semaphore(%run_scoped3A : memref<!tpu.dma_semaphore, #tpu.memory_space<semaphore_mem>>) src(%arg6 : memref<128x128xf32, #tpu.memory_space<vmem>>) dst(%dma_wait3A_1406 : memref<10240x128xf32, #tpu.memory_space<vmem_shared>>)
        tpu.yield
      }) : () -> ()
      %dma_wait3A_800 = arith.constant 0 : i32
      %dma_wait3A_801 = arith.constant 0 : i32
      %dma_wait3A_802 = tpu.memref_slice %arg5[%dma_wait3A_800, %dma_wait3A_801] : memref<128x128xf32, #tpu.memory_space<vmem>> -> memref<125x128xf32, #tpu.memory_space<vmem>>
      %dma_wait3A_803 = arith.constant 0 : i32
      %dma_wait3A_804 = arith.constant 0 : i32
      %dma_wait3A_805 = tpu.memref_slice %arg2[%add3A_577, %dma_wait3A_803, %dma_wait3A_804] : memref<320x125x128xf32, #tpu.memory_space<hbm>> -> memref<1x125x128xf32, #tpu.memory_space<hbm>>
      %dma_wait3A_806 = tpu.memref_squeeze %dma_wait3A_805 : memref<1x125x128xf32, #tpu.memory_space<hbm>> -> memref<125x128xf32, #tpu.memory_space<hbm>>
      %dma_wait3A_807 = arith.constant 0 : i32
      %dma_wait3A_808 = arith.constant 0 : i32
      %dma_wait3A_809 = tpu.memref_slice %arg5[%dma_wait3A_807, %dma_wait3A_808] : memref<128x128xf32, #tpu.memory_space<vmem>> -> memref<125x128xf32, #tpu.memory_space<vmem>>
      %dma_wait3A_810 = arith.constant 0 : i32
      %dma_wait3A_811 = arith.constant 0 : i32
      %dma_wait3A_812 = tpu.memref_slice %arg2[%add3A_577, %dma_wait3A_810, %dma_wait3A_811] : memref<320x125x128xf32, #tpu.memory_space<hbm>> -> memref<1x125x128xf32, #tpu.memory_space<hbm>>
      %dma_wait3A_813 = tpu.memref_squeeze %dma_wait3A_812 : memref<1x125x128xf32, #tpu.memory_space<hbm>> -> memref<125x128xf32, #tpu.memory_space<hbm>>
      tpu.wait_dma2 semaphore(%arg9 : memref<!tpu.dma_semaphore, #tpu.memory_space<semaphore_mem>>) src(%dma_wait3A_813 : memref<125x128xf32, #tpu.memory_space<hbm>>) dst(%dma_wait3A_809 : memref<125x128xf32, #tpu.memory_space<vmem>>)
      %dma_wait3A_814 = tpu.memref_slice %arg3[%multiple_of3A_602] : memref<655360xi32, #tpu.memory_space<hbm>> -> memref<128xi32, #tpu.memory_space<hbm>>
      %dma_wait3A_815 = tpu.memref_slice %arg3[%multiple_of3A_602] : memref<655360xi32, #tpu.memory_space<hbm>> -> memref<128xi32, #tpu.memory_space<hbm>>
      tpu.wait_dma2 semaphore(%arg9 : memref<!tpu.dma_semaphore, #tpu.memory_space<semaphore_mem>>) src(%dma_wait3A_815 : memref<128xi32, #tpu.memory_space<hbm>>) dst(%arg11 : memref<128xi32, #tpu.memory_space<vmem>>)
      %dma_wait3A_816 = tpu.memref_slice %arg3[%multiple_of3A_615] : memref<655360xi32, #tpu.memory_space<hbm>> -> memref<128xi32, #tpu.memory_space<hbm>>
      %dma_wait3A_817 = tpu.memref_slice %arg3[%multiple_of3A_615] : memref<655360xi32, #tpu.memory_space<hbm>> -> memref<128xi32, #tpu.memory_space<hbm>>
      tpu.wait_dma2 semaphore(%arg9 : memref<!tpu.dma_semaphore, #tpu.memory_space<semaphore_mem>>) src(%dma_wait3A_817 : memref<128xi32, #tpu.memory_space<hbm>>) dst(%arg12 : memref<128xi32, #tpu.memory_space<vmem>>)
      %dma_wait3A_818 = tpu.memref_slice %arg3[%multiple_of3A_628] : memref<655360xi32, #tpu.memory_space<hbm>> -> memref<128xi32, #tpu.memory_space<hbm>>
      %dma_wait3A_819 = tpu.memref_slice %arg3[%multiple_of3A_628] : memref<655360xi32, #tpu.memory_space<hbm>> -> memref<128xi32, #tpu.memory_space<hbm>>
      tpu.wait_dma2 semaphore(%arg9 : memref<!tpu.dma_semaphore, #tpu.memory_space<semaphore_mem>>) src(%dma_wait3A_819 : memref<128xi32, #tpu.memory_space<hbm>>) dst(%arg13 : memref<128xi32, #tpu.memory_space<vmem>>)
      %dma_wait3A_820 = tpu.memref_slice %arg3[%multiple_of3A_641] : memref<655360xi32, #tpu.memory_space<hbm>> -> memref<128xi32, #tpu.memory_space<hbm>>
      %dma_wait3A_821 = tpu.memref_slice %arg3[%multiple_of3A_641] : memref<655360xi32, #tpu.memory_space<hbm>> -> memref<128xi32, #tpu.memory_space<hbm>>
      tpu.wait_dma2 semaphore(%arg9 : memref<!tpu.dma_semaphore, #tpu.memory_space<semaphore_mem>>) src(%dma_wait3A_821 : memref<128xi32, #tpu.memory_space<hbm>>) dst(%arg14 : memref<128xi32, #tpu.memory_space<vmem>>)
      %dma_wait3A_822 = tpu.memref_slice %arg3[%multiple_of3A_654] : memref<655360xi32, #tpu.memory_space<hbm>> -> memref<128xi32, #tpu.memory_space<hbm>>
      %dma_wait3A_823 = tpu.memref_slice %arg3[%multiple_of3A_654] : memref<655360xi32, #tpu.memory_space<hbm>> -> memref<128xi32, #tpu.memory_space<hbm>>
      tpu.wait_dma2 semaphore(%arg9 : memref<!tpu.dma_semaphore, #tpu.memory_space<semaphore_mem>>) src(%dma_wait3A_823 : memref<128xi32, #tpu.memory_space<hbm>>) dst(%arg15 : memref<128xi32, #tpu.memory_space<vmem>>)
      %dma_wait3A_824 = tpu.memref_slice %arg3[%multiple_of3A_667] : memref<655360xi32, #tpu.memory_space<hbm>> -> memref<128xi32, #tpu.memory_space<hbm>>
      %dma_wait3A_825 = tpu.memref_slice %arg3[%multiple_of3A_667] : memref<655360xi32, #tpu.memory_space<hbm>> -> memref<128xi32, #tpu.memory_space<hbm>>
      tpu.wait_dma2 semaphore(%arg9 : memref<!tpu.dma_semaphore, #tpu.memory_space<semaphore_mem>>) src(%dma_wait3A_825 : memref<128xi32, #tpu.memory_space<hbm>>) dst(%arg16 : memref<128xi32, #tpu.memory_space<vmem>>)
      %dma_wait3A_826 = tpu.memref_slice %arg3[%multiple_of3A_680] : memref<655360xi32, #tpu.memory_space<hbm>> -> memref<128xi32, #tpu.memory_space<hbm>>
      %dma_wait3A_827 = tpu.memref_slice %arg3[%multiple_of3A_680] : memref<655360xi32, #tpu.memory_space<hbm>> -> memref<128xi32, #tpu.memory_space<hbm>>
      tpu.wait_dma2 semaphore(%arg9 : memref<!tpu.dma_semaphore, #tpu.memory_space<semaphore_mem>>) src(%dma_wait3A_827 : memref<128xi32, #tpu.memory_space<hbm>>) dst(%arg17 : memref<128xi32, #tpu.memory_space<vmem>>)
      %dma_wait3A_828 = tpu.memref_slice %arg3[%multiple_of3A_693] : memref<655360xi32, #tpu.memory_space<hbm>> -> memref<128xi32, #tpu.memory_space<hbm>>
      %dma_wait3A_829 = tpu.memref_slice %arg3[%multiple_of3A_693] : memref<655360xi32, #tpu.memory_space<hbm>> -> memref<128xi32, #tpu.memory_space<hbm>>
      tpu.wait_dma2 semaphore(%arg9 : memref<!tpu.dma_semaphore, #tpu.memory_space<semaphore_mem>>) src(%dma_wait3A_829 : memref<128xi32, #tpu.memory_space<hbm>>) dst(%arg18 : memref<128xi32, #tpu.memory_space<vmem>>)
      %dma_wait3A_830 = tpu.memref_slice %arg3[%multiple_of3A_706] : memref<655360xi32, #tpu.memory_space<hbm>> -> memref<128xi32, #tpu.memory_space<hbm>>
      %dma_wait3A_831 = tpu.memref_slice %arg3[%multiple_of3A_706] : memref<655360xi32, #tpu.memory_space<hbm>> -> memref<128xi32, #tpu.memory_space<hbm>>
      tpu.wait_dma2 semaphore(%arg9 : memref<!tpu.dma_semaphore, #tpu.memory_space<semaphore_mem>>) src(%dma_wait3A_831 : memref<128xi32, #tpu.memory_space<hbm>>) dst(%arg19 : memref<128xi32, #tpu.memory_space<vmem>>)
      %dma_wait3A_832 = tpu.memref_slice %arg3[%multiple_of3A_719] : memref<655360xi32, #tpu.memory_space<hbm>> -> memref<128xi32, #tpu.memory_space<hbm>>
      %dma_wait3A_833 = tpu.memref_slice %arg3[%multiple_of3A_719] : memref<655360xi32, #tpu.memory_space<hbm>> -> memref<128xi32, #tpu.memory_space<hbm>>
      tpu.wait_dma2 semaphore(%arg9 : memref<!tpu.dma_semaphore, #tpu.memory_space<semaphore_mem>>) src(%dma_wait3A_833 : memref<128xi32, #tpu.memory_space<hbm>>) dst(%arg20 : memref<128xi32, #tpu.memory_space<vmem>>)
      %dma_wait3A_834 = tpu.memref_slice %arg3[%multiple_of3A_732] : memref<655360xi32, #tpu.memory_space<hbm>> -> memref<128xi32, #tpu.memory_space<hbm>>
      %dma_wait3A_835 = tpu.memref_slice %arg3[%multiple_of3A_732] : memref<655360xi32, #tpu.memory_space<hbm>> -> memref<128xi32, #tpu.memory_space<hbm>>
      tpu.wait_dma2 semaphore(%arg9 : memref<!tpu.dma_semaphore, #tpu.memory_space<semaphore_mem>>) src(%dma_wait3A_835 : memref<128xi32, #tpu.memory_space<hbm>>) dst(%arg21 : memref<128xi32, #tpu.memory_space<vmem>>)
      %dma_wait3A_836 = tpu.memref_slice %arg3[%multiple_of3A_745] : memref<655360xi32, #tpu.memory_space<hbm>> -> memref<128xi32, #tpu.memory_space<hbm>>
      %dma_wait3A_837 = tpu.memref_slice %arg3[%multiple_of3A_745] : memref<655360xi32, #tpu.memory_space<hbm>> -> memref<128xi32, #tpu.memory_space<hbm>>
      tpu.wait_dma2 semaphore(%arg9 : memref<!tpu.dma_semaphore, #tpu.memory_space<semaphore_mem>>) src(%dma_wait3A_837 : memref<128xi32, #tpu.memory_space<hbm>>) dst(%arg22 : memref<128xi32, #tpu.memory_space<vmem>>)
      %dma_wait3A_838 = tpu.memref_slice %arg3[%multiple_of3A_758] : memref<655360xi32, #tpu.memory_space<hbm>> -> memref<128xi32, #tpu.memory_space<hbm>>
      %dma_wait3A_839 = tpu.memref_slice %arg3[%multiple_of3A_758] : memref<655360xi32, #tpu.memory_space<hbm>> -> memref<128xi32, #tpu.memory_space<hbm>>
      tpu.wait_dma2 semaphore(%arg9 : memref<!tpu.dma_semaphore, #tpu.memory_space<semaphore_mem>>) src(%dma_wait3A_839 : memref<128xi32, #tpu.memory_space<hbm>>) dst(%arg23 : memref<128xi32, #tpu.memory_space<vmem>>)
      %dma_wait3A_840 = tpu.memref_slice %arg3[%multiple_of3A_771] : memref<655360xi32, #tpu.memory_space<hbm>> -> memref<128xi32, #tpu.memory_space<hbm>>
      %dma_wait3A_841 = tpu.memref_slice %arg3[%multiple_of3A_771] : memref<655360xi32, #tpu.memory_space<hbm>> -> memref<128xi32, #tpu.memory_space<hbm>>
      tpu.wait_dma2 semaphore(%arg9 : memref<!tpu.dma_semaphore, #tpu.memory_space<semaphore_mem>>) src(%dma_wait3A_841 : memref<128xi32, #tpu.memory_space<hbm>>) dst(%arg24 : memref<128xi32, #tpu.memory_space<vmem>>)
      %dma_wait3A_842 = tpu.memref_slice %arg3[%multiple_of3A_784] : memref<655360xi32, #tpu.memory_space<hbm>> -> memref<128xi32, #tpu.memory_space<hbm>>
      %dma_wait3A_843 = tpu.memref_slice %arg3[%multiple_of3A_784] : memref<655360xi32, #tpu.memory_space<hbm>> -> memref<128xi32, #tpu.memory_space<hbm>>
      tpu.wait_dma2 semaphore(%arg9 : memref<!tpu.dma_semaphore, #tpu.memory_space<semaphore_mem>>) src(%dma_wait3A_843 : memref<128xi32, #tpu.memory_space<hbm>>) dst(%arg25 : memref<128xi32, #tpu.memory_space<vmem>>)
      %dma_wait3A_844 = tpu.memref_slice %arg3[%multiple_of3A_797] : memref<655360xi32, #tpu.memory_space<hbm>> -> memref<128xi32, #tpu.memory_space<hbm>>
      %dma_wait3A_845 = tpu.memref_slice %arg3[%multiple_of3A_797] : memref<655360xi32, #tpu.memory_space<hbm>> -> memref<128xi32, #tpu.memory_space<hbm>>
      tpu.wait_dma2 semaphore(%arg9 : memref<!tpu.dma_semaphore, #tpu.memory_space<semaphore_mem>>) src(%dma_wait3A_845 : memref<128xi32, #tpu.memory_space<hbm>>) dst(%arg26 : memref<128xi32, #tpu.memory_space<vmem>>)
      %mul3A_846 = arith.constant 80 : i32
      %mul3A_847 = arith.muli %add3A_15, %mul3A_846 : i32
      %mul3A_848 = arith.constant 5 : i32
      %mul3A_849 = arith.muli %arg1, %mul3A_848 : i32
      %add3A_850 = arith.addi %mul3A_847, %mul3A_849 : i32
      %add3A_851 = arith.constant 3 : i32
      %add3A_852 = arith.addi %add3A_850, %add3A_851 : i32
      %dma_start3A_853 = arith.constant 0 : i32
      %dma_start3A_854 = arith.constant 0 : i32
      %dma_start3A_855 = tpu.memref_slice %arg6[%dma_start3A_853, %dma_start3A_854] : memref<128x128xf32, #tpu.memory_space<vmem>> -> memref<125x128xf32, #tpu.memory_space<vmem>>
      %dma_start3A_856 = arith.constant 0 : i32
      %dma_start3A_857 = arith.constant 0 : i32
      %dma_start3A_858 = tpu.memref_slice %arg2[%add3A_852, %dma_start3A_856, %dma_start3A_857] : memref<320x125x128xf32, #tpu.memory_space<hbm>> -> memref<1x125x128xf32, #tpu.memory_space<hbm>>
      %dma_start3A_859 = tpu.memref_squeeze %dma_start3A_858 : memref<1x125x128xf32, #tpu.memory_space<hbm>> -> memref<125x128xf32, #tpu.memory_space<hbm>>
      %dma_start3A_860 = arith.constant 0 : i32
      %dma_start3A_861 = arith.constant 0 : i32
      %dma_start3A_862 = tpu.memref_slice %arg6[%dma_start3A_860, %dma_start3A_861] : memref<128x128xf32, #tpu.memory_space<vmem>> -> memref<125x128xf32, #tpu.memory_space<vmem>>
      %dma_start3A_863 = arith.constant 0 : i32
      %dma_start3A_864 = arith.constant 0 : i32
      %dma_start3A_865 = tpu.memref_slice %arg2[%add3A_852, %dma_start3A_863, %dma_start3A_864] : memref<320x125x128xf32, #tpu.memory_space<hbm>> -> memref<1x125x128xf32, #tpu.memory_space<hbm>>
      %dma_start3A_866 = tpu.memref_squeeze %dma_start3A_865 : memref<1x125x128xf32, #tpu.memory_space<hbm>> -> memref<125x128xf32, #tpu.memory_space<hbm>>
      tpu.enqueue_dma source(%dma_start3A_866 : memref<125x128xf32, #tpu.memory_space<hbm>>) target(%dma_start3A_862 : memref<125x128xf32, #tpu.memory_space<vmem>>) target_semaphore(%arg9 : memref<!tpu.dma_semaphore, #tpu.memory_space<semaphore_mem>>)
      %mul3A_867 = arith.constant 16 : i32
      %mul3A_868 = arith.muli %add3A_18, %mul3A_867 : i32
      %add3A_869 = arith.constant 0 : i32
      %add3A_870 = arith.addi %mul3A_868, %add3A_869 : i32
      %mul3A_871 = arith.constant 5 : i32
      %mul3A_872 = arith.muli %add3A_870, %mul3A_871 : i32
      %add3A_873 = arith.constant 3 : i32
      %add3A_874 = arith.addi %mul3A_872, %add3A_873 : i32
      %mul3A_875 = arith.constant 128 : i32
      %mul3A_876 = arith.muli %add3A_874, %mul3A_875 : i32
      %multiple_of3A_877 = tpu.assume_multiple %mul3A_876, 8 : i32
      %dma_start3A_878 = tpu.memref_slice %arg3[%multiple_of3A_877] : memref<655360xi32, #tpu.memory_space<hbm>> -> memref<128xi32, #tpu.memory_space<hbm>>
      %dma_start3A_879 = tpu.memref_slice %arg3[%multiple_of3A_877] : memref<655360xi32, #tpu.memory_space<hbm>> -> memref<128xi32, #tpu.memory_space<hbm>>
      tpu.enqueue_dma source(%dma_start3A_879 : memref<128xi32, #tpu.memory_space<hbm>>) target(%arg27 : memref<128xi32, #tpu.memory_space<vmem>>) target_semaphore(%arg9 : memref<!tpu.dma_semaphore, #tpu.memory_space<semaphore_mem>>)
      %mul3A_880 = arith.constant 16 : i32
      %mul3A_881 = arith.muli %add3A_18, %mul3A_880 : i32
      %add3A_882 = arith.constant 1 : i32
      %add3A_883 = arith.addi %mul3A_881, %add3A_882 : i32
      %mul3A_884 = arith.constant 5 : i32
      %mul3A_885 = arith.muli %add3A_883, %mul3A_884 : i32
      %add3A_886 = arith.constant 3 : i32
      %add3A_887 = arith.addi %mul3A_885, %add3A_886 : i32
      %mul3A_888 = arith.constant 128 : i32
      %mul3A_889 = arith.muli %add3A_887, %mul3A_888 : i32
      %multiple_of3A_890 = tpu.assume_multiple %mul3A_889, 8 : i32
      %dma_start3A_891 = tpu.memref_slice %arg3[%multiple_of3A_890] : memref<655360xi32, #tpu.memory_space<hbm>> -> memref<128xi32, #tpu.memory_space<hbm>>
      %dma_start3A_892 = tpu.memref_slice %arg3[%multiple_of3A_890] : memref<655360xi32, #tpu.memory_space<hbm>> -> memref<128xi32, #tpu.memory_space<hbm>>
      tpu.enqueue_dma source(%dma_start3A_892 : memref<128xi32, #tpu.memory_space<hbm>>) target(%arg28 : memref<128xi32, #tpu.memory_space<vmem>>) target_semaphore(%arg9 : memref<!tpu.dma_semaphore, #tpu.memory_space<semaphore_mem>>)
      %mul3A_893 = arith.constant 16 : i32
      %mul3A_894 = arith.muli %add3A_18, %mul3A_893 : i32
      %add3A_895 = arith.constant 2 : i32
      %add3A_896 = arith.addi %mul3A_894, %add3A_895 : i32
      %mul3A_897 = arith.constant 5 : i32
      %mul3A_898 = arith.muli %add3A_896, %mul3A_897 : i32
      %add3A_899 = arith.constant 3 : i32
      %add3A_900 = arith.addi %mul3A_898, %add3A_899 : i32
      %mul3A_901 = arith.constant 128 : i32
      %mul3A_902 = arith.muli %add3A_900, %mul3A_901 : i32
      %multiple_of3A_903 = tpu.assume_multiple %mul3A_902, 8 : i32
      %dma_start3A_904 = tpu.memref_slice %arg3[%multiple_of3A_903] : memref<655360xi32, #tpu.memory_space<hbm>> -> memref<128xi32, #tpu.memory_space<hbm>>
      %dma_start3A_905 = tpu.memref_slice %arg3[%multiple_of3A_903] : memref<655360xi32, #tpu.memory_space<hbm>> -> memref<128xi32, #tpu.memory_space<hbm>>
      tpu.enqueue_dma source(%dma_start3A_905 : memref<128xi32, #tpu.memory_space<hbm>>) target(%arg29 : memref<128xi32, #tpu.memory_space<vmem>>) target_semaphore(%arg9 : memref<!tpu.dma_semaphore, #tpu.memory_space<semaphore_mem>>)
      %mul3A_906 = arith.constant 16 : i32
      %mul3A_907 = arith.muli %add3A_18, %mul3A_906 : i32
      %add3A_908 = arith.constant 3 : i32
      %add3A_909 = arith.addi %mul3A_907, %add3A_908 : i32
      %mul3A_910 = arith.constant 5 : i32
      %mul3A_911 = arith.muli %add3A_909, %mul3A_910 : i32
      %add3A_912 = arith.constant 3 : i32
      %add3A_913 = arith.addi %mul3A_911, %add3A_912 : i32
      %mul3A_914 = arith.constant 128 : i32
      %mul3A_915 = arith.muli %add3A_913, %mul3A_914 : i32
      %multiple_of3A_916 = tpu.assume_multiple %mul3A_915, 8 : i32
      %dma_start3A_917 = tpu.memref_slice %arg3[%multiple_of3A_916] : memref<655360xi32, #tpu.memory_space<hbm>> -> memref<128xi32, #tpu.memory_space<hbm>>
      %dma_start3A_918 = tpu.memref_slice %arg3[%multiple_of3A_916] : memref<655360xi32, #tpu.memory_space<hbm>> -> memref<128xi32, #tpu.memory_space<hbm>>
      tpu.enqueue_dma source(%dma_start3A_918 : memref<128xi32, #tpu.memory_space<hbm>>) target(%arg30 : memref<128xi32, #tpu.memory_space<vmem>>) target_semaphore(%arg9 : memref<!tpu.dma_semaphore, #tpu.memory_space<semaphore_mem>>)
      %mul3A_919 = arith.constant 16 : i32
      %mul3A_920 = arith.muli %add3A_18, %mul3A_919 : i32
      %add3A_921 = arith.constant 4 : i32
      %add3A_922 = arith.addi %mul3A_920, %add3A_921 : i32
      %mul3A_923 = arith.constant 5 : i32
      %mul3A_924 = arith.muli %add3A_922, %mul3A_923 : i32
      %add3A_925 = arith.constant 3 : i32
      %add3A_926 = arith.addi %mul3A_924, %add3A_925 : i32
      %mul3A_927 = arith.constant 128 : i32
      %mul3A_928 = arith.muli %add3A_926, %mul3A_927 : i32
      %multiple_of3A_929 = tpu.assume_multiple %mul3A_928, 8 : i32
      %dma_start3A_930 = tpu.memref_slice %arg3[%multiple_of3A_929] : memref<655360xi32, #tpu.memory_space<hbm>> -> memref<128xi32, #tpu.memory_space<hbm>>
      %dma_start3A_931 = tpu.memref_slice %arg3[%multiple_of3A_929] : memref<655360xi32, #tpu.memory_space<hbm>> -> memref<128xi32, #tpu.memory_space<hbm>>
      tpu.enqueue_dma source(%dma_start3A_931 : memref<128xi32, #tpu.memory_space<hbm>>) target(%arg31 : memref<128xi32, #tpu.memory_space<vmem>>) target_semaphore(%arg9 : memref<!tpu.dma_semaphore, #tpu.memory_space<semaphore_mem>>)
      %mul3A_932 = arith.constant 16 : i32
      %mul3A_933 = arith.muli %add3A_18, %mul3A_932 : i32
      %add3A_934 = arith.constant 5 : i32
      %add3A_935 = arith.addi %mul3A_933, %add3A_934 : i32
      %mul3A_936 = arith.constant 5 : i32
      %mul3A_937 = arith.muli %add3A_935, %mul3A_936 : i32
      %add3A_938 = arith.constant 3 : i32
      %add3A_939 = arith.addi %mul3A_937, %add3A_938 : i32
      %mul3A_940 = arith.constant 128 : i32
      %mul3A_941 = arith.muli %add3A_939, %mul3A_940 : i32
      %multiple_of3A_942 = tpu.assume_multiple %mul3A_941, 8 : i32
      %dma_start3A_943 = tpu.memref_slice %arg3[%multiple_of3A_942] : memref<655360xi32, #tpu.memory_space<hbm>> -> memref<128xi32, #tpu.memory_space<hbm>>
      %dma_start3A_944 = tpu.memref_slice %arg3[%multiple_of3A_942] : memref<655360xi32, #tpu.memory_space<hbm>> -> memref<128xi32, #tpu.memory_space<hbm>>
      tpu.enqueue_dma source(%dma_start3A_944 : memref<128xi32, #tpu.memory_space<hbm>>) target(%arg32 : memref<128xi32, #tpu.memory_space<vmem>>) target_semaphore(%arg9 : memref<!tpu.dma_semaphore, #tpu.memory_space<semaphore_mem>>)
      %mul3A_945 = arith.constant 16 : i32
      %mul3A_946 = arith.muli %add3A_18, %mul3A_945 : i32
      %add3A_947 = arith.constant 6 : i32
      %add3A_948 = arith.addi %mul3A_946, %add3A_947 : i32
      %mul3A_949 = arith.constant 5 : i32
      %mul3A_950 = arith.muli %add3A_948, %mul3A_949 : i32
      %add3A_951 = arith.constant 3 : i32
      %add3A_952 = arith.addi %mul3A_950, %add3A_951 : i32
      %mul3A_953 = arith.constant 128 : i32
      %mul3A_954 = arith.muli %add3A_952, %mul3A_953 : i32
      %multiple_of3A_955 = tpu.assume_multiple %mul3A_954, 8 : i32
      %dma_start3A_956 = tpu.memref_slice %arg3[%multiple_of3A_955] : memref<655360xi32, #tpu.memory_space<hbm>> -> memref<128xi32, #tpu.memory_space<hbm>>
      %dma_start3A_957 = tpu.memref_slice %arg3[%multiple_of3A_955] : memref<655360xi32, #tpu.memory_space<hbm>> -> memref<128xi32, #tpu.memory_space<hbm>>
      tpu.enqueue_dma source(%dma_start3A_957 : memref<128xi32, #tpu.memory_space<hbm>>) target(%arg33 : memref<128xi32, #tpu.memory_space<vmem>>) target_semaphore(%arg9 : memref<!tpu.dma_semaphore, #tpu.memory_space<semaphore_mem>>)
      %mul3A_958 = arith.constant 16 : i32
      %mul3A_959 = arith.muli %add3A_18, %mul3A_958 : i32
      %add3A_960 = arith.constant 7 : i32
      %add3A_961 = arith.addi %mul3A_959, %add3A_960 : i32
      %mul3A_962 = arith.constant 5 : i32
      %mul3A_963 = arith.muli %add3A_961, %mul3A_962 : i32
      %add3A_964 = arith.constant 3 : i32
      %add3A_965 = arith.addi %mul3A_963, %add3A_964 : i32
      %mul3A_966 = arith.constant 128 : i32
      %mul3A_967 = arith.muli %add3A_965, %mul3A_966 : i32
      %multiple_of3A_968 = tpu.assume_multiple %mul3A_967, 8 : i32
      %dma_start3A_969 = tpu.memref_slice %arg3[%multiple_of3A_968] : memref<655360xi32, #tpu.memory_space<hbm>> -> memref<128xi32, #tpu.memory_space<hbm>>
      %dma_start3A_970 = tpu.memref_slice %arg3[%multiple_of3A_968] : memref<655360xi32, #tpu.memory_space<hbm>> -> memref<128xi32, #tpu.memory_space<hbm>>
      tpu.enqueue_dma source(%dma_start3A_970 : memref<128xi32, #tpu.memory_space<hbm>>) target(%arg34 : memref<128xi32, #tpu.memory_space<vmem>>) target_semaphore(%arg9 : memref<!tpu.dma_semaphore, #tpu.memory_space<semaphore_mem>>)
      %mul3A_971 = arith.constant 16 : i32
      %mul3A_972 = arith.muli %add3A_18, %mul3A_971 : i32
      %add3A_973 = arith.constant 8 : i32
      %add3A_974 = arith.addi %mul3A_972, %add3A_973 : i32
      %mul3A_975 = arith.constant 5 : i32
      %mul3A_976 = arith.muli %add3A_974, %mul3A_975 : i32
      %add3A_977 = arith.constant 3 : i32
      %add3A_978 = arith.addi %mul3A_976, %add3A_977 : i32
      %mul3A_979 = arith.constant 128 : i32
      %mul3A_980 = arith.muli %add3A_978, %mul3A_979 : i32
      %multiple_of3A_981 = tpu.assume_multiple %mul3A_980, 8 : i32
      %dma_start3A_982 = tpu.memref_slice %arg3[%multiple_of3A_981] : memref<655360xi32, #tpu.memory_space<hbm>> -> memref<128xi32, #tpu.memory_space<hbm>>
      %dma_start3A_983 = tpu.memref_slice %arg3[%multiple_of3A_981] : memref<655360xi32, #tpu.memory_space<hbm>> -> memref<128xi32, #tpu.memory_space<hbm>>
      tpu.enqueue_dma source(%dma_start3A_983 : memref<128xi32, #tpu.memory_space<hbm>>) target(%arg35 : memref<128xi32, #tpu.memory_space<vmem>>) target_semaphore(%arg9 : memref<!tpu.dma_semaphore, #tpu.memory_space<semaphore_mem>>)
      %mul3A_984 = arith.constant 16 : i32
      %mul3A_985 = arith.muli %add3A_18, %mul3A_984 : i32
      %add3A_986 = arith.constant 9 : i32
      %add3A_987 = arith.addi %mul3A_985, %add3A_986 : i32
      %mul3A_988 = arith.constant 5 : i32
      %mul3A_989 = arith.muli %add3A_987, %mul3A_988 : i32
      %add3A_990 = arith.constant 3 : i32
      %add3A_991 = arith.addi %mul3A_989, %add3A_990 : i32
      %mul3A_992 = arith.constant 128 : i32
      %mul3A_993 = arith.muli %add3A_991, %mul3A_992 : i32
      %multiple_of3A_994 = tpu.assume_multiple %mul3A_993, 8 : i32
      %dma_start3A_995 = tpu.memref_slice %arg3[%multiple_of3A_994] : memref<655360xi32, #tpu.memory_space<hbm>> -> memref<128xi32, #tpu.memory_space<hbm>>
      %dma_start3A_996 = tpu.memref_slice %arg3[%multiple_of3A_994] : memref<655360xi32, #tpu.memory_space<hbm>> -> memref<128xi32, #tpu.memory_space<hbm>>
      tpu.enqueue_dma source(%dma_start3A_996 : memref<128xi32, #tpu.memory_space<hbm>>) target(%arg36 : memref<128xi32, #tpu.memory_space<vmem>>) target_semaphore(%arg9 : memref<!tpu.dma_semaphore, #tpu.memory_space<semaphore_mem>>)
      %mul3A_997 = arith.constant 16 : i32
      %mul3A_998 = arith.muli %add3A_18, %mul3A_997 : i32
      %add3A_999 = arith.constant 10 : i32
      %add3A_1000 = arith.addi %mul3A_998, %add3A_999 : i32
      %mul3A_1001 = arith.constant 5 : i32
      %mul3A_1002 = arith.muli %add3A_1000, %mul3A_1001 : i32
      %add3A_1003 = arith.constant 3 : i32
      %add3A_1004 = arith.addi %mul3A_1002, %add3A_1003 : i32
      %mul3A_1005 = arith.constant 128 : i32
      %mul3A_1006 = arith.muli %add3A_1004, %mul3A_1005 : i32
      %multiple_of3A_1007 = tpu.assume_multiple %mul3A_1006, 8 : i32
      %dma_start3A_1008 = tpu.memref_slice %arg3[%multiple_of3A_1007] : memref<655360xi32, #tpu.memory_space<hbm>> -> memref<128xi32, #tpu.memory_space<hbm>>
      %dma_start3A_1009 = tpu.memref_slice %arg3[%multiple_of3A_1007] : memref<655360xi32, #tpu.memory_space<hbm>> -> memref<128xi32, #tpu.memory_space<hbm>>
      tpu.enqueue_dma source(%dma_start3A_1009 : memref<128xi32, #tpu.memory_space<hbm>>) target(%arg37 : memref<128xi32, #tpu.memory_space<vmem>>) target_semaphore(%arg9 : memref<!tpu.dma_semaphore, #tpu.memory_space<semaphore_mem>>)
      %mul3A_1010 = arith.constant 16 : i32
      %mul3A_1011 = arith.muli %add3A_18, %mul3A_1010 : i32
      %add3A_1012 = arith.constant 11 : i32
      %add3A_1013 = arith.addi %mul3A_1011, %add3A_1012 : i32
      %mul3A_1014 = arith.constant 5 : i32
      %mul3A_1015 = arith.muli %add3A_1013, %mul3A_1014 : i32
      %add3A_1016 = arith.constant 3 : i32
      %add3A_1017 = arith.addi %mul3A_1015, %add3A_1016 : i32
      %mul3A_1018 = arith.constant 128 : i32
      %mul3A_1019 = arith.muli %add3A_1017, %mul3A_1018 : i32
      %multiple_of3A_1020 = tpu.assume_multiple %mul3A_1019, 8 : i32
      %dma_start3A_1021 = tpu.memref_slice %arg3[%multiple_of3A_1020] : memref<655360xi32, #tpu.memory_space<hbm>> -> memref<128xi32, #tpu.memory_space<hbm>>
      %dma_start3A_1022 = tpu.memref_slice %arg3[%multiple_of3A_1020] : memref<655360xi32, #tpu.memory_space<hbm>> -> memref<128xi32, #tpu.memory_space<hbm>>
      tpu.enqueue_dma source(%dma_start3A_1022 : memref<128xi32, #tpu.memory_space<hbm>>) target(%arg38 : memref<128xi32, #tpu.memory_space<vmem>>) target_semaphore(%arg9 : memref<!tpu.dma_semaphore, #tpu.memory_space<semaphore_mem>>)
      %mul3A_1023 = arith.constant 16 : i32
      %mul3A_1024 = arith.muli %add3A_18, %mul3A_1023 : i32
      %add3A_1025 = arith.constant 12 : i32
      %add3A_1026 = arith.addi %mul3A_1024, %add3A_1025 : i32
      %mul3A_1027 = arith.constant 5 : i32
      %mul3A_1028 = arith.muli %add3A_1026, %mul3A_1027 : i32
      %add3A_1029 = arith.constant 3 : i32
      %add3A_1030 = arith.addi %mul3A_1028, %add3A_1029 : i32
      %mul3A_1031 = arith.constant 128 : i32
      %mul3A_1032 = arith.muli %add3A_1030, %mul3A_1031 : i32
      %multiple_of3A_1033 = tpu.assume_multiple %mul3A_1032, 8 : i32
      %dma_start3A_1034 = tpu.memref_slice %arg3[%multiple_of3A_1033] : memref<655360xi32, #tpu.memory_space<hbm>> -> memref<128xi32, #tpu.memory_space<hbm>>
      %dma_start3A_1035 = tpu.memref_slice %arg3[%multiple_of3A_1033] : memref<655360xi32, #tpu.memory_space<hbm>> -> memref<128xi32, #tpu.memory_space<hbm>>
      tpu.enqueue_dma source(%dma_start3A_1035 : memref<128xi32, #tpu.memory_space<hbm>>) target(%arg39 : memref<128xi32, #tpu.memory_space<vmem>>) target_semaphore(%arg9 : memref<!tpu.dma_semaphore, #tpu.memory_space<semaphore_mem>>)
      %mul3A_1036 = arith.constant 16 : i32
      %mul3A_1037 = arith.muli %add3A_18, %mul3A_1036 : i32
      %add3A_1038 = arith.constant 13 : i32
      %add3A_1039 = arith.addi %mul3A_1037, %add3A_1038 : i32
      %mul3A_1040 = arith.constant 5 : i32
      %mul3A_1041 = arith.muli %add3A_1039, %mul3A_1040 : i32
      %add3A_1042 = arith.constant 3 : i32
      %add3A_1043 = arith.addi %mul3A_1041, %add3A_1042 : i32
      %mul3A_1044 = arith.constant 128 : i32
      %mul3A_1045 = arith.muli %add3A_1043, %mul3A_1044 : i32
      %multiple_of3A_1046 = tpu.assume_multiple %mul3A_1045, 8 : i32
      %dma_start3A_1047 = tpu.memref_slice %arg3[%multiple_of3A_1046] : memref<655360xi32, #tpu.memory_space<hbm>> -> memref<128xi32, #tpu.memory_space<hbm>>
      %dma_start3A_1048 = tpu.memref_slice %arg3[%multiple_of3A_1046] : memref<655360xi32, #tpu.memory_space<hbm>> -> memref<128xi32, #tpu.memory_space<hbm>>
      tpu.enqueue_dma source(%dma_start3A_1048 : memref<128xi32, #tpu.memory_space<hbm>>) target(%arg40 : memref<128xi32, #tpu.memory_space<vmem>>) target_semaphore(%arg9 : memref<!tpu.dma_semaphore, #tpu.memory_space<semaphore_mem>>)
      %mul3A_1049 = arith.constant 16 : i32
      %mul3A_1050 = arith.muli %add3A_18, %mul3A_1049 : i32
      %add3A_1051 = arith.constant 14 : i32
      %add3A_1052 = arith.addi %mul3A_1050, %add3A_1051 : i32
      %mul3A_1053 = arith.constant 5 : i32
      %mul3A_1054 = arith.muli %add3A_1052, %mul3A_1053 : i32
      %add3A_1055 = arith.constant 3 : i32
      %add3A_1056 = arith.addi %mul3A_1054, %add3A_1055 : i32
      %mul3A_1057 = arith.constant 128 : i32
      %mul3A_1058 = arith.muli %add3A_1056, %mul3A_1057 : i32
      %multiple_of3A_1059 = tpu.assume_multiple %mul3A_1058, 8 : i32
      %dma_start3A_1060 = tpu.memref_slice %arg3[%multiple_of3A_1059] : memref<655360xi32, #tpu.memory_space<hbm>> -> memref<128xi32, #tpu.memory_space<hbm>>
      %dma_start3A_1061 = tpu.memref_slice %arg3[%multiple_of3A_1059] : memref<655360xi32, #tpu.memory_space<hbm>> -> memref<128xi32, #tpu.memory_space<hbm>>
      tpu.enqueue_dma source(%dma_start3A_1061 : memref<128xi32, #tpu.memory_space<hbm>>) target(%arg41 : memref<128xi32, #tpu.memory_space<vmem>>) target_semaphore(%arg9 : memref<!tpu.dma_semaphore, #tpu.memory_space<semaphore_mem>>)
      %mul3A_1062 = arith.constant 16 : i32
      %mul3A_1063 = arith.muli %add3A_18, %mul3A_1062 : i32
      %add3A_1064 = arith.constant 15 : i32
      %add3A_1065 = arith.addi %mul3A_1063, %add3A_1064 : i32
      %mul3A_1066 = arith.constant 5 : i32
      %mul3A_1067 = arith.muli %add3A_1065, %mul3A_1066 : i32
      %add3A_1068 = arith.constant 3 : i32
      %add3A_1069 = arith.addi %mul3A_1067, %add3A_1068 : i32
      %mul3A_1070 = arith.constant 128 : i32
      %mul3A_1071 = arith.muli %add3A_1069, %mul3A_1070 : i32
      %multiple_of3A_1072 = tpu.assume_multiple %mul3A_1071, 8 : i32
      %dma_start3A_1073 = tpu.memref_slice %arg3[%multiple_of3A_1072] : memref<655360xi32, #tpu.memory_space<hbm>> -> memref<128xi32, #tpu.memory_space<hbm>>
      %dma_start3A_1074 = tpu.memref_slice %arg3[%multiple_of3A_1072] : memref<655360xi32, #tpu.memory_space<hbm>> -> memref<128xi32, #tpu.memory_space<hbm>>
      tpu.enqueue_dma source(%dma_start3A_1074 : memref<128xi32, #tpu.memory_space<hbm>>) target(%arg42 : memref<128xi32, #tpu.memory_space<vmem>>) target_semaphore(%arg9 : memref<!tpu.dma_semaphore, #tpu.memory_space<semaphore_mem>>)
      "tpu.region"() ({
        %run_scoped3A = tpu.sem_alloc : memref<!tpu.dma_semaphore, #tpu.memory_space<semaphore_mem>>
        %dma_start3A_1401 = arith.constant 0 : i32
        %dma_start3A_1402 = arith.constant 0 : i32
        %dma_start3A_1403 = tpu.memref_slice %arg8[%dma_start3A_1401, %dma_start3A_1402] : memref<10240x128xf32, #tpu.memory_space<vmem_shared>> -> memref<10240x128xf32, #tpu.memory_space<vmem_shared>>
        tpu.enqueue_indirect_dma source(%arg5 : memref<128x128xf32, #tpu.memory_space<vmem>>) target(%dma_start3A_1403 : memref<10240x128xf32, #tpu.memory_space<vmem_shared>>) offsets(%arg11 : memref<128xi32, #tpu.memory_space<vmem>>) semaphore(%run_scoped3A : memref<!tpu.dma_semaphore, #tpu.memory_space<semaphore_mem>>) {add = true}
        %dma_wait3A_1404 = arith.constant 0 : i32
        %dma_wait3A_1405 = arith.constant 0 : i32
        %dma_wait3A_1406 = tpu.memref_slice %arg8[%dma_wait3A_1404, %dma_wait3A_1405] : memref<10240x128xf32, #tpu.memory_space<vmem_shared>> -> memref<10240x128xf32, #tpu.memory_space<vmem_shared>>
        tpu.wait_indirect_dma semaphore(%run_scoped3A : memref<!tpu.dma_semaphore, #tpu.memory_space<semaphore_mem>>) src(%arg5 : memref<128x128xf32, #tpu.memory_space<vmem>>) dst(%dma_wait3A_1406 : memref<10240x128xf32, #tpu.memory_space<vmem_shared>>)
        tpu.yield
      }) : () -> ()
      "tpu.region"() ({
        %run_scoped3A = tpu.sem_alloc : memref<!tpu.dma_semaphore, #tpu.memory_space<semaphore_mem>>
        %dma_start3A_1401 = arith.constant 0 : i32
        %dma_start3A_1402 = arith.constant 0 : i32
        %dma_start3A_1403 = tpu.memref_slice %arg8[%dma_start3A_1401, %dma_start3A_1402] : memref<10240x128xf32, #tpu.memory_space<vmem_shared>> -> memref<10240x128xf32, #tpu.memory_space<vmem_shared>>
        tpu.enqueue_indirect_dma source(%arg5 : memref<128x128xf32, #tpu.memory_space<vmem>>) target(%dma_start3A_1403 : memref<10240x128xf32, #tpu.memory_space<vmem_shared>>) offsets(%arg12 : memref<128xi32, #tpu.memory_space<vmem>>) semaphore(%run_scoped3A : memref<!tpu.dma_semaphore, #tpu.memory_space<semaphore_mem>>) {add = true}
        %dma_wait3A_1404 = arith.constant 0 : i32
        %dma_wait3A_1405 = arith.constant 0 : i32
        %dma_wait3A_1406 = tpu.memref_slice %arg8[%dma_wait3A_1404, %dma_wait3A_1405] : memref<10240x128xf32, #tpu.memory_space<vmem_shared>> -> memref<10240x128xf32, #tpu.memory_space<vmem_shared>>
        tpu.wait_indirect_dma semaphore(%run_scoped3A : memref<!tpu.dma_semaphore, #tpu.memory_space<semaphore_mem>>) src(%arg5 : memref<128x128xf32, #tpu.memory_space<vmem>>) dst(%dma_wait3A_1406 : memref<10240x128xf32, #tpu.memory_space<vmem_shared>>)
        tpu.yield
      }) : () -> ()
      "tpu.region"() ({
        %run_scoped3A = tpu.sem_alloc : memref<!tpu.dma_semaphore, #tpu.memory_space<semaphore_mem>>
        %dma_start3A_1401 = arith.constant 0 : i32
        %dma_start3A_1402 = arith.constant 0 : i32
        %dma_start3A_1403 = tpu.memref_slice %arg8[%dma_start3A_1401, %dma_start3A_1402] : memref<10240x128xf32, #tpu.memory_space<vmem_shared>> -> memref<10240x128xf32, #tpu.memory_space<vmem_shared>>
        tpu.enqueue_indirect_dma source(%arg5 : memref<128x128xf32, #tpu.memory_space<vmem>>) target(%dma_start3A_1403 : memref<10240x128xf32, #tpu.memory_space<vmem_shared>>) offsets(%arg13 : memref<128xi32, #tpu.memory_space<vmem>>) semaphore(%run_scoped3A : memref<!tpu.dma_semaphore, #tpu.memory_space<semaphore_mem>>) {add = true}
        %dma_wait3A_1404 = arith.constant 0 : i32
        %dma_wait3A_1405 = arith.constant 0 : i32
        %dma_wait3A_1406 = tpu.memref_slice %arg8[%dma_wait3A_1404, %dma_wait3A_1405] : memref<10240x128xf32, #tpu.memory_space<vmem_shared>> -> memref<10240x128xf32, #tpu.memory_space<vmem_shared>>
        tpu.wait_indirect_dma semaphore(%run_scoped3A : memref<!tpu.dma_semaphore, #tpu.memory_space<semaphore_mem>>) src(%arg5 : memref<128x128xf32, #tpu.memory_space<vmem>>) dst(%dma_wait3A_1406 : memref<10240x128xf32, #tpu.memory_space<vmem_shared>>)
        tpu.yield
      }) : () -> ()
      "tpu.region"() ({
        %run_scoped3A = tpu.sem_alloc : memref<!tpu.dma_semaphore, #tpu.memory_space<semaphore_mem>>
        %dma_start3A_1401 = arith.constant 0 : i32
        %dma_start3A_1402 = arith.constant 0 : i32
        %dma_start3A_1403 = tpu.memref_slice %arg8[%dma_start3A_1401, %dma_start3A_1402] : memref<10240x128xf32, #tpu.memory_space<vmem_shared>> -> memref<10240x128xf32, #tpu.memory_space<vmem_shared>>
        tpu.enqueue_indirect_dma source(%arg5 : memref<128x128xf32, #tpu.memory_space<vmem>>) target(%dma_start3A_1403 : memref<10240x128xf32, #tpu.memory_space<vmem_shared>>) offsets(%arg14 : memref<128xi32, #tpu.memory_space<vmem>>) semaphore(%run_scoped3A : memref<!tpu.dma_semaphore, #tpu.memory_space<semaphore_mem>>) {add = true}
        %dma_wait3A_1404 = arith.constant 0 : i32
        %dma_wait3A_1405 = arith.constant 0 : i32
        %dma_wait3A_1406 = tpu.memref_slice %arg8[%dma_wait3A_1404, %dma_wait3A_1405] : memref<10240x128xf32, #tpu.memory_space<vmem_shared>> -> memref<10240x128xf32, #tpu.memory_space<vmem_shared>>
        tpu.wait_indirect_dma semaphore(%run_scoped3A : memref<!tpu.dma_semaphore, #tpu.memory_space<semaphore_mem>>) src(%arg5 : memref<128x128xf32, #tpu.memory_space<vmem>>) dst(%dma_wait3A_1406 : memref<10240x128xf32, #tpu.memory_space<vmem_shared>>)
        tpu.yield
      }) : () -> ()
      "tpu.region"() ({
        %run_scoped3A = tpu.sem_alloc : memref<!tpu.dma_semaphore, #tpu.memory_space<semaphore_mem>>
        %dma_start3A_1401 = arith.constant 0 : i32
        %dma_start3A_1402 = arith.constant 0 : i32
        %dma_start3A_1403 = tpu.memref_slice %arg8[%dma_start3A_1401, %dma_start3A_1402] : memref<10240x128xf32, #tpu.memory_space<vmem_shared>> -> memref<10240x128xf32, #tpu.memory_space<vmem_shared>>
        tpu.enqueue_indirect_dma source(%arg5 : memref<128x128xf32, #tpu.memory_space<vmem>>) target(%dma_start3A_1403 : memref<10240x128xf32, #tpu.memory_space<vmem_shared>>) offsets(%arg15 : memref<128xi32, #tpu.memory_space<vmem>>) semaphore(%run_scoped3A : memref<!tpu.dma_semaphore, #tpu.memory_space<semaphore_mem>>) {add = true}
        %dma_wait3A_1404 = arith.constant 0 : i32
        %dma_wait3A_1405 = arith.constant 0 : i32
        %dma_wait3A_1406 = tpu.memref_slice %arg8[%dma_wait3A_1404, %dma_wait3A_1405] : memref<10240x128xf32, #tpu.memory_space<vmem_shared>> -> memref<10240x128xf32, #tpu.memory_space<vmem_shared>>
        tpu.wait_indirect_dma semaphore(%run_scoped3A : memref<!tpu.dma_semaphore, #tpu.memory_space<semaphore_mem>>) src(%arg5 : memref<128x128xf32, #tpu.memory_space<vmem>>) dst(%dma_wait3A_1406 : memref<10240x128xf32, #tpu.memory_space<vmem_shared>>)
        tpu.yield
      }) : () -> ()
      "tpu.region"() ({
        %run_scoped3A = tpu.sem_alloc : memref<!tpu.dma_semaphore, #tpu.memory_space<semaphore_mem>>
        %dma_start3A_1401 = arith.constant 0 : i32
        %dma_start3A_1402 = arith.constant 0 : i32
        %dma_start3A_1403 = tpu.memref_slice %arg8[%dma_start3A_1401, %dma_start3A_1402] : memref<10240x128xf32, #tpu.memory_space<vmem_shared>> -> memref<10240x128xf32, #tpu.memory_space<vmem_shared>>
        tpu.enqueue_indirect_dma source(%arg5 : memref<128x128xf32, #tpu.memory_space<vmem>>) target(%dma_start3A_1403 : memref<10240x128xf32, #tpu.memory_space<vmem_shared>>) offsets(%arg16 : memref<128xi32, #tpu.memory_space<vmem>>) semaphore(%run_scoped3A : memref<!tpu.dma_semaphore, #tpu.memory_space<semaphore_mem>>) {add = true}
        %dma_wait3A_1404 = arith.constant 0 : i32
        %dma_wait3A_1405 = arith.constant 0 : i32
        %dma_wait3A_1406 = tpu.memref_slice %arg8[%dma_wait3A_1404, %dma_wait3A_1405] : memref<10240x128xf32, #tpu.memory_space<vmem_shared>> -> memref<10240x128xf32, #tpu.memory_space<vmem_shared>>
        tpu.wait_indirect_dma semaphore(%run_scoped3A : memref<!tpu.dma_semaphore, #tpu.memory_space<semaphore_mem>>) src(%arg5 : memref<128x128xf32, #tpu.memory_space<vmem>>) dst(%dma_wait3A_1406 : memref<10240x128xf32, #tpu.memory_space<vmem_shared>>)
        tpu.yield
      }) : () -> ()
      "tpu.region"() ({
        %run_scoped3A = tpu.sem_alloc : memref<!tpu.dma_semaphore, #tpu.memory_space<semaphore_mem>>
        %dma_start3A_1401 = arith.constant 0 : i32
        %dma_start3A_1402 = arith.constant 0 : i32
        %dma_start3A_1403 = tpu.memref_slice %arg8[%dma_start3A_1401, %dma_start3A_1402] : memref<10240x128xf32, #tpu.memory_space<vmem_shared>> -> memref<10240x128xf32, #tpu.memory_space<vmem_shared>>
        tpu.enqueue_indirect_dma source(%arg5 : memref<128x128xf32, #tpu.memory_space<vmem>>) target(%dma_start3A_1403 : memref<10240x128xf32, #tpu.memory_space<vmem_shared>>) offsets(%arg17 : memref<128xi32, #tpu.memory_space<vmem>>) semaphore(%run_scoped3A : memref<!tpu.dma_semaphore, #tpu.memory_space<semaphore_mem>>) {add = true}
        %dma_wait3A_1404 = arith.constant 0 : i32
        %dma_wait3A_1405 = arith.constant 0 : i32
        %dma_wait3A_1406 = tpu.memref_slice %arg8[%dma_wait3A_1404, %dma_wait3A_1405] : memref<10240x128xf32, #tpu.memory_space<vmem_shared>> -> memref<10240x128xf32, #tpu.memory_space<vmem_shared>>
        tpu.wait_indirect_dma semaphore(%run_scoped3A : memref<!tpu.dma_semaphore, #tpu.memory_space<semaphore_mem>>) src(%arg5 : memref<128x128xf32, #tpu.memory_space<vmem>>) dst(%dma_wait3A_1406 : memref<10240x128xf32, #tpu.memory_space<vmem_shared>>)
        tpu.yield
      }) : () -> ()
      "tpu.region"() ({
        %run_scoped3A = tpu.sem_alloc : memref<!tpu.dma_semaphore, #tpu.memory_space<semaphore_mem>>
        %dma_start3A_1401 = arith.constant 0 : i32
        %dma_start3A_1402 = arith.constant 0 : i32
        %dma_start3A_1403 = tpu.memref_slice %arg8[%dma_start3A_1401, %dma_start3A_1402] : memref<10240x128xf32, #tpu.memory_space<vmem_shared>> -> memref<10240x128xf32, #tpu.memory_space<vmem_shared>>
        tpu.enqueue_indirect_dma source(%arg5 : memref<128x128xf32, #tpu.memory_space<vmem>>) target(%dma_start3A_1403 : memref<10240x128xf32, #tpu.memory_space<vmem_shared>>) offsets(%arg18 : memref<128xi32, #tpu.memory_space<vmem>>) semaphore(%run_scoped3A : memref<!tpu.dma_semaphore, #tpu.memory_space<semaphore_mem>>) {add = true}
        %dma_wait3A_1404 = arith.constant 0 : i32
        %dma_wait3A_1405 = arith.constant 0 : i32
        %dma_wait3A_1406 = tpu.memref_slice %arg8[%dma_wait3A_1404, %dma_wait3A_1405] : memref<10240x128xf32, #tpu.memory_space<vmem_shared>> -> memref<10240x128xf32, #tpu.memory_space<vmem_shared>>
        tpu.wait_indirect_dma semaphore(%run_scoped3A : memref<!tpu.dma_semaphore, #tpu.memory_space<semaphore_mem>>) src(%arg5 : memref<128x128xf32, #tpu.memory_space<vmem>>) dst(%dma_wait3A_1406 : memref<10240x128xf32, #tpu.memory_space<vmem_shared>>)
        tpu.yield
      }) : () -> ()
      "tpu.region"() ({
        %run_scoped3A = tpu.sem_alloc : memref<!tpu.dma_semaphore, #tpu.memory_space<semaphore_mem>>
        %dma_start3A_1401 = arith.constant 0 : i32
        %dma_start3A_1402 = arith.constant 0 : i32
        %dma_start3A_1403 = tpu.memref_slice %arg8[%dma_start3A_1401, %dma_start3A_1402] : memref<10240x128xf32, #tpu.memory_space<vmem_shared>> -> memref<10240x128xf32, #tpu.memory_space<vmem_shared>>
        tpu.enqueue_indirect_dma source(%arg5 : memref<128x128xf32, #tpu.memory_space<vmem>>) target(%dma_start3A_1403 : memref<10240x128xf32, #tpu.memory_space<vmem_shared>>) offsets(%arg19 : memref<128xi32, #tpu.memory_space<vmem>>) semaphore(%run_scoped3A : memref<!tpu.dma_semaphore, #tpu.memory_space<semaphore_mem>>) {add = true}
        %dma_wait3A_1404 = arith.constant 0 : i32
        %dma_wait3A_1405 = arith.constant 0 : i32
        %dma_wait3A_1406 = tpu.memref_slice %arg8[%dma_wait3A_1404, %dma_wait3A_1405] : memref<10240x128xf32, #tpu.memory_space<vmem_shared>> -> memref<10240x128xf32, #tpu.memory_space<vmem_shared>>
        tpu.wait_indirect_dma semaphore(%run_scoped3A : memref<!tpu.dma_semaphore, #tpu.memory_space<semaphore_mem>>) src(%arg5 : memref<128x128xf32, #tpu.memory_space<vmem>>) dst(%dma_wait3A_1406 : memref<10240x128xf32, #tpu.memory_space<vmem_shared>>)
        tpu.yield
      }) : () -> ()
      "tpu.region"() ({
        %run_scoped3A = tpu.sem_alloc : memref<!tpu.dma_semaphore, #tpu.memory_space<semaphore_mem>>
        %dma_start3A_1401 = arith.constant 0 : i32
        %dma_start3A_1402 = arith.constant 0 : i32
        %dma_start3A_1403 = tpu.memref_slice %arg8[%dma_start3A_1401, %dma_start3A_1402] : memref<10240x128xf32, #tpu.memory_space<vmem_shared>> -> memref<10240x128xf32, #tpu.memory_space<vmem_shared>>
        tpu.enqueue_indirect_dma source(%arg5 : memref<128x128xf32, #tpu.memory_space<vmem>>) target(%dma_start3A_1403 : memref<10240x128xf32, #tpu.memory_space<vmem_shared>>) offsets(%arg20 : memref<128xi32, #tpu.memory_space<vmem>>) semaphore(%run_scoped3A : memref<!tpu.dma_semaphore, #tpu.memory_space<semaphore_mem>>) {add = true}
        %dma_wait3A_1404 = arith.constant 0 : i32
        %dma_wait3A_1405 = arith.constant 0 : i32
        %dma_wait3A_1406 = tpu.memref_slice %arg8[%dma_wait3A_1404, %dma_wait3A_1405] : memref<10240x128xf32, #tpu.memory_space<vmem_shared>> -> memref<10240x128xf32, #tpu.memory_space<vmem_shared>>
        tpu.wait_indirect_dma semaphore(%run_scoped3A : memref<!tpu.dma_semaphore, #tpu.memory_space<semaphore_mem>>) src(%arg5 : memref<128x128xf32, #tpu.memory_space<vmem>>) dst(%dma_wait3A_1406 : memref<10240x128xf32, #tpu.memory_space<vmem_shared>>)
        tpu.yield
      }) : () -> ()
      "tpu.region"() ({
        %run_scoped3A = tpu.sem_alloc : memref<!tpu.dma_semaphore, #tpu.memory_space<semaphore_mem>>
        %dma_start3A_1401 = arith.constant 0 : i32
        %dma_start3A_1402 = arith.constant 0 : i32
        %dma_start3A_1403 = tpu.memref_slice %arg8[%dma_start3A_1401, %dma_start3A_1402] : memref<10240x128xf32, #tpu.memory_space<vmem_shared>> -> memref<10240x128xf32, #tpu.memory_space<vmem_shared>>
        tpu.enqueue_indirect_dma source(%arg5 : memref<128x128xf32, #tpu.memory_space<vmem>>) target(%dma_start3A_1403 : memref<10240x128xf32, #tpu.memory_space<vmem_shared>>) offsets(%arg21 : memref<128xi32, #tpu.memory_space<vmem>>) semaphore(%run_scoped3A : memref<!tpu.dma_semaphore, #tpu.memory_space<semaphore_mem>>) {add = true}
        %dma_wait3A_1404 = arith.constant 0 : i32
        %dma_wait3A_1405 = arith.constant 0 : i32
        %dma_wait3A_1406 = tpu.memref_slice %arg8[%dma_wait3A_1404, %dma_wait3A_1405] : memref<10240x128xf32, #tpu.memory_space<vmem_shared>> -> memref<10240x128xf32, #tpu.memory_space<vmem_shared>>
        tpu.wait_indirect_dma semaphore(%run_scoped3A : memref<!tpu.dma_semaphore, #tpu.memory_space<semaphore_mem>>) src(%arg5 : memref<128x128xf32, #tpu.memory_space<vmem>>) dst(%dma_wait3A_1406 : memref<10240x128xf32, #tpu.memory_space<vmem_shared>>)
        tpu.yield
      }) : () -> ()
      "tpu.region"() ({
        %run_scoped3A = tpu.sem_alloc : memref<!tpu.dma_semaphore, #tpu.memory_space<semaphore_mem>>
        %dma_start3A_1401 = arith.constant 0 : i32
        %dma_start3A_1402 = arith.constant 0 : i32
        %dma_start3A_1403 = tpu.memref_slice %arg8[%dma_start3A_1401, %dma_start3A_1402] : memref<10240x128xf32, #tpu.memory_space<vmem_shared>> -> memref<10240x128xf32, #tpu.memory_space<vmem_shared>>
        tpu.enqueue_indirect_dma source(%arg5 : memref<128x128xf32, #tpu.memory_space<vmem>>) target(%dma_start3A_1403 : memref<10240x128xf32, #tpu.memory_space<vmem_shared>>) offsets(%arg22 : memref<128xi32, #tpu.memory_space<vmem>>) semaphore(%run_scoped3A : memref<!tpu.dma_semaphore, #tpu.memory_space<semaphore_mem>>) {add = true}
        %dma_wait3A_1404 = arith.constant 0 : i32
        %dma_wait3A_1405 = arith.constant 0 : i32
        %dma_wait3A_1406 = tpu.memref_slice %arg8[%dma_wait3A_1404, %dma_wait3A_1405] : memref<10240x128xf32, #tpu.memory_space<vmem_shared>> -> memref<10240x128xf32, #tpu.memory_space<vmem_shared>>
        tpu.wait_indirect_dma semaphore(%run_scoped3A : memref<!tpu.dma_semaphore, #tpu.memory_space<semaphore_mem>>) src(%arg5 : memref<128x128xf32, #tpu.memory_space<vmem>>) dst(%dma_wait3A_1406 : memref<10240x128xf32, #tpu.memory_space<vmem_shared>>)
        tpu.yield
      }) : () -> ()
      "tpu.region"() ({
        %run_scoped3A = tpu.sem_alloc : memref<!tpu.dma_semaphore, #tpu.memory_space<semaphore_mem>>
        %dma_start3A_1401 = arith.constant 0 : i32
        %dma_start3A_1402 = arith.constant 0 : i32
        %dma_start3A_1403 = tpu.memref_slice %arg8[%dma_start3A_1401, %dma_start3A_1402] : memref<10240x128xf32, #tpu.memory_space<vmem_shared>> -> memref<10240x128xf32, #tpu.memory_space<vmem_shared>>
        tpu.enqueue_indirect_dma source(%arg5 : memref<128x128xf32, #tpu.memory_space<vmem>>) target(%dma_start3A_1403 : memref<10240x128xf32, #tpu.memory_space<vmem_shared>>) offsets(%arg23 : memref<128xi32, #tpu.memory_space<vmem>>) semaphore(%run_scoped3A : memref<!tpu.dma_semaphore, #tpu.memory_space<semaphore_mem>>) {add = true}
        %dma_wait3A_1404 = arith.constant 0 : i32
        %dma_wait3A_1405 = arith.constant 0 : i32
        %dma_wait3A_1406 = tpu.memref_slice %arg8[%dma_wait3A_1404, %dma_wait3A_1405] : memref<10240x128xf32, #tpu.memory_space<vmem_shared>> -> memref<10240x128xf32, #tpu.memory_space<vmem_shared>>
        tpu.wait_indirect_dma semaphore(%run_scoped3A : memref<!tpu.dma_semaphore, #tpu.memory_space<semaphore_mem>>) src(%arg5 : memref<128x128xf32, #tpu.memory_space<vmem>>) dst(%dma_wait3A_1406 : memref<10240x128xf32, #tpu.memory_space<vmem_shared>>)
        tpu.yield
      }) : () -> ()
      "tpu.region"() ({
        %run_scoped3A = tpu.sem_alloc : memref<!tpu.dma_semaphore, #tpu.memory_space<semaphore_mem>>
        %dma_start3A_1401 = arith.constant 0 : i32
        %dma_start3A_1402 = arith.constant 0 : i32
        %dma_start3A_1403 = tpu.memref_slice %arg8[%dma_start3A_1401, %dma_start3A_1402] : memref<10240x128xf32, #tpu.memory_space<vmem_shared>> -> memref<10240x128xf32, #tpu.memory_space<vmem_shared>>
        tpu.enqueue_indirect_dma source(%arg5 : memref<128x128xf32, #tpu.memory_space<vmem>>) target(%dma_start3A_1403 : memref<10240x128xf32, #tpu.memory_space<vmem_shared>>) offsets(%arg24 : memref<128xi32, #tpu.memory_space<vmem>>) semaphore(%run_scoped3A : memref<!tpu.dma_semaphore, #tpu.memory_space<semaphore_mem>>) {add = true}
        %dma_wait3A_1404 = arith.constant 0 : i32
        %dma_wait3A_1405 = arith.constant 0 : i32
        %dma_wait3A_1406 = tpu.memref_slice %arg8[%dma_wait3A_1404, %dma_wait3A_1405] : memref<10240x128xf32, #tpu.memory_space<vmem_shared>> -> memref<10240x128xf32, #tpu.memory_space<vmem_shared>>
        tpu.wait_indirect_dma semaphore(%run_scoped3A : memref<!tpu.dma_semaphore, #tpu.memory_space<semaphore_mem>>) src(%arg5 : memref<128x128xf32, #tpu.memory_space<vmem>>) dst(%dma_wait3A_1406 : memref<10240x128xf32, #tpu.memory_space<vmem_shared>>)
        tpu.yield
      }) : () -> ()
      "tpu.region"() ({
        %run_scoped3A = tpu.sem_alloc : memref<!tpu.dma_semaphore, #tpu.memory_space<semaphore_mem>>
        %dma_start3A_1401 = arith.constant 0 : i32
        %dma_start3A_1402 = arith.constant 0 : i32
        %dma_start3A_1403 = tpu.memref_slice %arg8[%dma_start3A_1401, %dma_start3A_1402] : memref<10240x128xf32, #tpu.memory_space<vmem_shared>> -> memref<10240x128xf32, #tpu.memory_space<vmem_shared>>
        tpu.enqueue_indirect_dma source(%arg5 : memref<128x128xf32, #tpu.memory_space<vmem>>) target(%dma_start3A_1403 : memref<10240x128xf32, #tpu.memory_space<vmem_shared>>) offsets(%arg25 : memref<128xi32, #tpu.memory_space<vmem>>) semaphore(%run_scoped3A : memref<!tpu.dma_semaphore, #tpu.memory_space<semaphore_mem>>) {add = true}
        %dma_wait3A_1404 = arith.constant 0 : i32
        %dma_wait3A_1405 = arith.constant 0 : i32
        %dma_wait3A_1406 = tpu.memref_slice %arg8[%dma_wait3A_1404, %dma_wait3A_1405] : memref<10240x128xf32, #tpu.memory_space<vmem_shared>> -> memref<10240x128xf32, #tpu.memory_space<vmem_shared>>
        tpu.wait_indirect_dma semaphore(%run_scoped3A : memref<!tpu.dma_semaphore, #tpu.memory_space<semaphore_mem>>) src(%arg5 : memref<128x128xf32, #tpu.memory_space<vmem>>) dst(%dma_wait3A_1406 : memref<10240x128xf32, #tpu.memory_space<vmem_shared>>)
        tpu.yield
      }) : () -> ()
      "tpu.region"() ({
        %run_scoped3A = tpu.sem_alloc : memref<!tpu.dma_semaphore, #tpu.memory_space<semaphore_mem>>
        %dma_start3A_1401 = arith.constant 0 : i32
        %dma_start3A_1402 = arith.constant 0 : i32
        %dma_start3A_1403 = tpu.memref_slice %arg8[%dma_start3A_1401, %dma_start3A_1402] : memref<10240x128xf32, #tpu.memory_space<vmem_shared>> -> memref<10240x128xf32, #tpu.memory_space<vmem_shared>>
        tpu.enqueue_indirect_dma source(%arg5 : memref<128x128xf32, #tpu.memory_space<vmem>>) target(%dma_start3A_1403 : memref<10240x128xf32, #tpu.memory_space<vmem_shared>>) offsets(%arg26 : memref<128xi32, #tpu.memory_space<vmem>>) semaphore(%run_scoped3A : memref<!tpu.dma_semaphore, #tpu.memory_space<semaphore_mem>>) {add = true}
        %dma_wait3A_1404 = arith.constant 0 : i32
        %dma_wait3A_1405 = arith.constant 0 : i32
        %dma_wait3A_1406 = tpu.memref_slice %arg8[%dma_wait3A_1404, %dma_wait3A_1405] : memref<10240x128xf32, #tpu.memory_space<vmem_shared>> -> memref<10240x128xf32, #tpu.memory_space<vmem_shared>>
        tpu.wait_indirect_dma semaphore(%run_scoped3A : memref<!tpu.dma_semaphore, #tpu.memory_space<semaphore_mem>>) src(%arg5 : memref<128x128xf32, #tpu.memory_space<vmem>>) dst(%dma_wait3A_1406 : memref<10240x128xf32, #tpu.memory_space<vmem_shared>>)
        tpu.yield
      }) : () -> ()
      %dma_wait3A_1075 = arith.constant 0 : i32
      %dma_wait3A_1076 = arith.constant 0 : i32
      %dma_wait3A_1077 = tpu.memref_slice %arg6[%dma_wait3A_1075, %dma_wait3A_1076] : memref<128x128xf32, #tpu.memory_space<vmem>> -> memref<125x128xf32, #tpu.memory_space<vmem>>
      %dma_wait3A_1078 = arith.constant 0 : i32
      %dma_wait3A_1079 = arith.constant 0 : i32
      %dma_wait3A_1080 = tpu.memref_slice %arg2[%add3A_852, %dma_wait3A_1078, %dma_wait3A_1079] : memref<320x125x128xf32, #tpu.memory_space<hbm>> -> memref<1x125x128xf32, #tpu.memory_space<hbm>>
      %dma_wait3A_1081 = tpu.memref_squeeze %dma_wait3A_1080 : memref<1x125x128xf32, #tpu.memory_space<hbm>> -> memref<125x128xf32, #tpu.memory_space<hbm>>
      %dma_wait3A_1082 = arith.constant 0 : i32
      %dma_wait3A_1083 = arith.constant 0 : i32
      %dma_wait3A_1084 = tpu.memref_slice %arg6[%dma_wait3A_1082, %dma_wait3A_1083] : memref<128x128xf32, #tpu.memory_space<vmem>> -> memref<125x128xf32, #tpu.memory_space<vmem>>
      %dma_wait3A_1085 = arith.constant 0 : i32
      %dma_wait3A_1086 = arith.constant 0 : i32
      %dma_wait3A_1087 = tpu.memref_slice %arg2[%add3A_852, %dma_wait3A_1085, %dma_wait3A_1086] : memref<320x125x128xf32, #tpu.memory_space<hbm>> -> memref<1x125x128xf32, #tpu.memory_space<hbm>>
      %dma_wait3A_1088 = tpu.memref_squeeze %dma_wait3A_1087 : memref<1x125x128xf32, #tpu.memory_space<hbm>> -> memref<125x128xf32, #tpu.memory_space<hbm>>
      tpu.wait_dma2 semaphore(%arg9 : memref<!tpu.dma_semaphore, #tpu.memory_space<semaphore_mem>>) src(%dma_wait3A_1088 : memref<125x128xf32, #tpu.memory_space<hbm>>) dst(%dma_wait3A_1084 : memref<125x128xf32, #tpu.memory_space<vmem>>)
      %dma_wait3A_1089 = tpu.memref_slice %arg3[%multiple_of3A_877] : memref<655360xi32, #tpu.memory_space<hbm>> -> memref<128xi32, #tpu.memory_space<hbm>>
      %dma_wait3A_1090 = tpu.memref_slice %arg3[%multiple_of3A_877] : memref<655360xi32, #tpu.memory_space<hbm>> -> memref<128xi32, #tpu.memory_space<hbm>>
      tpu.wait_dma2 semaphore(%arg9 : memref<!tpu.dma_semaphore, #tpu.memory_space<semaphore_mem>>) src(%dma_wait3A_1090 : memref<128xi32, #tpu.memory_space<hbm>>) dst(%arg27 : memref<128xi32, #tpu.memory_space<vmem>>)
      %dma_wait3A_1091 = tpu.memref_slice %arg3[%multiple_of3A_890] : memref<655360xi32, #tpu.memory_space<hbm>> -> memref<128xi32, #tpu.memory_space<hbm>>
      %dma_wait3A_1092 = tpu.memref_slice %arg3[%multiple_of3A_890] : memref<655360xi32, #tpu.memory_space<hbm>> -> memref<128xi32, #tpu.memory_space<hbm>>
      tpu.wait_dma2 semaphore(%arg9 : memref<!tpu.dma_semaphore, #tpu.memory_space<semaphore_mem>>) src(%dma_wait3A_1092 : memref<128xi32, #tpu.memory_space<hbm>>) dst(%arg28 : memref<128xi32, #tpu.memory_space<vmem>>)
      %dma_wait3A_1093 = tpu.memref_slice %arg3[%multiple_of3A_903] : memref<655360xi32, #tpu.memory_space<hbm>> -> memref<128xi32, #tpu.memory_space<hbm>>
      %dma_wait3A_1094 = tpu.memref_slice %arg3[%multiple_of3A_903] : memref<655360xi32, #tpu.memory_space<hbm>> -> memref<128xi32, #tpu.memory_space<hbm>>
      tpu.wait_dma2 semaphore(%arg9 : memref<!tpu.dma_semaphore, #tpu.memory_space<semaphore_mem>>) src(%dma_wait3A_1094 : memref<128xi32, #tpu.memory_space<hbm>>) dst(%arg29 : memref<128xi32, #tpu.memory_space<vmem>>)
      %dma_wait3A_1095 = tpu.memref_slice %arg3[%multiple_of3A_916] : memref<655360xi32, #tpu.memory_space<hbm>> -> memref<128xi32, #tpu.memory_space<hbm>>
      %dma_wait3A_1096 = tpu.memref_slice %arg3[%multiple_of3A_916] : memref<655360xi32, #tpu.memory_space<hbm>> -> memref<128xi32, #tpu.memory_space<hbm>>
      tpu.wait_dma2 semaphore(%arg9 : memref<!tpu.dma_semaphore, #tpu.memory_space<semaphore_mem>>) src(%dma_wait3A_1096 : memref<128xi32, #tpu.memory_space<hbm>>) dst(%arg30 : memref<128xi32, #tpu.memory_space<vmem>>)
      %dma_wait3A_1097 = tpu.memref_slice %arg3[%multiple_of3A_929] : memref<655360xi32, #tpu.memory_space<hbm>> -> memref<128xi32, #tpu.memory_space<hbm>>
      %dma_wait3A_1098 = tpu.memref_slice %arg3[%multiple_of3A_929] : memref<655360xi32, #tpu.memory_space<hbm>> -> memref<128xi32, #tpu.memory_space<hbm>>
      tpu.wait_dma2 semaphore(%arg9 : memref<!tpu.dma_semaphore, #tpu.memory_space<semaphore_mem>>) src(%dma_wait3A_1098 : memref<128xi32, #tpu.memory_space<hbm>>) dst(%arg31 : memref<128xi32, #tpu.memory_space<vmem>>)
      %dma_wait3A_1099 = tpu.memref_slice %arg3[%multiple_of3A_942] : memref<655360xi32, #tpu.memory_space<hbm>> -> memref<128xi32, #tpu.memory_space<hbm>>
      %dma_wait3A_1100 = tpu.memref_slice %arg3[%multiple_of3A_942] : memref<655360xi32, #tpu.memory_space<hbm>> -> memref<128xi32, #tpu.memory_space<hbm>>
      tpu.wait_dma2 semaphore(%arg9 : memref<!tpu.dma_semaphore, #tpu.memory_space<semaphore_mem>>) src(%dma_wait3A_1100 : memref<128xi32, #tpu.memory_space<hbm>>) dst(%arg32 : memref<128xi32, #tpu.memory_space<vmem>>)
      %dma_wait3A_1101 = tpu.memref_slice %arg3[%multiple_of3A_955] : memref<655360xi32, #tpu.memory_space<hbm>> -> memref<128xi32, #tpu.memory_space<hbm>>
      %dma_wait3A_1102 = tpu.memref_slice %arg3[%multiple_of3A_955] : memref<655360xi32, #tpu.memory_space<hbm>> -> memref<128xi32, #tpu.memory_space<hbm>>
      tpu.wait_dma2 semaphore(%arg9 : memref<!tpu.dma_semaphore, #tpu.memory_space<semaphore_mem>>) src(%dma_wait3A_1102 : memref<128xi32, #tpu.memory_space<hbm>>) dst(%arg33 : memref<128xi32, #tpu.memory_space<vmem>>)
      %dma_wait3A_1103 = tpu.memref_slice %arg3[%multiple_of3A_968] : memref<655360xi32, #tpu.memory_space<hbm>> -> memref<128xi32, #tpu.memory_space<hbm>>
      %dma_wait3A_1104 = tpu.memref_slice %arg3[%multiple_of3A_968] : memref<655360xi32, #tpu.memory_space<hbm>> -> memref<128xi32, #tpu.memory_space<hbm>>
      tpu.wait_dma2 semaphore(%arg9 : memref<!tpu.dma_semaphore, #tpu.memory_space<semaphore_mem>>) src(%dma_wait3A_1104 : memref<128xi32, #tpu.memory_space<hbm>>) dst(%arg34 : memref<128xi32, #tpu.memory_space<vmem>>)
      %dma_wait3A_1105 = tpu.memref_slice %arg3[%multiple_of3A_981] : memref<655360xi32, #tpu.memory_space<hbm>> -> memref<128xi32, #tpu.memory_space<hbm>>
      %dma_wait3A_1106 = tpu.memref_slice %arg3[%multiple_of3A_981] : memref<655360xi32, #tpu.memory_space<hbm>> -> memref<128xi32, #tpu.memory_space<hbm>>
      tpu.wait_dma2 semaphore(%arg9 : memref<!tpu.dma_semaphore, #tpu.memory_space<semaphore_mem>>) src(%dma_wait3A_1106 : memref<128xi32, #tpu.memory_space<hbm>>) dst(%arg35 : memref<128xi32, #tpu.memory_space<vmem>>)
      %dma_wait3A_1107 = tpu.memref_slice %arg3[%multiple_of3A_994] : memref<655360xi32, #tpu.memory_space<hbm>> -> memref<128xi32, #tpu.memory_space<hbm>>
      %dma_wait3A_1108 = tpu.memref_slice %arg3[%multiple_of3A_994] : memref<655360xi32, #tpu.memory_space<hbm>> -> memref<128xi32, #tpu.memory_space<hbm>>
      tpu.wait_dma2 semaphore(%arg9 : memref<!tpu.dma_semaphore, #tpu.memory_space<semaphore_mem>>) src(%dma_wait3A_1108 : memref<128xi32, #tpu.memory_space<hbm>>) dst(%arg36 : memref<128xi32, #tpu.memory_space<vmem>>)
      %dma_wait3A_1109 = tpu.memref_slice %arg3[%multiple_of3A_1007] : memref<655360xi32, #tpu.memory_space<hbm>> -> memref<128xi32, #tpu.memory_space<hbm>>
      %dma_wait3A_1110 = tpu.memref_slice %arg3[%multiple_of3A_1007] : memref<655360xi32, #tpu.memory_space<hbm>> -> memref<128xi32, #tpu.memory_space<hbm>>
      tpu.wait_dma2 semaphore(%arg9 : memref<!tpu.dma_semaphore, #tpu.memory_space<semaphore_mem>>) src(%dma_wait3A_1110 : memref<128xi32, #tpu.memory_space<hbm>>) dst(%arg37 : memref<128xi32, #tpu.memory_space<vmem>>)
      %dma_wait3A_1111 = tpu.memref_slice %arg3[%multiple_of3A_1020] : memref<655360xi32, #tpu.memory_space<hbm>> -> memref<128xi32, #tpu.memory_space<hbm>>
      %dma_wait3A_1112 = tpu.memref_slice %arg3[%multiple_of3A_1020] : memref<655360xi32, #tpu.memory_space<hbm>> -> memref<128xi32, #tpu.memory_space<hbm>>
      tpu.wait_dma2 semaphore(%arg9 : memref<!tpu.dma_semaphore, #tpu.memory_space<semaphore_mem>>) src(%dma_wait3A_1112 : memref<128xi32, #tpu.memory_space<hbm>>) dst(%arg38 : memref<128xi32, #tpu.memory_space<vmem>>)
      %dma_wait3A_1113 = tpu.memref_slice %arg3[%multiple_of3A_1033] : memref<655360xi32, #tpu.memory_space<hbm>> -> memref<128xi32, #tpu.memory_space<hbm>>
      %dma_wait3A_1114 = tpu.memref_slice %arg3[%multiple_of3A_1033] : memref<655360xi32, #tpu.memory_space<hbm>> -> memref<128xi32, #tpu.memory_space<hbm>>
      tpu.wait_dma2 semaphore(%arg9 : memref<!tpu.dma_semaphore, #tpu.memory_space<semaphore_mem>>) src(%dma_wait3A_1114 : memref<128xi32, #tpu.memory_space<hbm>>) dst(%arg39 : memref<128xi32, #tpu.memory_space<vmem>>)
      %dma_wait3A_1115 = tpu.memref_slice %arg3[%multiple_of3A_1046] : memref<655360xi32, #tpu.memory_space<hbm>> -> memref<128xi32, #tpu.memory_space<hbm>>
      %dma_wait3A_1116 = tpu.memref_slice %arg3[%multiple_of3A_1046] : memref<655360xi32, #tpu.memory_space<hbm>> -> memref<128xi32, #tpu.memory_space<hbm>>
      tpu.wait_dma2 semaphore(%arg9 : memref<!tpu.dma_semaphore, #tpu.memory_space<semaphore_mem>>) src(%dma_wait3A_1116 : memref<128xi32, #tpu.memory_space<hbm>>) dst(%arg40 : memref<128xi32, #tpu.memory_space<vmem>>)
      %dma_wait3A_1117 = tpu.memref_slice %arg3[%multiple_of3A_1059] : memref<655360xi32, #tpu.memory_space<hbm>> -> memref<128xi32, #tpu.memory_space<hbm>>
      %dma_wait3A_1118 = tpu.memref_slice %arg3[%multiple_of3A_1059] : memref<655360xi32, #tpu.memory_space<hbm>> -> memref<128xi32, #tpu.memory_space<hbm>>
      tpu.wait_dma2 semaphore(%arg9 : memref<!tpu.dma_semaphore, #tpu.memory_space<semaphore_mem>>) src(%dma_wait3A_1118 : memref<128xi32, #tpu.memory_space<hbm>>) dst(%arg41 : memref<128xi32, #tpu.memory_space<vmem>>)
      %dma_wait3A_1119 = tpu.memref_slice %arg3[%multiple_of3A_1072] : memref<655360xi32, #tpu.memory_space<hbm>> -> memref<128xi32, #tpu.memory_space<hbm>>
      %dma_wait3A_1120 = tpu.memref_slice %arg3[%multiple_of3A_1072] : memref<655360xi32, #tpu.memory_space<hbm>> -> memref<128xi32, #tpu.memory_space<hbm>>
      tpu.wait_dma2 semaphore(%arg9 : memref<!tpu.dma_semaphore, #tpu.memory_space<semaphore_mem>>) src(%dma_wait3A_1120 : memref<128xi32, #tpu.memory_space<hbm>>) dst(%arg42 : memref<128xi32, #tpu.memory_space<vmem>>)
      %mul3A_1121 = arith.constant 80 : i32
      %mul3A_1122 = arith.muli %add3A_15, %mul3A_1121 : i32
      %mul3A_1123 = arith.constant 5 : i32
      %mul3A_1124 = arith.muli %arg1, %mul3A_1123 : i32
      %add3A_1125 = arith.addi %mul3A_1122, %mul3A_1124 : i32
      %add3A_1126 = arith.constant 4 : i32
      %add3A_1127 = arith.addi %add3A_1125, %add3A_1126 : i32
      %dma_start3A_1128 = arith.constant 0 : i32
      %dma_start3A_1129 = arith.constant 0 : i32
      %dma_start3A_1130 = tpu.memref_slice %arg5[%dma_start3A_1128, %dma_start3A_1129] : memref<128x128xf32, #tpu.memory_space<vmem>> -> memref<125x128xf32, #tpu.memory_space<vmem>>
      %dma_start3A_1131 = arith.constant 0 : i32
      %dma_start3A_1132 = arith.constant 0 : i32
      %dma_start3A_1133 = tpu.memref_slice %arg2[%add3A_1127, %dma_start3A_1131, %dma_start3A_1132] : memref<320x125x128xf32, #tpu.memory_space<hbm>> -> memref<1x125x128xf32, #tpu.memory_space<hbm>>
      %dma_start3A_1134 = tpu.memref_squeeze %dma_start3A_1133 : memref<1x125x128xf32, #tpu.memory_space<hbm>> -> memref<125x128xf32, #tpu.memory_space<hbm>>
      %dma_start3A_1135 = arith.constant 0 : i32
      %dma_start3A_1136 = arith.constant 0 : i32
      %dma_start3A_1137 = tpu.memref_slice %arg5[%dma_start3A_1135, %dma_start3A_1136] : memref<128x128xf32, #tpu.memory_space<vmem>> -> memref<125x128xf32, #tpu.memory_space<vmem>>
      %dma_start3A_1138 = arith.constant 0 : i32
      %dma_start3A_1139 = arith.constant 0 : i32
      %dma_start3A_1140 = tpu.memref_slice %arg2[%add3A_1127, %dma_start3A_1138, %dma_start3A_1139] : memref<320x125x128xf32, #tpu.memory_space<hbm>> -> memref<1x125x128xf32, #tpu.memory_space<hbm>>
      %dma_start3A_1141 = tpu.memref_squeeze %dma_start3A_1140 : memref<1x125x128xf32, #tpu.memory_space<hbm>> -> memref<125x128xf32, #tpu.memory_space<hbm>>
      tpu.enqueue_dma source(%dma_start3A_1141 : memref<125x128xf32, #tpu.memory_space<hbm>>) target(%dma_start3A_1137 : memref<125x128xf32, #tpu.memory_space<vmem>>) target_semaphore(%arg9 : memref<!tpu.dma_semaphore, #tpu.memory_space<semaphore_mem>>)
      %mul3A_1142 = arith.constant 16 : i32
      %mul3A_1143 = arith.muli %add3A_18, %mul3A_1142 : i32
      %add3A_1144 = arith.constant 0 : i32
      %add3A_1145 = arith.addi %mul3A_1143, %add3A_1144 : i32
      %mul3A_1146 = arith.constant 5 : i32
      %mul3A_1147 = arith.muli %add3A_1145, %mul3A_1146 : i32
      %add3A_1148 = arith.constant 4 : i32
      %add3A_1149 = arith.addi %mul3A_1147, %add3A_1148 : i32
      %mul3A_1150 = arith.constant 128 : i32
      %mul3A_1151 = arith.muli %add3A_1149, %mul3A_1150 : i32
      %multiple_of3A_1152 = tpu.assume_multiple %mul3A_1151, 8 : i32
      %dma_start3A_1153 = tpu.memref_slice %arg3[%multiple_of3A_1152] : memref<655360xi32, #tpu.memory_space<hbm>> -> memref<128xi32, #tpu.memory_space<hbm>>
      %dma_start3A_1154 = tpu.memref_slice %arg3[%multiple_of3A_1152] : memref<655360xi32, #tpu.memory_space<hbm>> -> memref<128xi32, #tpu.memory_space<hbm>>
      tpu.enqueue_dma source(%dma_start3A_1154 : memref<128xi32, #tpu.memory_space<hbm>>) target(%arg11 : memref<128xi32, #tpu.memory_space<vmem>>) target_semaphore(%arg9 : memref<!tpu.dma_semaphore, #tpu.memory_space<semaphore_mem>>)
      %mul3A_1155 = arith.constant 16 : i32
      %mul3A_1156 = arith.muli %add3A_18, %mul3A_1155 : i32
      %add3A_1157 = arith.constant 1 : i32
      %add3A_1158 = arith.addi %mul3A_1156, %add3A_1157 : i32
      %mul3A_1159 = arith.constant 5 : i32
      %mul3A_1160 = arith.muli %add3A_1158, %mul3A_1159 : i32
      %add3A_1161 = arith.constant 4 : i32
      %add3A_1162 = arith.addi %mul3A_1160, %add3A_1161 : i32
      %mul3A_1163 = arith.constant 128 : i32
      %mul3A_1164 = arith.muli %add3A_1162, %mul3A_1163 : i32
      %multiple_of3A_1165 = tpu.assume_multiple %mul3A_1164, 8 : i32
      %dma_start3A_1166 = tpu.memref_slice %arg3[%multiple_of3A_1165] : memref<655360xi32, #tpu.memory_space<hbm>> -> memref<128xi32, #tpu.memory_space<hbm>>
      %dma_start3A_1167 = tpu.memref_slice %arg3[%multiple_of3A_1165] : memref<655360xi32, #tpu.memory_space<hbm>> -> memref<128xi32, #tpu.memory_space<hbm>>
      tpu.enqueue_dma source(%dma_start3A_1167 : memref<128xi32, #tpu.memory_space<hbm>>) target(%arg12 : memref<128xi32, #tpu.memory_space<vmem>>) target_semaphore(%arg9 : memref<!tpu.dma_semaphore, #tpu.memory_space<semaphore_mem>>)
      %mul3A_1168 = arith.constant 16 : i32
      %mul3A_1169 = arith.muli %add3A_18, %mul3A_1168 : i32
      %add3A_1170 = arith.constant 2 : i32
      %add3A_1171 = arith.addi %mul3A_1169, %add3A_1170 : i32
      %mul3A_1172 = arith.constant 5 : i32
      %mul3A_1173 = arith.muli %add3A_1171, %mul3A_1172 : i32
      %add3A_1174 = arith.constant 4 : i32
      %add3A_1175 = arith.addi %mul3A_1173, %add3A_1174 : i32
      %mul3A_1176 = arith.constant 128 : i32
      %mul3A_1177 = arith.muli %add3A_1175, %mul3A_1176 : i32
      %multiple_of3A_1178 = tpu.assume_multiple %mul3A_1177, 8 : i32
      %dma_start3A_1179 = tpu.memref_slice %arg3[%multiple_of3A_1178] : memref<655360xi32, #tpu.memory_space<hbm>> -> memref<128xi32, #tpu.memory_space<hbm>>
      %dma_start3A_1180 = tpu.memref_slice %arg3[%multiple_of3A_1178] : memref<655360xi32, #tpu.memory_space<hbm>> -> memref<128xi32, #tpu.memory_space<hbm>>
      tpu.enqueue_dma source(%dma_start3A_1180 : memref<128xi32, #tpu.memory_space<hbm>>) target(%arg13 : memref<128xi32, #tpu.memory_space<vmem>>) target_semaphore(%arg9 : memref<!tpu.dma_semaphore, #tpu.memory_space<semaphore_mem>>)
      %mul3A_1181 = arith.constant 16 : i32
      %mul3A_1182 = arith.muli %add3A_18, %mul3A_1181 : i32
      %add3A_1183 = arith.constant 3 : i32
      %add3A_1184 = arith.addi %mul3A_1182, %add3A_1183 : i32
      %mul3A_1185 = arith.constant 5 : i32
      %mul3A_1186 = arith.muli %add3A_1184, %mul3A_1185 : i32
      %add3A_1187 = arith.constant 4 : i32
      %add3A_1188 = arith.addi %mul3A_1186, %add3A_1187 : i32
      %mul3A_1189 = arith.constant 128 : i32
      %mul3A_1190 = arith.muli %add3A_1188, %mul3A_1189 : i32
      %multiple_of3A_1191 = tpu.assume_multiple %mul3A_1190, 8 : i32
      %dma_start3A_1192 = tpu.memref_slice %arg3[%multiple_of3A_1191] : memref<655360xi32, #tpu.memory_space<hbm>> -> memref<128xi32, #tpu.memory_space<hbm>>
      %dma_start3A_1193 = tpu.memref_slice %arg3[%multiple_of3A_1191] : memref<655360xi32, #tpu.memory_space<hbm>> -> memref<128xi32, #tpu.memory_space<hbm>>
      tpu.enqueue_dma source(%dma_start3A_1193 : memref<128xi32, #tpu.memory_space<hbm>>) target(%arg14 : memref<128xi32, #tpu.memory_space<vmem>>) target_semaphore(%arg9 : memref<!tpu.dma_semaphore, #tpu.memory_space<semaphore_mem>>)
      %mul3A_1194 = arith.constant 16 : i32
      %mul3A_1195 = arith.muli %add3A_18, %mul3A_1194 : i32
      %add3A_1196 = arith.constant 4 : i32
      %add3A_1197 = arith.addi %mul3A_1195, %add3A_1196 : i32
      %mul3A_1198 = arith.constant 5 : i32
      %mul3A_1199 = arith.muli %add3A_1197, %mul3A_1198 : i32
      %add3A_1200 = arith.constant 4 : i32
      %add3A_1201 = arith.addi %mul3A_1199, %add3A_1200 : i32
      %mul3A_1202 = arith.constant 128 : i32
      %mul3A_1203 = arith.muli %add3A_1201, %mul3A_1202 : i32
      %multiple_of3A_1204 = tpu.assume_multiple %mul3A_1203, 8 : i32
      %dma_start3A_1205 = tpu.memref_slice %arg3[%multiple_of3A_1204] : memref<655360xi32, #tpu.memory_space<hbm>> -> memref<128xi32, #tpu.memory_space<hbm>>
      %dma_start3A_1206 = tpu.memref_slice %arg3[%multiple_of3A_1204] : memref<655360xi32, #tpu.memory_space<hbm>> -> memref<128xi32, #tpu.memory_space<hbm>>
      tpu.enqueue_dma source(%dma_start3A_1206 : memref<128xi32, #tpu.memory_space<hbm>>) target(%arg15 : memref<128xi32, #tpu.memory_space<vmem>>) target_semaphore(%arg9 : memref<!tpu.dma_semaphore, #tpu.memory_space<semaphore_mem>>)
      %mul3A_1207 = arith.constant 16 : i32
      %mul3A_1208 = arith.muli %add3A_18, %mul3A_1207 : i32
      %add3A_1209 = arith.constant 5 : i32
      %add3A_1210 = arith.addi %mul3A_1208, %add3A_1209 : i32
      %mul3A_1211 = arith.constant 5 : i32
      %mul3A_1212 = arith.muli %add3A_1210, %mul3A_1211 : i32
      %add3A_1213 = arith.constant 4 : i32
      %add3A_1214 = arith.addi %mul3A_1212, %add3A_1213 : i32
      %mul3A_1215 = arith.constant 128 : i32
      %mul3A_1216 = arith.muli %add3A_1214, %mul3A_1215 : i32
      %multiple_of3A_1217 = tpu.assume_multiple %mul3A_1216, 8 : i32
      %dma_start3A_1218 = tpu.memref_slice %arg3[%multiple_of3A_1217] : memref<655360xi32, #tpu.memory_space<hbm>> -> memref<128xi32, #tpu.memory_space<hbm>>
      %dma_start3A_1219 = tpu.memref_slice %arg3[%multiple_of3A_1217] : memref<655360xi32, #tpu.memory_space<hbm>> -> memref<128xi32, #tpu.memory_space<hbm>>
      tpu.enqueue_dma source(%dma_start3A_1219 : memref<128xi32, #tpu.memory_space<hbm>>) target(%arg16 : memref<128xi32, #tpu.memory_space<vmem>>) target_semaphore(%arg9 : memref<!tpu.dma_semaphore, #tpu.memory_space<semaphore_mem>>)
      %mul3A_1220 = arith.constant 16 : i32
      %mul3A_1221 = arith.muli %add3A_18, %mul3A_1220 : i32
      %add3A_1222 = arith.constant 6 : i32
      %add3A_1223 = arith.addi %mul3A_1221, %add3A_1222 : i32
      %mul3A_1224 = arith.constant 5 : i32
      %mul3A_1225 = arith.muli %add3A_1223, %mul3A_1224 : i32
      %add3A_1226 = arith.constant 4 : i32
      %add3A_1227 = arith.addi %mul3A_1225, %add3A_1226 : i32
      %mul3A_1228 = arith.constant 128 : i32
      %mul3A_1229 = arith.muli %add3A_1227, %mul3A_1228 : i32
      %multiple_of3A_1230 = tpu.assume_multiple %mul3A_1229, 8 : i32
      %dma_start3A_1231 = tpu.memref_slice %arg3[%multiple_of3A_1230] : memref<655360xi32, #tpu.memory_space<hbm>> -> memref<128xi32, #tpu.memory_space<hbm>>
      %dma_start3A_1232 = tpu.memref_slice %arg3[%multiple_of3A_1230] : memref<655360xi32, #tpu.memory_space<hbm>> -> memref<128xi32, #tpu.memory_space<hbm>>
      tpu.enqueue_dma source(%dma_start3A_1232 : memref<128xi32, #tpu.memory_space<hbm>>) target(%arg17 : memref<128xi32, #tpu.memory_space<vmem>>) target_semaphore(%arg9 : memref<!tpu.dma_semaphore, #tpu.memory_space<semaphore_mem>>)
      %mul3A_1233 = arith.constant 16 : i32
      %mul3A_1234 = arith.muli %add3A_18, %mul3A_1233 : i32
      %add3A_1235 = arith.constant 7 : i32
      %add3A_1236 = arith.addi %mul3A_1234, %add3A_1235 : i32
      %mul3A_1237 = arith.constant 5 : i32
      %mul3A_1238 = arith.muli %add3A_1236, %mul3A_1237 : i32
      %add3A_1239 = arith.constant 4 : i32
      %add3A_1240 = arith.addi %mul3A_1238, %add3A_1239 : i32
      %mul3A_1241 = arith.constant 128 : i32
      %mul3A_1242 = arith.muli %add3A_1240, %mul3A_1241 : i32
      %multiple_of3A_1243 = tpu.assume_multiple %mul3A_1242, 8 : i32
      %dma_start3A_1244 = tpu.memref_slice %arg3[%multiple_of3A_1243] : memref<655360xi32, #tpu.memory_space<hbm>> -> memref<128xi32, #tpu.memory_space<hbm>>
      %dma_start3A_1245 = tpu.memref_slice %arg3[%multiple_of3A_1243] : memref<655360xi32, #tpu.memory_space<hbm>> -> memref<128xi32, #tpu.memory_space<hbm>>
      tpu.enqueue_dma source(%dma_start3A_1245 : memref<128xi32, #tpu.memory_space<hbm>>) target(%arg18 : memref<128xi32, #tpu.memory_space<vmem>>) target_semaphore(%arg9 : memref<!tpu.dma_semaphore, #tpu.memory_space<semaphore_mem>>)
      %mul3A_1246 = arith.constant 16 : i32
      %mul3A_1247 = arith.muli %add3A_18, %mul3A_1246 : i32
      %add3A_1248 = arith.constant 8 : i32
      %add3A_1249 = arith.addi %mul3A_1247, %add3A_1248 : i32
      %mul3A_1250 = arith.constant 5 : i32
      %mul3A_1251 = arith.muli %add3A_1249, %mul3A_1250 : i32
      %add3A_1252 = arith.constant 4 : i32
      %add3A_1253 = arith.addi %mul3A_1251, %add3A_1252 : i32
      %mul3A_1254 = arith.constant 128 : i32
      %mul3A_1255 = arith.muli %add3A_1253, %mul3A_1254 : i32
      %multiple_of3A_1256 = tpu.assume_multiple %mul3A_1255, 8 : i32
      %dma_start3A_1257 = tpu.memref_slice %arg3[%multiple_of3A_1256] : memref<655360xi32, #tpu.memory_space<hbm>> -> memref<128xi32, #tpu.memory_space<hbm>>
      %dma_start3A_1258 = tpu.memref_slice %arg3[%multiple_of3A_1256] : memref<655360xi32, #tpu.memory_space<hbm>> -> memref<128xi32, #tpu.memory_space<hbm>>
      tpu.enqueue_dma source(%dma_start3A_1258 : memref<128xi32, #tpu.memory_space<hbm>>) target(%arg19 : memref<128xi32, #tpu.memory_space<vmem>>) target_semaphore(%arg9 : memref<!tpu.dma_semaphore, #tpu.memory_space<semaphore_mem>>)
      %mul3A_1259 = arith.constant 16 : i32
      %mul3A_1260 = arith.muli %add3A_18, %mul3A_1259 : i32
      %add3A_1261 = arith.constant 9 : i32
      %add3A_1262 = arith.addi %mul3A_1260, %add3A_1261 : i32
      %mul3A_1263 = arith.constant 5 : i32
      %mul3A_1264 = arith.muli %add3A_1262, %mul3A_1263 : i32
      %add3A_1265 = arith.constant 4 : i32
      %add3A_1266 = arith.addi %mul3A_1264, %add3A_1265 : i32
      %mul3A_1267 = arith.constant 128 : i32
      %mul3A_1268 = arith.muli %add3A_1266, %mul3A_1267 : i32
      %multiple_of3A_1269 = tpu.assume_multiple %mul3A_1268, 8 : i32
      %dma_start3A_1270 = tpu.memref_slice %arg3[%multiple_of3A_1269] : memref<655360xi32, #tpu.memory_space<hbm>> -> memref<128xi32, #tpu.memory_space<hbm>>
      %dma_start3A_1271 = tpu.memref_slice %arg3[%multiple_of3A_1269] : memref<655360xi32, #tpu.memory_space<hbm>> -> memref<128xi32, #tpu.memory_space<hbm>>
      tpu.enqueue_dma source(%dma_start3A_1271 : memref<128xi32, #tpu.memory_space<hbm>>) target(%arg20 : memref<128xi32, #tpu.memory_space<vmem>>) target_semaphore(%arg9 : memref<!tpu.dma_semaphore, #tpu.memory_space<semaphore_mem>>)
      %mul3A_1272 = arith.constant 16 : i32
      %mul3A_1273 = arith.muli %add3A_18, %mul3A_1272 : i32
      %add3A_1274 = arith.constant 10 : i32
      %add3A_1275 = arith.addi %mul3A_1273, %add3A_1274 : i32
      %mul3A_1276 = arith.constant 5 : i32
      %mul3A_1277 = arith.muli %add3A_1275, %mul3A_1276 : i32
      %add3A_1278 = arith.constant 4 : i32
      %add3A_1279 = arith.addi %mul3A_1277, %add3A_1278 : i32
      %mul3A_1280 = arith.constant 128 : i32
      %mul3A_1281 = arith.muli %add3A_1279, %mul3A_1280 : i32
      %multiple_of3A_1282 = tpu.assume_multiple %mul3A_1281, 8 : i32
      %dma_start3A_1283 = tpu.memref_slice %arg3[%multiple_of3A_1282] : memref<655360xi32, #tpu.memory_space<hbm>> -> memref<128xi32, #tpu.memory_space<hbm>>
      %dma_start3A_1284 = tpu.memref_slice %arg3[%multiple_of3A_1282] : memref<655360xi32, #tpu.memory_space<hbm>> -> memref<128xi32, #tpu.memory_space<hbm>>
      tpu.enqueue_dma source(%dma_start3A_1284 : memref<128xi32, #tpu.memory_space<hbm>>) target(%arg21 : memref<128xi32, #tpu.memory_space<vmem>>) target_semaphore(%arg9 : memref<!tpu.dma_semaphore, #tpu.memory_space<semaphore_mem>>)
      %mul3A_1285 = arith.constant 16 : i32
      %mul3A_1286 = arith.muli %add3A_18, %mul3A_1285 : i32
      %add3A_1287 = arith.constant 11 : i32
      %add3A_1288 = arith.addi %mul3A_1286, %add3A_1287 : i32
      %mul3A_1289 = arith.constant 5 : i32
      %mul3A_1290 = arith.muli %add3A_1288, %mul3A_1289 : i32
      %add3A_1291 = arith.constant 4 : i32
      %add3A_1292 = arith.addi %mul3A_1290, %add3A_1291 : i32
      %mul3A_1293 = arith.constant 128 : i32
      %mul3A_1294 = arith.muli %add3A_1292, %mul3A_1293 : i32
      %multiple_of3A_1295 = tpu.assume_multiple %mul3A_1294, 8 : i32
      %dma_start3A_1296 = tpu.memref_slice %arg3[%multiple_of3A_1295] : memref<655360xi32, #tpu.memory_space<hbm>> -> memref<128xi32, #tpu.memory_space<hbm>>
      %dma_start3A_1297 = tpu.memref_slice %arg3[%multiple_of3A_1295] : memref<655360xi32, #tpu.memory_space<hbm>> -> memref<128xi32, #tpu.memory_space<hbm>>
      tpu.enqueue_dma source(%dma_start3A_1297 : memref<128xi32, #tpu.memory_space<hbm>>) target(%arg22 : memref<128xi32, #tpu.memory_space<vmem>>) target_semaphore(%arg9 : memref<!tpu.dma_semaphore, #tpu.memory_space<semaphore_mem>>)
      %mul3A_1298 = arith.constant 16 : i32
      %mul3A_1299 = arith.muli %add3A_18, %mul3A_1298 : i32
      %add3A_1300 = arith.constant 12 : i32
      %add3A_1301 = arith.addi %mul3A_1299, %add3A_1300 : i32
      %mul3A_1302 = arith.constant 5 : i32
      %mul3A_1303 = arith.muli %add3A_1301, %mul3A_1302 : i32
      %add3A_1304 = arith.constant 4 : i32
      %add3A_1305 = arith.addi %mul3A_1303, %add3A_1304 : i32
      %mul3A_1306 = arith.constant 128 : i32
      %mul3A_1307 = arith.muli %add3A_1305, %mul3A_1306 : i32
      %multiple_of3A_1308 = tpu.assume_multiple %mul3A_1307, 8 : i32
      %dma_start3A_1309 = tpu.memref_slice %arg3[%multiple_of3A_1308] : memref<655360xi32, #tpu.memory_space<hbm>> -> memref<128xi32, #tpu.memory_space<hbm>>
      %dma_start3A_1310 = tpu.memref_slice %arg3[%multiple_of3A_1308] : memref<655360xi32, #tpu.memory_space<hbm>> -> memref<128xi32, #tpu.memory_space<hbm>>
      tpu.enqueue_dma source(%dma_start3A_1310 : memref<128xi32, #tpu.memory_space<hbm>>) target(%arg23 : memref<128xi32, #tpu.memory_space<vmem>>) target_semaphore(%arg9 : memref<!tpu.dma_semaphore, #tpu.memory_space<semaphore_mem>>)
      %mul3A_1311 = arith.constant 16 : i32
      %mul3A_1312 = arith.muli %add3A_18, %mul3A_1311 : i32
      %add3A_1313 = arith.constant 13 : i32
      %add3A_1314 = arith.addi %mul3A_1312, %add3A_1313 : i32
      %mul3A_1315 = arith.constant 5 : i32
      %mul3A_1316 = arith.muli %add3A_1314, %mul3A_1315 : i32
      %add3A_1317 = arith.constant 4 : i32
      %add3A_1318 = arith.addi %mul3A_1316, %add3A_1317 : i32
      %mul3A_1319 = arith.constant 128 : i32
      %mul3A_1320 = arith.muli %add3A_1318, %mul3A_1319 : i32
      %multiple_of3A_1321 = tpu.assume_multiple %mul3A_1320, 8 : i32
      %dma_start3A_1322 = tpu.memref_slice %arg3[%multiple_of3A_1321] : memref<655360xi32, #tpu.memory_space<hbm>> -> memref<128xi32, #tpu.memory_space<hbm>>
      %dma_start3A_1323 = tpu.memref_slice %arg3[%multiple_of3A_1321] : memref<655360xi32, #tpu.memory_space<hbm>> -> memref<128xi32, #tpu.memory_space<hbm>>
      tpu.enqueue_dma source(%dma_start3A_1323 : memref<128xi32, #tpu.memory_space<hbm>>) target(%arg24 : memref<128xi32, #tpu.memory_space<vmem>>) target_semaphore(%arg9 : memref<!tpu.dma_semaphore, #tpu.memory_space<semaphore_mem>>)
      %mul3A_1324 = arith.constant 16 : i32
      %mul3A_1325 = arith.muli %add3A_18, %mul3A_1324 : i32
      %add3A_1326 = arith.constant 14 : i32
      %add3A_1327 = arith.addi %mul3A_1325, %add3A_1326 : i32
      %mul3A_1328 = arith.constant 5 : i32
      %mul3A_1329 = arith.muli %add3A_1327, %mul3A_1328 : i32
      %add3A_1330 = arith.constant 4 : i32
      %add3A_1331 = arith.addi %mul3A_1329, %add3A_1330 : i32
      %mul3A_1332 = arith.constant 128 : i32
      %mul3A_1333 = arith.muli %add3A_1331, %mul3A_1332 : i32
      %multiple_of3A_1334 = tpu.assume_multiple %mul3A_1333, 8 : i32
      %dma_start3A_1335 = tpu.memref_slice %arg3[%multiple_of3A_1334] : memref<655360xi32, #tpu.memory_space<hbm>> -> memref<128xi32, #tpu.memory_space<hbm>>
      %dma_start3A_1336 = tpu.memref_slice %arg3[%multiple_of3A_1334] : memref<655360xi32, #tpu.memory_space<hbm>> -> memref<128xi32, #tpu.memory_space<hbm>>
      tpu.enqueue_dma source(%dma_start3A_1336 : memref<128xi32, #tpu.memory_space<hbm>>) target(%arg25 : memref<128xi32, #tpu.memory_space<vmem>>) target_semaphore(%arg9 : memref<!tpu.dma_semaphore, #tpu.memory_space<semaphore_mem>>)
      %mul3A_1337 = arith.constant 16 : i32
      %mul3A_1338 = arith.muli %add3A_18, %mul3A_1337 : i32
      %add3A_1339 = arith.constant 15 : i32
      %add3A_1340 = arith.addi %mul3A_1338, %add3A_1339 : i32
      %mul3A_1341 = arith.constant 5 : i32
      %mul3A_1342 = arith.muli %add3A_1340, %mul3A_1341 : i32
      %add3A_1343 = arith.constant 4 : i32
      %add3A_1344 = arith.addi %mul3A_1342, %add3A_1343 : i32
      %mul3A_1345 = arith.constant 128 : i32
      %mul3A_1346 = arith.muli %add3A_1344, %mul3A_1345 : i32
      %multiple_of3A_1347 = tpu.assume_multiple %mul3A_1346, 8 : i32
      %dma_start3A_1348 = tpu.memref_slice %arg3[%multiple_of3A_1347] : memref<655360xi32, #tpu.memory_space<hbm>> -> memref<128xi32, #tpu.memory_space<hbm>>
      %dma_start3A_1349 = tpu.memref_slice %arg3[%multiple_of3A_1347] : memref<655360xi32, #tpu.memory_space<hbm>> -> memref<128xi32, #tpu.memory_space<hbm>>
      tpu.enqueue_dma source(%dma_start3A_1349 : memref<128xi32, #tpu.memory_space<hbm>>) target(%arg26 : memref<128xi32, #tpu.memory_space<vmem>>) target_semaphore(%arg9 : memref<!tpu.dma_semaphore, #tpu.memory_space<semaphore_mem>>)
      "tpu.region"() ({
        %run_scoped3A = tpu.sem_alloc : memref<!tpu.dma_semaphore, #tpu.memory_space<semaphore_mem>>
        %dma_start3A_1401 = arith.constant 0 : i32
        %dma_start3A_1402 = arith.constant 0 : i32
        %dma_start3A_1403 = tpu.memref_slice %arg8[%dma_start3A_1401, %dma_start3A_1402] : memref<10240x128xf32, #tpu.memory_space<vmem_shared>> -> memref<10240x128xf32, #tpu.memory_space<vmem_shared>>
        tpu.enqueue_indirect_dma source(%arg6 : memref<128x128xf32, #tpu.memory_space<vmem>>) target(%dma_start3A_1403 : memref<10240x128xf32, #tpu.memory_space<vmem_shared>>) offsets(%arg27 : memref<128xi32, #tpu.memory_space<vmem>>) semaphore(%run_scoped3A : memref<!tpu.dma_semaphore, #tpu.memory_space<semaphore_mem>>) {add = true}
        %dma_wait3A_1404 = arith.constant 0 : i32
        %dma_wait3A_1405 = arith.constant 0 : i32
        %dma_wait3A_1406 = tpu.memref_slice %arg8[%dma_wait3A_1404, %dma_wait3A_1405] : memref<10240x128xf32, #tpu.memory_space<vmem_shared>> -> memref<10240x128xf32, #tpu.memory_space<vmem_shared>>
        tpu.wait_indirect_dma semaphore(%run_scoped3A : memref<!tpu.dma_semaphore, #tpu.memory_space<semaphore_mem>>) src(%arg6 : memref<128x128xf32, #tpu.memory_space<vmem>>) dst(%dma_wait3A_1406 : memref<10240x128xf32, #tpu.memory_space<vmem_shared>>)
        tpu.yield
      }) : () -> ()
      "tpu.region"() ({
        %run_scoped3A = tpu.sem_alloc : memref<!tpu.dma_semaphore, #tpu.memory_space<semaphore_mem>>
        %dma_start3A_1401 = arith.constant 0 : i32
        %dma_start3A_1402 = arith.constant 0 : i32
        %dma_start3A_1403 = tpu.memref_slice %arg8[%dma_start3A_1401, %dma_start3A_1402] : memref<10240x128xf32, #tpu.memory_space<vmem_shared>> -> memref<10240x128xf32, #tpu.memory_space<vmem_shared>>
        tpu.enqueue_indirect_dma source(%arg6 : memref<128x128xf32, #tpu.memory_space<vmem>>) target(%dma_start3A_1403 : memref<10240x128xf32, #tpu.memory_space<vmem_shared>>) offsets(%arg28 : memref<128xi32, #tpu.memory_space<vmem>>) semaphore(%run_scoped3A : memref<!tpu.dma_semaphore, #tpu.memory_space<semaphore_mem>>) {add = true}
        %dma_wait3A_1404 = arith.constant 0 : i32
        %dma_wait3A_1405 = arith.constant 0 : i32
        %dma_wait3A_1406 = tpu.memref_slice %arg8[%dma_wait3A_1404, %dma_wait3A_1405] : memref<10240x128xf32, #tpu.memory_space<vmem_shared>> -> memref<10240x128xf32, #tpu.memory_space<vmem_shared>>
        tpu.wait_indirect_dma semaphore(%run_scoped3A : memref<!tpu.dma_semaphore, #tpu.memory_space<semaphore_mem>>) src(%arg6 : memref<128x128xf32, #tpu.memory_space<vmem>>) dst(%dma_wait3A_1406 : memref<10240x128xf32, #tpu.memory_space<vmem_shared>>)
        tpu.yield
      }) : () -> ()
      "tpu.region"() ({
        %run_scoped3A = tpu.sem_alloc : memref<!tpu.dma_semaphore, #tpu.memory_space<semaphore_mem>>
        %dma_start3A_1401 = arith.constant 0 : i32
        %dma_start3A_1402 = arith.constant 0 : i32
        %dma_start3A_1403 = tpu.memref_slice %arg8[%dma_start3A_1401, %dma_start3A_1402] : memref<10240x128xf32, #tpu.memory_space<vmem_shared>> -> memref<10240x128xf32, #tpu.memory_space<vmem_shared>>
        tpu.enqueue_indirect_dma source(%arg6 : memref<128x128xf32, #tpu.memory_space<vmem>>) target(%dma_start3A_1403 : memref<10240x128xf32, #tpu.memory_space<vmem_shared>>) offsets(%arg29 : memref<128xi32, #tpu.memory_space<vmem>>) semaphore(%run_scoped3A : memref<!tpu.dma_semaphore, #tpu.memory_space<semaphore_mem>>) {add = true}
        %dma_wait3A_1404 = arith.constant 0 : i32
        %dma_wait3A_1405 = arith.constant 0 : i32
        %dma_wait3A_1406 = tpu.memref_slice %arg8[%dma_wait3A_1404, %dma_wait3A_1405] : memref<10240x128xf32, #tpu.memory_space<vmem_shared>> -> memref<10240x128xf32, #tpu.memory_space<vmem_shared>>
        tpu.wait_indirect_dma semaphore(%run_scoped3A : memref<!tpu.dma_semaphore, #tpu.memory_space<semaphore_mem>>) src(%arg6 : memref<128x128xf32, #tpu.memory_space<vmem>>) dst(%dma_wait3A_1406 : memref<10240x128xf32, #tpu.memory_space<vmem_shared>>)
        tpu.yield
      }) : () -> ()
      "tpu.region"() ({
        %run_scoped3A = tpu.sem_alloc : memref<!tpu.dma_semaphore, #tpu.memory_space<semaphore_mem>>
        %dma_start3A_1401 = arith.constant 0 : i32
        %dma_start3A_1402 = arith.constant 0 : i32
        %dma_start3A_1403 = tpu.memref_slice %arg8[%dma_start3A_1401, %dma_start3A_1402] : memref<10240x128xf32, #tpu.memory_space<vmem_shared>> -> memref<10240x128xf32, #tpu.memory_space<vmem_shared>>
        tpu.enqueue_indirect_dma source(%arg6 : memref<128x128xf32, #tpu.memory_space<vmem>>) target(%dma_start3A_1403 : memref<10240x128xf32, #tpu.memory_space<vmem_shared>>) offsets(%arg30 : memref<128xi32, #tpu.memory_space<vmem>>) semaphore(%run_scoped3A : memref<!tpu.dma_semaphore, #tpu.memory_space<semaphore_mem>>) {add = true}
        %dma_wait3A_1404 = arith.constant 0 : i32
        %dma_wait3A_1405 = arith.constant 0 : i32
        %dma_wait3A_1406 = tpu.memref_slice %arg8[%dma_wait3A_1404, %dma_wait3A_1405] : memref<10240x128xf32, #tpu.memory_space<vmem_shared>> -> memref<10240x128xf32, #tpu.memory_space<vmem_shared>>
        tpu.wait_indirect_dma semaphore(%run_scoped3A : memref<!tpu.dma_semaphore, #tpu.memory_space<semaphore_mem>>) src(%arg6 : memref<128x128xf32, #tpu.memory_space<vmem>>) dst(%dma_wait3A_1406 : memref<10240x128xf32, #tpu.memory_space<vmem_shared>>)
        tpu.yield
      }) : () -> ()
      "tpu.region"() ({
        %run_scoped3A = tpu.sem_alloc : memref<!tpu.dma_semaphore, #tpu.memory_space<semaphore_mem>>
        %dma_start3A_1401 = arith.constant 0 : i32
        %dma_start3A_1402 = arith.constant 0 : i32
        %dma_start3A_1403 = tpu.memref_slice %arg8[%dma_start3A_1401, %dma_start3A_1402] : memref<10240x128xf32, #tpu.memory_space<vmem_shared>> -> memref<10240x128xf32, #tpu.memory_space<vmem_shared>>
        tpu.enqueue_indirect_dma source(%arg6 : memref<128x128xf32, #tpu.memory_space<vmem>>) target(%dma_start3A_1403 : memref<10240x128xf32, #tpu.memory_space<vmem_shared>>) offsets(%arg31 : memref<128xi32, #tpu.memory_space<vmem>>) semaphore(%run_scoped3A : memref<!tpu.dma_semaphore, #tpu.memory_space<semaphore_mem>>) {add = true}
        %dma_wait3A_1404 = arith.constant 0 : i32
        %dma_wait3A_1405 = arith.constant 0 : i32
        %dma_wait3A_1406 = tpu.memref_slice %arg8[%dma_wait3A_1404, %dma_wait3A_1405] : memref<10240x128xf32, #tpu.memory_space<vmem_shared>> -> memref<10240x128xf32, #tpu.memory_space<vmem_shared>>
        tpu.wait_indirect_dma semaphore(%run_scoped3A : memref<!tpu.dma_semaphore, #tpu.memory_space<semaphore_mem>>) src(%arg6 : memref<128x128xf32, #tpu.memory_space<vmem>>) dst(%dma_wait3A_1406 : memref<10240x128xf32, #tpu.memory_space<vmem_shared>>)
        tpu.yield
      }) : () -> ()
      "tpu.region"() ({
        %run_scoped3A = tpu.sem_alloc : memref<!tpu.dma_semaphore, #tpu.memory_space<semaphore_mem>>
        %dma_start3A_1401 = arith.constant 0 : i32
        %dma_start3A_1402 = arith.constant 0 : i32
        %dma_start3A_1403 = tpu.memref_slice %arg8[%dma_start3A_1401, %dma_start3A_1402] : memref<10240x128xf32, #tpu.memory_space<vmem_shared>> -> memref<10240x128xf32, #tpu.memory_space<vmem_shared>>
        tpu.enqueue_indirect_dma source(%arg6 : memref<128x128xf32, #tpu.memory_space<vmem>>) target(%dma_start3A_1403 : memref<10240x128xf32, #tpu.memory_space<vmem_shared>>) offsets(%arg32 : memref<128xi32, #tpu.memory_space<vmem>>) semaphore(%run_scoped3A : memref<!tpu.dma_semaphore, #tpu.memory_space<semaphore_mem>>) {add = true}
        %dma_wait3A_1404 = arith.constant 0 : i32
        %dma_wait3A_1405 = arith.constant 0 : i32
        %dma_wait3A_1406 = tpu.memref_slice %arg8[%dma_wait3A_1404, %dma_wait3A_1405] : memref<10240x128xf32, #tpu.memory_space<vmem_shared>> -> memref<10240x128xf32, #tpu.memory_space<vmem_shared>>
        tpu.wait_indirect_dma semaphore(%run_scoped3A : memref<!tpu.dma_semaphore, #tpu.memory_space<semaphore_mem>>) src(%arg6 : memref<128x128xf32, #tpu.memory_space<vmem>>) dst(%dma_wait3A_1406 : memref<10240x128xf32, #tpu.memory_space<vmem_shared>>)
        tpu.yield
      }) : () -> ()
      "tpu.region"() ({
        %run_scoped3A = tpu.sem_alloc : memref<!tpu.dma_semaphore, #tpu.memory_space<semaphore_mem>>
        %dma_start3A_1401 = arith.constant 0 : i32
        %dma_start3A_1402 = arith.constant 0 : i32
        %dma_start3A_1403 = tpu.memref_slice %arg8[%dma_start3A_1401, %dma_start3A_1402] : memref<10240x128xf32, #tpu.memory_space<vmem_shared>> -> memref<10240x128xf32, #tpu.memory_space<vmem_shared>>
        tpu.enqueue_indirect_dma source(%arg6 : memref<128x128xf32, #tpu.memory_space<vmem>>) target(%dma_start3A_1403 : memref<10240x128xf32, #tpu.memory_space<vmem_shared>>) offsets(%arg33 : memref<128xi32, #tpu.memory_space<vmem>>) semaphore(%run_scoped3A : memref<!tpu.dma_semaphore, #tpu.memory_space<semaphore_mem>>) {add = true}
        %dma_wait3A_1404 = arith.constant 0 : i32
        %dma_wait3A_1405 = arith.constant 0 : i32
        %dma_wait3A_1406 = tpu.memref_slice %arg8[%dma_wait3A_1404, %dma_wait3A_1405] : memref<10240x128xf32, #tpu.memory_space<vmem_shared>> -> memref<10240x128xf32, #tpu.memory_space<vmem_shared>>
        tpu.wait_indirect_dma semaphore(%run_scoped3A : memref<!tpu.dma_semaphore, #tpu.memory_space<semaphore_mem>>) src(%arg6 : memref<128x128xf32, #tpu.memory_space<vmem>>) dst(%dma_wait3A_1406 : memref<10240x128xf32, #tpu.memory_space<vmem_shared>>)
        tpu.yield
      }) : () -> ()
      "tpu.region"() ({
        %run_scoped3A = tpu.sem_alloc : memref<!tpu.dma_semaphore, #tpu.memory_space<semaphore_mem>>
        %dma_start3A_1401 = arith.constant 0 : i32
        %dma_start3A_1402 = arith.constant 0 : i32
        %dma_start3A_1403 = tpu.memref_slice %arg8[%dma_start3A_1401, %dma_start3A_1402] : memref<10240x128xf32, #tpu.memory_space<vmem_shared>> -> memref<10240x128xf32, #tpu.memory_space<vmem_shared>>
        tpu.enqueue_indirect_dma source(%arg6 : memref<128x128xf32, #tpu.memory_space<vmem>>) target(%dma_start3A_1403 : memref<10240x128xf32, #tpu.memory_space<vmem_shared>>) offsets(%arg34 : memref<128xi32, #tpu.memory_space<vmem>>) semaphore(%run_scoped3A : memref<!tpu.dma_semaphore, #tpu.memory_space<semaphore_mem>>) {add = true}
        %dma_wait3A_1404 = arith.constant 0 : i32
        %dma_wait3A_1405 = arith.constant 0 : i32
        %dma_wait3A_1406 = tpu.memref_slice %arg8[%dma_wait3A_1404, %dma_wait3A_1405] : memref<10240x128xf32, #tpu.memory_space<vmem_shared>> -> memref<10240x128xf32, #tpu.memory_space<vmem_shared>>
        tpu.wait_indirect_dma semaphore(%run_scoped3A : memref<!tpu.dma_semaphore, #tpu.memory_space<semaphore_mem>>) src(%arg6 : memref<128x128xf32, #tpu.memory_space<vmem>>) dst(%dma_wait3A_1406 : memref<10240x128xf32, #tpu.memory_space<vmem_shared>>)
        tpu.yield
      }) : () -> ()
      "tpu.region"() ({
        %run_scoped3A = tpu.sem_alloc : memref<!tpu.dma_semaphore, #tpu.memory_space<semaphore_mem>>
        %dma_start3A_1401 = arith.constant 0 : i32
        %dma_start3A_1402 = arith.constant 0 : i32
        %dma_start3A_1403 = tpu.memref_slice %arg8[%dma_start3A_1401, %dma_start3A_1402] : memref<10240x128xf32, #tpu.memory_space<vmem_shared>> -> memref<10240x128xf32, #tpu.memory_space<vmem_shared>>
        tpu.enqueue_indirect_dma source(%arg6 : memref<128x128xf32, #tpu.memory_space<vmem>>) target(%dma_start3A_1403 : memref<10240x128xf32, #tpu.memory_space<vmem_shared>>) offsets(%arg35 : memref<128xi32, #tpu.memory_space<vmem>>) semaphore(%run_scoped3A : memref<!tpu.dma_semaphore, #tpu.memory_space<semaphore_mem>>) {add = true}
        %dma_wait3A_1404 = arith.constant 0 : i32
        %dma_wait3A_1405 = arith.constant 0 : i32
        %dma_wait3A_1406 = tpu.memref_slice %arg8[%dma_wait3A_1404, %dma_wait3A_1405] : memref<10240x128xf32, #tpu.memory_space<vmem_shared>> -> memref<10240x128xf32, #tpu.memory_space<vmem_shared>>
        tpu.wait_indirect_dma semaphore(%run_scoped3A : memref<!tpu.dma_semaphore, #tpu.memory_space<semaphore_mem>>) src(%arg6 : memref<128x128xf32, #tpu.memory_space<vmem>>) dst(%dma_wait3A_1406 : memref<10240x128xf32, #tpu.memory_space<vmem_shared>>)
        tpu.yield
      }) : () -> ()
      "tpu.region"() ({
        %run_scoped3A = tpu.sem_alloc : memref<!tpu.dma_semaphore, #tpu.memory_space<semaphore_mem>>
        %dma_start3A_1401 = arith.constant 0 : i32
        %dma_start3A_1402 = arith.constant 0 : i32
        %dma_start3A_1403 = tpu.memref_slice %arg8[%dma_start3A_1401, %dma_start3A_1402] : memref<10240x128xf32, #tpu.memory_space<vmem_shared>> -> memref<10240x128xf32, #tpu.memory_space<vmem_shared>>
        tpu.enqueue_indirect_dma source(%arg6 : memref<128x128xf32, #tpu.memory_space<vmem>>) target(%dma_start3A_1403 : memref<10240x128xf32, #tpu.memory_space<vmem_shared>>) offsets(%arg36 : memref<128xi32, #tpu.memory_space<vmem>>) semaphore(%run_scoped3A : memref<!tpu.dma_semaphore, #tpu.memory_space<semaphore_mem>>) {add = true}
        %dma_wait3A_1404 = arith.constant 0 : i32
        %dma_wait3A_1405 = arith.constant 0 : i32
        %dma_wait3A_1406 = tpu.memref_slice %arg8[%dma_wait3A_1404, %dma_wait3A_1405] : memref<10240x128xf32, #tpu.memory_space<vmem_shared>> -> memref<10240x128xf32, #tpu.memory_space<vmem_shared>>
        tpu.wait_indirect_dma semaphore(%run_scoped3A : memref<!tpu.dma_semaphore, #tpu.memory_space<semaphore_mem>>) src(%arg6 : memref<128x128xf32, #tpu.memory_space<vmem>>) dst(%dma_wait3A_1406 : memref<10240x128xf32, #tpu.memory_space<vmem_shared>>)
        tpu.yield
      }) : () -> ()
      "tpu.region"() ({
        %run_scoped3A = tpu.sem_alloc : memref<!tpu.dma_semaphore, #tpu.memory_space<semaphore_mem>>
        %dma_start3A_1401 = arith.constant 0 : i32
        %dma_start3A_1402 = arith.constant 0 : i32
        %dma_start3A_1403 = tpu.memref_slice %arg8[%dma_start3A_1401, %dma_start3A_1402] : memref<10240x128xf32, #tpu.memory_space<vmem_shared>> -> memref<10240x128xf32, #tpu.memory_space<vmem_shared>>
        tpu.enqueue_indirect_dma source(%arg6 : memref<128x128xf32, #tpu.memory_space<vmem>>) target(%dma_start3A_1403 : memref<10240x128xf32, #tpu.memory_space<vmem_shared>>) offsets(%arg37 : memref<128xi32, #tpu.memory_space<vmem>>) semaphore(%run_scoped3A : memref<!tpu.dma_semaphore, #tpu.memory_space<semaphore_mem>>) {add = true}
        %dma_wait3A_1404 = arith.constant 0 : i32
        %dma_wait3A_1405 = arith.constant 0 : i32
        %dma_wait3A_1406 = tpu.memref_slice %arg8[%dma_wait3A_1404, %dma_wait3A_1405] : memref<10240x128xf32, #tpu.memory_space<vmem_shared>> -> memref<10240x128xf32, #tpu.memory_space<vmem_shared>>
        tpu.wait_indirect_dma semaphore(%run_scoped3A : memref<!tpu.dma_semaphore, #tpu.memory_space<semaphore_mem>>) src(%arg6 : memref<128x128xf32, #tpu.memory_space<vmem>>) dst(%dma_wait3A_1406 : memref<10240x128xf32, #tpu.memory_space<vmem_shared>>)
        tpu.yield
      }) : () -> ()
      "tpu.region"() ({
        %run_scoped3A = tpu.sem_alloc : memref<!tpu.dma_semaphore, #tpu.memory_space<semaphore_mem>>
        %dma_start3A_1401 = arith.constant 0 : i32
        %dma_start3A_1402 = arith.constant 0 : i32
        %dma_start3A_1403 = tpu.memref_slice %arg8[%dma_start3A_1401, %dma_start3A_1402] : memref<10240x128xf32, #tpu.memory_space<vmem_shared>> -> memref<10240x128xf32, #tpu.memory_space<vmem_shared>>
        tpu.enqueue_indirect_dma source(%arg6 : memref<128x128xf32, #tpu.memory_space<vmem>>) target(%dma_start3A_1403 : memref<10240x128xf32, #tpu.memory_space<vmem_shared>>) offsets(%arg38 : memref<128xi32, #tpu.memory_space<vmem>>) semaphore(%run_scoped3A : memref<!tpu.dma_semaphore, #tpu.memory_space<semaphore_mem>>) {add = true}
        %dma_wait3A_1404 = arith.constant 0 : i32
        %dma_wait3A_1405 = arith.constant 0 : i32
        %dma_wait3A_1406 = tpu.memref_slice %arg8[%dma_wait3A_1404, %dma_wait3A_1405] : memref<10240x128xf32, #tpu.memory_space<vmem_shared>> -> memref<10240x128xf32, #tpu.memory_space<vmem_shared>>
        tpu.wait_indirect_dma semaphore(%run_scoped3A : memref<!tpu.dma_semaphore, #tpu.memory_space<semaphore_mem>>) src(%arg6 : memref<128x128xf32, #tpu.memory_space<vmem>>) dst(%dma_wait3A_1406 : memref<10240x128xf32, #tpu.memory_space<vmem_shared>>)
        tpu.yield
      }) : () -> ()
      "tpu.region"() ({
        %run_scoped3A = tpu.sem_alloc : memref<!tpu.dma_semaphore, #tpu.memory_space<semaphore_mem>>
        %dma_start3A_1401 = arith.constant 0 : i32
        %dma_start3A_1402 = arith.constant 0 : i32
        %dma_start3A_1403 = tpu.memref_slice %arg8[%dma_start3A_1401, %dma_start3A_1402] : memref<10240x128xf32, #tpu.memory_space<vmem_shared>> -> memref<10240x128xf32, #tpu.memory_space<vmem_shared>>
        tpu.enqueue_indirect_dma source(%arg6 : memref<128x128xf32, #tpu.memory_space<vmem>>) target(%dma_start3A_1403 : memref<10240x128xf32, #tpu.memory_space<vmem_shared>>) offsets(%arg39 : memref<128xi32, #tpu.memory_space<vmem>>) semaphore(%run_scoped3A : memref<!tpu.dma_semaphore, #tpu.memory_space<semaphore_mem>>) {add = true}
        %dma_wait3A_1404 = arith.constant 0 : i32
        %dma_wait3A_1405 = arith.constant 0 : i32
        %dma_wait3A_1406 = tpu.memref_slice %arg8[%dma_wait3A_1404, %dma_wait3A_1405] : memref<10240x128xf32, #tpu.memory_space<vmem_shared>> -> memref<10240x128xf32, #tpu.memory_space<vmem_shared>>
        tpu.wait_indirect_dma semaphore(%run_scoped3A : memref<!tpu.dma_semaphore, #tpu.memory_space<semaphore_mem>>) src(%arg6 : memref<128x128xf32, #tpu.memory_space<vmem>>) dst(%dma_wait3A_1406 : memref<10240x128xf32, #tpu.memory_space<vmem_shared>>)
        tpu.yield
      }) : () -> ()
      "tpu.region"() ({
        %run_scoped3A = tpu.sem_alloc : memref<!tpu.dma_semaphore, #tpu.memory_space<semaphore_mem>>
        %dma_start3A_1401 = arith.constant 0 : i32
        %dma_start3A_1402 = arith.constant 0 : i32
        %dma_start3A_1403 = tpu.memref_slice %arg8[%dma_start3A_1401, %dma_start3A_1402] : memref<10240x128xf32, #tpu.memory_space<vmem_shared>> -> memref<10240x128xf32, #tpu.memory_space<vmem_shared>>
        tpu.enqueue_indirect_dma source(%arg6 : memref<128x128xf32, #tpu.memory_space<vmem>>) target(%dma_start3A_1403 : memref<10240x128xf32, #tpu.memory_space<vmem_shared>>) offsets(%arg40 : memref<128xi32, #tpu.memory_space<vmem>>) semaphore(%run_scoped3A : memref<!tpu.dma_semaphore, #tpu.memory_space<semaphore_mem>>) {add = true}
        %dma_wait3A_1404 = arith.constant 0 : i32
        %dma_wait3A_1405 = arith.constant 0 : i32
        %dma_wait3A_1406 = tpu.memref_slice %arg8[%dma_wait3A_1404, %dma_wait3A_1405] : memref<10240x128xf32, #tpu.memory_space<vmem_shared>> -> memref<10240x128xf32, #tpu.memory_space<vmem_shared>>
        tpu.wait_indirect_dma semaphore(%run_scoped3A : memref<!tpu.dma_semaphore, #tpu.memory_space<semaphore_mem>>) src(%arg6 : memref<128x128xf32, #tpu.memory_space<vmem>>) dst(%dma_wait3A_1406 : memref<10240x128xf32, #tpu.memory_space<vmem_shared>>)
        tpu.yield
      }) : () -> ()
      "tpu.region"() ({
        %run_scoped3A = tpu.sem_alloc : memref<!tpu.dma_semaphore, #tpu.memory_space<semaphore_mem>>
        %dma_start3A_1401 = arith.constant 0 : i32
        %dma_start3A_1402 = arith.constant 0 : i32
        %dma_start3A_1403 = tpu.memref_slice %arg8[%dma_start3A_1401, %dma_start3A_1402] : memref<10240x128xf32, #tpu.memory_space<vmem_shared>> -> memref<10240x128xf32, #tpu.memory_space<vmem_shared>>
        tpu.enqueue_indirect_dma source(%arg6 : memref<128x128xf32, #tpu.memory_space<vmem>>) target(%dma_start3A_1403 : memref<10240x128xf32, #tpu.memory_space<vmem_shared>>) offsets(%arg41 : memref<128xi32, #tpu.memory_space<vmem>>) semaphore(%run_scoped3A : memref<!tpu.dma_semaphore, #tpu.memory_space<semaphore_mem>>) {add = true}
        %dma_wait3A_1404 = arith.constant 0 : i32
        %dma_wait3A_1405 = arith.constant 0 : i32
        %dma_wait3A_1406 = tpu.memref_slice %arg8[%dma_wait3A_1404, %dma_wait3A_1405] : memref<10240x128xf32, #tpu.memory_space<vmem_shared>> -> memref<10240x128xf32, #tpu.memory_space<vmem_shared>>
        tpu.wait_indirect_dma semaphore(%run_scoped3A : memref<!tpu.dma_semaphore, #tpu.memory_space<semaphore_mem>>) src(%arg6 : memref<128x128xf32, #tpu.memory_space<vmem>>) dst(%dma_wait3A_1406 : memref<10240x128xf32, #tpu.memory_space<vmem_shared>>)
        tpu.yield
      }) : () -> ()
      "tpu.region"() ({
        %run_scoped3A = tpu.sem_alloc : memref<!tpu.dma_semaphore, #tpu.memory_space<semaphore_mem>>
        %dma_start3A_1401 = arith.constant 0 : i32
        %dma_start3A_1402 = arith.constant 0 : i32
        %dma_start3A_1403 = tpu.memref_slice %arg8[%dma_start3A_1401, %dma_start3A_1402] : memref<10240x128xf32, #tpu.memory_space<vmem_shared>> -> memref<10240x128xf32, #tpu.memory_space<vmem_shared>>
        tpu.enqueue_indirect_dma source(%arg6 : memref<128x128xf32, #tpu.memory_space<vmem>>) target(%dma_start3A_1403 : memref<10240x128xf32, #tpu.memory_space<vmem_shared>>) offsets(%arg42 : memref<128xi32, #tpu.memory_space<vmem>>) semaphore(%run_scoped3A : memref<!tpu.dma_semaphore, #tpu.memory_space<semaphore_mem>>) {add = true}
        %dma_wait3A_1404 = arith.constant 0 : i32
        %dma_wait3A_1405 = arith.constant 0 : i32
        %dma_wait3A_1406 = tpu.memref_slice %arg8[%dma_wait3A_1404, %dma_wait3A_1405] : memref<10240x128xf32, #tpu.memory_space<vmem_shared>> -> memref<10240x128xf32, #tpu.memory_space<vmem_shared>>
        tpu.wait_indirect_dma semaphore(%run_scoped3A : memref<!tpu.dma_semaphore, #tpu.memory_space<semaphore_mem>>) src(%arg6 : memref<128x128xf32, #tpu.memory_space<vmem>>) dst(%dma_wait3A_1406 : memref<10240x128xf32, #tpu.memory_space<vmem_shared>>)
        tpu.yield
      }) : () -> ()
      %dma_wait3A_1350 = arith.constant 0 : i32
      %dma_wait3A_1351 = arith.constant 0 : i32
      %dma_wait3A_1352 = tpu.memref_slice %arg5[%dma_wait3A_1350, %dma_wait3A_1351] : memref<128x128xf32, #tpu.memory_space<vmem>> -> memref<125x128xf32, #tpu.memory_space<vmem>>
      %dma_wait3A_1353 = arith.constant 0 : i32
      %dma_wait3A_1354 = arith.constant 0 : i32
      %dma_wait3A_1355 = tpu.memref_slice %arg2[%add3A_1127, %dma_wait3A_1353, %dma_wait3A_1354] : memref<320x125x128xf32, #tpu.memory_space<hbm>> -> memref<1x125x128xf32, #tpu.memory_space<hbm>>
      %dma_wait3A_1356 = tpu.memref_squeeze %dma_wait3A_1355 : memref<1x125x128xf32, #tpu.memory_space<hbm>> -> memref<125x128xf32, #tpu.memory_space<hbm>>
      %dma_wait3A_1357 = arith.constant 0 : i32
      %dma_wait3A_1358 = arith.constant 0 : i32
      %dma_wait3A_1359 = tpu.memref_slice %arg5[%dma_wait3A_1357, %dma_wait3A_1358] : memref<128x128xf32, #tpu.memory_space<vmem>> -> memref<125x128xf32, #tpu.memory_space<vmem>>
      %dma_wait3A_1360 = arith.constant 0 : i32
      %dma_wait3A_1361 = arith.constant 0 : i32
      %dma_wait3A_1362 = tpu.memref_slice %arg2[%add3A_1127, %dma_wait3A_1360, %dma_wait3A_1361] : memref<320x125x128xf32, #tpu.memory_space<hbm>> -> memref<1x125x128xf32, #tpu.memory_space<hbm>>
      %dma_wait3A_1363 = tpu.memref_squeeze %dma_wait3A_1362 : memref<1x125x128xf32, #tpu.memory_space<hbm>> -> memref<125x128xf32, #tpu.memory_space<hbm>>
      tpu.wait_dma2 semaphore(%arg9 : memref<!tpu.dma_semaphore, #tpu.memory_space<semaphore_mem>>) src(%dma_wait3A_1363 : memref<125x128xf32, #tpu.memory_space<hbm>>) dst(%dma_wait3A_1359 : memref<125x128xf32, #tpu.memory_space<vmem>>)
      %dma_wait3A_1364 = tpu.memref_slice %arg3[%multiple_of3A_1152] : memref<655360xi32, #tpu.memory_space<hbm>> -> memref<128xi32, #tpu.memory_space<hbm>>
      %dma_wait3A_1365 = tpu.memref_slice %arg3[%multiple_of3A_1152] : memref<655360xi32, #tpu.memory_space<hbm>> -> memref<128xi32, #tpu.memory_space<hbm>>
      tpu.wait_dma2 semaphore(%arg9 : memref<!tpu.dma_semaphore, #tpu.memory_space<semaphore_mem>>) src(%dma_wait3A_1365 : memref<128xi32, #tpu.memory_space<hbm>>) dst(%arg11 : memref<128xi32, #tpu.memory_space<vmem>>)
      %dma_wait3A_1366 = tpu.memref_slice %arg3[%multiple_of3A_1165] : memref<655360xi32, #tpu.memory_space<hbm>> -> memref<128xi32, #tpu.memory_space<hbm>>
      %dma_wait3A_1367 = tpu.memref_slice %arg3[%multiple_of3A_1165] : memref<655360xi32, #tpu.memory_space<hbm>> -> memref<128xi32, #tpu.memory_space<hbm>>
      tpu.wait_dma2 semaphore(%arg9 : memref<!tpu.dma_semaphore, #tpu.memory_space<semaphore_mem>>) src(%dma_wait3A_1367 : memref<128xi32, #tpu.memory_space<hbm>>) dst(%arg12 : memref<128xi32, #tpu.memory_space<vmem>>)
      %dma_wait3A_1368 = tpu.memref_slice %arg3[%multiple_of3A_1178] : memref<655360xi32, #tpu.memory_space<hbm>> -> memref<128xi32, #tpu.memory_space<hbm>>
      %dma_wait3A_1369 = tpu.memref_slice %arg3[%multiple_of3A_1178] : memref<655360xi32, #tpu.memory_space<hbm>> -> memref<128xi32, #tpu.memory_space<hbm>>
      tpu.wait_dma2 semaphore(%arg9 : memref<!tpu.dma_semaphore, #tpu.memory_space<semaphore_mem>>) src(%dma_wait3A_1369 : memref<128xi32, #tpu.memory_space<hbm>>) dst(%arg13 : memref<128xi32, #tpu.memory_space<vmem>>)
      %dma_wait3A_1370 = tpu.memref_slice %arg3[%multiple_of3A_1191] : memref<655360xi32, #tpu.memory_space<hbm>> -> memref<128xi32, #tpu.memory_space<hbm>>
      %dma_wait3A_1371 = tpu.memref_slice %arg3[%multiple_of3A_1191] : memref<655360xi32, #tpu.memory_space<hbm>> -> memref<128xi32, #tpu.memory_space<hbm>>
      tpu.wait_dma2 semaphore(%arg9 : memref<!tpu.dma_semaphore, #tpu.memory_space<semaphore_mem>>) src(%dma_wait3A_1371 : memref<128xi32, #tpu.memory_space<hbm>>) dst(%arg14 : memref<128xi32, #tpu.memory_space<vmem>>)
      %dma_wait3A_1372 = tpu.memref_slice %arg3[%multiple_of3A_1204] : memref<655360xi32, #tpu.memory_space<hbm>> -> memref<128xi32, #tpu.memory_space<hbm>>
      %dma_wait3A_1373 = tpu.memref_slice %arg3[%multiple_of3A_1204] : memref<655360xi32, #tpu.memory_space<hbm>> -> memref<128xi32, #tpu.memory_space<hbm>>
      tpu.wait_dma2 semaphore(%arg9 : memref<!tpu.dma_semaphore, #tpu.memory_space<semaphore_mem>>) src(%dma_wait3A_1373 : memref<128xi32, #tpu.memory_space<hbm>>) dst(%arg15 : memref<128xi32, #tpu.memory_space<vmem>>)
      %dma_wait3A_1374 = tpu.memref_slice %arg3[%multiple_of3A_1217] : memref<655360xi32, #tpu.memory_space<hbm>> -> memref<128xi32, #tpu.memory_space<hbm>>
      %dma_wait3A_1375 = tpu.memref_slice %arg3[%multiple_of3A_1217] : memref<655360xi32, #tpu.memory_space<hbm>> -> memref<128xi32, #tpu.memory_space<hbm>>
      tpu.wait_dma2 semaphore(%arg9 : memref<!tpu.dma_semaphore, #tpu.memory_space<semaphore_mem>>) src(%dma_wait3A_1375 : memref<128xi32, #tpu.memory_space<hbm>>) dst(%arg16 : memref<128xi32, #tpu.memory_space<vmem>>)
      %dma_wait3A_1376 = tpu.memref_slice %arg3[%multiple_of3A_1230] : memref<655360xi32, #tpu.memory_space<hbm>> -> memref<128xi32, #tpu.memory_space<hbm>>
      %dma_wait3A_1377 = tpu.memref_slice %arg3[%multiple_of3A_1230] : memref<655360xi32, #tpu.memory_space<hbm>> -> memref<128xi32, #tpu.memory_space<hbm>>
      tpu.wait_dma2 semaphore(%arg9 : memref<!tpu.dma_semaphore, #tpu.memory_space<semaphore_mem>>) src(%dma_wait3A_1377 : memref<128xi32, #tpu.memory_space<hbm>>) dst(%arg17 : memref<128xi32, #tpu.memory_space<vmem>>)
      %dma_wait3A_1378 = tpu.memref_slice %arg3[%multiple_of3A_1243] : memref<655360xi32, #tpu.memory_space<hbm>> -> memref<128xi32, #tpu.memory_space<hbm>>
      %dma_wait3A_1379 = tpu.memref_slice %arg3[%multiple_of3A_1243] : memref<655360xi32, #tpu.memory_space<hbm>> -> memref<128xi32, #tpu.memory_space<hbm>>
      tpu.wait_dma2 semaphore(%arg9 : memref<!tpu.dma_semaphore, #tpu.memory_space<semaphore_mem>>) src(%dma_wait3A_1379 : memref<128xi32, #tpu.memory_space<hbm>>) dst(%arg18 : memref<128xi32, #tpu.memory_space<vmem>>)
      %dma_wait3A_1380 = tpu.memref_slice %arg3[%multiple_of3A_1256] : memref<655360xi32, #tpu.memory_space<hbm>> -> memref<128xi32, #tpu.memory_space<hbm>>
      %dma_wait3A_1381 = tpu.memref_slice %arg3[%multiple_of3A_1256] : memref<655360xi32, #tpu.memory_space<hbm>> -> memref<128xi32, #tpu.memory_space<hbm>>
      tpu.wait_dma2 semaphore(%arg9 : memref<!tpu.dma_semaphore, #tpu.memory_space<semaphore_mem>>) src(%dma_wait3A_1381 : memref<128xi32, #tpu.memory_space<hbm>>) dst(%arg19 : memref<128xi32, #tpu.memory_space<vmem>>)
      %dma_wait3A_1382 = tpu.memref_slice %arg3[%multiple_of3A_1269] : memref<655360xi32, #tpu.memory_space<hbm>> -> memref<128xi32, #tpu.memory_space<hbm>>
      %dma_wait3A_1383 = tpu.memref_slice %arg3[%multiple_of3A_1269] : memref<655360xi32, #tpu.memory_space<hbm>> -> memref<128xi32, #tpu.memory_space<hbm>>
      tpu.wait_dma2 semaphore(%arg9 : memref<!tpu.dma_semaphore, #tpu.memory_space<semaphore_mem>>) src(%dma_wait3A_1383 : memref<128xi32, #tpu.memory_space<hbm>>) dst(%arg20 : memref<128xi32, #tpu.memory_space<vmem>>)
      %dma_wait3A_1384 = tpu.memref_slice %arg3[%multiple_of3A_1282] : memref<655360xi32, #tpu.memory_space<hbm>> -> memref<128xi32, #tpu.memory_space<hbm>>
      %dma_wait3A_1385 = tpu.memref_slice %arg3[%multiple_of3A_1282] : memref<655360xi32, #tpu.memory_space<hbm>> -> memref<128xi32, #tpu.memory_space<hbm>>
      tpu.wait_dma2 semaphore(%arg9 : memref<!tpu.dma_semaphore, #tpu.memory_space<semaphore_mem>>) src(%dma_wait3A_1385 : memref<128xi32, #tpu.memory_space<hbm>>) dst(%arg21 : memref<128xi32, #tpu.memory_space<vmem>>)
      %dma_wait3A_1386 = tpu.memref_slice %arg3[%multiple_of3A_1295] : memref<655360xi32, #tpu.memory_space<hbm>> -> memref<128xi32, #tpu.memory_space<hbm>>
      %dma_wait3A_1387 = tpu.memref_slice %arg3[%multiple_of3A_1295] : memref<655360xi32, #tpu.memory_space<hbm>> -> memref<128xi32, #tpu.memory_space<hbm>>
      tpu.wait_dma2 semaphore(%arg9 : memref<!tpu.dma_semaphore, #tpu.memory_space<semaphore_mem>>) src(%dma_wait3A_1387 : memref<128xi32, #tpu.memory_space<hbm>>) dst(%arg22 : memref<128xi32, #tpu.memory_space<vmem>>)
      %dma_wait3A_1388 = tpu.memref_slice %arg3[%multiple_of3A_1308] : memref<655360xi32, #tpu.memory_space<hbm>> -> memref<128xi32, #tpu.memory_space<hbm>>
      %dma_wait3A_1389 = tpu.memref_slice %arg3[%multiple_of3A_1308] : memref<655360xi32, #tpu.memory_space<hbm>> -> memref<128xi32, #tpu.memory_space<hbm>>
      tpu.wait_dma2 semaphore(%arg9 : memref<!tpu.dma_semaphore, #tpu.memory_space<semaphore_mem>>) src(%dma_wait3A_1389 : memref<128xi32, #tpu.memory_space<hbm>>) dst(%arg23 : memref<128xi32, #tpu.memory_space<vmem>>)
      %dma_wait3A_1390 = tpu.memref_slice %arg3[%multiple_of3A_1321] : memref<655360xi32, #tpu.memory_space<hbm>> -> memref<128xi32, #tpu.memory_space<hbm>>
      %dma_wait3A_1391 = tpu.memref_slice %arg3[%multiple_of3A_1321] : memref<655360xi32, #tpu.memory_space<hbm>> -> memref<128xi32, #tpu.memory_space<hbm>>
      tpu.wait_dma2 semaphore(%arg9 : memref<!tpu.dma_semaphore, #tpu.memory_space<semaphore_mem>>) src(%dma_wait3A_1391 : memref<128xi32, #tpu.memory_space<hbm>>) dst(%arg24 : memref<128xi32, #tpu.memory_space<vmem>>)
      %dma_wait3A_1392 = tpu.memref_slice %arg3[%multiple_of3A_1334] : memref<655360xi32, #tpu.memory_space<hbm>> -> memref<128xi32, #tpu.memory_space<hbm>>
      %dma_wait3A_1393 = tpu.memref_slice %arg3[%multiple_of3A_1334] : memref<655360xi32, #tpu.memory_space<hbm>> -> memref<128xi32, #tpu.memory_space<hbm>>
      tpu.wait_dma2 semaphore(%arg9 : memref<!tpu.dma_semaphore, #tpu.memory_space<semaphore_mem>>) src(%dma_wait3A_1393 : memref<128xi32, #tpu.memory_space<hbm>>) dst(%arg25 : memref<128xi32, #tpu.memory_space<vmem>>)
      %dma_wait3A_1394 = tpu.memref_slice %arg3[%multiple_of3A_1347] : memref<655360xi32, #tpu.memory_space<hbm>> -> memref<128xi32, #tpu.memory_space<hbm>>
      %dma_wait3A_1395 = tpu.memref_slice %arg3[%multiple_of3A_1347] : memref<655360xi32, #tpu.memory_space<hbm>> -> memref<128xi32, #tpu.memory_space<hbm>>
      tpu.wait_dma2 semaphore(%arg9 : memref<!tpu.dma_semaphore, #tpu.memory_space<semaphore_mem>>) src(%dma_wait3A_1395 : memref<128xi32, #tpu.memory_space<hbm>>) dst(%arg26 : memref<128xi32, #tpu.memory_space<vmem>>)
      "tpu.region"() ({
        %run_scoped3A = tpu.sem_alloc : memref<!tpu.dma_semaphore, #tpu.memory_space<semaphore_mem>>
        %dma_start3A_1401 = arith.constant 0 : i32
        %dma_start3A_1402 = arith.constant 0 : i32
        %dma_start3A_1403 = tpu.memref_slice %arg8[%dma_start3A_1401, %dma_start3A_1402] : memref<10240x128xf32, #tpu.memory_space<vmem_shared>> -> memref<10240x128xf32, #tpu.memory_space<vmem_shared>>
        tpu.enqueue_indirect_dma source(%arg5 : memref<128x128xf32, #tpu.memory_space<vmem>>) target(%dma_start3A_1403 : memref<10240x128xf32, #tpu.memory_space<vmem_shared>>) offsets(%arg11 : memref<128xi32, #tpu.memory_space<vmem>>) semaphore(%run_scoped3A : memref<!tpu.dma_semaphore, #tpu.memory_space<semaphore_mem>>) {add = true}
        %dma_wait3A_1404 = arith.constant 0 : i32
        %dma_wait3A_1405 = arith.constant 0 : i32
        %dma_wait3A_1406 = tpu.memref_slice %arg8[%dma_wait3A_1404, %dma_wait3A_1405] : memref<10240x128xf32, #tpu.memory_space<vmem_shared>> -> memref<10240x128xf32, #tpu.memory_space<vmem_shared>>
        tpu.wait_indirect_dma semaphore(%run_scoped3A : memref<!tpu.dma_semaphore, #tpu.memory_space<semaphore_mem>>) src(%arg5 : memref<128x128xf32, #tpu.memory_space<vmem>>) dst(%dma_wait3A_1406 : memref<10240x128xf32, #tpu.memory_space<vmem_shared>>)
        tpu.yield
      }) : () -> ()
      "tpu.region"() ({
        %run_scoped3A = tpu.sem_alloc : memref<!tpu.dma_semaphore, #tpu.memory_space<semaphore_mem>>
        %dma_start3A_1401 = arith.constant 0 : i32
        %dma_start3A_1402 = arith.constant 0 : i32
        %dma_start3A_1403 = tpu.memref_slice %arg8[%dma_start3A_1401, %dma_start3A_1402] : memref<10240x128xf32, #tpu.memory_space<vmem_shared>> -> memref<10240x128xf32, #tpu.memory_space<vmem_shared>>
        tpu.enqueue_indirect_dma source(%arg5 : memref<128x128xf32, #tpu.memory_space<vmem>>) target(%dma_start3A_1403 : memref<10240x128xf32, #tpu.memory_space<vmem_shared>>) offsets(%arg12 : memref<128xi32, #tpu.memory_space<vmem>>) semaphore(%run_scoped3A : memref<!tpu.dma_semaphore, #tpu.memory_space<semaphore_mem>>) {add = true}
        %dma_wait3A_1404 = arith.constant 0 : i32
        %dma_wait3A_1405 = arith.constant 0 : i32
        %dma_wait3A_1406 = tpu.memref_slice %arg8[%dma_wait3A_1404, %dma_wait3A_1405] : memref<10240x128xf32, #tpu.memory_space<vmem_shared>> -> memref<10240x128xf32, #tpu.memory_space<vmem_shared>>
        tpu.wait_indirect_dma semaphore(%run_scoped3A : memref<!tpu.dma_semaphore, #tpu.memory_space<semaphore_mem>>) src(%arg5 : memref<128x128xf32, #tpu.memory_space<vmem>>) dst(%dma_wait3A_1406 : memref<10240x128xf32, #tpu.memory_space<vmem_shared>>)
        tpu.yield
      }) : () -> ()
      "tpu.region"() ({
        %run_scoped3A = tpu.sem_alloc : memref<!tpu.dma_semaphore, #tpu.memory_space<semaphore_mem>>
        %dma_start3A_1401 = arith.constant 0 : i32
        %dma_start3A_1402 = arith.constant 0 : i32
        %dma_start3A_1403 = tpu.memref_slice %arg8[%dma_start3A_1401, %dma_start3A_1402] : memref<10240x128xf32, #tpu.memory_space<vmem_shared>> -> memref<10240x128xf32, #tpu.memory_space<vmem_shared>>
        tpu.enqueue_indirect_dma source(%arg5 : memref<128x128xf32, #tpu.memory_space<vmem>>) target(%dma_start3A_1403 : memref<10240x128xf32, #tpu.memory_space<vmem_shared>>) offsets(%arg13 : memref<128xi32, #tpu.memory_space<vmem>>) semaphore(%run_scoped3A : memref<!tpu.dma_semaphore, #tpu.memory_space<semaphore_mem>>) {add = true}
        %dma_wait3A_1404 = arith.constant 0 : i32
        %dma_wait3A_1405 = arith.constant 0 : i32
        %dma_wait3A_1406 = tpu.memref_slice %arg8[%dma_wait3A_1404, %dma_wait3A_1405] : memref<10240x128xf32, #tpu.memory_space<vmem_shared>> -> memref<10240x128xf32, #tpu.memory_space<vmem_shared>>
        tpu.wait_indirect_dma semaphore(%run_scoped3A : memref<!tpu.dma_semaphore, #tpu.memory_space<semaphore_mem>>) src(%arg5 : memref<128x128xf32, #tpu.memory_space<vmem>>) dst(%dma_wait3A_1406 : memref<10240x128xf32, #tpu.memory_space<vmem_shared>>)
        tpu.yield
      }) : () -> ()
      "tpu.region"() ({
        %run_scoped3A = tpu.sem_alloc : memref<!tpu.dma_semaphore, #tpu.memory_space<semaphore_mem>>
        %dma_start3A_1401 = arith.constant 0 : i32
        %dma_start3A_1402 = arith.constant 0 : i32
        %dma_start3A_1403 = tpu.memref_slice %arg8[%dma_start3A_1401, %dma_start3A_1402] : memref<10240x128xf32, #tpu.memory_space<vmem_shared>> -> memref<10240x128xf32, #tpu.memory_space<vmem_shared>>
        tpu.enqueue_indirect_dma source(%arg5 : memref<128x128xf32, #tpu.memory_space<vmem>>) target(%dma_start3A_1403 : memref<10240x128xf32, #tpu.memory_space<vmem_shared>>) offsets(%arg14 : memref<128xi32, #tpu.memory_space<vmem>>) semaphore(%run_scoped3A : memref<!tpu.dma_semaphore, #tpu.memory_space<semaphore_mem>>) {add = true}
        %dma_wait3A_1404 = arith.constant 0 : i32
        %dma_wait3A_1405 = arith.constant 0 : i32
        %dma_wait3A_1406 = tpu.memref_slice %arg8[%dma_wait3A_1404, %dma_wait3A_1405] : memref<10240x128xf32, #tpu.memory_space<vmem_shared>> -> memref<10240x128xf32, #tpu.memory_space<vmem_shared>>
        tpu.wait_indirect_dma semaphore(%run_scoped3A : memref<!tpu.dma_semaphore, #tpu.memory_space<semaphore_mem>>) src(%arg5 : memref<128x128xf32, #tpu.memory_space<vmem>>) dst(%dma_wait3A_1406 : memref<10240x128xf32, #tpu.memory_space<vmem_shared>>)
        tpu.yield
      }) : () -> ()
      "tpu.region"() ({
        %run_scoped3A = tpu.sem_alloc : memref<!tpu.dma_semaphore, #tpu.memory_space<semaphore_mem>>
        %dma_start3A_1401 = arith.constant 0 : i32
        %dma_start3A_1402 = arith.constant 0 : i32
        %dma_start3A_1403 = tpu.memref_slice %arg8[%dma_start3A_1401, %dma_start3A_1402] : memref<10240x128xf32, #tpu.memory_space<vmem_shared>> -> memref<10240x128xf32, #tpu.memory_space<vmem_shared>>
        tpu.enqueue_indirect_dma source(%arg5 : memref<128x128xf32, #tpu.memory_space<vmem>>) target(%dma_start3A_1403 : memref<10240x128xf32, #tpu.memory_space<vmem_shared>>) offsets(%arg15 : memref<128xi32, #tpu.memory_space<vmem>>) semaphore(%run_scoped3A : memref<!tpu.dma_semaphore, #tpu.memory_space<semaphore_mem>>) {add = true}
        %dma_wait3A_1404 = arith.constant 0 : i32
        %dma_wait3A_1405 = arith.constant 0 : i32
        %dma_wait3A_1406 = tpu.memref_slice %arg8[%dma_wait3A_1404, %dma_wait3A_1405] : memref<10240x128xf32, #tpu.memory_space<vmem_shared>> -> memref<10240x128xf32, #tpu.memory_space<vmem_shared>>
        tpu.wait_indirect_dma semaphore(%run_scoped3A : memref<!tpu.dma_semaphore, #tpu.memory_space<semaphore_mem>>) src(%arg5 : memref<128x128xf32, #tpu.memory_space<vmem>>) dst(%dma_wait3A_1406 : memref<10240x128xf32, #tpu.memory_space<vmem_shared>>)
        tpu.yield
      }) : () -> ()
      "tpu.region"() ({
        %run_scoped3A = tpu.sem_alloc : memref<!tpu.dma_semaphore, #tpu.memory_space<semaphore_mem>>
        %dma_start3A_1401 = arith.constant 0 : i32
        %dma_start3A_1402 = arith.constant 0 : i32
        %dma_start3A_1403 = tpu.memref_slice %arg8[%dma_start3A_1401, %dma_start3A_1402] : memref<10240x128xf32, #tpu.memory_space<vmem_shared>> -> memref<10240x128xf32, #tpu.memory_space<vmem_shared>>
        tpu.enqueue_indirect_dma source(%arg5 : memref<128x128xf32, #tpu.memory_space<vmem>>) target(%dma_start3A_1403 : memref<10240x128xf32, #tpu.memory_space<vmem_shared>>) offsets(%arg16 : memref<128xi32, #tpu.memory_space<vmem>>) semaphore(%run_scoped3A : memref<!tpu.dma_semaphore, #tpu.memory_space<semaphore_mem>>) {add = true}
        %dma_wait3A_1404 = arith.constant 0 : i32
        %dma_wait3A_1405 = arith.constant 0 : i32
        %dma_wait3A_1406 = tpu.memref_slice %arg8[%dma_wait3A_1404, %dma_wait3A_1405] : memref<10240x128xf32, #tpu.memory_space<vmem_shared>> -> memref<10240x128xf32, #tpu.memory_space<vmem_shared>>
        tpu.wait_indirect_dma semaphore(%run_scoped3A : memref<!tpu.dma_semaphore, #tpu.memory_space<semaphore_mem>>) src(%arg5 : memref<128x128xf32, #tpu.memory_space<vmem>>) dst(%dma_wait3A_1406 : memref<10240x128xf32, #tpu.memory_space<vmem_shared>>)
        tpu.yield
      }) : () -> ()
      "tpu.region"() ({
        %run_scoped3A = tpu.sem_alloc : memref<!tpu.dma_semaphore, #tpu.memory_space<semaphore_mem>>
        %dma_start3A_1401 = arith.constant 0 : i32
        %dma_start3A_1402 = arith.constant 0 : i32
        %dma_start3A_1403 = tpu.memref_slice %arg8[%dma_start3A_1401, %dma_start3A_1402] : memref<10240x128xf32, #tpu.memory_space<vmem_shared>> -> memref<10240x128xf32, #tpu.memory_space<vmem_shared>>
        tpu.enqueue_indirect_dma source(%arg5 : memref<128x128xf32, #tpu.memory_space<vmem>>) target(%dma_start3A_1403 : memref<10240x128xf32, #tpu.memory_space<vmem_shared>>) offsets(%arg17 : memref<128xi32, #tpu.memory_space<vmem>>) semaphore(%run_scoped3A : memref<!tpu.dma_semaphore, #tpu.memory_space<semaphore_mem>>) {add = true}
        %dma_wait3A_1404 = arith.constant 0 : i32
        %dma_wait3A_1405 = arith.constant 0 : i32
        %dma_wait3A_1406 = tpu.memref_slice %arg8[%dma_wait3A_1404, %dma_wait3A_1405] : memref<10240x128xf32, #tpu.memory_space<vmem_shared>> -> memref<10240x128xf32, #tpu.memory_space<vmem_shared>>
        tpu.wait_indirect_dma semaphore(%run_scoped3A : memref<!tpu.dma_semaphore, #tpu.memory_space<semaphore_mem>>) src(%arg5 : memref<128x128xf32, #tpu.memory_space<vmem>>) dst(%dma_wait3A_1406 : memref<10240x128xf32, #tpu.memory_space<vmem_shared>>)
        tpu.yield
      }) : () -> ()
      "tpu.region"() ({
        %run_scoped3A = tpu.sem_alloc : memref<!tpu.dma_semaphore, #tpu.memory_space<semaphore_mem>>
        %dma_start3A_1401 = arith.constant 0 : i32
        %dma_start3A_1402 = arith.constant 0 : i32
        %dma_start3A_1403 = tpu.memref_slice %arg8[%dma_start3A_1401, %dma_start3A_1402] : memref<10240x128xf32, #tpu.memory_space<vmem_shared>> -> memref<10240x128xf32, #tpu.memory_space<vmem_shared>>
        tpu.enqueue_indirect_dma source(%arg5 : memref<128x128xf32, #tpu.memory_space<vmem>>) target(%dma_start3A_1403 : memref<10240x128xf32, #tpu.memory_space<vmem_shared>>) offsets(%arg18 : memref<128xi32, #tpu.memory_space<vmem>>) semaphore(%run_scoped3A : memref<!tpu.dma_semaphore, #tpu.memory_space<semaphore_mem>>) {add = true}
        %dma_wait3A_1404 = arith.constant 0 : i32
        %dma_wait3A_1405 = arith.constant 0 : i32
        %dma_wait3A_1406 = tpu.memref_slice %arg8[%dma_wait3A_1404, %dma_wait3A_1405] : memref<10240x128xf32, #tpu.memory_space<vmem_shared>> -> memref<10240x128xf32, #tpu.memory_space<vmem_shared>>
        tpu.wait_indirect_dma semaphore(%run_scoped3A : memref<!tpu.dma_semaphore, #tpu.memory_space<semaphore_mem>>) src(%arg5 : memref<128x128xf32, #tpu.memory_space<vmem>>) dst(%dma_wait3A_1406 : memref<10240x128xf32, #tpu.memory_space<vmem_shared>>)
        tpu.yield
      }) : () -> ()
      "tpu.region"() ({
        %run_scoped3A = tpu.sem_alloc : memref<!tpu.dma_semaphore, #tpu.memory_space<semaphore_mem>>
        %dma_start3A_1401 = arith.constant 0 : i32
        %dma_start3A_1402 = arith.constant 0 : i32
        %dma_start3A_1403 = tpu.memref_slice %arg8[%dma_start3A_1401, %dma_start3A_1402] : memref<10240x128xf32, #tpu.memory_space<vmem_shared>> -> memref<10240x128xf32, #tpu.memory_space<vmem_shared>>
        tpu.enqueue_indirect_dma source(%arg5 : memref<128x128xf32, #tpu.memory_space<vmem>>) target(%dma_start3A_1403 : memref<10240x128xf32, #tpu.memory_space<vmem_shared>>) offsets(%arg19 : memref<128xi32, #tpu.memory_space<vmem>>) semaphore(%run_scoped3A : memref<!tpu.dma_semaphore, #tpu.memory_space<semaphore_mem>>) {add = true}
        %dma_wait3A_1404 = arith.constant 0 : i32
        %dma_wait3A_1405 = arith.constant 0 : i32
        %dma_wait3A_1406 = tpu.memref_slice %arg8[%dma_wait3A_1404, %dma_wait3A_1405] : memref<10240x128xf32, #tpu.memory_space<vmem_shared>> -> memref<10240x128xf32, #tpu.memory_space<vmem_shared>>
        tpu.wait_indirect_dma semaphore(%run_scoped3A : memref<!tpu.dma_semaphore, #tpu.memory_space<semaphore_mem>>) src(%arg5 : memref<128x128xf32, #tpu.memory_space<vmem>>) dst(%dma_wait3A_1406 : memref<10240x128xf32, #tpu.memory_space<vmem_shared>>)
        tpu.yield
      }) : () -> ()
      "tpu.region"() ({
        %run_scoped3A = tpu.sem_alloc : memref<!tpu.dma_semaphore, #tpu.memory_space<semaphore_mem>>
        %dma_start3A_1401 = arith.constant 0 : i32
        %dma_start3A_1402 = arith.constant 0 : i32
        %dma_start3A_1403 = tpu.memref_slice %arg8[%dma_start3A_1401, %dma_start3A_1402] : memref<10240x128xf32, #tpu.memory_space<vmem_shared>> -> memref<10240x128xf32, #tpu.memory_space<vmem_shared>>
        tpu.enqueue_indirect_dma source(%arg5 : memref<128x128xf32, #tpu.memory_space<vmem>>) target(%dma_start3A_1403 : memref<10240x128xf32, #tpu.memory_space<vmem_shared>>) offsets(%arg20 : memref<128xi32, #tpu.memory_space<vmem>>) semaphore(%run_scoped3A : memref<!tpu.dma_semaphore, #tpu.memory_space<semaphore_mem>>) {add = true}
        %dma_wait3A_1404 = arith.constant 0 : i32
        %dma_wait3A_1405 = arith.constant 0 : i32
        %dma_wait3A_1406 = tpu.memref_slice %arg8[%dma_wait3A_1404, %dma_wait3A_1405] : memref<10240x128xf32, #tpu.memory_space<vmem_shared>> -> memref<10240x128xf32, #tpu.memory_space<vmem_shared>>
        tpu.wait_indirect_dma semaphore(%run_scoped3A : memref<!tpu.dma_semaphore, #tpu.memory_space<semaphore_mem>>) src(%arg5 : memref<128x128xf32, #tpu.memory_space<vmem>>) dst(%dma_wait3A_1406 : memref<10240x128xf32, #tpu.memory_space<vmem_shared>>)
        tpu.yield
      }) : () -> ()
      "tpu.region"() ({
        %run_scoped3A = tpu.sem_alloc : memref<!tpu.dma_semaphore, #tpu.memory_space<semaphore_mem>>
        %dma_start3A_1401 = arith.constant 0 : i32
        %dma_start3A_1402 = arith.constant 0 : i32
        %dma_start3A_1403 = tpu.memref_slice %arg8[%dma_start3A_1401, %dma_start3A_1402] : memref<10240x128xf32, #tpu.memory_space<vmem_shared>> -> memref<10240x128xf32, #tpu.memory_space<vmem_shared>>
        tpu.enqueue_indirect_dma source(%arg5 : memref<128x128xf32, #tpu.memory_space<vmem>>) target(%dma_start3A_1403 : memref<10240x128xf32, #tpu.memory_space<vmem_shared>>) offsets(%arg21 : memref<128xi32, #tpu.memory_space<vmem>>) semaphore(%run_scoped3A : memref<!tpu.dma_semaphore, #tpu.memory_space<semaphore_mem>>) {add = true}
        %dma_wait3A_1404 = arith.constant 0 : i32
        %dma_wait3A_1405 = arith.constant 0 : i32
        %dma_wait3A_1406 = tpu.memref_slice %arg8[%dma_wait3A_1404, %dma_wait3A_1405] : memref<10240x128xf32, #tpu.memory_space<vmem_shared>> -> memref<10240x128xf32, #tpu.memory_space<vmem_shared>>
        tpu.wait_indirect_dma semaphore(%run_scoped3A : memref<!tpu.dma_semaphore, #tpu.memory_space<semaphore_mem>>) src(%arg5 : memref<128x128xf32, #tpu.memory_space<vmem>>) dst(%dma_wait3A_1406 : memref<10240x128xf32, #tpu.memory_space<vmem_shared>>)
        tpu.yield
      }) : () -> ()
      "tpu.region"() ({
        %run_scoped3A = tpu.sem_alloc : memref<!tpu.dma_semaphore, #tpu.memory_space<semaphore_mem>>
        %dma_start3A_1401 = arith.constant 0 : i32
        %dma_start3A_1402 = arith.constant 0 : i32
        %dma_start3A_1403 = tpu.memref_slice %arg8[%dma_start3A_1401, %dma_start3A_1402] : memref<10240x128xf32, #tpu.memory_space<vmem_shared>> -> memref<10240x128xf32, #tpu.memory_space<vmem_shared>>
        tpu.enqueue_indirect_dma source(%arg5 : memref<128x128xf32, #tpu.memory_space<vmem>>) target(%dma_start3A_1403 : memref<10240x128xf32, #tpu.memory_space<vmem_shared>>) offsets(%arg22 : memref<128xi32, #tpu.memory_space<vmem>>) semaphore(%run_scoped3A : memref<!tpu.dma_semaphore, #tpu.memory_space<semaphore_mem>>) {add = true}
        %dma_wait3A_1404 = arith.constant 0 : i32
        %dma_wait3A_1405 = arith.constant 0 : i32
        %dma_wait3A_1406 = tpu.memref_slice %arg8[%dma_wait3A_1404, %dma_wait3A_1405] : memref<10240x128xf32, #tpu.memory_space<vmem_shared>> -> memref<10240x128xf32, #tpu.memory_space<vmem_shared>>
        tpu.wait_indirect_dma semaphore(%run_scoped3A : memref<!tpu.dma_semaphore, #tpu.memory_space<semaphore_mem>>) src(%arg5 : memref<128x128xf32, #tpu.memory_space<vmem>>) dst(%dma_wait3A_1406 : memref<10240x128xf32, #tpu.memory_space<vmem_shared>>)
        tpu.yield
      }) : () -> ()
      "tpu.region"() ({
        %run_scoped3A = tpu.sem_alloc : memref<!tpu.dma_semaphore, #tpu.memory_space<semaphore_mem>>
        %dma_start3A_1401 = arith.constant 0 : i32
        %dma_start3A_1402 = arith.constant 0 : i32
        %dma_start3A_1403 = tpu.memref_slice %arg8[%dma_start3A_1401, %dma_start3A_1402] : memref<10240x128xf32, #tpu.memory_space<vmem_shared>> -> memref<10240x128xf32, #tpu.memory_space<vmem_shared>>
        tpu.enqueue_indirect_dma source(%arg5 : memref<128x128xf32, #tpu.memory_space<vmem>>) target(%dma_start3A_1403 : memref<10240x128xf32, #tpu.memory_space<vmem_shared>>) offsets(%arg23 : memref<128xi32, #tpu.memory_space<vmem>>) semaphore(%run_scoped3A : memref<!tpu.dma_semaphore, #tpu.memory_space<semaphore_mem>>) {add = true}
        %dma_wait3A_1404 = arith.constant 0 : i32
        %dma_wait3A_1405 = arith.constant 0 : i32
        %dma_wait3A_1406 = tpu.memref_slice %arg8[%dma_wait3A_1404, %dma_wait3A_1405] : memref<10240x128xf32, #tpu.memory_space<vmem_shared>> -> memref<10240x128xf32, #tpu.memory_space<vmem_shared>>
        tpu.wait_indirect_dma semaphore(%run_scoped3A : memref<!tpu.dma_semaphore, #tpu.memory_space<semaphore_mem>>) src(%arg5 : memref<128x128xf32, #tpu.memory_space<vmem>>) dst(%dma_wait3A_1406 : memref<10240x128xf32, #tpu.memory_space<vmem_shared>>)
        tpu.yield
      }) : () -> ()
      "tpu.region"() ({
        %run_scoped3A = tpu.sem_alloc : memref<!tpu.dma_semaphore, #tpu.memory_space<semaphore_mem>>
        %dma_start3A_1401 = arith.constant 0 : i32
        %dma_start3A_1402 = arith.constant 0 : i32
        %dma_start3A_1403 = tpu.memref_slice %arg8[%dma_start3A_1401, %dma_start3A_1402] : memref<10240x128xf32, #tpu.memory_space<vmem_shared>> -> memref<10240x128xf32, #tpu.memory_space<vmem_shared>>
        tpu.enqueue_indirect_dma source(%arg5 : memref<128x128xf32, #tpu.memory_space<vmem>>) target(%dma_start3A_1403 : memref<10240x128xf32, #tpu.memory_space<vmem_shared>>) offsets(%arg24 : memref<128xi32, #tpu.memory_space<vmem>>) semaphore(%run_scoped3A : memref<!tpu.dma_semaphore, #tpu.memory_space<semaphore_mem>>) {add = true}
        %dma_wait3A_1404 = arith.constant 0 : i32
        %dma_wait3A_1405 = arith.constant 0 : i32
        %dma_wait3A_1406 = tpu.memref_slice %arg8[%dma_wait3A_1404, %dma_wait3A_1405] : memref<10240x128xf32, #tpu.memory_space<vmem_shared>> -> memref<10240x128xf32, #tpu.memory_space<vmem_shared>>
        tpu.wait_indirect_dma semaphore(%run_scoped3A : memref<!tpu.dma_semaphore, #tpu.memory_space<semaphore_mem>>) src(%arg5 : memref<128x128xf32, #tpu.memory_space<vmem>>) dst(%dma_wait3A_1406 : memref<10240x128xf32, #tpu.memory_space<vmem_shared>>)
        tpu.yield
      }) : () -> ()
      "tpu.region"() ({
        %run_scoped3A = tpu.sem_alloc : memref<!tpu.dma_semaphore, #tpu.memory_space<semaphore_mem>>
        %dma_start3A_1401 = arith.constant 0 : i32
        %dma_start3A_1402 = arith.constant 0 : i32
        %dma_start3A_1403 = tpu.memref_slice %arg8[%dma_start3A_1401, %dma_start3A_1402] : memref<10240x128xf32, #tpu.memory_space<vmem_shared>> -> memref<10240x128xf32, #tpu.memory_space<vmem_shared>>
        tpu.enqueue_indirect_dma source(%arg5 : memref<128x128xf32, #tpu.memory_space<vmem>>) target(%dma_start3A_1403 : memref<10240x128xf32, #tpu.memory_space<vmem_shared>>) offsets(%arg25 : memref<128xi32, #tpu.memory_space<vmem>>) semaphore(%run_scoped3A : memref<!tpu.dma_semaphore, #tpu.memory_space<semaphore_mem>>) {add = true}
        %dma_wait3A_1404 = arith.constant 0 : i32
        %dma_wait3A_1405 = arith.constant 0 : i32
        %dma_wait3A_1406 = tpu.memref_slice %arg8[%dma_wait3A_1404, %dma_wait3A_1405] : memref<10240x128xf32, #tpu.memory_space<vmem_shared>> -> memref<10240x128xf32, #tpu.memory_space<vmem_shared>>
        tpu.wait_indirect_dma semaphore(%run_scoped3A : memref<!tpu.dma_semaphore, #tpu.memory_space<semaphore_mem>>) src(%arg5 : memref<128x128xf32, #tpu.memory_space<vmem>>) dst(%dma_wait3A_1406 : memref<10240x128xf32, #tpu.memory_space<vmem_shared>>)
        tpu.yield
      }) : () -> ()
      "tpu.region"() ({
        %run_scoped3A = tpu.sem_alloc : memref<!tpu.dma_semaphore, #tpu.memory_space<semaphore_mem>>
        %dma_start3A_1401 = arith.constant 0 : i32
        %dma_start3A_1402 = arith.constant 0 : i32
        %dma_start3A_1403 = tpu.memref_slice %arg8[%dma_start3A_1401, %dma_start3A_1402] : memref<10240x128xf32, #tpu.memory_space<vmem_shared>> -> memref<10240x128xf32, #tpu.memory_space<vmem_shared>>
        tpu.enqueue_indirect_dma source(%arg5 : memref<128x128xf32, #tpu.memory_space<vmem>>) target(%dma_start3A_1403 : memref<10240x128xf32, #tpu.memory_space<vmem_shared>>) offsets(%arg26 : memref<128xi32, #tpu.memory_space<vmem>>) semaphore(%run_scoped3A : memref<!tpu.dma_semaphore, #tpu.memory_space<semaphore_mem>>) {add = true}
        %dma_wait3A_1404 = arith.constant 0 : i32
        %dma_wait3A_1405 = arith.constant 0 : i32
        %dma_wait3A_1406 = tpu.memref_slice %arg8[%dma_wait3A_1404, %dma_wait3A_1405] : memref<10240x128xf32, #tpu.memory_space<vmem_shared>> -> memref<10240x128xf32, #tpu.memory_space<vmem_shared>>
        tpu.wait_indirect_dma semaphore(%run_scoped3A : memref<!tpu.dma_semaphore, #tpu.memory_space<semaphore_mem>>) src(%arg5 : memref<128x128xf32, #tpu.memory_space<vmem>>) dst(%dma_wait3A_1406 : memref<10240x128xf32, #tpu.memory_space<vmem_shared>>)
        tpu.yield
      }) : () -> ()
      %barrier3A_1396 = arith.constant 0 : index
      tpu.barrier barrier_id(%barrier3A_1396)
      %mul3A_1397 = arith.constant 640 : i32
      %mul3A_1398 = arith.muli %arg1, %mul3A_1397 : i32
      %multiple_of3A_1399 = tpu.assume_multiple %mul3A_1398, 8 : i32
      "tpu.region"() ({
        %run_scoped3A = tpu.sem_alloc : memref<!tpu.dma_semaphore, #tpu.memory_space<semaphore_mem>>
        %dma_start3A_1401 = arith.constant 0 : i32
        %dma_start3A_1402 = tpu.memref_slice %arg4[%add3A_15, %multiple_of3A_1399, %dma_start3A_1401] : memref<4x10240x128xf32, #tpu.memory_space<hbm>> -> memref<1x640x128xf32, #tpu.memory_space<hbm>>
        %dma_start3A_1403 = tpu.memref_squeeze %dma_start3A_1402 : memref<1x640x128xf32, #tpu.memory_space<hbm>> -> memref<640x128xf32, #tpu.memory_space<hbm>>
        %dma_start3A_1404 = arith.constant 0 : i32
        %dma_start3A_1405 = tpu.memref_slice %arg8[%multiple_of3A_1399, %dma_start3A_1404] : memref<10240x128xf32, #tpu.memory_space<vmem_shared>> -> memref<640x128xf32, #tpu.memory_space<vmem_shared>>
        tpu.enqueue_dma source(%dma_start3A_1405 : memref<640x128xf32, #tpu.memory_space<vmem_shared>>) target(%dma_start3A_1403 : memref<640x128xf32, #tpu.memory_space<hbm>>) target_semaphore(%run_scoped3A : memref<!tpu.dma_semaphore, #tpu.memory_space<semaphore_mem>>)
        %dma_wait3A_1406 = arith.constant 0 : i32
        %dma_wait3A_1407 = tpu.memref_slice %arg4[%add3A_15, %multiple_of3A_1399, %dma_wait3A_1406] : memref<4x10240x128xf32, #tpu.memory_space<hbm>> -> memref<1x640x128xf32, #tpu.memory_space<hbm>>
        %dma_wait3A_1408 = tpu.memref_squeeze %dma_wait3A_1407 : memref<1x640x128xf32, #tpu.memory_space<hbm>> -> memref<640x128xf32, #tpu.memory_space<hbm>>
        %dma_wait3A_1409 = arith.constant 0 : i32
        %dma_wait3A_1410 = tpu.memref_slice %arg8[%multiple_of3A_1399, %dma_wait3A_1409] : memref<10240x128xf32, #tpu.memory_space<vmem_shared>> -> memref<640x128xf32, #tpu.memory_space<vmem_shared>>
        tpu.wait_dma2 semaphore(%run_scoped3A : memref<!tpu.dma_semaphore, #tpu.memory_space<semaphore_mem>>) src(%dma_wait3A_1410 : memref<640x128xf32, #tpu.memory_space<vmem_shared>>) dst(%dma_wait3A_1408 : memref<640x128xf32, #tpu.memory_space<hbm>>)
        tpu.yield
      }) : () -> ()
      %barrier3A_1400 = arith.constant 0 : index
      tpu.barrier barrier_id(%barrier3A_1400)
    }
    %scan3A_9 = arith.constant 2 : i32
    return
  }
}

#map = affine_map<(d0, d1) -> (0)>
#map1 = affine_map<(d0, d1) -> (0, 0, 0)>
module attributes {stable_mosaic.version = 14 : i64} {
  func.func @hist_kernel(%arg0: i32, %arg1: i32, %arg2: memref<640000xi32, #tpu.memory_space<hbm>>, %arg3: memref<4x640x16xi32, #tpu.memory_space<hbm>>, %arg4: memref<20000xi32, #tpu.memory_space<vmem>>, %arg5: memref<640x16xi32, #tpu.memory_space<vmem>>, %arg6: memref<640xi32, #tpu.memory_space<vmem>>, %arg7: memref<2x640x16xi32, #tpu.memory_space<vmem_shared>>, %arg8: memref<!tpu.dma_semaphore, #tpu.memory_space<semaphore_mem>>) attributes {dimension_semantics = [#tpu.dimension_semantics<core_parallel>, #tpu.dimension_semantics<subcore_parallel>], iteration_bounds = array<i64: 2, 16>, scalar_prefetch = 0 : i64, scratch_operands = 5 : i64, tpu.core_type = #tpu.core_type<sc_vector_subcore>, window_params = [{transform_indices = #map}, {transform_indices = #map1}]} {
    %jit3A = arith.constant 8 : i32
    %div3A = arith.divsi %arg1, %jit3A : i32
    %sign3A = arith.constant 0 : i32
    %sign3A_0 = arith.cmpi sgt, %arg1, %sign3A : i32
    %sign3A_1 = arith.extui %sign3A_0 : i1 to i32
    %sign3A_2 = arith.constant 0 : i32
    %sign3A_3 = arith.cmpi slt, %arg1, %sign3A_2 : i32
    %sign3A_4 = arith.extui %sign3A_3 : i1 to i32
    %sign3A_5 = arith.subi %sign3A_1, %sign3A_4 : i32
    %sign3A_6 = arith.constant 0 : i32
    %sign3A_7 = arith.cmpi sgt, %jit3A, %sign3A_6 : i32
    %sign3A_8 = arith.extui %sign3A_7 : i1 to i32
    %sign3A_9 = arith.constant 0 : i32
    %sign3A_10 = arith.cmpi slt, %jit3A, %sign3A_9 : i32
    %sign3A_11 = arith.extui %sign3A_10 : i1 to i32
    %sign3A_12 = arith.subi %sign3A_8, %sign3A_11 : i32
    %ne3A = arith.cmpi ne, %sign3A_5, %sign3A_12 : i32
    %rem3A = arith.remsi %arg1, %jit3A : i32
    %ne3A_13 = arith.constant 0 : i32
    %ne3A_14 = arith.cmpi ne, %rem3A, %ne3A_13 : i32
    %and3A = arith.andi %ne3A, %ne3A_14 : i1
    %sub3A = arith.constant 1 : i32
    %sub3A_15 = arith.subi %div3A, %sub3A : i32
    %select_n3A = arith.select %and3A, %sub3A_15, %div3A : i32
    %jit3A_16 = arith.constant 8 : i32
    %eq3A = arith.constant 0 : i32
    %eq3A_17 = arith.cmpi eq, %jit3A_16, %eq3A : i32
    %jit3A_18 = arith.constant 1 : i32
    %select_n3A_19 = arith.select %eq3A_17, %jit3A_18, %jit3A_16 : i32
    %rem3A_20 = arith.remsi %arg1, %select_n3A_19 : i32
    %ne3A_21 = arith.constant 0 : i32
    %ne3A_22 = arith.cmpi ne, %rem3A_20, %ne3A_21 : i32
    %lt3A = arith.constant 0 : i32
    %lt3A_23 = arith.cmpi slt, %rem3A_20, %lt3A : i32
    %lt3A_24 = arith.constant 0 : i32
    %lt3A_25 = arith.cmpi slt, %select_n3A_19, %lt3A_24 : i32
    %ne3A_26 = arith.xori %lt3A_23, %lt3A_25 : i1
    %and3A_27 = arith.andi %ne3A_26, %ne3A_22 : i1
    %add3A = arith.addi %rem3A_20, %select_n3A_19 : i32
    %select_n3A_28 = arith.select %and3A_27, %add3A, %rem3A_20 : i32
    %mul3A = arith.constant 2 : i32
    %mul3A_29 = arith.muli %mul3A, %arg0 : i32
    %add3A_30 = arith.addi %mul3A_29, %select_n3A : i32
    %iota3A = tpu.iota {dimensions = array<i32: 0>} : vector<16xi32>
    %scan3A = arith.constant 0 : i32
    %scan3A_31 = arith.constant 640 : i32
    %scan3A_32 = arith.addi %scan3A, %scan3A_31 : i32
    %scan3A_33 = arith.constant 1 : i32
    scf.for %scan3A_60 = %scan3A to %scan3A_32 step %scan3A_33  : i32 {
      %mul3A_61 = arith.constant 1 : i32
      %mul3A_62 = arith.muli %scan3A_60, %mul3A_61 : i32
      %add3A_63 = arith.constant 0 : i32
      %add3A_64 = arith.addi %add3A_63, %mul3A_62 : i32
      %broadcast_in_dim3A_65 = arith.constant 0 : i32
      %broadcast_in_dim3A_66 = vector.broadcast %broadcast_in_dim3A_65 : i32 to vector<16xi32>
      %swap3A = arith.index_cast %add3A_64 : i32 to index
      %swap3A_67 = arith.constant 0 : index
      %swap3A_68 = tpu.vector_load %arg5[%swap3A, %swap3A_67] {strides = array<i32>} : memref<640x16xi32, #tpu.memory_space<vmem>>, vector<16xi32>,
      tpu.vector_store %arg5[%swap3A, %swap3A_67], %broadcast_in_dim3A_66 {strides = array<i32>} : memref<640x16xi32, #tpu.memory_space<vmem>>, vector<16xi32>,
    }
    %scan3A_34 = arith.constant 640 : i32
    %scan3A_35 = arith.constant 0 : i32
    %scan3A_36 = arith.constant 40 : i32
    %scan3A_37 = arith.addi %scan3A_35, %scan3A_36 : i32
    %scan3A_38 = arith.constant 1 : i32
    scf.for %scan3A_60 = %scan3A_35 to %scan3A_37 step %scan3A_38  : i32 {
      %mul3A_61 = arith.constant 1 : i32
      %mul3A_62 = arith.muli %scan3A_60, %mul3A_61 : i32
      %add3A_63 = arith.constant 0 : i32
      %add3A_64 = arith.addi %add3A_63, %mul3A_62 : i32
      %mul3A_65 = arith.constant 16 : i32
      %mul3A_66 = arith.muli %add3A_64, %mul3A_65 : i32
      %add3A_67 = vector.broadcast %mul3A_66 : i32 to vector<16xi32>
      %add3A_68 = arith.addi %iota3A, %add3A_67 : vector<16xi32>
      %mul3A_69 = arith.constant 16 : i32
      %mul3A_70 = arith.muli %add3A_64, %mul3A_69 : i32
      %swap3A = arith.index_cast %mul3A_70 : i32 to index
      %swap3A_71 = tpu.vector_load %arg6[%swap3A] {strides = array<i32>} : memref<640xi32, #tpu.memory_space<vmem>>, vector<16xi32>,
      tpu.vector_store %arg6[%swap3A], %add3A_68 {strides = array<i32>} : memref<640xi32, #tpu.memory_space<vmem>>, vector<16xi32>,
    }
    %scan3A_39 = arith.constant 40 : i32
    %eq3A_40 = arith.constant 0 : i32
    %eq3A_41 = arith.cmpi eq, %select_n3A_28, %eq3A_40 : i32
    %convert_element_type3A = arith.extui %eq3A_41 : i1 to i32
    %cond3A = arith.constant 0 : i32
    %cond3A_42 = arith.cmpi ne, %convert_element_type3A, %cond3A : i32
    scf.if %cond3A_42 {
      "tpu.region"() ({
        %run_scoped3A = tpu.sem_alloc : memref<!tpu.dma_semaphore, #tpu.memory_space<semaphore_mem>>
        %dma_start3A_60 = arith.constant 0 : i32
        %dma_start3A_61 = arith.constant 0 : i32
        %dma_start3A_62 = tpu.memref_slice %arg7[%select_n3A, %dma_start3A_60, %dma_start3A_61] : memref<2x640x16xi32, #tpu.memory_space<vmem_shared>> -> memref<1x640x16xi32, #tpu.memory_space<vmem_shared>>
        %dma_start3A_63 = tpu.memref_squeeze %dma_start3A_62 : memref<1x640x16xi32, #tpu.memory_space<vmem_shared>> -> memref<640x16xi32, #tpu.memory_space<vmem_shared>>
        %dma_start3A_64 = arith.constant 0 : i32
        %dma_start3A_65 = arith.constant 0 : i32
        %dma_start3A_66 = tpu.memref_slice %arg7[%select_n3A, %dma_start3A_64, %dma_start3A_65] : memref<2x640x16xi32, #tpu.memory_space<vmem_shared>> -> memref<1x640x16xi32, #tpu.memory_space<vmem_shared>>
        %dma_start3A_67 = tpu.memref_squeeze %dma_start3A_66 : memref<1x640x16xi32, #tpu.memory_space<vmem_shared>> -> memref<640x16xi32, #tpu.memory_space<vmem_shared>>
        tpu.enqueue_dma source(%arg5 : memref<640x16xi32, #tpu.memory_space<vmem>>) target(%dma_start3A_67 : memref<640x16xi32, #tpu.memory_space<vmem_shared>>) target_semaphore(%run_scoped3A : memref<!tpu.dma_semaphore, #tpu.memory_space<semaphore_mem>>)
        %dma_wait3A_68 = arith.constant 0 : i32
        %dma_wait3A_69 = arith.constant 0 : i32
        %dma_wait3A_70 = tpu.memref_slice %arg7[%select_n3A, %dma_wait3A_68, %dma_wait3A_69] : memref<2x640x16xi32, #tpu.memory_space<vmem_shared>> -> memref<1x640x16xi32, #tpu.memory_space<vmem_shared>>
        %dma_wait3A_71 = tpu.memref_squeeze %dma_wait3A_70 : memref<1x640x16xi32, #tpu.memory_space<vmem_shared>> -> memref<640x16xi32, #tpu.memory_space<vmem_shared>>
        %dma_wait3A_72 = arith.constant 0 : i32
        %dma_wait3A_73 = arith.constant 0 : i32
        %dma_wait3A_74 = tpu.memref_slice %arg7[%select_n3A, %dma_wait3A_72, %dma_wait3A_73] : memref<2x640x16xi32, #tpu.memory_space<vmem_shared>> -> memref<1x640x16xi32, #tpu.memory_space<vmem_shared>>
        %dma_wait3A_75 = tpu.memref_squeeze %dma_wait3A_74 : memref<1x640x16xi32, #tpu.memory_space<vmem_shared>> -> memref<640x16xi32, #tpu.memory_space<vmem_shared>>
        tpu.wait_dma2 semaphore(%run_scoped3A : memref<!tpu.dma_semaphore, #tpu.memory_space<semaphore_mem>>) src(%arg5 : memref<640x16xi32, #tpu.memory_space<vmem>>) dst(%dma_wait3A_75 : memref<640x16xi32, #tpu.memory_space<vmem_shared>>)
        tpu.yield
      }) : () -> ()
    } else {
    }
    %mul3A_43 = arith.constant 8 : i32
    %mul3A_44 = arith.muli %add3A_30, %mul3A_43 : i32
    %add3A_45 = arith.addi %mul3A_44, %select_n3A_28 : i32
    %mul3A_46 = arith.constant 20000 : i32
    %mul3A_47 = arith.muli %add3A_45, %mul3A_46 : i32
    %multiple_of3A = tpu.assume_multiple %mul3A_47, 8 : i32
    %dma_start3A = tpu.memref_slice %arg2[%multiple_of3A] : memref<640000xi32, #tpu.memory_space<hbm>> -> memref<20000xi32, #tpu.memory_space<hbm>>
    %dma_start3A_48 = tpu.memref_slice %arg2[%multiple_of3A] : memref<640000xi32, #tpu.memory_space<hbm>> -> memref<20000xi32, #tpu.memory_space<hbm>>
    tpu.enqueue_dma source(%dma_start3A_48 : memref<20000xi32, #tpu.memory_space<hbm>>) target(%arg4 : memref<20000xi32, #tpu.memory_space<vmem>>) target_semaphore(%arg8 : memref<!tpu.dma_semaphore, #tpu.memory_space<semaphore_mem>>)
    %dma_wait3A = tpu.memref_slice %arg2[%multiple_of3A] : memref<640000xi32, #tpu.memory_space<hbm>> -> memref<20000xi32, #tpu.memory_space<hbm>>
    %dma_wait3A_49 = tpu.memref_slice %arg2[%multiple_of3A] : memref<640000xi32, #tpu.memory_space<hbm>> -> memref<20000xi32, #tpu.memory_space<hbm>>
    tpu.wait_dma2 semaphore(%arg8 : memref<!tpu.dma_semaphore, #tpu.memory_space<semaphore_mem>>) src(%dma_wait3A_49 : memref<20000xi32, #tpu.memory_space<hbm>>) dst(%arg4 : memref<20000xi32, #tpu.memory_space<vmem>>)
    %barrier3A = arith.constant 0 : index
    tpu.barrier barrier_id(%barrier3A)
    %broadcast_in_dim3A = arith.constant 1 : i32
    %broadcast_in_dim3A_50 = vector.broadcast %broadcast_in_dim3A : i32 to vector<16xi32>
    %scan3A_51 = arith.constant 0 : i32
    %scan3A_52 = arith.constant 1250 : i32
    %scan3A_53 = arith.addi %scan3A_51, %scan3A_52 : i32
    %scan3A_54 = arith.constant 1 : i32
    scf.for %scan3A_60 = %scan3A_51 to %scan3A_53 step %scan3A_54  : i32 {
      %mul3A_61 = arith.constant 1 : i32
      %mul3A_62 = arith.muli %scan3A_60, %mul3A_61 : i32
      %add3A_63 = arith.constant 0 : i32
      %add3A_64 = arith.addi %add3A_63, %mul3A_62 : i32
      %mul3A_65 = arith.constant 16 : i32
      %mul3A_66 = arith.muli %add3A_64, %mul3A_65 : i32
      %get3A = arith.index_cast %mul3A_66 : i32 to index
      %get3A_67 = tpu.vector_load %arg4[%get3A] {strides = array<i32>} : memref<20000xi32, #tpu.memory_space<vmem>>, vector<16xi32>,
      %shift_right_arithmetic3A = arith.constant 4 : i32
      %shift_right_arithmetic3A_68 = vector.broadcast %shift_right_arithmetic3A : i32 to vector<16xi32>
      %shift_right_arithmetic3A_69 = arith.shrsi %get3A_67, %shift_right_arithmetic3A_68 : vector<16xi32>
      %and3A_70 = arith.constant 15 : i32
      %and3A_71 = vector.broadcast %and3A_70 : i32 to vector<16xi32>
      %and3A_72 = arith.andi %get3A_67, %and3A_71 : vector<16xi32>
      tpu.vector_store_idx %arg5[%shift_right_arithmetic3A_69, %and3A_72], %broadcast_in_dim3A_50 {add = true} : memref<640x16xi32, #tpu.memory_space<vmem>>[vector<16xi32>, vector<16xi32>], vector<16xi32>,
    }
    %scan3A_55 = arith.constant 1250 : i32
    "tpu.region"() ({
      %run_scoped3A = tpu.sem_alloc : memref<!tpu.dma_semaphore, #tpu.memory_space<semaphore_mem>>
      %dma_start3A_60 = arith.constant 0 : i32
      %dma_start3A_61 = arith.constant 0 : i32
      %dma_start3A_62 = tpu.memref_slice %arg7[%select_n3A, %dma_start3A_60, %dma_start3A_61] : memref<2x640x16xi32, #tpu.memory_space<vmem_shared>> -> memref<1x640x16xi32, #tpu.memory_space<vmem_shared>>
      %dma_start3A_63 = tpu.memref_squeeze %dma_start3A_62 : memref<1x640x16xi32, #tpu.memory_space<vmem_shared>> -> memref<640x16xi32, #tpu.memory_space<vmem_shared>>
      %dma_start3A_64 = arith.constant 0 : i32
      %dma_start3A_65 = arith.constant 0 : i32
      %dma_start3A_66 = tpu.memref_slice %dma_start3A_63[%dma_start3A_64, %dma_start3A_65] : memref<640x16xi32, #tpu.memory_space<vmem_shared>> -> memref<640x16xi32, #tpu.memory_space<vmem_shared>>
      tpu.enqueue_indirect_dma source(%arg5 : memref<640x16xi32, #tpu.memory_space<vmem>>) target(%dma_start3A_66 : memref<640x16xi32, #tpu.memory_space<vmem_shared>>) offsets(%arg6 : memref<640xi32, #tpu.memory_space<vmem>>) semaphore(%run_scoped3A : memref<!tpu.dma_semaphore, #tpu.memory_space<semaphore_mem>>) {add = true}
      %dma_wait3A_67 = arith.constant 0 : i32
      %dma_wait3A_68 = arith.constant 0 : i32
      %dma_wait3A_69 = tpu.memref_slice %arg7[%select_n3A, %dma_wait3A_67, %dma_wait3A_68] : memref<2x640x16xi32, #tpu.memory_space<vmem_shared>> -> memref<1x640x16xi32, #tpu.memory_space<vmem_shared>>
      %dma_wait3A_70 = tpu.memref_squeeze %dma_wait3A_69 : memref<1x640x16xi32, #tpu.memory_space<vmem_shared>> -> memref<640x16xi32, #tpu.memory_space<vmem_shared>>
      %dma_wait3A_71 = arith.constant 0 : i32
      %dma_wait3A_72 = arith.constant 0 : i32
      %dma_wait3A_73 = tpu.memref_slice %dma_wait3A_70[%dma_wait3A_71, %dma_wait3A_72] : memref<640x16xi32, #tpu.memory_space<vmem_shared>> -> memref<640x16xi32, #tpu.memory_space<vmem_shared>>
      tpu.wait_indirect_dma semaphore(%run_scoped3A : memref<!tpu.dma_semaphore, #tpu.memory_space<semaphore_mem>>) src(%arg5 : memref<640x16xi32, #tpu.memory_space<vmem>>) dst(%dma_wait3A_73 : memref<640x16xi32, #tpu.memory_space<vmem_shared>>)
      tpu.yield
    }) : () -> ()
    %barrier3A_56 = arith.constant 0 : index
    tpu.barrier barrier_id(%barrier3A_56)
    %mul3A_57 = arith.constant 80 : i32
    %mul3A_58 = arith.muli %select_n3A_28, %mul3A_57 : i32
    %multiple_of3A_59 = tpu.assume_multiple %mul3A_58, 8 : i32
    "tpu.region"() ({
      %run_scoped3A = tpu.sem_alloc : memref<!tpu.dma_semaphore, #tpu.memory_space<semaphore_mem>>
      %dma_start3A_60 = arith.constant 0 : i32
      %dma_start3A_61 = tpu.memref_slice %arg3[%add3A_30, %multiple_of3A_59, %dma_start3A_60] : memref<4x640x16xi32, #tpu.memory_space<hbm>> -> memref<1x80x16xi32, #tpu.memory_space<hbm>>
      %dma_start3A_62 = tpu.memref_squeeze %dma_start3A_61 : memref<1x80x16xi32, #tpu.memory_space<hbm>> -> memref<80x16xi32, #tpu.memory_space<hbm>>
      %dma_start3A_63 = arith.constant 0 : i32
      %dma_start3A_64 = tpu.memref_slice %arg7[%select_n3A, %multiple_of3A_59, %dma_start3A_63] : memref<2x640x16xi32, #tpu.memory_space<vmem_shared>> -> memref<1x80x16xi32, #tpu.memory_space<vmem_shared>>
      %dma_start3A_65 = tpu.memref_squeeze %dma_start3A_64 : memref<1x80x16xi32, #tpu.memory_space<vmem_shared>> -> memref<80x16xi32, #tpu.memory_space<vmem_shared>>
      tpu.enqueue_dma source(%dma_start3A_65 : memref<80x16xi32, #tpu.memory_space<vmem_shared>>) target(%dma_start3A_62 : memref<80x16xi32, #tpu.memory_space<hbm>>) target_semaphore(%run_scoped3A : memref<!tpu.dma_semaphore, #tpu.memory_space<semaphore_mem>>)
      %dma_wait3A_66 = arith.constant 0 : i32
      %dma_wait3A_67 = tpu.memref_slice %arg3[%add3A_30, %multiple_of3A_59, %dma_wait3A_66] : memref<4x640x16xi32, #tpu.memory_space<hbm>> -> memref<1x80x16xi32, #tpu.memory_space<hbm>>
      %dma_wait3A_68 = tpu.memref_squeeze %dma_wait3A_67 : memref<1x80x16xi32, #tpu.memory_space<hbm>> -> memref<80x16xi32, #tpu.memory_space<hbm>>
      %dma_wait3A_69 = arith.constant 0 : i32
      %dma_wait3A_70 = tpu.memref_slice %arg7[%select_n3A, %multiple_of3A_59, %dma_wait3A_69] : memref<2x640x16xi32, #tpu.memory_space<vmem_shared>> -> memref<1x80x16xi32, #tpu.memory_space<vmem_shared>>
      %dma_wait3A_71 = tpu.memref_squeeze %dma_wait3A_70 : memref<1x80x16xi32, #tpu.memory_space<vmem_shared>> -> memref<80x16xi32, #tpu.memory_space<vmem_shared>>
      tpu.wait_dma2 semaphore(%run_scoped3A : memref<!tpu.dma_semaphore, #tpu.memory_space<semaphore_mem>>) src(%dma_wait3A_71 : memref<80x16xi32, #tpu.memory_space<vmem_shared>>) dst(%dma_wait3A_68 : memref<80x16xi32, #tpu.memory_space<hbm>>)
      tpu.yield
    }) : () -> ()
    return
  }
}

module attributes {stable_mosaic.version = 14 : i64} {
  func.func @_scale_body(%arg0: i32, %arg1: memref<2000x128xf32, #tpu.memory_space<vmem>>, %arg2: memref<2000x1xi32, #tpu.memory_space<vmem>>, %arg3: memref<2000x128xf32, #tpu.memory_space<vmem>>) attributes {dimension_semantics = [#tpu.dimension_semantics<arbitrary>], iteration_bounds = array<i64: 20>, scalar_prefetch = 0 : i64, scratch_operands = 0 : i64, tpu.core_type = #tpu.core_type<tc>, window_params = [{transform_indices = @transform_0, window_bounds = array<i64: 2000, 128>}, {transform_indices = @transform_1, window_bounds = array<i64: 2000, 1>}, {transform_indices = @transform_2, window_bounds = array<i64: 2000, 128>}]} {
    %get3A = arith.constant 0 : index
    %get3A_0 = arith.constant 0 : index
    %get3A_1 = vector.load %arg2[%get3A, %get3A_0] : memref<2000x1xi32, #tpu.memory_space<vmem>>, vector<2000x1xi32>
    %convert_element_type3A = arith.sitofp %get3A_1 : vector<2000x1xi32> to vector<2000x1xf32>
    %add3A = arith.constant 1.000000e+00 : f32
    %add3A_2 = vector.broadcast %add3A : f32 to vector<2000x1xf32>
    %add3A_3 = arith.addf %add3A_2, %convert_element_type3A : vector<2000x1xf32>
    %rsqrt3A = math.rsqrt %add3A_3 : vector<2000x1xf32>
    %get3A_4 = arith.constant 0 : index
    %get3A_5 = arith.constant 0 : index
    %get3A_6 = vector.load %arg1[%get3A_4, %get3A_5] : memref<2000x128xf32, #tpu.memory_space<vmem>>, vector<2000x128xf32>
    %mul3A = vector.broadcast %rsqrt3A : vector<2000x1xf32> to vector<2000x128xf32>
    %mul3A_7 = arith.mulf %get3A_6, %mul3A : vector<2000x128xf32>
    %swap3A = arith.constant 0 : index
    %swap3A_8 = arith.constant 0 : index
    %swap3A_9 = vector.load %arg3[%swap3A, %swap3A_8] : memref<2000x128xf32, #tpu.memory_space<vmem>>, vector<2000x128xf32>
    tpu.vector_store %arg3[%swap3A, %swap3A_8], %mul3A_7 {strides = array<i32>} : memref<2000x128xf32, #tpu.memory_space<vmem>>, vector<2000x128xf32>,
    return
  }
  func.func @transform_0(%arg0: i32) -> (i32, i32) {
    %c0_i32 = arith.constant 0 : i32
    %c0_i32_0 = arith.constant 0 : i32
    return %arg0, %c0_i32 : i32, i32
  }
  func.func @transform_1(%arg0: i32) -> (i32, i32) {
    %c0_i32 = arith.constant 0 : i32
    %c0_i32_0 = arith.constant 0 : i32
    return %arg0, %c0_i32 : i32, i32
  }
  func.func @transform_2(%arg0: i32) -> (i32, i32) {
    %c0_i32 = arith.constant 0 : i32
    %c0_i32_0 = arith.constant 0 : i32
    return %arg0, %c0_i32 : i32, i32
  }
}

module attributes {stable_mosaic.version = 14 : i64} {
  func.func @_main_body(%arg0: i32, %arg1: memref<1x2000x128xf32, #tpu.memory_space<vmem>>, %arg2: memref<1x2000x128xf32, #tpu.memory_space<vmem>>, %arg3: memref<1x2000x1xi32, #tpu.memory_space<vmem>>, %arg4: memref<128x128xf32, #tpu.memory_space<vmem>>, %arg5: memref<1x128xf32, #tpu.memory_space<vmem>>, %arg6: memref<1x2000x128xf32, #tpu.memory_space<vmem>>, %arg7: memref<8x128xf32, #tpu.memory_space<vmem>>) attributes {dimension_semantics = [#tpu.dimension_semantics<arbitrary>], iteration_bounds = array<i64: 20>, scalar_prefetch = 0 : i64, scratch_operands = 0 : i64, tpu.core_type = #tpu.core_type<tc>, window_params = [{transform_indices = @transform_0, window_bounds = array<i64: 1, 2000, 128>}, {transform_indices = @transform_1, window_bounds = array<i64: 1, 2000, 128>}, {transform_indices = @transform_2, window_bounds = array<i64: 1, 2000, 1>}, {pipeline_mode = #tpu.pipeline_mode<synchronous>, transform_indices = @transform_3, window_bounds = array<i64: 128, 128>}, {pipeline_mode = #tpu.pipeline_mode<synchronous>, transform_indices = @transform_4, window_bounds = array<i64: 1, 128>}, {transform_indices = @transform_5, window_bounds = array<i64: 1, 2000, 128>}, {pipeline_mode = #tpu.pipeline_mode<synchronous>, transform_indices = @transform_6, window_bounds = array<i64: 8, 128>}]} {
    %get3A = arith.constant 0 : index
    %get3A_0 = arith.constant 0 : index
    %get3A_1 = arith.constant 0 : index
    %get3A_2 = vector.load %arg3[%get3A, %get3A_0, %get3A_1] : memref<1x2000x1xi32, #tpu.memory_space<vmem>>, vector<1x2000x1xi32>
    %get3A_3 = vector.shape_cast %get3A_2 : vector<1x2000x1xi32> to vector<2000x1xi32>
    %convert_element_type3A = arith.sitofp %get3A_3 : vector<2000x1xi32> to vector<2000x1xf32>
    %add3A = arith.constant 1.000000e+00 : f32
    %add3A_4 = vector.broadcast %add3A : f32 to vector<2000x1xf32>
    %add3A_5 = arith.addf %add3A_4, %convert_element_type3A : vector<2000x1xf32>
    %rsqrt3A = math.rsqrt %add3A_5 : vector<2000x1xf32>
    %get3A_6 = arith.constant 0 : index
    %get3A_7 = arith.constant 0 : index
    %get3A_8 = arith.constant 0 : index
    %get3A_9 = vector.load %arg1[%get3A_6, %get3A_7, %get3A_8] : memref<1x2000x128xf32, #tpu.memory_space<vmem>>, vector<1x2000x128xf32>
    %get3A_10 = vector.shape_cast %get3A_9 : vector<1x2000x128xf32> to vector<2000x128xf32>
    %get3A_11 = arith.constant 0 : index
    %get3A_12 = arith.constant 0 : index
    %get3A_13 = arith.constant 0 : index
    %get3A_14 = vector.load %arg2[%get3A_11, %get3A_12, %get3A_13] : memref<1x2000x128xf32, #tpu.memory_space<vmem>>, vector<1x2000x128xf32>
    %get3A_15 = vector.shape_cast %get3A_14 : vector<1x2000x128xf32> to vector<2000x128xf32>
    %mul3A = vector.broadcast %rsqrt3A : vector<2000x1xf32> to vector<2000x128xf32>
    %mul3A_16 = arith.mulf %mul3A, %get3A_15 : vector<2000x128xf32>
    %mul3A_17 = arith.mulf %rsqrt3A, %rsqrt3A : vector<2000x1xf32>
    %mul3A_18 = vector.broadcast %mul3A_17 : vector<2000x1xf32> to vector<2000x128xf32>
    %mul3A_19 = arith.mulf %mul3A_18, %get3A_10 : vector<2000x128xf32>
    %add3A_20 = arith.addf %mul3A_16, %mul3A_19 : vector<2000x128xf32>
    %get3A_21 = arith.constant 0 : index
    %get3A_22 = arith.constant 0 : index
    %get3A_23 = vector.load %arg4[%get3A_21, %get3A_22] : memref<128x128xf32, #tpu.memory_space<vmem>>, vector<128x128xf32>
    %dot_general3A = arith.constant dense<0.000000e+00> : vector<2000x128xf32>
    %dot_general3A_24 = tpu.matmul %add3A_20, %get3A_23, %dot_general3A {dimension_numbers = #tpu.dot_dimension_numbers<[1], [0], [0], [1], [0, 0, 1, 1], [], []>, transpose_lhs_hint = false} : vector<2000x128xf32>, vector<128x128xf32>, vector<2000x128xf32> -> vector<2000x128xf32>
    %get3A_25 = arith.constant 0 : index
    %get3A_26 = arith.constant 0 : index
    %get3A_27 = vector.load %arg5[%get3A_25, %get3A_26] : memref<1x128xf32, #tpu.memory_space<vmem>>, vector<1x128xf32>
    %get3A_28 = vector.shape_cast %get3A_27 : vector<1x128xf32> to vector<128xf32>
    %broadcast_in_dim3A = vector.shape_cast %get3A_28 : vector<128xf32> to vector<1x128xf32>
    %add3A_29 = vector.broadcast %broadcast_in_dim3A : vector<1x128xf32> to vector<2000x128xf32>
    %add3A_30 = arith.addf %dot_general3A_24, %add3A_29 : vector<2000x128xf32>
    %swap3A = arith.constant 0 : index
    %swap3A_31 = arith.constant 0 : index
    %swap3A_32 = arith.constant 0 : index
    %swap3A_33 = vector.load %arg6[%swap3A, %swap3A_31, %swap3A_32] : memref<1x2000x128xf32, #tpu.memory_space<vmem>>, vector<1x2000x128xf32>
    %swap3A_34 = vector.shape_cast %swap3A_33 : vector<1x2000x128xf32> to vector<2000x128xf32>
    %swap3A_35 = vector.shape_cast %add3A_30 : vector<2000x128xf32> to vector<1x2000x128xf32>
    tpu.vector_store %arg6[%swap3A, %swap3A_31, %swap3A_32], %swap3A_35 {strides = array<i32>} : memref<1x2000x128xf32, #tpu.memory_space<vmem>>, vector<1x2000x128xf32>,
    %eq3A = arith.constant 0 : i32
    %eq3A_36 = arith.cmpi eq, %arg0, %eq3A : i32
    %convert_element_type3A_37 = arith.extui %eq3A_36 : i1 to i32
    %cond3A = arith.constant 0 : i32
    %cond3A_38 = arith.cmpi ne, %convert_element_type3A_37, %cond3A : i32
    scf.if %cond3A_38 {
      %broadcast_in_dim3A_63 = arith.constant 0.000000e+00 : f32
      %broadcast_in_dim3A_64 = vector.broadcast %broadcast_in_dim3A_63 : f32 to vector<8x128xf32>
      %swap3A_65 = arith.constant 0 : index
      %swap3A_66 = arith.constant 0 : index
      %swap3A_67 = vector.load %arg7[%swap3A_65, %swap3A_66] : memref<8x128xf32, #tpu.memory_space<vmem>>, vector<8x128xf32>
      tpu.vector_store %arg7[%swap3A_65, %swap3A_66], %broadcast_in_dim3A_64 {strides = array<i32>} : memref<8x128xf32, #tpu.memory_space<vmem>>, vector<8x128xf32>,
    } else {
    }
    %reduce_sum3A = arith.constant dense<0.000000e+00> : vector<128xf32>
    %reduce_sum3A_39 = vector.multi_reduction <add>, %add3A_30, %reduce_sum3A [0] : vector<2000x128xf32> to vector<128xf32>
    %mul3A_40 = arith.mulf %add3A_30, %add3A_30 : vector<2000x128xf32>
    %reduce_sum3A_41 = arith.constant dense<0.000000e+00> : vector<128xf32>
    %reduce_sum3A_42 = vector.multi_reduction <add>, %mul3A_40, %reduce_sum3A_41 [0] : vector<2000x128xf32> to vector<128xf32>
    %get3A_43 = arith.constant 0 : index
    %get3A_44 = arith.constant 0 : index
    %get3A_45 = vector.load %arg7[%get3A_43, %get3A_44] : memref<8x128xf32, #tpu.memory_space<vmem>>, vector<1x128xf32>
    %get3A_46 = vector.shape_cast %get3A_45 : vector<1x128xf32> to vector<128xf32>
    %add3A_47 = arith.addf %get3A_46, %reduce_sum3A_39 : vector<128xf32>
    %swap3A_48 = arith.constant 0 : index
    %swap3A_49 = arith.constant 0 : index
    %swap3A_50 = vector.load %arg7[%swap3A_48, %swap3A_49] : memref<8x128xf32, #tpu.memory_space<vmem>>, vector<1x128xf32>
    %swap3A_51 = vector.shape_cast %swap3A_50 : vector<1x128xf32> to vector<128xf32>
    %swap3A_52 = vector.shape_cast %add3A_47 : vector<128xf32> to vector<1x128xf32>
    tpu.vector_store %arg7[%swap3A_48, %swap3A_49], %swap3A_52 {strides = array<i32>} : memref<8x128xf32, #tpu.memory_space<vmem>>, vector<1x128xf32>,
    %get3A_53 = arith.constant 1 : index
    %get3A_54 = arith.constant 0 : index
    %get3A_55 = vector.load %arg7[%get3A_53, %get3A_54] : memref<8x128xf32, #tpu.memory_space<vmem>>, vector<1x128xf32>
    %get3A_56 = vector.shape_cast %get3A_55 : vector<1x128xf32> to vector<128xf32>
    %add3A_57 = arith.addf %get3A_56, %reduce_sum3A_42 : vector<128xf32>
    %swap3A_58 = arith.constant 1 : index
    %swap3A_59 = arith.constant 0 : index
    %swap3A_60 = vector.load %arg7[%swap3A_58, %swap3A_59] : memref<8x128xf32, #tpu.memory_space<vmem>>, vector<1x128xf32>
    %swap3A_61 = vector.shape_cast %swap3A_60 : vector<1x128xf32> to vector<128xf32>
    %swap3A_62 = vector.shape_cast %add3A_57 : vector<128xf32> to vector<1x128xf32>
    tpu.vector_store %arg7[%swap3A_58, %swap3A_59], %swap3A_62 {strides = array<i32>} : memref<8x128xf32, #tpu.memory_space<vmem>>, vector<1x128xf32>,
    return
  }
  func.func @transform_0(%arg0: i32) -> (i32, i32, i32) {
    %jit3A = arith.constant 5 : i32
    %div3A = arith.divsi %arg0, %jit3A : i32
    %sign3A = arith.constant 0 : i32
    %sign3A_0 = arith.cmpi sgt, %arg0, %sign3A : i32
    %sign3A_1 = arith.extui %sign3A_0 : i1 to i32
    %sign3A_2 = arith.constant 0 : i32
    %sign3A_3 = arith.cmpi slt, %arg0, %sign3A_2 : i32
    %sign3A_4 = arith.extui %sign3A_3 : i1 to i32
    %sign3A_5 = arith.subi %sign3A_1, %sign3A_4 : i32
    %sign3A_6 = arith.constant 0 : i32
    %sign3A_7 = arith.cmpi sgt, %jit3A, %sign3A_6 : i32
    %sign3A_8 = arith.extui %sign3A_7 : i1 to i32
    %sign3A_9 = arith.constant 0 : i32
    %sign3A_10 = arith.cmpi slt, %jit3A, %sign3A_9 : i32
    %sign3A_11 = arith.extui %sign3A_10 : i1 to i32
    %sign3A_12 = arith.subi %sign3A_8, %sign3A_11 : i32
    %ne3A = arith.cmpi ne, %sign3A_5, %sign3A_12 : i32
    %rem3A = arith.remsi %arg0, %jit3A : i32
    %ne3A_13 = arith.constant 0 : i32
    %ne3A_14 = arith.cmpi ne, %rem3A, %ne3A_13 : i32
    %and3A = arith.andi %ne3A, %ne3A_14 : i1
    %sub3A = arith.constant 1 : i32
    %sub3A_15 = arith.subi %div3A, %sub3A : i32
    %select_n3A = arith.select %and3A, %sub3A_15, %div3A : i32
    %jit3A_16 = arith.constant 5 : i32
    %eq3A = arith.constant 0 : i32
    %eq3A_17 = arith.cmpi eq, %jit3A_16, %eq3A : i32
    %jit3A_18 = arith.constant 1 : i32
    %select_n3A_19 = arith.select %eq3A_17, %jit3A_18, %jit3A_16 : i32
    %rem3A_20 = arith.remsi %arg0, %select_n3A_19 : i32
    %ne3A_21 = arith.constant 0 : i32
    %ne3A_22 = arith.cmpi ne, %rem3A_20, %ne3A_21 : i32
    %lt3A = arith.constant 0 : i32
    %lt3A_23 = arith.cmpi slt, %rem3A_20, %lt3A : i32
    %lt3A_24 = arith.constant 0 : i32
    %lt3A_25 = arith.cmpi slt, %select_n3A_19, %lt3A_24 : i32
    %ne3A_26 = arith.xori %lt3A_23, %lt3A_25 : i1
    %and3A_27 = arith.andi %ne3A_26, %ne3A_22 : i1
    %add3A = arith.addi %rem3A_20, %select_n3A_19 : i32
    %select_n3A_28 = arith.select %and3A_27, %add3A, %rem3A_20 : i32
    %c0_i32 = arith.constant 0 : i32
    %c0_i32_29 = arith.constant 0 : i32
    return %select_n3A, %select_n3A_28, %c0_i32 : i32, i32, i32
  }
  func.func @transform_1(%arg0: i32) -> (i32, i32, i32) {
    %jit3A = arith.constant 5 : i32
    %div3A = arith.divsi %arg0, %jit3A : i32
    %sign3A = arith.constant 0 : i32
    %sign3A_0 = arith.cmpi sgt, %arg0, %sign3A : i32
    %sign3A_1 = arith.extui %sign3A_0 : i1 to i32
    %sign3A_2 = arith.constant 0 : i32
    %sign3A_3 = arith.cmpi slt, %arg0, %sign3A_2 : i32
    %sign3A_4 = arith.extui %sign3A_3 : i1 to i32
    %sign3A_5 = arith.subi %sign3A_1, %sign3A_4 : i32
    %sign3A_6 = arith.constant 0 : i32
    %sign3A_7 = arith.cmpi sgt, %jit3A, %sign3A_6 : i32
    %sign3A_8 = arith.extui %sign3A_7 : i1 to i32
    %sign3A_9 = arith.constant 0 : i32
    %sign3A_10 = arith.cmpi slt, %jit3A, %sign3A_9 : i32
    %sign3A_11 = arith.extui %sign3A_10 : i1 to i32
    %sign3A_12 = arith.subi %sign3A_8, %sign3A_11 : i32
    %ne3A = arith.cmpi ne, %sign3A_5, %sign3A_12 : i32
    %rem3A = arith.remsi %arg0, %jit3A : i32
    %ne3A_13 = arith.constant 0 : i32
    %ne3A_14 = arith.cmpi ne, %rem3A, %ne3A_13 : i32
    %and3A = arith.andi %ne3A, %ne3A_14 : i1
    %sub3A = arith.constant 1 : i32
    %sub3A_15 = arith.subi %div3A, %sub3A : i32
    %select_n3A = arith.select %and3A, %sub3A_15, %div3A : i32
    %jit3A_16 = arith.constant 5 : i32
    %eq3A = arith.constant 0 : i32
    %eq3A_17 = arith.cmpi eq, %jit3A_16, %eq3A : i32
    %jit3A_18 = arith.constant 1 : i32
    %select_n3A_19 = arith.select %eq3A_17, %jit3A_18, %jit3A_16 : i32
    %rem3A_20 = arith.remsi %arg0, %select_n3A_19 : i32
    %ne3A_21 = arith.constant 0 : i32
    %ne3A_22 = arith.cmpi ne, %rem3A_20, %ne3A_21 : i32
    %lt3A = arith.constant 0 : i32
    %lt3A_23 = arith.cmpi slt, %rem3A_20, %lt3A : i32
    %lt3A_24 = arith.constant 0 : i32
    %lt3A_25 = arith.cmpi slt, %select_n3A_19, %lt3A_24 : i32
    %ne3A_26 = arith.xori %lt3A_23, %lt3A_25 : i1
    %and3A_27 = arith.andi %ne3A_26, %ne3A_22 : i1
    %add3A = arith.addi %rem3A_20, %select_n3A_19 : i32
    %select_n3A_28 = arith.select %and3A_27, %add3A, %rem3A_20 : i32
    %c0_i32 = arith.constant 0 : i32
    %c0_i32_29 = arith.constant 0 : i32
    return %select_n3A, %select_n3A_28, %c0_i32 : i32, i32, i32
  }
  func.func @transform_2(%arg0: i32) -> (i32, i32, i32) {
    %jit3A = arith.constant 5 : i32
    %div3A = arith.divsi %arg0, %jit3A : i32
    %sign3A = arith.constant 0 : i32
    %sign3A_0 = arith.cmpi sgt, %arg0, %sign3A : i32
    %sign3A_1 = arith.extui %sign3A_0 : i1 to i32
    %sign3A_2 = arith.constant 0 : i32
    %sign3A_3 = arith.cmpi slt, %arg0, %sign3A_2 : i32
    %sign3A_4 = arith.extui %sign3A_3 : i1 to i32
    %sign3A_5 = arith.subi %sign3A_1, %sign3A_4 : i32
    %sign3A_6 = arith.constant 0 : i32
    %sign3A_7 = arith.cmpi sgt, %jit3A, %sign3A_6 : i32
    %sign3A_8 = arith.extui %sign3A_7 : i1 to i32
    %sign3A_9 = arith.constant 0 : i32
    %sign3A_10 = arith.cmpi slt, %jit3A, %sign3A_9 : i32
    %sign3A_11 = arith.extui %sign3A_10 : i1 to i32
    %sign3A_12 = arith.subi %sign3A_8, %sign3A_11 : i32
    %ne3A = arith.cmpi ne, %sign3A_5, %sign3A_12 : i32
    %rem3A = arith.remsi %arg0, %jit3A : i32
    %ne3A_13 = arith.constant 0 : i32
    %ne3A_14 = arith.cmpi ne, %rem3A, %ne3A_13 : i32
    %and3A = arith.andi %ne3A, %ne3A_14 : i1
    %sub3A = arith.constant 1 : i32
    %sub3A_15 = arith.subi %div3A, %sub3A : i32
    %select_n3A = arith.select %and3A, %sub3A_15, %div3A : i32
    %jit3A_16 = arith.constant 5 : i32
    %eq3A = arith.constant 0 : i32
    %eq3A_17 = arith.cmpi eq, %jit3A_16, %eq3A : i32
    %jit3A_18 = arith.constant 1 : i32
    %select_n3A_19 = arith.select %eq3A_17, %jit3A_18, %jit3A_16 : i32
    %rem3A_20 = arith.remsi %arg0, %select_n3A_19 : i32
    %ne3A_21 = arith.constant 0 : i32
    %ne3A_22 = arith.cmpi ne, %rem3A_20, %ne3A_21 : i32
    %lt3A = arith.constant 0 : i32
    %lt3A_23 = arith.cmpi slt, %rem3A_20, %lt3A : i32
    %lt3A_24 = arith.constant 0 : i32
    %lt3A_25 = arith.cmpi slt, %select_n3A_19, %lt3A_24 : i32
    %ne3A_26 = arith.xori %lt3A_23, %lt3A_25 : i1
    %and3A_27 = arith.andi %ne3A_26, %ne3A_22 : i1
    %add3A = arith.addi %rem3A_20, %select_n3A_19 : i32
    %select_n3A_28 = arith.select %and3A_27, %add3A, %rem3A_20 : i32
    %c0_i32 = arith.constant 0 : i32
    %c0_i32_29 = arith.constant 0 : i32
    return %select_n3A, %select_n3A_28, %c0_i32 : i32, i32, i32
  }
  func.func @transform_3(%arg0: i32) -> (i32, i32) {
    %c0_i32 = arith.constant 0 : i32
    %c0_i32_0 = arith.constant 0 : i32
    %c0_i32_1 = arith.constant 0 : i32
    return %c0_i32, %c0_i32_0 : i32, i32
  }
  func.func @transform_4(%arg0: i32) -> (i32, i32) {
    %c0_i32 = arith.constant 0 : i32
    %c0_i32_0 = arith.constant 0 : i32
    %c0_i32_1 = arith.constant 0 : i32
    return %c0_i32, %c0_i32_0 : i32, i32
  }
  func.func @transform_5(%arg0: i32) -> (i32, i32, i32) {
    %jit3A = arith.constant 5 : i32
    %div3A = arith.divsi %arg0, %jit3A : i32
    %sign3A = arith.constant 0 : i32
    %sign3A_0 = arith.cmpi sgt, %arg0, %sign3A : i32
    %sign3A_1 = arith.extui %sign3A_0 : i1 to i32
    %sign3A_2 = arith.constant 0 : i32
    %sign3A_3 = arith.cmpi slt, %arg0, %sign3A_2 : i32
    %sign3A_4 = arith.extui %sign3A_3 : i1 to i32
    %sign3A_5 = arith.subi %sign3A_1, %sign3A_4 : i32
    %sign3A_6 = arith.constant 0 : i32
    %sign3A_7 = arith.cmpi sgt, %jit3A, %sign3A_6 : i32
    %sign3A_8 = arith.extui %sign3A_7 : i1 to i32
    %sign3A_9 = arith.constant 0 : i32
    %sign3A_10 = arith.cmpi slt, %jit3A, %sign3A_9 : i32
    %sign3A_11 = arith.extui %sign3A_10 : i1 to i32
    %sign3A_12 = arith.subi %sign3A_8, %sign3A_11 : i32
    %ne3A = arith.cmpi ne, %sign3A_5, %sign3A_12 : i32
    %rem3A = arith.remsi %arg0, %jit3A : i32
    %ne3A_13 = arith.constant 0 : i32
    %ne3A_14 = arith.cmpi ne, %rem3A, %ne3A_13 : i32
    %and3A = arith.andi %ne3A, %ne3A_14 : i1
    %sub3A = arith.constant 1 : i32
    %sub3A_15 = arith.subi %div3A, %sub3A : i32
    %select_n3A = arith.select %and3A, %sub3A_15, %div3A : i32
    %jit3A_16 = arith.constant 5 : i32
    %eq3A = arith.constant 0 : i32
    %eq3A_17 = arith.cmpi eq, %jit3A_16, %eq3A : i32
    %jit3A_18 = arith.constant 1 : i32
    %select_n3A_19 = arith.select %eq3A_17, %jit3A_18, %jit3A_16 : i32
    %rem3A_20 = arith.remsi %arg0, %select_n3A_19 : i32
    %ne3A_21 = arith.constant 0 : i32
    %ne3A_22 = arith.cmpi ne, %rem3A_20, %ne3A_21 : i32
    %lt3A = arith.constant 0 : i32
    %lt3A_23 = arith.cmpi slt, %rem3A_20, %lt3A : i32
    %lt3A_24 = arith.constant 0 : i32
    %lt3A_25 = arith.cmpi slt, %select_n3A_19, %lt3A_24 : i32
    %ne3A_26 = arith.xori %lt3A_23, %lt3A_25 : i1
    %and3A_27 = arith.andi %ne3A_26, %ne3A_22 : i1
    %add3A = arith.addi %rem3A_20, %select_n3A_19 : i32
    %select_n3A_28 = arith.select %and3A_27, %add3A, %rem3A_20 : i32
    %c0_i32 = arith.constant 0 : i32
    %c0_i32_29 = arith.constant 0 : i32
    return %select_n3A, %select_n3A_28, %c0_i32 : i32, i32, i32
  }
  func.func @transform_6(%arg0: i32) -> (i32, i32) {
    %c0_i32 = arith.constant 0 : i32
    %c0_i32_0 = arith.constant 0 : i32
    %c0_i32_1 = arith.constant 0 : i32
    return %c0_i32, %c0_i32_0 : i32, i32
  }
}

module attributes {stable_mosaic.version = 14 : i64} {
  func.func @_finish_body(%arg0: i32, %arg1: memref<1x2000x128xf32, #tpu.memory_space<vmem>>, %arg2: memref<8x128xf32, #tpu.memory_space<vmem>>, %arg3: memref<1x128xf32, #tpu.memory_space<vmem>>, %arg4: memref<1x128xf32, #tpu.memory_space<vmem>>, %arg5: memref<1x1xf32, #tpu.memory_space<vmem>>, %arg6: memref<1x2000x128xf32, #tpu.memory_space<vmem>>) attributes {dimension_semantics = [#tpu.dimension_semantics<arbitrary>], iteration_bounds = array<i64: 20>, scalar_prefetch = 0 : i64, scratch_operands = 0 : i64, tpu.core_type = #tpu.core_type<tc>, window_params = [{transform_indices = @transform_0, window_bounds = array<i64: 1, 2000, 128>}, {pipeline_mode = #tpu.pipeline_mode<synchronous>, transform_indices = @transform_1, window_bounds = array<i64: 8, 128>}, {pipeline_mode = #tpu.pipeline_mode<synchronous>, transform_indices = @transform_2, window_bounds = array<i64: 1, 128>}, {pipeline_mode = #tpu.pipeline_mode<synchronous>, transform_indices = @transform_3, window_bounds = array<i64: 1, 128>}, {pipeline_mode = #tpu.pipeline_mode<synchronous>, transform_indices = @transform_4, window_bounds = array<i64: 1, 1>}, {transform_indices = @transform_5, window_bounds = array<i64: 1, 2000, 128>}]} {
    %get3A = arith.constant 0 : index
    %get3A_0 = arith.constant 0 : index
    %get3A_1 = vector.load %arg2[%get3A, %get3A_0] : memref<8x128xf32, #tpu.memory_space<vmem>>, vector<1x128xf32>
    %get3A_2 = vector.shape_cast %get3A_1 : vector<1x128xf32> to vector<128xf32>
    %reduce_sum3A = vector.shape_cast %get3A_2 : vector<128xf32> to vector<1x128xf32>
    %reduce_sum3A_3 = arith.constant dense<0.000000e+00> : vector<1xf32>
    %reduce_sum3A_4 = vector.multi_reduction <add>, %reduce_sum3A, %reduce_sum3A_3 [1] : vector<1x128xf32> to vector<1xf32>
    %reduce_sum3A_5 = vector.shape_cast %reduce_sum3A_4 : vector<1xf32> to vector<1x1xf32>
    %reduce_sum3A_6 = vector.extract %reduce_sum3A_5[0, 0] : f32 from vector<1x1xf32>
    %div3A = arith.constant 5.120000e+06 : f32
    %div3A_7 = arith.divf %reduce_sum3A_6, %div3A : f32
    %get3A_8 = arith.constant 1 : index
    %get3A_9 = arith.constant 0 : index
    %get3A_10 = vector.load %arg2[%get3A_8, %get3A_9] : memref<8x128xf32, #tpu.memory_space<vmem>>, vector<1x128xf32>
    %get3A_11 = vector.shape_cast %get3A_10 : vector<1x128xf32> to vector<128xf32>
    %reduce_sum3A_12 = vector.shape_cast %get3A_11 : vector<128xf32> to vector<1x128xf32>
    %reduce_sum3A_13 = arith.constant dense<0.000000e+00> : vector<1xf32>
    %reduce_sum3A_14 = vector.multi_reduction <add>, %reduce_sum3A_12, %reduce_sum3A_13 [1] : vector<1x128xf32> to vector<1xf32>
    %reduce_sum3A_15 = vector.shape_cast %reduce_sum3A_14 : vector<1xf32> to vector<1x1xf32>
    %reduce_sum3A_16 = vector.extract %reduce_sum3A_15[0, 0] : f32 from vector<1x1xf32>
    %div3A_17 = arith.constant 5.120000e+06 : f32
    %div3A_18 = arith.divf %reduce_sum3A_16, %div3A_17 : f32
    %mul3A = arith.mulf %div3A_7, %div3A_7 : f32
    %sub3A = arith.subf %div3A_18, %mul3A : f32
    %add3A = arith.constant 9.99999974E-6 : f32
    %add3A_19 = arith.addf %sub3A, %add3A : f32
    %rsqrt3A = math.rsqrt %add3A_19 : f32
    %get3A_20 = arith.constant 0 : index
    %get3A_21 = arith.constant 0 : index
    %get3A_22 = arith.constant 0 : index
    %get3A_23 = vector.load %arg1[%get3A_20, %get3A_21, %get3A_22] : memref<1x2000x128xf32, #tpu.memory_space<vmem>>, vector<1x2000x128xf32>
    %get3A_24 = vector.shape_cast %get3A_23 : vector<1x2000x128xf32> to vector<2000x128xf32>
    %sub3A_25 = vector.broadcast %div3A_7 : f32 to vector<2000x128xf32>
    %sub3A_26 = arith.subf %get3A_24, %sub3A_25 : vector<2000x128xf32>
    %mul3A_27 = vector.broadcast %rsqrt3A : f32 to vector<2000x128xf32>
    %mul3A_28 = arith.mulf %sub3A_26, %mul3A_27 : vector<2000x128xf32>
    %get3A_29 = arith.constant 0 : index
    %get3A_30 = arith.constant 0 : index
    %get3A_31 = vector.load %arg3[%get3A_29, %get3A_30] : memref<1x128xf32, #tpu.memory_space<vmem>>, vector<1x128xf32>
    %get3A_32 = vector.shape_cast %get3A_31 : vector<1x128xf32> to vector<128xf32>
    %broadcast_in_dim3A = vector.shape_cast %get3A_32 : vector<128xf32> to vector<1x128xf32>
    %mul3A_33 = vector.broadcast %broadcast_in_dim3A : vector<1x128xf32> to vector<2000x128xf32>
    %mul3A_34 = arith.mulf %mul3A_28, %mul3A_33 : vector<2000x128xf32>
    %get3A_35 = arith.constant 0 : index
    %get3A_36 = arith.constant 0 : index
    %get3A_37 = vector.load %arg4[%get3A_35, %get3A_36] : memref<1x128xf32, #tpu.memory_space<vmem>>, vector<1x128xf32>
    %get3A_38 = vector.shape_cast %get3A_37 : vector<1x128xf32> to vector<128xf32>
    %broadcast_in_dim3A_39 = vector.shape_cast %get3A_38 : vector<128xf32> to vector<1x128xf32>
    %add3A_40 = vector.broadcast %broadcast_in_dim3A_39 : vector<1x128xf32> to vector<2000x128xf32>
    %add3A_41 = arith.addf %mul3A_34, %add3A_40 : vector<2000x128xf32>
    %get3A_42 = arith.constant 0 : index
    %get3A_43 = arith.constant 0 : index
    %get3A_44 = vector.load %arg5[%get3A_42, %get3A_43] : memref<1x1xf32, #tpu.memory_space<vmem>>, vector<1x1xf32>
    %get3A_45 = vector.extract %get3A_44[0, 0] : f32 from vector<1x1xf32>
    %ge3A = arith.constant 0.000000e+00 : f32
    %ge3A_46 = vector.broadcast %ge3A : f32 to vector<2000x128xf32>
    %ge3A_47 = arith.cmpf oge, %add3A_41, %ge3A_46 : vector<2000x128xf32>
    %mul3A_48 = vector.broadcast %get3A_45 : f32 to vector<2000x128xf32>
    %mul3A_49 = arith.mulf %mul3A_48, %add3A_41 : vector<2000x128xf32>
    %select_n3A = arith.select %ge3A_47, %add3A_41, %mul3A_49 : vector<2000x128xi1>, vector<2000x128xf32>
    %swap3A = arith.constant 0 : index
    %swap3A_50 = arith.constant 0 : index
    %swap3A_51 = arith.constant 0 : index
    %swap3A_52 = vector.load %arg6[%swap3A, %swap3A_50, %swap3A_51] : memref<1x2000x128xf32, #tpu.memory_space<vmem>>, vector<1x2000x128xf32>
    %swap3A_53 = vector.shape_cast %swap3A_52 : vector<1x2000x128xf32> to vector<2000x128xf32>
    %swap3A_54 = vector.shape_cast %select_n3A : vector<2000x128xf32> to vector<1x2000x128xf32>
    tpu.vector_store %arg6[%swap3A, %swap3A_50, %swap3A_51], %swap3A_54 {strides = array<i32>} : memref<1x2000x128xf32, #tpu.memory_space<vmem>>, vector<1x2000x128xf32>,
    return
  }
  func.func @transform_0(%arg0: i32) -> (i32, i32, i32) {
    %jit3A = arith.constant 5 : i32
    %div3A = arith.divsi %arg0, %jit3A : i32
    %sign3A = arith.constant 0 : i32
    %sign3A_0 = arith.cmpi sgt, %arg0, %sign3A : i32
    %sign3A_1 = arith.extui %sign3A_0 : i1 to i32
    %sign3A_2 = arith.constant 0 : i32
    %sign3A_3 = arith.cmpi slt, %arg0, %sign3A_2 : i32
    %sign3A_4 = arith.extui %sign3A_3 : i1 to i32
    %sign3A_5 = arith.subi %sign3A_1, %sign3A_4 : i32
    %sign3A_6 = arith.constant 0 : i32
    %sign3A_7 = arith.cmpi sgt, %jit3A, %sign3A_6 : i32
    %sign3A_8 = arith.extui %sign3A_7 : i1 to i32
    %sign3A_9 = arith.constant 0 : i32
    %sign3A_10 = arith.cmpi slt, %jit3A, %sign3A_9 : i32
    %sign3A_11 = arith.extui %sign3A_10 : i1 to i32
    %sign3A_12 = arith.subi %sign3A_8, %sign3A_11 : i32
    %ne3A = arith.cmpi ne, %sign3A_5, %sign3A_12 : i32
    %rem3A = arith.remsi %arg0, %jit3A : i32
    %ne3A_13 = arith.constant 0 : i32
    %ne3A_14 = arith.cmpi ne, %rem3A, %ne3A_13 : i32
    %and3A = arith.andi %ne3A, %ne3A_14 : i1
    %sub3A = arith.constant 1 : i32
    %sub3A_15 = arith.subi %div3A, %sub3A : i32
    %select_n3A = arith.select %and3A, %sub3A_15, %div3A : i32
    %jit3A_16 = arith.constant 5 : i32
    %eq3A = arith.constant 0 : i32
    %eq3A_17 = arith.cmpi eq, %jit3A_16, %eq3A : i32
    %jit3A_18 = arith.constant 1 : i32
    %select_n3A_19 = arith.select %eq3A_17, %jit3A_18, %jit3A_16 : i32
    %rem3A_20 = arith.remsi %arg0, %select_n3A_19 : i32
    %ne3A_21 = arith.constant 0 : i32
    %ne3A_22 = arith.cmpi ne, %rem3A_20, %ne3A_21 : i32
    %lt3A = arith.constant 0 : i32
    %lt3A_23 = arith.cmpi slt, %rem3A_20, %lt3A : i32
    %lt3A_24 = arith.constant 0 : i32
    %lt3A_25 = arith.cmpi slt, %select_n3A_19, %lt3A_24 : i32
    %ne3A_26 = arith.xori %lt3A_23, %lt3A_25 : i1
    %and3A_27 = arith.andi %ne3A_26, %ne3A_22 : i1
    %add3A = arith.addi %rem3A_20, %select_n3A_19 : i32
    %select_n3A_28 = arith.select %and3A_27, %add3A, %rem3A_20 : i32
    %c0_i32 = arith.constant 0 : i32
    %c0_i32_29 = arith.constant 0 : i32
    return %select_n3A, %select_n3A_28, %c0_i32 : i32, i32, i32
  }
  func.func @transform_1(%arg0: i32) -> (i32, i32) {
    %c0_i32 = arith.constant 0 : i32
    %c0_i32_0 = arith.constant 0 : i32
    %c0_i32_1 = arith.constant 0 : i32
    return %c0_i32, %c0_i32_0 : i32, i32
  }
  func.func @transform_2(%arg0: i32) -> (i32, i32) {
    %c0_i32 = arith.constant 0 : i32
    %c0_i32_0 = arith.constant 0 : i32
    %c0_i32_1 = arith.constant 0 : i32
    return %c0_i32, %c0_i32_0 : i32, i32
  }
  func.func @transform_3(%arg0: i32) -> (i32, i32) {
    %c0_i32 = arith.constant 0 : i32
    %c0_i32_0 = arith.constant 0 : i32
    %c0_i32_1 = arith.constant 0 : i32
    return %c0_i32, %c0_i32_0 : i32, i32
  }
  func.func @transform_4(%arg0: i32) -> (i32, i32) {
    %c0_i32 = arith.constant 0 : i32
    %c0_i32_0 = arith.constant 0 : i32
    %c0_i32_1 = arith.constant 0 : i32
    return %c0_i32, %c0_i32_0 : i32, i32
  }
  func.func @transform_5(%arg0: i32) -> (i32, i32, i32) {
    %jit3A = arith.constant 5 : i32
    %div3A = arith.divsi %arg0, %jit3A : i32
    %sign3A = arith.constant 0 : i32
    %sign3A_0 = arith.cmpi sgt, %arg0, %sign3A : i32
    %sign3A_1 = arith.extui %sign3A_0 : i1 to i32
    %sign3A_2 = arith.constant 0 : i32
    %sign3A_3 = arith.cmpi slt, %arg0, %sign3A_2 : i32
    %sign3A_4 = arith.extui %sign3A_3 : i1 to i32
    %sign3A_5 = arith.subi %sign3A_1, %sign3A_4 : i32
    %sign3A_6 = arith.constant 0 : i32
    %sign3A_7 = arith.cmpi sgt, %jit3A, %sign3A_6 : i32
    %sign3A_8 = arith.extui %sign3A_7 : i1 to i32
    %sign3A_9 = arith.constant 0 : i32
    %sign3A_10 = arith.cmpi slt, %jit3A, %sign3A_9 : i32
    %sign3A_11 = arith.extui %sign3A_10 : i1 to i32
    %sign3A_12 = arith.subi %sign3A_8, %sign3A_11 : i32
    %ne3A = arith.cmpi ne, %sign3A_5, %sign3A_12 : i32
    %rem3A = arith.remsi %arg0, %jit3A : i32
    %ne3A_13 = arith.constant 0 : i32
    %ne3A_14 = arith.cmpi ne, %rem3A, %ne3A_13 : i32
    %and3A = arith.andi %ne3A, %ne3A_14 : i1
    %sub3A = arith.constant 1 : i32
    %sub3A_15 = arith.subi %div3A, %sub3A : i32
    %select_n3A = arith.select %and3A, %sub3A_15, %div3A : i32
    %jit3A_16 = arith.constant 5 : i32
    %eq3A = arith.constant 0 : i32
    %eq3A_17 = arith.cmpi eq, %jit3A_16, %eq3A : i32
    %jit3A_18 = arith.constant 1 : i32
    %select_n3A_19 = arith.select %eq3A_17, %jit3A_18, %jit3A_16 : i32
    %rem3A_20 = arith.remsi %arg0, %select_n3A_19 : i32
    %ne3A_21 = arith.constant 0 : i32
    %ne3A_22 = arith.cmpi ne, %rem3A_20, %ne3A_21 : i32
    %lt3A = arith.constant 0 : i32
    %lt3A_23 = arith.cmpi slt, %rem3A_20, %lt3A : i32
    %lt3A_24 = arith.constant 0 : i32
    %lt3A_25 = arith.cmpi slt, %select_n3A_19, %lt3A_24 : i32
    %ne3A_26 = arith.xori %lt3A_23, %lt3A_25 : i1
    %and3A_27 = arith.andi %ne3A_26, %ne3A_22 : i1
    %add3A = arith.addi %rem3A_20, %select_n3A_19 : i32
    %select_n3A_28 = arith.select %and3A_27, %add3A, %rem3A_20 : i32
    %c0_i32 = arith.constant 0 : i32
    %c0_i32_29 = arith.constant 0 : i32
    return %select_n3A, %select_n3A_28, %c0_i32 : i32, i32, i32
  }
}

</mosaic_0001>

<sc_bundles>
// kernel: kernel.10.cloned.1.call-start
scs
__scs_entry_jumppad:
0x0: {  	(pc) =	sbr.rel $0x88, $3  }
0x1: {  	(tag) =	ssettag $0x0;
	lr =	simm.s32 $0x1  }
0x2: {  	[smem:$0x3F99] =	sst lr;
	_ =	strace $0xD0000000  }
0x3: {  	_ = 	snop  }
0x4: {  	_ = 	snop  }
0x5: {  	_ = 	snop  }
0x6: {  	_ = 	snop  }
0x7: {  	_ = 	snop  }
__scs_overlays_trampoline_lowered:
0x8: {  	[smem:$0x3FA8] =	sst s0  }
0x9: {  	[smem:$0x3FA9] =	sst s1  }
0xa: {  	[smem:$0x3FAA] =	sst s2  }
0xb: {  	[smem:$0x3FAB] =	sst s3  }
0xc: {  	[smem:$0x3FAC] =	sst s4  }
0xd: {  	[smem:$0x3FAD] =	sst s5  }
0xe: {  	[smem:$0x3FAE] =	sst s6  }
0xf: {  	[smem:$0x3FAF] =	sst s7  }
0x10: {  	[smem:$0x3FB0] =	sst s8  }
0x11: {  	[smem:$0x3FB1] =	sst s9;
	s0 =	simm.s32 @!p0 $0x0  }
0x12: {  	s1 =	sld [smem:$0x3F97];
	s0 =	simm.s32 @p0 $0x1  }
0x13: {  	[smem:$0x3FB2] =	sst s0;
	s0 =	simm.s32 @!p1 $0x0  }
0x14: {  	s2 =	sld [smem:$0x3F96];
	s0 =	simm.s32 @p1 $0x1  }
0x15: {  	[smem:$0x3FB3] =	sst s0;
	s0 =	simm.s32 @!p2 $0x0  }
0x16: {  	s3 =	sld [smem:$0x3FDB];
	s0 =	simm.s32 @p2 $0x1  }
0x17: {  	s4 =	simm.s32 $0x1BF5;
	[smem:$0x3FB5] =	sst s0  }
0x18: {  	s0 =	sld [smem:$0x3F98];
	_ =	swait.ge [sflag:s4], $0x0  }
0x19: {  	s7 =	sld [smem:$0x3F99]  }
0x1a: {  	s8 =	sadd.s32 $0xFFFFE003, lr  }
0x1b: {  	s9 =	sadd.s32 $0xFFFFFEF7, lr;
	s5 =	simm.s32 $0xFFFFFFFF;
	p2 =	slt.u32 s8, $0xFFFFF086  }
0x1c: {  	p1 =	slt.u32 s9, $0xF7A;
	s5 =	simm.s32 @!p2 $0x0  }
0x1d: {  	s5 =	simm.s32 @p1 $0x1;
	p0 =	seq.s32 s7, s2  }
0x1e: {  	s7 =	smul.u32 @!p0 $0xF7A, s2;
	p2 =	seq.s32 @!p0 s5, $0x0  }
0x1f: {  	s9 =	smul.u32 $0xF7A, s1;
	s8 =	simm.s32 @!p0 $0x1BF5;
	p2 =	por !p2, p0  }
0x20: {  	[sflag:s8] =	ssyncset.s32 @!p0 $0xFFFFF086;
	s6 =	sadd.s32 @!p0 s3, s7;
	s7 =	simm.s32 @!p0 $0x108  }
0x21: {  	s3 =	sadd.s32 s3, s9;
	s6 =	sadd.s32 @!p0 $0x88, s6;
	s7 =	simm.s32 @p2 $0x1082  }
0x22: {  	[simem:s7], [sflag:s8] =	dma.local @!p0 [hbm:s6], $0xF7A  }
0x23: {  	s9 =	sor.u32 $0xD0000000, s2;
	s6 =	simm.s32 $0x108;
	_ =	swait.ge @!p0 [sflag:s8], $0x0  }
0x24: {  	s3 =	sadd.s32 $0x88, s3;
	s6 =	simm.s32 @!p1 $0x1082;
	[sflag:s4] =	ssyncset.s32 $0xFFFFF086  }
0x25: {  	[simem:s6], [sflag:s4] =	dma.local [hbm:s3], $0xF7A  }
0x26: {  	[smem:$0x3F99] =	sst s1;
	(tag) =	ssettag s2;
	_ =	strace s9  }
0x27: {  	s1 =	sld [smem:$0x3FA9]  }
0x28: {  	s2 =	sld [smem:$0x3FAA]  }
0x29: {  	s4 =	sld [smem:$0x3FAC]  }
0x2a: {  	p0 =	seq.s32 s5, $0x0;
	s5 =	sld [smem:$0x3FAD]  }
0x2b: {  	s6 =	sld [smem:$0x3FAE]  }
0x2c: {  	s7 =	sld [smem:$0x3FAF]  }
0x2d: {  	s3 =	simm.s32 $0x108;
	s8 =	sld [smem:$0x3FB0]  }
0x2e: {  	s3 =	simm.s32 @!p0 $0x1082;
	s9 =	sld [smem:$0x3FB1]  }
0x2f: {  	lr =	sadd.s32 s0, s3;
	s0 =	sld [smem:$0x3FA8]  }
0x30: {  	s3 =	sld [smem:$0x3FAB]  }
0x31: {  	[smem:$0x3FB4] =	sst s10  }
0x32: {  	s10 =	sld [smem:$0x3FB2];
	_ =	sdelay $0x3  }
0x33: {  	p0 =	seq.s32 s10, $0x1;
	s10 =	sld [smem:$0x3FB4];
	_ =	sdelay $0x3  }
0x34: {  	[smem:$0x3FB4] =	sst s10  }
0x35: {  	s10 =	sld [smem:$0x3FB3];
	_ =	sdelay $0x3  }
0x36: {  	p1 =	seq.s32 s10, $0x1;
	s10 =	sld [smem:$0x3FB4];
	_ =	sdelay $0x3  }
0x37: {  	[smem:$0x3FB4] =	sst s10  }
0x38: {  	s10 =	sld [smem:$0x3FB5]  }
0x39: {  	_ = 	snop;
	(pc) =	sbr.ind lr, $3  }
0x3a: {  	_ = 	snop  }
0x3b: {  	_ = 	snop  }
0x3c: {  	p2 =	seq.s32 s10, $0x1;
	s10 =	sld [smem:$0x3FB4]  }
0x3d: {  	_ =	shalt  }
0x3e: {  	_ =	shalt  }
0x3f: {  	_ =	shalt  }
0x40: {  	_ =	shalt  }
0x41: {  	_ =	shalt  }
0x42: {  	_ =	shalt  }
0x43: {  	_ =	shalt  }
0x44: {  	_ =	shalt  }
0x45: {  	_ =	shalt  }
0x46: {  	_ =	shalt  }
0x47: {  	_ =	shalt  }
0x48: {  	_ =	shalt  }
0x49: {  	_ =	shalt  }
0x4a: {  	_ =	shalt  }
0x4b: {  	_ =	shalt  }
0x4c: {  	_ =	shalt  }
0x4d: {  	_ =	shalt  }
0x4e: {  	_ =	shalt  }
0x4f: {  	_ =	shalt  }
0x50: {  	_ =	shalt  }
0x51: {  	_ =	shalt  }
0x52: {  	_ =	shalt  }
0x53: {  	_ =	shalt  }
0x54: {  	_ =	shalt  }
0x55: {  	_ =	shalt  }
0x56: {  	_ =	shalt  }
0x57: {  	_ =	shalt  }
0x58: {  	_ =	shalt  }
0x59: {  	_ =	shalt  }
0x5a: {  	_ =	shalt  }
0x5b: {  	_ =	shalt  }
0x5c: {  	_ =	shalt  }
0x5d: {  	_ =	shalt  }
0x5e: {  	_ =	shalt  }
0x5f: {  	_ =	shalt  }
0x60: {  	_ =	shalt  }
0x61: {  	_ =	shalt  }
0x62: {  	_ =	shalt  }
0x63: {  	_ =	shalt  }
0x64: {  	_ =	shalt  }
0x65: {  	_ =	shalt  }
0x66: {  	_ =	shalt  }
0x67: {  	_ =	shalt  }
0x68: {  	_ =	shalt  }
0x69: {  	_ =	shalt  }
0x6a: {  	_ =	shalt  }
0x6b: {  	_ =	shalt  }
0x6c: {  	_ =	shalt  }
0x6d: {  	_ =	shalt  }
0x6e: {  	_ =	shalt  }
0x6f: {  	_ =	shalt  }
0x70: {  	_ =	shalt  }
0x71: {  	_ =	shalt  }
0x72: {  	_ =	shalt  }
0x73: {  	_ =	shalt  }
0x74: {  	_ =	shalt  }
0x75: {  	_ =	shalt  }
0x76: {  	_ =	shalt  }
0x77: {  	_ =	shalt  }
0x78: {  	_ =	shalt  }
0x79: {  	_ =	shalt  }
0x7a: {  	_ =	shalt  }
0x7b: {  	_ =	shalt  }
0x7c: {  	_ =	shalt  }
0x7d: {  	_ =	shalt  }
0x7e: {  	_ =	shalt  }
0x7f: {  	_ =	shalt  }
0x80: {  	_ =	shalt  }
0x81: {  	_ =	shalt  }
0x82: {  	_ =	shalt  }
0x83: {  	_ =	shalt  }
0x84: {  	_ =	shalt  }
0x85: {  	_ =	shalt  }
0x86: {  	_ =	shalt  }
0x87: {  	_ =	shalt  }
.Lfunc_end0:
.L_simem_size_0:
called_computation.1_lowered:
.L_overlay_start_0:
0x88: {  	s2 =	sld [smem:$0x3FD9]  }
0x89: {  	s3 =	sld [smem:$0x3FFE];
	_ =	sdelay $0x1  }
0x8a: {  	s1 =	srdreg.scid  }
0x8b: {  	s0 =	sand.u32 $0x1, s1  }
0x8c: {  	s16 =	sshll.u32 s0, $0xA;
	s2 =	sadd.s32 s3, s2  }
0x8d: {  	s2 =	sadd.s32 s2, s16  }
0x8e: {  	[smem:$0x3FC0] =	sst s2  }
0x8f: {  	_ = 	snop  }
0x90: {  	(tm) =	ssettm $0x1  }
0x91: {  	s17 =	sld [smem:$0x3FFB];
	_ =	sdelay $0x3  }
0x92: {  	_ =	strace s17  }
0x93: {  	s2 =	sld [smem:$0x3FFC];
	_ =	sdelay $0x3  }
0x94: {  	_ =	strace s2  }
0x95: {  	s2 =	sld [smem:$0x3FFD];
	_ =	sdelay $0x3  }
0x96: {  	_ =	strace s2  }
0x97: {  	_ =	strace $0x8FFFFFFF  }
0x98: {  	s18 =	sld [smem:$0x3FDB];
	_ =	sdelay $0x1  }
0x99: {  	s19 =	simm.s32 $_scs_section_size  }
0x9a: {  	s4 =	simm.s32 $_size__tile_overlayer_lowered;
	s5 =	simm.s32 $_tile_overlayer_lowered  }
0x9b: {  	s22 =	simm.s32 $0x1BFF;
	s21 =	sshll.u32 s5, $0x1;
	s2 =	sadd.s32 s19, s18  }
0x9c: {  	s6 =	simm.s32 $0x0;
	s20 =	sshll.u32 s4, $0x1;
	s4 =	sadd.s32 s21, s2  }
0x9d: {  	[timem:s6], [sflag:s22] =	dma.local [hbm:s4], s20  }
0x9e: {  	_ =	swait.ge [sflag:s22], s20  }
0x9f: {  	s3 =	ssub.s32 $0x0, s20;
	[sflag:s22] =	ssyncset.done $0x0  }
0xa0: {  	[sflag:s22] =	ssyncadd.s32 s3;
	_ =	sdelay $0x1  }
0xa1: {  	s23 =	simm.s32 $0x1B8B  }
0xa2: {  	_ =	swait.ge [sflag:s23], $0x1  }
0xa3: {  	[sflag:s23] =	ssyncset.done $0x0  }
0xa4: {  	s25 =	simm.s32 $0x1B8E;
	s24 =	sld [smem:$0x3FFE];
	[sflag:s23] =	ssyncadd.s32 $0xFFFFFFFF  }
0xa5: {  	s26 =	simm.s32 $execute0_lowered;
	[smem:$0x3FD2] =	sst s25  }
0xa6: {  	s4 =	sshll.u32 s26, $0x1;
	_ =	strace $0x80000049;
	[dreg:$0x1] =	wrdreg $0xFFFFFFFF  }
0xa7: {  	s28 =	simm.s32 $_size_execute0_lowered;
	s2 =	sadd.s32 s2, s4;
	[dreg:$0x0] =	wrdreg $0x0  }
0xa8: {  	s4 =	sshll.u32 s28, $0x1;
	[dreg:$0x2] =	wrdreg s2  }
0xa9: {  	[dreg:$0x3] =	wrdreg s4  }
0xaa: {  	[dreg:$0x4] =	wrdreg $0xC0  }
0xab: {  	_ =	task [dreg:s6], $0x5FFFF  }
0xac: {  	[dreg:$0x1] =	wrdreg $0xFFFFFFFF  }
0xad: {  	[dreg:$0x0] =	wrdreg $0x60  }
0xae: {  	[dreg:$0x2] =	wrdreg s24  }
0xaf: {  	[dreg:$0x3] =	wrdreg $0x90000  }
0xb0: {  	[dreg:$0x4] =	wrdreg $0x9  }
0xb1: {  	_ =	task.clear_ibuf [dreg:s6], $0x5FFFF;
	_ =	strace $0x90000049  }
0xb2: {  	s29 =	simm.s32 $0x9;
	_ =	strace $0x8000004B  }
0xb3: {  	_ =	swait.ge [sflag:s29], $0x1  }
0xb4: {  	[sflag:s29] =	ssyncadd.s32 $0xFFFFFFFF  }
0xb5: {  	_ =	strace $0x9000004B  }
0xb6: {  	_ =	sfence  }
0xb7: {  	s30 =	sld [smem:$0x0];
	_ =	sdelay $0x2  }
0xb8: {  	s31 =	sshll.u32 s1, $0xD;
	s1 =	sshrl.u32 s1, $0x2  }
0xb9: {  	s3 =	sand.u32 $0x4000, s31;
	s1 =	sadd.s32 s1, s30  }
0xba: {  	s0 =	sor.u32 s3, s0;
	s1 =	sshll.u32 s1, $0x11  }
0xbb: {  	s0 =	sor.u32 s1, s0  }
0xbc: {  	s0 =	sadd.s32 $0x8F2B, s0  }
0xbd: {  	[sflag:s0] =	ssyncadd.remote.s32 $0x1  }
0xbe: {  	_ =	sfence.sel $0xFFFF  }
0xbf: {  	[dreg:$0x0] =	wrdreg $0xFFFFFFFF;
	(pc) =	sbr.abs _section_cstart, $3  }
0xc0: {  	[dreg:$0x1] =	wrdreg $0xFFFFFFFF  }
0xc1: {  	_ =	task.clear_ibuf [dreg:s6], $0x2FFFF;
	_ =	strace $0x9FFFFFFF  }
0xc2: {  	(tm) =	ssettm $0x7FFFFFFF  }
0xc3: {  	_ =	shalt  }
tec
execute0_lowered:
.L_overlay_start_1:
0x0: {  	(tag) =	ssettag $0x1  }
0x1: {  	s0 =	rddreg [dreg:$0x0]  }
0x2: {  	s1 =	rddreg [dreg:$0x1];
	s3 =	simm.s32 $0x0  }
0x3: {  	[smem:$0x7FF] =	sst s3;
	s5 =	sadd.s32 $0x1F800, s0  }
0x4: {  	s22 =	sadd.s32 $0x20000, s0;
	_ =	strace $0x8000004A;
	[dreg:$0x3] =	wrdreg s5  }
0x5: {  	s23 =	sadd.s32 $0xB810, s0;
	[dreg:$0x8] =	wrdreg s22  }
0x6: {  	s24 =	sadd.s32 $0x20800, s0;
	[smem:$0x7F9] =	sst s23  }
0x7: {  	s2 =	srdreg.scid;
	s25 =	sadd.s32 $0xB820, s0;
	[smem:$0x7FA] =	sst s24  }
0x8: {  	s9 =	stileid.u32;
	s26 =	sadd.s32 $0x21000, s0;
	[smem:$0x7FB] =	sst s25  }
0x9: {  	s2 =	sand.u32 $0x1, s2;
	s28 =	sadd.s32 $0xB830, s0;
	[dreg:$0x9] =	wrdreg s26  }
0xa: {  	s6 =	smul.u32 $0x50000, s9;
	s30 =	sadd.s32 $0x21800, s0;
	[dreg:$0xa] =	wrdreg s28  }
0xb: {  	s17 =	sadd.s32 $0xBF800, s0;
	s8 =	sadd.s32 $0xB840, s0;
	[dreg:$0xb] =	wrdreg s30  }
0xc: {  	s4 =	ssub.s32 $0x2, s2;
	s2 =	sshll.u32 s2, $0x1;
	[dreg:$0x4] =	wrdreg s17  }
0xd: {  	s24 =	smul.u32 $0x14000, s9;
	[dreg:$0xc] =	wrdreg s8;
	s7 =	sshrl.u32 s4, $0x1  }
0xe: {  	s6 =	sshrl.u32 s6, $0x2;
	[dreg:$0x5] =	wrdreg s2;
	s4 =	ssub.s32 s4, s7  }
0xf: {  	s7 =	sadd.s32 s6, s1;
	[dreg:$0xd] =	wrdreg s24;
	s4 =	smax.u32 s4, $0x1  }
0x10: {  	s6 =	smul.u32 $0x5, s9;
	s9 =	sadd.s32 $0x2000, s7;
	[dreg:$0xe] =	wrdreg s4  }
0x11: {  	s11 =	sadd.s32 $0x3000, s7;
	[dreg:$0x10] =	wrdreg s9  }
0x12: {  	s12 =	sadd.s32 $0x4000, s7;
	[dreg:$0x11] =	wrdreg s11  }
0x13: {  	s13 =	sadd.s32 $0x8000, s7;
	[dreg:$0x12] =	wrdreg s12  }
0x14: {  	s14 =	sadd.s32 $0x9000, s7;
	[dreg:$0x16] =	wrdreg s13  }
0x15: {  	s16 =	sadd.s32 $0xA000, s7;
	[dreg:$0x17] =	wrdreg s14  }
0x16: {  	s18 =	sadd.s32 $0xB000, s7;
	[dreg:$0x18] =	wrdreg s16  }
0x17: {  	s19 =	sadd.s32 $0xC000, s7;
	[dreg:$0x19] =	wrdreg s18  }
0x18: {  	s20 =	sadd.s32 $0xD000, s7;
	[dreg:$0x1a] =	wrdreg s19  }
0x19: {  	s21 =	sadd.s32 $0xE000, s7;
	[dreg:$0x1b] =	wrdreg s20  }
0x1a: {  	s22 =	sadd.s32 $0xF000, s7;
	[dreg:$0x1c] =	wrdreg s21  }
0x1b: {  	s23 =	sadd.s32 $0x10000, s7;
	[dreg:$0x1d] =	wrdreg s22  }
0x1c: {  	s26 =	sadd.s32 $0x11000, s7;
	[dreg:$0x1e] =	wrdreg s23  }
0x1d: {  	s28 =	sadd.s32 $0x12000, s7;
	[dreg:$0x1f] =	wrdreg s26  }
0x1e: {  	s30 =	sadd.s32 $0x13000, s7;
	[smem:$0x7FC] =	sst s28  }
0x1f: {  	[smem:$0x7FD] =	sst s30  }
0x20: {  	s10 =	sadd.s32 $0x1000, s7;
	[dreg:$0x7] =	wrdreg s6  }
0x21: {  	s15 =	stileid.u32;
	s25 =	sadd.s32 $0x5000, s7;
	[dreg:$0xf] =	wrdreg s10  }
0x22: {  	s5 =	sadd.s32 $0xB800, s0;
	s29 =	sadd.s32 $0x6000, s7;
	[dreg:$0x13] =	wrdreg s25  }
0x23: {  	s2 =	simm.s32 $0x0;
	s31 =	sadd.s32 $0x7000, s7;
	[dreg:$0x14] =	wrdreg s29  }
0x24: {  	s13 =	smov.u32 s7;
	s14 =	simm.s32 $0x2;
	[dreg:$0x15] =	wrdreg s31  }
0x25: {  	v0 =	vimm.f32 $0.0e+00;
	s19 =	simm.s32 $0x4000;
	s7 =	simm.s32 $0x80;
	[dreg:$0x6] =	wrdreg s13  }
.LBB2_1:
0x26: {  	[smem:$0x7F8] =	sst s2;
	s0 =	simm.s32 $0x0;
	s2 =	simm.s32 $0x200  }
.LBB2_2:
0x27: {  	p0 =	sne.s32 s2, $0x3E00;
	[tilespmem:s0+$0x8070] =	vst v0  }
0x28: {  	[tilespmem:s0+$0x8000] =	vst v0  }
0x29: {  	[tilespmem:s0+$0x8010] =	vst v0  }
.Ltmp0:
0x2a: {  	[tilespmem:s0+$0x8020] =	vst v0;
	(pc) =	sbr.rel @p0 .LBB2_2-.Ltmp0, $4  }
0x2b: {  	[tilespmem:s0+$0x8030] =	vst v0  }
0x2c: {  	[tilespmem:s0+$0x8040] =	vst v0  }
0x2d: {  	[tilespmem:s0+$0x8050] =	vst v0  }
0x2e: {  	[tilespmem:s0+$0x8060] =	vst v0;
	s0 =	sshra.s32 s2, $0x2;
	s2 =	sadd.s32 $0x200, s2  }
0x2f: {  	[tilespmem:s0+$0x8070] =	vst v0  }
0x30: {  	[tilespmem:s0+$0x8000] =	vst v0  }
0x31: {  	[tilespmem:s0+$0x8010] =	vst v0  }
0x32: {  	[tilespmem:s0+$0x8020] =	vst v0  }
0x33: {  	[tilespmem:s0+$0x8030] =	vst v0  }
0x34: {  	[tilespmem:s0+$0x8040] =	vst v0  }
0x35: {  	[tilespmem:s0+$0x8050] =	vst v0  }
0x36: {  	[tilespmem:s0+$0x8060] =	vst v0;
	s9 =	simm.s32 $0x0;
	p0 =	por $0x1, $0x1  }
.LBB2_4:
0x37: {  	s4 =	rddreg [dreg:$0x12]  }
0x38: {  	s2 =	rddreg [dreg:$0x11]  }
0x39: {  	s12 =	rddreg [dreg:$0x10]  }
0x3a: {  	s0 =	smov.u32 s13;
	s8 =	rddreg [dreg:$0x5];
	s17 =	simm.s32 $0x8000  }
0x3b: {  	[spmem:s0] =	stream.linear.scatter [tilespmem:s17], [sflag:$0x2], $0x1000, $0x38;
	[tilespmem:$0x1E000] =	vst v63  }
0x3c: {  	s11 =	rddreg [dreg:$0x3];
	_ =	swait.ge [sflag:s14], $0x1000  }
0x3d: {  	[sflag:s14] =	ssyncset.done $0x0  }
0x3e: {  	[sflag:s14] =	ssyncadd.s32 $0xFFFFF000  }
0x3f: {  	[spmem:s10] =	stream.linear.scatter [tilespmem:s17], [sflag:$0x2], $0x1000, $0x38;
	[tilespmem:$0x1E000] =	vst v63  }
0x40: {  	_ =	swait.ge [sflag:s14], $0x1000  }
0x41: {  	[sflag:s14] =	ssyncset.done $0x0  }
0x42: {  	[sflag:s14] =	ssyncadd.s32 $0xFFFFF000  }
0x43: {  	[spmem:s12] =	stream.linear.scatter [tilespmem:s17], [sflag:$0x2], $0x1000, $0x38;
	[tilespmem:$0x1E000] =	vst v63  }
0x44: {  	_ =	swait.ge [sflag:s14], $0x1000  }
0x45: {  	[sflag:s14] =	ssyncset.done $0x0  }
0x46: {  	[sflag:s14] =	ssyncadd.s32 $0xFFFFF000  }
0x47: {  	[spmem:s2] =	stream.linear.scatter [tilespmem:s17], [sflag:$0x2], $0x1000, $0x38;
	[tilespmem:$0x1E000] =	vst v63  }
0x48: {  	_ =	swait.ge [sflag:s14], $0x1000  }
0x49: {  	[sflag:s14] =	ssyncset.done $0x0  }
0x4a: {  	[sflag:s14] =	ssyncadd.s32 $0xFFFFF000  }
0x4b: {  	[spmem:s4] =	stream.linear.scatter [tilespmem:s17], [sflag:$0x2], $0x1000, $0x38;
	[tilespmem:$0x1E000] =	vst v63  }
0x4c: {  	_ =	swait.ge [sflag:s14], $0x1000  }
0x4d: {  	[sflag:s14] =	ssyncset.done $0x0  }
0x4e: {  	[sflag:s14] =	ssyncadd.s32 $0xFFFFF000  }
0x4f: {  	[spmem:s25] =	stream.linear.scatter [tilespmem:s17], [sflag:$0x2], $0x1000, $0x38;
	[tilespmem:$0x1E000] =	vst v63  }
0x50: {  	_ =	swait.ge [sflag:s14], $0x1000  }
0x51: {  	[sflag:s14] =	ssyncset.done $0x0  }
0x52: {  	[sflag:s14] =	ssyncadd.s32 $0xFFFFF000  }
0x53: {  	[spmem:s29] =	stream.linear.scatter [tilespmem:s17], [sflag:$0x2], $0x1000, $0x38;
	[tilespmem:$0x1E000] =	vst v63  }
0x54: {  	_ =	swait.ge [sflag:s14], $0x1000  }
0x55: {  	[sflag:s14] =	ssyncset.done $0x0  }
0x56: {  	[sflag:s14] =	ssyncadd.s32 $0xFFFFF000  }
0x57: {  	[spmem:s31] =	stream.linear.scatter [tilespmem:s17], [sflag:$0x2], $0x1000, $0x38;
	[tilespmem:$0x1E000] =	vst v63  }
0x58: {  	_ =	swait.ge [sflag:s14], $0x1000  }
0x59: {  	[sflag:s14] =	ssyncset.done $0x0  }
0x5a: {  	s18 =	rddreg [dreg:$0x16];
	[sflag:s14] =	ssyncadd.s32 $0xFFFFF000  }
0x5b: {  	[spmem:s18] =	stream.linear.scatter [tilespmem:s17], [sflag:$0x2], $0x1000, $0x38;
	[tilespmem:$0x1E000] =	vst v63  }
0x5c: {  	_ =	swait.ge [sflag:s14], $0x1000  }
0x5d: {  	[sflag:s14] =	ssyncset.done $0x0  }
0x5e: {  	s20 =	rddreg [dreg:$0x17];
	[sflag:s14] =	ssyncadd.s32 $0xFFFFF000  }
0x5f: {  	[spmem:s20] =	stream.linear.scatter [tilespmem:s17], [sflag:$0x2], $0x1000, $0x38;
	[tilespmem:$0x1E000] =	vst v63  }
0x60: {  	_ =	swait.ge [sflag:s14], $0x1000  }
0x61: {  	[sflag:s14] =	ssyncset.done $0x0  }
0x62: {  	s21 =	rddreg [dreg:$0x18];
	[sflag:s14] =	ssyncadd.s32 $0xFFFFF000  }
0x63: {  	[spmem:s21] =	stream.linear.scatter [tilespmem:s17], [sflag:$0x2], $0x1000, $0x38;
	[tilespmem:$0x1E000] =	vst v63  }
0x64: {  	_ =	swait.ge [sflag:s14], $0x1000  }
0x65: {  	[sflag:s14] =	ssyncset.done $0x0  }
0x66: {  	s22 =	rddreg [dreg:$0x19];
	[sflag:s14] =	ssyncadd.s32 $0xFFFFF000  }
0x67: {  	[spmem:s22] =	stream.linear.scatter [tilespmem:s17], [sflag:$0x2], $0x1000, $0x38;
	[tilespmem:$0x1E000] =	vst v63  }
0x68: {  	_ =	swait.ge [sflag:s14], $0x1000  }
0x69: {  	[sflag:s14] =	ssyncset.done $0x0  }
0x6a: {  	s23 =	rddreg [dreg:$0x1a];
	[sflag:s14] =	ssyncadd.s32 $0xFFFFF000  }
0x6b: {  	[spmem:s23] =	stream.linear.scatter [tilespmem:s17], [sflag:$0x2], $0x1000, $0x38;
	[tilespmem:$0x1E000] =	vst v63  }
0x6c: {  	_ =	swait.ge [sflag:s14], $0x1000  }
0x6d: {  	[sflag:s14] =	ssyncset.done $0x0  }
0x6e: {  	s24 =	rddreg [dreg:$0x1b];
	[sflag:s14] =	ssyncadd.s32 $0xFFFFF000  }
0x6f: {  	[spmem:s24] =	stream.linear.scatter [tilespmem:s17], [sflag:$0x2], $0x1000, $0x38;
	[tilespmem:$0x1E000] =	vst v63  }
0x70: {  	_ =	swait.ge [sflag:s14], $0x1000  }
0x71: {  	[sflag:s14] =	ssyncset.done $0x0  }
0x72: {  	s25 =	rddreg [dreg:$0x1c];
	[sflag:s14] =	ssyncadd.s32 $0xFFFFF000  }
0x73: {  	[spmem:s25] =	stream.linear.scatter [tilespmem:s17], [sflag:$0x2], $0x1000, $0x38;
	[tilespmem:$0x1E000] =	vst v63  }
0x74: {  	_ =	swait.ge [sflag:s14], $0x1000  }
0x75: {  	[sflag:s14] =	ssyncset.done $0x0  }
0x76: {  	s26 =	rddreg [dreg:$0x1d];
	[sflag:s14] =	ssyncadd.s32 $0xFFFFF000  }
0x77: {  	[spmem:s26] =	stream.linear.scatter [tilespmem:s17], [sflag:$0x2], $0x1000, $0x38;
	[tilespmem:$0x1E000] =	vst v63  }
0x78: {  	_ =	swait.ge [sflag:s14], $0x1000  }
0x79: {  	[sflag:s14] =	ssyncset.done $0x0  }
0x7a: {  	s28 =	rddreg [dreg:$0x1e];
	[sflag:s14] =	ssyncadd.s32 $0xFFFFF000  }
0x7b: {  	[spmem:s28] =	stream.linear.scatter [tilespmem:s17], [sflag:$0x2], $0x1000, $0x38;
	[tilespmem:$0x1E000] =	vst v63  }
0x7c: {  	_ =	swait.ge [sflag:s14], $0x1000  }
0x7d: {  	[sflag:s14] =	ssyncset.done $0x0  }
0x7e: {  	s9 =	sor.u32 s8, s9;
	s30 =	rddreg [dreg:$0x1f];
	[sflag:s14] =	ssyncadd.s32 $0xFFFFF000  }
0x7f: {  	[spmem:s30] =	stream.linear.scatter [tilespmem:s17], [sflag:$0x2], $0x1000, $0x38;
	[tilespmem:$0x1E000] =	vst v63  }
0x80: {  	s10 =	smul.u32 $0x50, s9;
	_ =	swait.ge [sflag:s14], $0x1000  }
0x81: {  	s2 =	sld [smem:$0x7FC]  }
0x82: {  	s0 =	sadd.s32 s6, s10;
	[sflag:s14] =	ssyncset.done $0x0  }
0x83: {  	s21 =	sshll.u32 s0, $0xB;
	[sflag:s14] =	ssyncadd.s32 $0xFFFFF000  }
0x84: {  	[spmem:s2] =	stream.linear.scatter [tilespmem:s17], [sflag:$0x2], $0x1000, $0x38;
	[tilespmem:$0x1E000] =	vst v63  }
0x85: {  	s0 =	sadd.s32 s11, s21;
	s23 =	simm.s32 $0x1D100;
	_ =	swait.ge [sflag:s14], $0x1000  }
0x86: {  	s25 =	simm.s32 $0x1D180;
	s2 =	sshll.u32 s9, $0x4;
	s4 =	sld [smem:$0x7FD]  }
0x87: {  	[sflag:s14] =	ssyncset.done $0x0;
	[smem:$0x7F7] =	sst s9;
	s9 =	sor.u32 s15, s2  }
0x88: {  	s15 =	simm.s32 $0x1D000;
	[sflag:s14] =	ssyncadd.s32 $0xFFFFF000;
	s13 =	sshll.u32 s9, $0x4  }
0x89: {  	s8 =	smul.u32 $0x500, s9;
	s2 =	sor.u32 $0x1, s13;
	s18 =	sor.u32 $0x2, s13  }
0x8a: {  	[spmem:s4] =	stream.linear.scatter [tilespmem:s17], [sflag:$0x2], $0x1000, $0x38;
	[tilespmem:$0x1E000] =	vst v63  }
0x8b: {  	s10 =	sor.u32 $0x3, s13;
	s26 =	sor.u32 $0x4, s13;
	_ =	swait.ge [sflag:s14], $0x1000  }
0x8c: {  	s31 =	sor.u32 $0xB, s13;
	s12 =	smul.u32 $0x50, s2;
	[sflag:s14] =	ssyncset.done $0x0  }
0x8d: {  	s11 =	sadd.s32 s5, s8;
	s22 =	smul.u32 $0x50, s18;
	[sflag:s14] =	ssyncadd.s32 $0xFFFFF000  }
0x8e: {  	s17 =	simm.s32 $0x1D080;
	s20 =	smul.u32 $0x50, s10;
	[bflag:$0x0] =	sbarrier.arrive $0xFFFF  }
0x8f: {  	[tilespmem:s3], [sflag:$0x1] =	stream.linear.gather [hbm4b:s0+s3], $0x3E80, $0x38;
	[tilespmem:$0x1E000] =	vst v63  }
0x90: {  	s29 =	smul.u32 $0x50, s26;
	s4 =	simm.s32 $0x1D200;
	[smem:$0x7E0] =	sst s12  }
0x91: {  	s16 =	sadd.s32 s5, s12;
	s24 =	sadd.s32 s5, s20;
	[smem:$0x7E1] =	sst s18  }
0x92: {  	s28 =	sadd.s32 s5, s29;
	s0 =	sadd.s32 s5, s22;
	[smem:$0x7EF] =	sst s22  }
0x93: {  	[tilespmem:s15], [sflag:$0x1] =	stream.linear.gather [hbm4b:s11+s3], $0x80, $0x38;
	[tilespmem:$0x1E000] =	vst v63  }
0x94: {  	[smem:$0x7F0] =	sst s26;
	s12 =	simm.s32 $0x1D280;
	s11 =	sor.u32 $0x5, s13  }
0x95: {  	s18 =	simm.s32 $0x1D300;
	[smem:$0x7DF] =	sst s8;
	s30 =	smul.u32 $0x50, s11  }
0x96: {  	[tilespmem:s17], [sflag:$0x1] =	stream.linear.gather [hbm4b:s16+s3], $0x80, $0x38;
	[tilespmem:$0x1E000] =	vst v63  }
0x97: {  	s16 =	sor.u32 $0x6, s13;
	[smem:$0x7F1] =	sst s30;
	s6 =	sadd.s32 s5, s30  }
0x98: {  	[smem:$0x7E2] =	sst s16;
	s15 =	smul.u32 $0x50, s16;
	s30 =	sor.u32 $0x9, s13  }
0x99: {  	[tilespmem:s23], [sflag:$0x1] =	stream.linear.gather [hbm4b:s0+s3], $0x80, $0x38;
	[tilespmem:$0x1E000] =	vst v63  }
0x9a: {  	s23 =	sor.u32 $0x7, s13;
	s26 =	smul.u32 $0x50, s30;
	s16 =	sadd.s32 s5, s15  }
0x9b: {  	[tilespmem:s25], [sflag:$0x1] =	stream.linear.gather [hbm4b:s24+s3], $0x80, $0x38;
	[tilespmem:$0x1E000] =	vst v63  }
0x9c: {  	s17 =	smul.u32 $0x50, s23;
	s24 =	simm.s32 $0x1D380;
	[smem:$0x7E4] =	sst s26  }
0x9d: {  	[tilespmem:s4], [sflag:$0x1] =	stream.linear.gather [hbm4b:s28+s3], $0x80, $0x38;
	[tilespmem:$0x1E000] =	vst v63  }
0x9e: {  	s0 =	sadd.s32 s5, s26;
	[smem:$0x7F2] =	sst s17;
	s20 =	sadd.s32 s5, s17  }
0x9f: {  	[tilespmem:s12], [sflag:$0x1] =	stream.linear.gather [hbm4b:s6+s3], $0x80, $0x38;
	[tilespmem:$0x1E000] =	vst v63  }
0xa0: {  	s28 =	simm.s32 $0x1D400;
	s4 =	simm.s32 $0x1D480;
	s6 =	sor.u32 $0xA, s13  }
0xa1: {  	[tilespmem:s18], [sflag:$0x1] =	stream.linear.gather [hbm4b:s16+s3], $0x80, $0x38;
	[tilespmem:$0x1E000] =	vst v63  }
0xa2: {  	s12 =	simm.s32 $0x1D500;
	[smem:$0x7E5] =	sst s6;
	s26 =	smul.u32 $0x50, s6  }
0xa3: {  	[tilespmem:s24], [sflag:$0x1] =	stream.linear.gather [hbm4b:s20+s3], $0x80, $0x38;
	[tilespmem:$0x1E000] =	vst v63  }
0xa4: {  	s18 =	smul.u32 $0x50, s31;
	[smem:$0x7F3] =	sst s26;
	s20 =	sadd.s32 $0x280, s8  }
0xa5: {  	s24 =	sor.u32 $0xC, s13;
	s25 =	sadd.s32 s5, s20;
	[smem:$0x7E3] =	sst s20  }
0xa6: {  	[tilespmem:s28], [sflag:$0x1] =	stream.linear.gather [hbm4b:s25+s3], $0x80, $0x38;
	[tilespmem:$0x1E000] =	vst v63  }
0xa7: {  	s17 =	sadd.s32 s5, s26;
	s16 =	sadd.s32 s5, s18;
	[smem:$0x7F4] =	sst s24  }
0xa8: {  	[tilespmem:s4], [sflag:$0x1] =	stream.linear.gather [hbm4b:s0+s3], $0x80, $0x38;
	[tilespmem:$0x1E000] =	vst v63  }
0xa9: {  	s18 =	simm.s32 $0x1D580;
	s0 =	sld [smem:$0x7FB];
	s4 =	smul.u32 $0x50, s24  }
0xaa: {  	[tilespmem:s12], [sflag:$0x1] =	stream.linear.gather [hbm4b:s17+s3], $0x80, $0x38;
	[tilespmem:$0x1E000] =	vst v63  }
0xab: {  	s12 =	sor.u32 $0xD, s13;
	s25 =	sadd.s32 s5, s4;
	s13 =	sor.u32 $0xE, s13  }
0xac: {  	s17 =	sshllo.u32 s9, $0x4;
	s9 =	simm.s32 $0x1;
	s28 =	smul.u32 $0x50, s12  }
0xad: {  	[tilespmem:s18], [sflag:$0x1] =	stream.linear.gather [hbm4b:s16+s3], $0x80, $0x38;
	[tilespmem:$0x1E000] =	vst v63  }
0xae: {  	[smem:$0x7E6] =	sst s13;
	s13 =	smul.u32 $0x50, s13;
	s16 =	simm.s32 $0x1D600  }
0xaf: {  	[tilespmem:s16], [sflag:$0x1] =	stream.linear.gather [hbm4b:s25+s3], $0x80, $0x38;
	[tilespmem:$0x1E000] =	vst v63  }
0xb0: {  	[smem:$0x7F5] =	sst s28;
	s25 =	sadd.s32 s5, s28;
	s28 =	simm.s32 $0x1D680  }
0xb1: {  	[tilespmem:s28], [sflag:$0x1] =	stream.linear.gather [hbm4b:s25+s3], $0x80, $0x38;
	[tilespmem:$0x1E000] =	vst v63  }
0xb2: {  	s18 =	simm.s32 $0x1D700;
	s16 =	sadd.s32 s5, s13;
	s28 =	smul.u32 $0x50, s17  }
0xb3: {  	[tilespmem:s18], [sflag:$0x1] =	stream.linear.gather [hbm4b:s16+s3], $0x80, $0x38;
	[tilespmem:$0x1E000] =	vst v63  }
0xb4: {  	[smem:$0x7F6] =	sst s28;
	s25 =	sadd.s32 s5, s28;
	s28 =	simm.s32 $0x1D780  }
0xb5: {  	[tilespmem:s28], [sflag:$0x1] =	stream.linear.gather [hbm4b:s25+s3], $0x80, $0x38;
	[tilespmem:$0x1E000] =	vst v63  }
0xb6: {  	s24 =	sld [smem:$0x7F9];
	_ =	swait.ge [sflag:s9], $0x3E80  }
0xb7: {  	[sflag:s9] =	ssyncset.done $0x0  }
0xb8: {  	[sflag:s9] =	ssyncadd.s32 $0xFFFFC180  }
0xb9: {  	_ =	swait.ge [sflag:s9], $0x80  }
0xba: {  	[sflag:s9] =	ssyncset.done $0x0  }
0xbb: {  	[sflag:s9] =	ssyncadd.s32 $0xFFFFFF80  }
0xbc: {  	_ =	swait.ge [sflag:s9], $0x80  }
0xbd: {  	[sflag:s9] =	ssyncset.done $0x0  }
0xbe: {  	[sflag:s9] =	ssyncadd.s32 $0xFFFFFF80  }
0xbf: {  	_ =	swait.ge [sflag:s9], $0x80  }
0xc0: {  	[sflag:s9] =	ssyncset.done $0x0  }
0xc1: {  	[sflag:s9] =	ssyncadd.s32 $0xFFFFFF80  }
0xc2: {  	_ =	swait.ge [sflag:s9], $0x80  }
0xc3: {  	[sflag:s9] =	ssyncset.done $0x0  }
0xc4: {  	[sflag:s9] =	ssyncadd.s32 $0xFFFFFF80  }
0xc5: {  	_ =	swait.ge [sflag:s9], $0x80  }
0xc6: {  	[sflag:s9] =	ssyncset.done $0x0  }
0xc7: {  	[sflag:s9] =	ssyncadd.s32 $0xFFFFFF80  }
0xc8: {  	_ =	swait.ge [sflag:s9], $0x80  }
0xc9: {  	[sflag:s9] =	ssyncset.done $0x0  }
0xca: {  	[sflag:s9] =	ssyncadd.s32 $0xFFFFFF80  }
0xcb: {  	_ =	swait.ge [sflag:s9], $0x80  }
0xcc: {  	[sflag:s9] =	ssyncset.done $0x0  }
0xcd: {  	[sflag:s9] =	ssyncadd.s32 $0xFFFFFF80  }
0xce: {  	_ =	swait.ge [sflag:s9], $0x80  }
0xcf: {  	[sflag:s9] =	ssyncset.done $0x0  }
0xd0: {  	[sflag:s9] =	ssyncadd.s32 $0xFFFFFF80  }
0xd1: {  	_ =	swait.ge [sflag:s9], $0x80  }
0xd2: {  	[sflag:s9] =	ssyncset.done $0x0  }
0xd3: {  	[sflag:s9] =	ssyncadd.s32 $0xFFFFFF80  }
0xd4: {  	_ =	swait.ge [sflag:s9], $0x80  }
0xd5: {  	[sflag:s9] =	ssyncset.done $0x0  }
0xd6: {  	[sflag:s9] =	ssyncadd.s32 $0xFFFFFF80  }
0xd7: {  	_ =	swait.ge [sflag:s9], $0x80  }
0xd8: {  	[sflag:s9] =	ssyncset.done $0x0  }
0xd9: {  	[sflag:s9] =	ssyncadd.s32 $0xFFFFFF80  }
0xda: {  	_ =	swait.ge [sflag:s9], $0x80  }
0xdb: {  	[sflag:s9] =	ssyncset.done $0x0  }
0xdc: {  	[sflag:s9] =	ssyncadd.s32 $0xFFFFFF80  }
0xdd: {  	_ =	swait.ge [sflag:s9], $0x80  }
0xde: {  	[sflag:s9] =	ssyncset.done $0x0  }
0xdf: {  	[sflag:s9] =	ssyncadd.s32 $0xFFFFFF80  }
0xe0: {  	_ =	swait.ge [sflag:s9], $0x80  }
0xe1: {  	[sflag:s9] =	ssyncset.done $0x0  }
0xe2: {  	[sflag:s9] =	ssyncadd.s32 $0xFFFFFF80  }
0xe3: {  	_ =	swait.ge [sflag:s9], $0x80  }
0xe4: {  	[sflag:s9] =	ssyncset.done $0x0  }
0xe5: {  	s2 =	smul.u32 $0x280, s2;
	[sflag:s9] =	ssyncadd.s32 $0xFFFFFF80  }
0xe6: {  	_ =	swait.ge [sflag:s9], $0x80  }
0xe7: {  	s2 =	sshrl.u32 s2, $0x3;
	[sflag:s9] =	ssyncset.done $0x0;
	s6 =	rddreg [dreg:$0x8]  }
0xe8: {  	s2 =	sadd.s32 s5, s2;
	[sflag:s9] =	ssyncadd.s32 $0xFFFFFF80;
	s28 =	sadd.s32 s21, s6  }
0xe9: {  	[tilespmem:s19], [sflag:$0x1] =	stream.linear.gather [hbm4b:s28+s3], $0x3E80, $0x38;
	[tilespmem:$0x1E000] =	vst v63  }
0xea: {  	s16 =	sadd.s32 s8, s24;
	s18 =	simm.s32 $0x1D800;
	s25 =	simm.s32 $0x1D880  }
0xeb: {  	[tilespmem:s18], [sflag:$0x1] =	stream.linear.gather [hbm4b:s16+s3], $0x80, $0x38;
	[tilespmem:$0x1E000] =	vst v63  }
0xec: {  	[smem:$0x7E7] =	sst s2;
	s2 =	sadd.s32 $0x10, s2;
	s28 =	smul.u32 $0x280, s10  }
0xed: {  	[tilespmem:s25], [sflag:$0x1] =	stream.linear.gather [hbm4b:s2+s3], $0x80, $0x38;
	[tilespmem:$0x1E000] =	vst v63  }
0xee: {  	s2 =	sshrl.u32 s28, $0x3  }
0xef: {  	s8 =	simm.s32 $0x1D900;
	s6 =	sadd.s32 s22, s24;
	s28 =	sadd.s32 s5, s2  }
0xf0: {  	[tilespmem:s8], [sflag:$0x1] =	stream.linear.gather [hbm4b:s6+s3], $0x80, $0x38;
	[tilespmem:$0x1E000] =	vst v63  }
0xf1: {  	s16 =	simm.s32 $0x1D980;
	s18 =	smul.u32 $0x280, s11;
	s2 =	sadd.s32 $0x10, s28  }
0xf2: {  	[tilespmem:s16], [sflag:$0x1] =	stream.linear.gather [hbm4b:s2+s3], $0x80, $0x38;
	[tilespmem:$0x1E000] =	vst v63  }
0xf3: {  	s2 =	sshrl.u32 s18, $0x3  }
0xf4: {  	s22 =	sadd.s32 s29, s24;
	s25 =	simm.s32 $0x1DA00;
	s2 =	sadd.s32 s5, s2  }
0xf5: {  	[tilespmem:s25], [sflag:$0x1] =	stream.linear.gather [hbm4b:s22+s3], $0x80, $0x38;
	[tilespmem:$0x1E000] =	vst v63  }
0xf6: {  	s11 =	simm.s32 $0x1DA80;
	s18 =	smul.u32 $0x280, s23;
	s8 =	sadd.s32 $0x10, s2  }
0xf7: {  	[tilespmem:s11], [sflag:$0x1] =	stream.linear.gather [hbm4b:s8+s3], $0x80, $0x38;
	[tilespmem:$0x1E000] =	vst v63  }
0xf8: {  	s16 =	sadd.s32 s15, s24;
	s22 =	simm.s32 $0x1DB00;
	s23 =	sshrl.u32 s18, $0x3  }
0xf9: {  	[tilespmem:s22], [sflag:$0x1] =	stream.linear.gather [hbm4b:s16+s3], $0x80, $0x38;
	[tilespmem:$0x1E000] =	vst v63  }
0xfa: {  	s22 =	sadd.s32 s5, s23  }
0xfb: {  	s30 =	smul.u32 $0x280, s30;
	s25 =	simm.s32 $0x1DB80;
	s10 =	sadd.s32 $0x10, s22  }
0xfc: {  	[tilespmem:s25], [sflag:$0x1] =	stream.linear.gather [hbm4b:s10+s3], $0x80, $0x38;
	[tilespmem:$0x1E000] =	vst v63  }
0xfd: {  	[smem:$0x7E9] =	sst s29;
	s10 =	sshrl.u32 s30, $0x3  }
0xfe: {  	s6 =	sadd.s32 s20, s24;
	s8 =	simm.s32 $0x1DC00;
	s15 =	sadd.s32 s5, s10  }
0xff: {  	[tilespmem:s8], [sflag:$0x1] =	stream.linear.gather [hbm4b:s6+s3], $0x80, $0x38;
	[tilespmem:$0x1E000] =	vst v63  }
0x100: {  	s18 =	smul.u32 $0x280, s31;
	s16 =	simm.s32 $0x1DC80;
	s10 =	sadd.s32 $0x10, s15  }
0x101: {  	[tilespmem:s16], [sflag:$0x1] =	stream.linear.gather [hbm4b:s10+s3], $0x80, $0x38;
	[tilespmem:$0x1E000] =	vst v63  }
0x102: {  	[smem:$0x7ED] =	sst s4;
	s10 =	sshrl.u32 s18, $0x3  }
0x103: {  	s20 =	sadd.s32 s26, s24;
	s23 =	simm.s32 $0x1DD00;
	s26 =	sadd.s32 s5, s10  }
0x104: {  	[tilespmem:s23], [sflag:$0x1] =	stream.linear.gather [hbm4b:s20+s3], $0x80, $0x38;
	[tilespmem:$0x1E000] =	vst v63  }
0x105: {  	s25 =	simm.s32 $0x1DD80;
	s30 =	smul.u32 $0x280, s12;
	s10 =	sadd.s32 $0x10, s26  }
0x106: {  	[tilespmem:s25], [sflag:$0x1] =	stream.linear.gather [hbm4b:s10+s3], $0x80, $0x38;
	[tilespmem:$0x1E000] =	vst v63  }
0x107: {  	[smem:$0x7EA] =	sst s2;
	s2 =	sadd.s32 s4, s24;
	s10 =	sshrl.u32 s30, $0x3  }
0x108: {  	s12 =	simm.s32 $0x1DE80;
	s8 =	simm.s32 $0x1DE00;
	s11 =	sadd.s32 s5, s10  }
0x109: {  	[tilespmem:s8], [sflag:$0x1] =	stream.linear.gather [hbm4b:s2+s3], $0x80, $0x38;
	[tilespmem:$0x1E000] =	vst v63  }
0x10a: {  	[smem:$0x7EC] =	sst s15;
	s16 =	smul.u32 $0x280, s17;
	s10 =	sadd.s32 $0x10, s11  }
0x10b: {  	[tilespmem:s12], [sflag:$0x1] =	stream.linear.gather [hbm4b:s10+s3], $0x80, $0x38;
	[tilespmem:$0x1E000] =	vst v63  }
0x10c: {  	s15 =	sadd.s32 s13, s24;
	s17 =	simm.s32 $0x1DF00;
	s18 =	sshrl.u32 s16, $0x3  }
0x10d: {  	[tilespmem:s17], [sflag:$0x1] =	stream.linear.gather [hbm4b:s15+s3], $0x80, $0x38;
	[tilespmem:$0x1E000] =	vst v63  }
0x10e: {  	[smem:$0x7E8] =	sst s28;
	s15 =	sadd.s32 s5, s18  }
0x10f: {  	[smem:$0x7EB] =	sst s22;
	s23 =	simm.s32 $0x1DF80;
	s20 =	sadd.s32 $0x10, s15  }
0x110: {  	[tilespmem:s23], [sflag:$0x1] =	stream.linear.gather [hbm4b:s20+s3], $0x80, $0x38;
	[tilespmem:$0x1E000] =	vst v63  }
0x111: {  	[smem:$0x7EE] =	sst s11;
	s17 =	simm.s32 $0x1D000  }
0x112: {  	[spmem:s1] =	stream.indirect.scatter.add.f32 [tilespmem:s3], [sflag:$0x2], $0x80, s17, s7, $0xb8;
	[tilespmem:$0x1E000] =	vst v63  }
0x113: {  	s6 =	sld [smem:$0x7FA];
	_ =	swait.ge [sflag:s14], $0x4000  }
0x114: {  	[sflag:s14] =	ssyncset.done $0x0  }
0x115: {  	s23 =	simm.s32 $0x1D080;
	[sflag:s14] =	ssyncadd.s32 $0xFFFFC000  }
0x116: {  	[spmem:s1] =	stream.indirect.scatter.add.f32 [tilespmem:s3], [sflag:$0x2], $0x80, s23, s7, $0xb8;
	[tilespmem:$0x1E000] =	vst v63  }
0x117: {  	_ =	swait.ge [sflag:s14], $0x4000  }
0x118: {  	[sflag:s14] =	ssyncset.done $0x0  }
0x119: {  	s24 =	simm.s32 $0x1D100;
	[sflag:s14] =	ssyncadd.s32 $0xFFFFC000  }
0x11a: {  	[spmem:s1] =	stream.indirect.scatter.add.f32 [tilespmem:s3], [sflag:$0x2], $0x80, s24, s7, $0xb8;
	[tilespmem:$0x1E000] =	vst v63  }
0x11b: {  	_ =	swait.ge [sflag:s14], $0x4000  }
0x11c: {  	[sflag:s14] =	ssyncset.done $0x0  }
0x11d: {  	s25 =	simm.s32 $0x1D180;
	[sflag:s14] =	ssyncadd.s32 $0xFFFFC000  }
0x11e: {  	[spmem:s1] =	stream.indirect.scatter.add.f32 [tilespmem:s3], [sflag:$0x2], $0x80, s25, s7, $0xb8;
	[tilespmem:$0x1E000] =	vst v63  }
0x11f: {  	_ =	swait.ge [sflag:s14], $0x4000  }
0x120: {  	[sflag:s14] =	ssyncset.done $0x0  }
0x121: {  	s24 =	simm.s32 $0x1D200;
	[sflag:s14] =	ssyncadd.s32 $0xFFFFC000  }
0x122: {  	[spmem:s1] =	stream.indirect.scatter.add.f32 [tilespmem:s3], [sflag:$0x2], $0x80, s24, s7, $0xb8;
	[tilespmem:$0x1E000] =	vst v63  }
0x123: {  	_ =	swait.ge [sflag:s14], $0x4000  }
0x124: {  	[sflag:s14] =	ssyncset.done $0x0  }
0x125: {  	s11 =	simm.s32 $0x1D280;
	[sflag:s14] =	ssyncadd.s32 $0xFFFFC000  }
0x126: {  	[spmem:s1] =	stream.indirect.scatter.add.f32 [tilespmem:s3], [sflag:$0x2], $0x80, s11, s7, $0xb8;
	[tilespmem:$0x1E000] =	vst v63  }
0x127: {  	_ =	swait.ge [sflag:s14], $0x4000  }
0x128: {  	[sflag:s14] =	ssyncset.done $0x0  }
0x129: {  	s30 =	simm.s32 $0x1D300;
	[sflag:s14] =	ssyncadd.s32 $0xFFFFC000  }
0x12a: {  	[spmem:s1] =	stream.indirect.scatter.add.f32 [tilespmem:s3], [sflag:$0x2], $0x80, s30, s7, $0xb8;
	[tilespmem:$0x1E000] =	vst v63  }
0x12b: {  	_ =	swait.ge [sflag:s14], $0x4000  }
0x12c: {  	[sflag:s14] =	ssyncset.done $0x0  }
0x12d: {  	s31 =	simm.s32 $0x1D380;
	[sflag:s14] =	ssyncadd.s32 $0xFFFFC000  }
0x12e: {  	[spmem:s1] =	stream.indirect.scatter.add.f32 [tilespmem:s3], [sflag:$0x2], $0x80, s31, s7, $0xb8;
	[tilespmem:$0x1E000] =	vst v63  }
0x12f: {  	_ =	swait.ge [sflag:s14], $0x4000  }
0x130: {  	[sflag:s14] =	ssyncset.done $0x0  }
0x131: {  	s16 =	simm.s32 $0x1D400;
	[sflag:s14] =	ssyncadd.s32 $0xFFFFC000  }
0x132: {  	[spmem:s1] =	stream.indirect.scatter.add.f32 [tilespmem:s3], [sflag:$0x2], $0x80, s16, s7, $0xb8;
	[tilespmem:$0x1E000] =	vst v63  }
0x133: {  	_ =	swait.ge [sflag:s14], $0x4000  }
0x134: {  	[sflag:s14] =	ssyncset.done $0x0  }
0x135: {  	s20 =	simm.s32 $0x1D480;
	[sflag:s14] =	ssyncadd.s32 $0xFFFFC000  }
0x136: {  	[spmem:s1] =	stream.indirect.scatter.add.f32 [tilespmem:s3], [sflag:$0x2], $0x80, s20, s7, $0xb8;
	[tilespmem:$0x1E000] =	vst v63  }
0x137: {  	_ =	swait.ge [sflag:s14], $0x4000  }
0x138: {  	[sflag:s14] =	ssyncset.done $0x0  }
0x139: {  	s30 =	simm.s32 $0x1D500;
	[sflag:s14] =	ssyncadd.s32 $0xFFFFC000  }
0x13a: {  	[spmem:s1] =	stream.indirect.scatter.add.f32 [tilespmem:s3], [sflag:$0x2], $0x80, s30, s7, $0xb8;
	[tilespmem:$0x1E000] =	vst v63  }
0x13b: {  	_ =	swait.ge [sflag:s14], $0x4000  }
0x13c: {  	[sflag:s14] =	ssyncset.done $0x0  }
0x13d: {  	s8 =	simm.s32 $0x1D580;
	[sflag:s14] =	ssyncadd.s32 $0xFFFFC000  }
0x13e: {  	[spmem:s1] =	stream.indirect.scatter.add.f32 [tilespmem:s3], [sflag:$0x2], $0x80, s8, s7, $0xb8;
	[tilespmem:$0x1E000] =	vst v63  }
0x13f: {  	_ =	swait.ge [sflag:s14], $0x4000  }
0x140: {  	[sflag:s14] =	ssyncset.done $0x0  }
0x141: {  	s25 =	simm.s32 $0x1D600;
	[sflag:s14] =	ssyncadd.s32 $0xFFFFC000  }
0x142: {  	[spmem:s1] =	stream.indirect.scatter.add.f32 [tilespmem:s3], [sflag:$0x2], $0x80, s25, s7, $0xb8;
	[tilespmem:$0x1E000] =	vst v63  }
0x143: {  	_ =	swait.ge [sflag:s14], $0x4000  }
0x144: {  	[sflag:s14] =	ssyncset.done $0x0  }
0x145: {  	s10 =	simm.s32 $0x1D680;
	[sflag:s14] =	ssyncadd.s32 $0xFFFFC000  }
0x146: {  	[spmem:s1] =	stream.indirect.scatter.add.f32 [tilespmem:s3], [sflag:$0x2], $0x80, s10, s7, $0xb8;
	[tilespmem:$0x1E000] =	vst v63  }
0x147: {  	_ =	swait.ge [sflag:s14], $0x4000  }
0x148: {  	[sflag:s14] =	ssyncset.done $0x0  }
0x149: {  	s18 =	simm.s32 $0x1D700;
	[sflag:s14] =	ssyncadd.s32 $0xFFFFC000  }
0x14a: {  	[spmem:s1] =	stream.indirect.scatter.add.f32 [tilespmem:s3], [sflag:$0x2], $0x80, s18, s7, $0xb8;
	[tilespmem:$0x1E000] =	vst v63  }
0x14b: {  	_ =	swait.ge [sflag:s14], $0x4000  }
0x14c: {  	[sflag:s14] =	ssyncset.done $0x0  }
0x14d: {  	s12 =	simm.s32 $0x1D780;
	[sflag:s14] =	ssyncadd.s32 $0xFFFFC000  }
0x14e: {  	[spmem:s1] =	stream.indirect.scatter.add.f32 [tilespmem:s3], [sflag:$0x2], $0x80, s12, s7, $0xb8;
	[tilespmem:$0x1E000] =	vst v63  }
0x14f: {  	_ =	swait.ge [sflag:s14], $0x4000  }
0x150: {  	[sflag:s14] =	ssyncset.done $0x0  }
0x151: {  	[sflag:s14] =	ssyncadd.s32 $0xFFFFC000  }
0x152: {  	_ =	swait.ge [sflag:s9], $0x3E80  }
0x153: {  	[sflag:s9] =	ssyncset.done $0x0  }
0x154: {  	[sflag:s9] =	ssyncadd.s32 $0xFFFFC180  }
0x155: {  	_ =	swait.ge [sflag:s9], $0x80  }
0x156: {  	[sflag:s9] =	ssyncset.done $0x0  }
0x157: {  	[sflag:s9] =	ssyncadd.s32 $0xFFFFFF80  }
0x158: {  	_ =	swait.ge [sflag:s9], $0x80  }
0x159: {  	[sflag:s9] =	ssyncset.done $0x0  }
0x15a: {  	[sflag:s9] =	ssyncadd.s32 $0xFFFFFF80  }
0x15b: {  	_ =	swait.ge [sflag:s9], $0x80  }
0x15c: {  	[sflag:s9] =	ssyncset.done $0x0  }
0x15d: {  	[sflag:s9] =	ssyncadd.s32 $0xFFFFFF80  }
0x15e: {  	_ =	swait.ge [sflag:s9], $0x80  }
0x15f: {  	[sflag:s9] =	ssyncset.done $0x0  }
0x160: {  	[sflag:s9] =	ssyncadd.s32 $0xFFFFFF80  }
0x161: {  	_ =	swait.ge [sflag:s9], $0x80  }
0x162: {  	[sflag:s9] =	ssyncset.done $0x0  }
0x163: {  	[sflag:s9] =	ssyncadd.s32 $0xFFFFFF80  }
0x164: {  	_ =	swait.ge [sflag:s9], $0x80  }
0x165: {  	[sflag:s9] =	ssyncset.done $0x0  }
0x166: {  	[sflag:s9] =	ssyncadd.s32 $0xFFFFFF80  }
0x167: {  	_ =	swait.ge [sflag:s9], $0x80  }
0x168: {  	[sflag:s9] =	ssyncset.done $0x0  }
0x169: {  	[sflag:s9] =	ssyncadd.s32 $0xFFFFFF80  }
0x16a: {  	_ =	swait.ge [sflag:s9], $0x80  }
0x16b: {  	[sflag:s9] =	ssyncset.done $0x0  }
0x16c: {  	[sflag:s9] =	ssyncadd.s32 $0xFFFFFF80  }
0x16d: {  	_ =	swait.ge [sflag:s9], $0x80  }
0x16e: {  	[sflag:s9] =	ssyncset.done $0x0  }
0x16f: {  	[sflag:s9] =	ssyncadd.s32 $0xFFFFFF80  }
0x170: {  	_ =	swait.ge [sflag:s9], $0x80  }
0x171: {  	[sflag:s9] =	ssyncset.done $0x0  }
0x172: {  	[sflag:s9] =	ssyncadd.s32 $0xFFFFFF80  }
0x173: {  	_ =	swait.ge [sflag:s9], $0x80  }
0x174: {  	[sflag:s9] =	ssyncset.done $0x0  }
0x175: {  	[sflag:s9] =	ssyncadd.s32 $0xFFFFFF80  }
0x176: {  	_ =	swait.ge [sflag:s9], $0x80  }
0x177: {  	[sflag:s9] =	ssyncset.done $0x0  }
0x178: {  	[sflag:s9] =	ssyncadd.s32 $0xFFFFFF80  }
0x179: {  	_ =	swait.ge [sflag:s9], $0x80  }
0x17a: {  	[sflag:s9] =	ssyncset.done $0x0  }
0x17b: {  	[sflag:s9] =	ssyncadd.s32 $0xFFFFFF80  }
0x17c: {  	_ =	swait.ge [sflag:s9], $0x80  }
0x17d: {  	[sflag:s9] =	ssyncset.done $0x0  }
0x17e: {  	[sflag:s9] =	ssyncadd.s32 $0xFFFFFF80  }
0x17f: {  	_ =	swait.ge [sflag:s9], $0x80  }
0x180: {  	[sflag:s9] =	ssyncset.done $0x0  }
0x181: {  	[sflag:s9] =	ssyncadd.s32 $0xFFFFFF80  }
0x182: {  	_ =	swait.ge [sflag:s9], $0x80  }
0x183: {  	[sflag:s9] =	ssyncset.done $0x0  }
0x184: {  	s2 =	sadd.s32 s21, s6;
	[sflag:s9] =	ssyncadd.s32 $0xFFFFFF80  }
0x185: {  	[tilespmem:s3], [sflag:$0x1] =	stream.linear.gather [hbm4b:s2+s3], $0x3E80, $0x38;
	[tilespmem:$0x1E000] =	vst v63  }
0x186: {  	s2 =	sld [smem:$0x7DF];
	_ =	sdelay $0x2  }
0x187: {  	s13 =	sld [smem:$0x7E0];
	s6 =	sadd.s32 s2, s0  }
0x188: {  	[tilespmem:s17], [sflag:$0x1] =	stream.linear.gather [hbm4b:s6+s3], $0x80, $0x38;
	[tilespmem:$0x1E000] =	vst v63  }
0x189: {  	s17 =	sld [smem:$0x7E1];
	_ =	sdelay $0x2  }
0x18a: {  	s13 =	sadd.s32 s13, s0;
	s6 =	smul.u32 $0x280, s17  }
0x18b: {  	[tilespmem:s23], [sflag:$0x1] =	stream.linear.gather [hbm4b:s13+s3], $0x80, $0x38;
	[tilespmem:$0x1E000] =	vst v63  }
0x18c: {  	s6 =	sshrl.u32 s6, $0x3  }
0x18d: {  	s23 =	sadd.s32 s5, s6  }
0x18e: {  	s17 =	simm.s32 $0x1D100;
	s13 =	sadd.s32 $0x20, s23  }
0x18f: {  	[tilespmem:s17], [sflag:$0x1] =	stream.linear.gather [hbm4b:s13+s3], $0x80, $0x38;
	[tilespmem:$0x1E000] =	vst v63  }
0x190: {  	s17 =	sadd.s32 $0x20, s28;
	s28 =	simm.s32 $0x1D180  }
0x191: {  	[tilespmem:s28], [sflag:$0x1] =	stream.linear.gather [hbm4b:s17+s3], $0x80, $0x38;
	[tilespmem:$0x1E000] =	vst v63  }
0x192: {  	s17 =	sadd.s32 s29, s0;
	s28 =	sld [smem:$0x7F1]  }
0x193: {  	[tilespmem:s24], [sflag:$0x1] =	stream.linear.gather [hbm4b:s17+s3], $0x80, $0x38;
	[tilespmem:$0x1E000] =	vst v63  }
0x194: {  	s24 =	sld [smem:$0x7E2];
	_ =	sdelay $0x2  }
0x195: {  	s6 =	sadd.s32 s28, s0;
	s13 =	smul.u32 $0x280, s24  }
0x196: {  	[tilespmem:s11], [sflag:$0x1] =	stream.linear.gather [hbm4b:s6+s3], $0x80, $0x38;
	[tilespmem:$0x1E000] =	vst v63  }
0x197: {  	s13 =	sshrl.u32 s13, $0x3  }
0x198: {  	s11 =	sadd.s32 s5, s13  }
0x199: {  	s17 =	simm.s32 $0x1D300;
	s6 =	sld [smem:$0x7E3];
	s13 =	sadd.s32 $0x20, s11  }
0x19a: {  	[tilespmem:s17], [sflag:$0x1] =	stream.linear.gather [hbm4b:s13+s3], $0x80, $0x38;
	[tilespmem:$0x1E000] =	vst v63  }
0x19b: {  	s22 =	sadd.s32 $0x20, s22;
	s17 =	sld [smem:$0x7E4]  }
0x19c: {  	[tilespmem:s31], [sflag:$0x1] =	stream.linear.gather [hbm4b:s22+s3], $0x80, $0x38;
	[tilespmem:$0x1E000] =	vst v63  }
0x19d: {  	s22 =	sld [smem:$0x7E5]  }
0x19e: {  	s28 =	sadd.s32 s6, s0  }
0x19f: {  	[tilespmem:s16], [sflag:$0x1] =	stream.linear.gather [hbm4b:s28+s3], $0x80, $0x38;
	[tilespmem:$0x1E000] =	vst v63  }
0x1a0: {  	s13 =	sadd.s32 s17, s0;
	s16 =	smul.u32 $0x280, s22  }
0x1a1: {  	[tilespmem:s20], [sflag:$0x1] =	stream.linear.gather [hbm4b:s13+s3], $0x80, $0x38;
	[tilespmem:$0x1E000] =	vst v63  }
0x1a2: {  	s16 =	sshrl.u32 s16, $0x3  }
0x1a3: {  	s16 =	sadd.s32 s5, s16  }
0x1a4: {  	s22 =	sld [smem:$0x7E6];
	s13 =	sadd.s32 $0x20, s16  }
0x1a5: {  	[tilespmem:s30], [sflag:$0x1] =	stream.linear.gather [hbm4b:s13+s3], $0x80, $0x38;
	[tilespmem:$0x1E000] =	vst v63  }
0x1a6: {  	s17 =	sadd.s32 $0x20, s26;
	s30 =	smov.u32 s26;
	s26 =	sld [smem:$0x7F5]  }
0x1a7: {  	[tilespmem:s8], [sflag:$0x1] =	stream.linear.gather [hbm4b:s17+s3], $0x80, $0x38;
	[tilespmem:$0x1E000] =	vst v63  }
0x1a8: {  	s20 =	sadd.s32 s4, s0  }
0x1a9: {  	[tilespmem:s25], [sflag:$0x1] =	stream.linear.gather [hbm4b:s20+s3], $0x80, $0x38;
	[tilespmem:$0x1E000] =	vst v63  }
0x1aa: {  	s4 =	sadd.s32 s26, s0;
	s25 =	smul.u32 $0x280, s22  }
0x1ab: {  	[tilespmem:s10], [sflag:$0x1] =	stream.linear.gather [hbm4b:s4+s3], $0x80, $0x38;
	[tilespmem:$0x1E000] =	vst v63  }
0x1ac: {  	s13 =	sshrl.u32 s25, $0x3  }
0x1ad: {  	s10 =	sadd.s32 s5, s13  }
0x1ae: {  	s13 =	sadd.s32 $0x20, s10  }
0x1af: {  	[tilespmem:s18], [sflag:$0x1] =	stream.linear.gather [hbm4b:s13+s3], $0x80, $0x38;
	[tilespmem:$0x1E000] =	vst v63  }
0x1b0: {  	s8 =	sadd.s32 $0x20, s15  }
0x1b1: {  	[tilespmem:s12], [sflag:$0x1] =	stream.linear.gather [hbm4b:s8+s3], $0x80, $0x38;
	[tilespmem:$0x1E000] =	vst v63  }
0x1b2: {  	s24 =	rddreg [dreg:$0x9];
	s13 =	simm.s32 $0x1D800  }
0x1b3: {  	[spmem:s1] =	stream.indirect.scatter.add.f32 [tilespmem:s19], [sflag:$0x2], $0x80, s13, s7, $0xb8;
	[tilespmem:$0x1E000] =	vst v63  }
0x1b4: {  	s28 =	rddreg [dreg:$0xa];
	_ =	swait.ge [sflag:s14], $0x4000  }
0x1b5: {  	[sflag:s14] =	ssyncset.done $0x0  }
0x1b6: {  	s17 =	simm.s32 $0x1D880;
	[sflag:s14] =	ssyncadd.s32 $0xFFFFC000  }
0x1b7: {  	[spmem:s1] =	stream.indirect.scatter.add.f32 [tilespmem:s19], [sflag:$0x2], $0x80, s17, s7, $0xb8;
	[tilespmem:$0x1E000] =	vst v63  }
0x1b8: {  	_ =	swait.ge [sflag:s14], $0x4000  }
0x1b9: {  	[sflag:s14] =	ssyncset.done $0x0  }
0x1ba: {  	s18 =	simm.s32 $0x1D900;
	[sflag:s14] =	ssyncadd.s32 $0xFFFFC000  }
0x1bb: {  	[spmem:s1] =	stream.indirect.scatter.add.f32 [tilespmem:s19], [sflag:$0x2], $0x80, s18, s7, $0xb8;
	[tilespmem:$0x1E000] =	vst v63  }
0x1bc: {  	_ =	swait.ge [sflag:s14], $0x4000  }
0x1bd: {  	[sflag:s14] =	ssyncset.done $0x0  }
0x1be: {  	s20 =	simm.s32 $0x1D980;
	[sflag:s14] =	ssyncadd.s32 $0xFFFFC000  }
0x1bf: {  	[spmem:s1] =	stream.indirect.scatter.add.f32 [tilespmem:s19], [sflag:$0x2], $0x80, s20, s7, $0xb8;
	[tilespmem:$0x1E000] =	vst v63  }
0x1c0: {  	_ =	swait.ge [sflag:s14], $0x4000  }
0x1c1: {  	[sflag:s14] =	ssyncset.done $0x0  }
0x1c2: {  	s22 =	simm.s32 $0x1DA00;
	[sflag:s14] =	ssyncadd.s32 $0xFFFFC000  }
0x1c3: {  	[spmem:s1] =	stream.indirect.scatter.add.f32 [tilespmem:s19], [sflag:$0x2], $0x80, s22, s7, $0xb8;
	[tilespmem:$0x1E000] =	vst v63  }
0x1c4: {  	_ =	swait.ge [sflag:s14], $0x4000  }
0x1c5: {  	[sflag:s14] =	ssyncset.done $0x0  }
0x1c6: {  	s25 =	simm.s32 $0x1DA80;
	[sflag:s14] =	ssyncadd.s32 $0xFFFFC000  }
0x1c7: {  	[spmem:s1] =	stream.indirect.scatter.add.f32 [tilespmem:s19], [sflag:$0x2], $0x80, s25, s7, $0xb8;
	[tilespmem:$0x1E000] =	vst v63  }
0x1c8: {  	_ =	swait.ge [sflag:s14], $0x4000  }
0x1c9: {  	[sflag:s14] =	ssyncset.done $0x0  }
0x1ca: {  	s26 =	simm.s32 $0x1DB00;
	[sflag:s14] =	ssyncadd.s32 $0xFFFFC000  }
0x1cb: {  	[spmem:s1] =	stream.indirect.scatter.add.f32 [tilespmem:s19], [sflag:$0x2], $0x80, s26, s7, $0xb8;
	[tilespmem:$0x1E000] =	vst v63  }
0x1cc: {  	_ =	swait.ge [sflag:s14], $0x4000  }
0x1cd: {  	[sflag:s14] =	ssyncset.done $0x0  }
0x1ce: {  	s22 =	simm.s32 $0x1DB80;
	[sflag:s14] =	ssyncadd.s32 $0xFFFFC000  }
0x1cf: {  	[spmem:s1] =	stream.indirect.scatter.add.f32 [tilespmem:s19], [sflag:$0x2], $0x80, s22, s7, $0xb8;
	[tilespmem:$0x1E000] =	vst v63  }
0x1d0: {  	_ =	swait.ge [sflag:s14], $0x4000  }
0x1d1: {  	[sflag:s14] =	ssyncset.done $0x0  }
0x1d2: {  	s4 =	simm.s32 $0x1DC00;
	[sflag:s14] =	ssyncadd.s32 $0xFFFFC000  }
0x1d3: {  	[spmem:s1] =	stream.indirect.scatter.add.f32 [tilespmem:s19], [sflag:$0x2], $0x80, s4, s7, $0xb8;
	[tilespmem:$0x1E000] =	vst v63  }
0x1d4: {  	_ =	swait.ge [sflag:s14], $0x4000  }
0x1d5: {  	[sflag:s14] =	ssyncset.done $0x0  }
0x1d6: {  	s31 =	simm.s32 $0x1DC80;
	[sflag:s14] =	ssyncadd.s32 $0xFFFFC000  }
0x1d7: {  	[spmem:s1] =	stream.indirect.scatter.add.f32 [tilespmem:s19], [sflag:$0x2], $0x80, s31, s7, $0xb8;
	[tilespmem:$0x1E000] =	vst v63  }
0x1d8: {  	_ =	swait.ge [sflag:s14], $0x4000  }
0x1d9: {  	[sflag:s14] =	ssyncset.done $0x0  }
0x1da: {  	s29 =	simm.s32 $0x1DD00;
	[sflag:s14] =	ssyncadd.s32 $0xFFFFC000  }
0x1db: {  	[spmem:s1] =	stream.indirect.scatter.add.f32 [tilespmem:s19], [sflag:$0x2], $0x80, s29, s7, $0xb8;
	[tilespmem:$0x1E000] =	vst v63  }
0x1dc: {  	_ =	swait.ge [sflag:s14], $0x4000  }
0x1dd: {  	[sflag:s14] =	ssyncset.done $0x0  }
0x1de: {  	s8 =	simm.s32 $0x1DD80;
	[sflag:s14] =	ssyncadd.s32 $0xFFFFC000  }
0x1df: {  	[spmem:s1] =	stream.indirect.scatter.add.f32 [tilespmem:s19], [sflag:$0x2], $0x80, s8, s7, $0xb8;
	[tilespmem:$0x1E000] =	vst v63  }
0x1e0: {  	_ =	swait.ge [sflag:s14], $0x4000  }
0x1e1: {  	[sflag:s14] =	ssyncset.done $0x0  }
0x1e2: {  	s26 =	simm.s32 $0x1DE00;
	[sflag:s14] =	ssyncadd.s32 $0xFFFFC000  }
0x1e3: {  	[spmem:s1] =	stream.indirect.scatter.add.f32 [tilespmem:s19], [sflag:$0x2], $0x80, s26, s7, $0xb8;
	[tilespmem:$0x1E000] =	vst v63  }
0x1e4: {  	_ =	swait.ge [sflag:s14], $0x4000  }
0x1e5: {  	[sflag:s14] =	ssyncset.done $0x0  }
0x1e6: {  	s18 =	simm.s32 $0x1DE80;
	[sflag:s14] =	ssyncadd.s32 $0xFFFFC000  }
0x1e7: {  	[spmem:s1] =	stream.indirect.scatter.add.f32 [tilespmem:s19], [sflag:$0x2], $0x80, s18, s7, $0xb8;
	[tilespmem:$0x1E000] =	vst v63  }
0x1e8: {  	_ =	swait.ge [sflag:s14], $0x4000  }
0x1e9: {  	[sflag:s14] =	ssyncset.done $0x0  }
0x1ea: {  	s17 =	simm.s32 $0x1DF00;
	[sflag:s14] =	ssyncadd.s32 $0xFFFFC000  }
0x1eb: {  	[spmem:s1] =	stream.indirect.scatter.add.f32 [tilespmem:s19], [sflag:$0x2], $0x80, s17, s7, $0xb8;
	[tilespmem:$0x1E000] =	vst v63  }
0x1ec: {  	_ =	swait.ge [sflag:s14], $0x4000  }
0x1ed: {  	[sflag:s14] =	ssyncset.done $0x0  }
0x1ee: {  	s12 =	simm.s32 $0x1DF80;
	[sflag:s14] =	ssyncadd.s32 $0xFFFFC000  }
0x1ef: {  	[spmem:s1] =	stream.indirect.scatter.add.f32 [tilespmem:s19], [sflag:$0x2], $0x80, s12, s7, $0xb8;
	[tilespmem:$0x1E000] =	vst v63  }
0x1f0: {  	_ =	swait.ge [sflag:s14], $0x4000  }
0x1f1: {  	[sflag:s14] =	ssyncset.done $0x0  }
0x1f2: {  	[sflag:s14] =	ssyncadd.s32 $0xFFFFC000  }
0x1f3: {  	_ =	swait.ge [sflag:s9], $0x3E80  }
0x1f4: {  	[sflag:s9] =	ssyncset.done $0x0  }
0x1f5: {  	[sflag:s9] =	ssyncadd.s32 $0xFFFFC180  }
0x1f6: {  	_ =	swait.ge [sflag:s9], $0x80  }
0x1f7: {  	[sflag:s9] =	ssyncset.done $0x0  }
0x1f8: {  	[sflag:s9] =	ssyncadd.s32 $0xFFFFFF80  }
0x1f9: {  	_ =	swait.ge [sflag:s9], $0x80  }
0x1fa: {  	[sflag:s9] =	ssyncset.done $0x0  }
0x1fb: {  	[sflag:s9] =	ssyncadd.s32 $0xFFFFFF80  }
0x1fc: {  	_ =	swait.ge [sflag:s9], $0x80  }
0x1fd: {  	[sflag:s9] =	ssyncset.done $0x0  }
0x1fe: {  	[sflag:s9] =	ssyncadd.s32 $0xFFFFFF80  }
0x1ff: {  	_ =	swait.ge [sflag:s9], $0x80  }
0x200: {  	[sflag:s9] =	ssyncset.done $0x0  }
0x201: {  	[sflag:s9] =	ssyncadd.s32 $0xFFFFFF80  }
0x202: {  	_ =	swait.ge [sflag:s9], $0x80  }
0x203: {  	[sflag:s9] =	ssyncset.done $0x0  }
0x204: {  	[sflag:s9] =	ssyncadd.s32 $0xFFFFFF80  }
0x205: {  	_ =	swait.ge [sflag:s9], $0x80  }
0x206: {  	[sflag:s9] =	ssyncset.done $0x0  }
0x207: {  	[sflag:s9] =	ssyncadd.s32 $0xFFFFFF80  }
0x208: {  	_ =	swait.ge [sflag:s9], $0x80  }
0x209: {  	[sflag:s9] =	ssyncset.done $0x0  }
0x20a: {  	[sflag:s9] =	ssyncadd.s32 $0xFFFFFF80  }
0x20b: {  	_ =	swait.ge [sflag:s9], $0x80  }
0x20c: {  	[sflag:s9] =	ssyncset.done $0x0  }
0x20d: {  	[sflag:s9] =	ssyncadd.s32 $0xFFFFFF80  }
0x20e: {  	_ =	swait.ge [sflag:s9], $0x80  }
0x20f: {  	[sflag:s9] =	ssyncset.done $0x0  }
0x210: {  	[sflag:s9] =	ssyncadd.s32 $0xFFFFFF80  }
0x211: {  	_ =	swait.ge [sflag:s9], $0x80  }
0x212: {  	[sflag:s9] =	ssyncset.done $0x0  }
0x213: {  	[sflag:s9] =	ssyncadd.s32 $0xFFFFFF80  }
0x214: {  	_ =	swait.ge [sflag:s9], $0x80  }
0x215: {  	[sflag:s9] =	ssyncset.done $0x0  }
0x216: {  	[sflag:s9] =	ssyncadd.s32 $0xFFFFFF80  }
0x217: {  	_ =	swait.ge [sflag:s9], $0x80  }
0x218: {  	[sflag:s9] =	ssyncset.done $0x0  }
0x219: {  	[sflag:s9] =	ssyncadd.s32 $0xFFFFFF80  }
0x21a: {  	_ =	swait.ge [sflag:s9], $0x80  }
0x21b: {  	[sflag:s9] =	ssyncset.done $0x0  }
0x21c: {  	[sflag:s9] =	ssyncadd.s32 $0xFFFFFF80  }
0x21d: {  	_ =	swait.ge [sflag:s9], $0x80  }
0x21e: {  	[sflag:s9] =	ssyncset.done $0x0  }
0x21f: {  	[sflag:s9] =	ssyncadd.s32 $0xFFFFFF80  }
0x220: {  	_ =	swait.ge [sflag:s9], $0x80  }
0x221: {  	[sflag:s9] =	ssyncset.done $0x0  }
0x222: {  	[sflag:s9] =	ssyncadd.s32 $0xFFFFFF80  }
0x223: {  	_ =	swait.ge [sflag:s9], $0x80  }
0x224: {  	[sflag:s9] =	ssyncset.done $0x0  }
0x225: {  	s0 =	sadd.s32 s21, s24;
	[sflag:s9] =	ssyncadd.s32 $0xFFFFFF80  }
0x226: {  	[tilespmem:s19], [sflag:$0x1] =	stream.linear.gather [hbm4b:s0+s3], $0x3E80, $0x38;
	[tilespmem:$0x1E000] =	vst v63  }
0x227: {  	s24 =	simm.s32 $0x1D800;
	s20 =	smov.u32 s21;
	s21 =	sadd.s32 s2, s28  }
0x228: {  	[tilespmem:s24], [sflag:$0x1] =	stream.linear.gather [hbm4b:s21+s3], $0x80, $0x38;
	[tilespmem:$0x1E000] =	vst v63  }
0x229: {  	s24 =	sld [smem:$0x7E7];
	_ =	sdelay $0x2  }
0x22a: {  	s25 =	smov.u32 s2;
	s2 =	simm.s32 $0x1D880;
	s0 =	sadd.s32 $0x30, s24  }
0x22b: {  	[tilespmem:s2], [sflag:$0x1] =	stream.linear.gather [hbm4b:s0+s3], $0x80, $0x38;
	[tilespmem:$0x1E000] =	vst v63  }
0x22c: {  	s21 =	sadd.s32 $0x30, s23;
	s23 =	simm.s32 $0x1D900  }
0x22d: {  	[tilespmem:s23], [sflag:$0x1] =	stream.linear.gather [hbm4b:s21+s3], $0x80, $0x38;
	[tilespmem:$0x1E000] =	vst v63  }
0x22e: {  	s21 =	sld [smem:$0x7E8];
	_ =	sdelay $0x1  }
0x22f: {  	s13 =	sld [smem:$0x7E9]  }
0x230: {  	s2 =	simm.s32 $0x1D980;
	s0 =	sadd.s32 $0x30, s21  }
0x231: {  	[tilespmem:s2], [sflag:$0x1] =	stream.linear.gather [hbm4b:s0+s3], $0x80, $0x38;
	[tilespmem:$0x1E000] =	vst v63  }
0x232: {  	s0 =	sadd.s32 s13, s28;
	s13 =	sld [smem:$0x7EA]  }
0x233: {  	s23 =	simm.s32 $0x1DA00  }
0x234: {  	[tilespmem:s23], [sflag:$0x1] =	stream.linear.gather [hbm4b:s0+s3], $0x80, $0x38;
	[tilespmem:$0x1E000] =	vst v63  }
0x235: {  	s23 =	simm.s32 $0x1DA80;
	s0 =	sadd.s32 $0x30, s13  }
0x236: {  	[tilespmem:s23], [sflag:$0x1] =	stream.linear.gather [hbm4b:s0+s3], $0x80, $0x38;
	[tilespmem:$0x1E000] =	vst v63  }
0x237: {  	s23 =	sld [smem:$0x7EB]  }
0x238: {  	s2 =	sadd.s32 $0x30, s11;
	s13 =	simm.s32 $0x1DB00  }
0x239: {  	[tilespmem:s13], [sflag:$0x1] =	stream.linear.gather [hbm4b:s2+s3], $0x80, $0x38;
	[tilespmem:$0x1E000] =	vst v63  }
0x23a: {  	s0 =	sadd.s32 $0x30, s23  }
0x23b: {  	[tilespmem:s22], [sflag:$0x1] =	stream.linear.gather [hbm4b:s0+s3], $0x80, $0x38;
	[tilespmem:$0x1E000] =	vst v63  }
0x23c: {  	s2 =	sadd.s32 s6, s28  }
0x23d: {  	[tilespmem:s4], [sflag:$0x1] =	stream.linear.gather [hbm4b:s2+s3], $0x80, $0x38;
	[tilespmem:$0x1E000] =	vst v63  }
0x23e: {  	s4 =	sld [smem:$0x7EC];
	_ =	sdelay $0x2  }
0x23f: {  	s13 =	sadd.s32 $0x30, s4  }
0x240: {  	[tilespmem:s31], [sflag:$0x1] =	stream.linear.gather [hbm4b:s13+s3], $0x80, $0x38;
	[tilespmem:$0x1E000] =	vst v63  }
0x241: {  	s22 =	sadd.s32 $0x30, s16  }
0x242: {  	[tilespmem:s29], [sflag:$0x1] =	stream.linear.gather [hbm4b:s22+s3], $0x80, $0x38;
	[tilespmem:$0x1E000] =	vst v63  }
0x243: {  	s23 =	smov.u32 s6;
	s6 =	sld [smem:$0x7ED];
	s2 =	sadd.s32 $0x30, s30  }
0x244: {  	[tilespmem:s8], [sflag:$0x1] =	stream.linear.gather [hbm4b:s2+s3], $0x80, $0x38;
	[tilespmem:$0x1E000] =	vst v63  }
0x245: {  	s8 =	sld [smem:$0x7EE]  }
0x246: {  	s0 =	sadd.s32 s6, s28  }
0x247: {  	[tilespmem:s26], [sflag:$0x1] =	stream.linear.gather [hbm4b:s0+s3], $0x80, $0x38;
	[tilespmem:$0x1E000] =	vst v63  }
0x248: {  	s0 =	sadd.s32 $0x30, s8  }
0x249: {  	[tilespmem:s18], [sflag:$0x1] =	stream.linear.gather [hbm4b:s0+s3], $0x80, $0x38;
	[tilespmem:$0x1E000] =	vst v63  }
0x24a: {  	s13 =	sadd.s32 $0x30, s10  }
0x24b: {  	[tilespmem:s17], [sflag:$0x1] =	stream.linear.gather [hbm4b:s13+s3], $0x80, $0x38;
	[tilespmem:$0x1E000] =	vst v63  }
0x24c: {  	s16 =	sadd.s32 $0x30, s15  }
0x24d: {  	[tilespmem:s12], [sflag:$0x1] =	stream.linear.gather [hbm4b:s16+s3], $0x80, $0x38;
	[tilespmem:$0x1E000] =	vst v63  }
0x24e: {  	s17 =	simm.s32 $0x1D000  }
0x24f: {  	[spmem:s1] =	stream.indirect.scatter.add.f32 [tilespmem:s3], [sflag:$0x2], $0x80, s17, s7, $0xb8;
	[tilespmem:$0x1E000] =	vst v63  }
0x250: {  	s2 =	rddreg [dreg:$0xb];
	_ =	swait.ge [sflag:s14], $0x4000  }
0x251: {  	[sflag:s14] =	ssyncset.done $0x0  }
0x252: {  	s18 =	simm.s32 $0x1D080;
	[sflag:s14] =	ssyncadd.s32 $0xFFFFC000  }
0x253: {  	[spmem:s1] =	stream.indirect.scatter.add.f32 [tilespmem:s3], [sflag:$0x2], $0x80, s18, s7, $0xb8;
	[tilespmem:$0x1E000] =	vst v63  }
0x254: {  	_ =	swait.ge [sflag:s14], $0x4000  }
0x255: {  	[sflag:s14] =	ssyncset.done $0x0  }
0x256: {  	s22 =	simm.s32 $0x1D100;
	[sflag:s14] =	ssyncadd.s32 $0xFFFFC000  }
0x257: {  	[spmem:s1] =	stream.indirect.scatter.add.f32 [tilespmem:s3], [sflag:$0x2], $0x80, s22, s7, $0xb8;
	[tilespmem:$0x1E000] =	vst v63  }
0x258: {  	_ =	swait.ge [sflag:s14], $0x4000  }
0x259: {  	[sflag:s14] =	ssyncset.done $0x0  }
0x25a: {  	s26 =	simm.s32 $0x1D180;
	[sflag:s14] =	ssyncadd.s32 $0xFFFFC000  }
0x25b: {  	[spmem:s1] =	stream.indirect.scatter.add.f32 [tilespmem:s3], [sflag:$0x2], $0x80, s26, s7, $0xb8;
	[tilespmem:$0x1E000] =	vst v63  }
0x25c: {  	_ =	swait.ge [sflag:s14], $0x4000  }
0x25d: {  	[sflag:s14] =	ssyncset.done $0x0  }
0x25e: {  	s28 =	simm.s32 $0x1D200;
	[sflag:s14] =	ssyncadd.s32 $0xFFFFC000  }
0x25f: {  	[spmem:s1] =	stream.indirect.scatter.add.f32 [tilespmem:s3], [sflag:$0x2], $0x80, s28, s7, $0xb8;
	[tilespmem:$0x1E000] =	vst v63  }
0x260: {  	_ =	swait.ge [sflag:s14], $0x4000  }
0x261: {  	[sflag:s14] =	ssyncset.done $0x0  }
0x262: {  	s29 =	simm.s32 $0x1D280;
	[sflag:s14] =	ssyncadd.s32 $0xFFFFC000  }
0x263: {  	[spmem:s1] =	stream.indirect.scatter.add.f32 [tilespmem:s3], [sflag:$0x2], $0x80, s29, s7, $0xb8;
	[tilespmem:$0x1E000] =	vst v63  }
0x264: {  	_ =	swait.ge [sflag:s14], $0x4000  }
0x265: {  	[sflag:s14] =	ssyncset.done $0x0  }
0x266: {  	s13 =	simm.s32 $0x1D300;
	[sflag:s14] =	ssyncadd.s32 $0xFFFFC000  }
0x267: {  	[spmem:s1] =	stream.indirect.scatter.add.f32 [tilespmem:s3], [sflag:$0x2], $0x80, s13, s7, $0xb8;
	[tilespmem:$0x1E000] =	vst v63  }
0x268: {  	_ =	swait.ge [sflag:s14], $0x4000  }
0x269: {  	[sflag:s14] =	ssyncset.done $0x0  }
0x26a: {  	s16 =	simm.s32 $0x1D380;
	[sflag:s14] =	ssyncadd.s32 $0xFFFFC000  }
0x26b: {  	[spmem:s1] =	stream.indirect.scatter.add.f32 [tilespmem:s3], [sflag:$0x2], $0x80, s16, s7, $0xb8;
	[tilespmem:$0x1E000] =	vst v63  }
0x26c: {  	_ =	swait.ge [sflag:s14], $0x4000  }
0x26d: {  	[sflag:s14] =	ssyncset.done $0x0  }
0x26e: {  	s18 =	simm.s32 $0x1D400;
	[sflag:s14] =	ssyncadd.s32 $0xFFFFC000  }
0x26f: {  	[spmem:s1] =	stream.indirect.scatter.add.f32 [tilespmem:s3], [sflag:$0x2], $0x80, s18, s7, $0xb8;
	[tilespmem:$0x1E000] =	vst v63  }
0x270: {  	_ =	swait.ge [sflag:s14], $0x4000  }
0x271: {  	[sflag:s14] =	ssyncset.done $0x0  }
0x272: {  	s31 =	simm.s32 $0x1D480;
	[sflag:s14] =	ssyncadd.s32 $0xFFFFC000  }
0x273: {  	[spmem:s1] =	stream.indirect.scatter.add.f32 [tilespmem:s3], [sflag:$0x2], $0x80, s31, s7, $0xb8;
	[tilespmem:$0x1E000] =	vst v63  }
0x274: {  	_ =	swait.ge [sflag:s14], $0x4000  }
0x275: {  	[sflag:s14] =	ssyncset.done $0x0  }
0x276: {  	s6 =	simm.s32 $0x1D500;
	[sflag:s14] =	ssyncadd.s32 $0xFFFFC000  }
0x277: {  	[spmem:s1] =	stream.indirect.scatter.add.f32 [tilespmem:s3], [sflag:$0x2], $0x80, s6, s7, $0xb8;
	[tilespmem:$0x1E000] =	vst v63  }
0x278: {  	_ =	swait.ge [sflag:s14], $0x4000  }
0x279: {  	[sflag:s14] =	ssyncset.done $0x0  }
0x27a: {  	s12 =	simm.s32 $0x1D580;
	[sflag:s14] =	ssyncadd.s32 $0xFFFFC000  }
0x27b: {  	[spmem:s1] =	stream.indirect.scatter.add.f32 [tilespmem:s3], [sflag:$0x2], $0x80, s12, s7, $0xb8;
	[tilespmem:$0x1E000] =	vst v63  }
0x27c: {  	_ =	swait.ge [sflag:s14], $0x4000  }
0x27d: {  	[sflag:s14] =	ssyncset.done $0x0  }
0x27e: {  	s26 =	simm.s32 $0x1D600;
	[sflag:s14] =	ssyncadd.s32 $0xFFFFC000  }
0x27f: {  	[spmem:s1] =	stream.indirect.scatter.add.f32 [tilespmem:s3], [sflag:$0x2], $0x80, s26, s7, $0xb8;
	[tilespmem:$0x1E000] =	vst v63  }
0x280: {  	_ =	swait.ge [sflag:s14], $0x4000  }
0x281: {  	[sflag:s14] =	ssyncset.done $0x0  }
0x282: {  	s28 =	simm.s32 $0x1D680;
	[sflag:s14] =	ssyncadd.s32 $0xFFFFC000  }
0x283: {  	[spmem:s1] =	stream.indirect.scatter.add.f32 [tilespmem:s3], [sflag:$0x2], $0x80, s28, s7, $0xb8;
	[tilespmem:$0x1E000] =	vst v63  }
0x284: {  	_ =	swait.ge [sflag:s14], $0x4000  }
0x285: {  	[sflag:s14] =	ssyncset.done $0x0  }
0x286: {  	s22 =	simm.s32 $0x1D700;
	[sflag:s14] =	ssyncadd.s32 $0xFFFFC000  }
0x287: {  	[spmem:s1] =	stream.indirect.scatter.add.f32 [tilespmem:s3], [sflag:$0x2], $0x80, s22, s7, $0xb8;
	[tilespmem:$0x1E000] =	vst v63  }
0x288: {  	_ =	swait.ge [sflag:s14], $0x4000  }
0x289: {  	[sflag:s14] =	ssyncset.done $0x0  }
0x28a: {  	s15 =	simm.s32 $0x1D780;
	[sflag:s14] =	ssyncadd.s32 $0xFFFFC000  }
0x28b: {  	[spmem:s1] =	stream.indirect.scatter.add.f32 [tilespmem:s3], [sflag:$0x2], $0x80, s15, s7, $0xb8;
	[tilespmem:$0x1E000] =	vst v63  }
0x28c: {  	_ =	swait.ge [sflag:s14], $0x4000  }
0x28d: {  	[sflag:s14] =	ssyncset.done $0x0  }
0x28e: {  	[sflag:s14] =	ssyncadd.s32 $0xFFFFC000  }
0x28f: {  	_ =	swait.ge [sflag:s9], $0x3E80  }
0x290: {  	[sflag:s9] =	ssyncset.done $0x0  }
0x291: {  	[sflag:s9] =	ssyncadd.s32 $0xFFFFC180  }
0x292: {  	_ =	swait.ge [sflag:s9], $0x80  }
0x293: {  	[sflag:s9] =	ssyncset.done $0x0  }
0x294: {  	[sflag:s9] =	ssyncadd.s32 $0xFFFFFF80  }
0x295: {  	_ =	swait.ge [sflag:s9], $0x80  }
0x296: {  	[sflag:s9] =	ssyncset.done $0x0  }
0x297: {  	[sflag:s9] =	ssyncadd.s32 $0xFFFFFF80  }
0x298: {  	_ =	swait.ge [sflag:s9], $0x80  }
0x299: {  	[sflag:s9] =	ssyncset.done $0x0  }
0x29a: {  	[sflag:s9] =	ssyncadd.s32 $0xFFFFFF80  }
0x29b: {  	_ =	swait.ge [sflag:s9], $0x80  }
0x29c: {  	[sflag:s9] =	ssyncset.done $0x0  }
0x29d: {  	[sflag:s9] =	ssyncadd.s32 $0xFFFFFF80  }
0x29e: {  	_ =	swait.ge [sflag:s9], $0x80  }
0x29f: {  	[sflag:s9] =	ssyncset.done $0x0  }
0x2a0: {  	[sflag:s9] =	ssyncadd.s32 $0xFFFFFF80  }
0x2a1: {  	_ =	swait.ge [sflag:s9], $0x80  }
0x2a2: {  	[sflag:s9] =	ssyncset.done $0x0  }
0x2a3: {  	[sflag:s9] =	ssyncadd.s32 $0xFFFFFF80  }
0x2a4: {  	_ =	swait.ge [sflag:s9], $0x80  }
0x2a5: {  	[sflag:s9] =	ssyncset.done $0x0  }
0x2a6: {  	[sflag:s9] =	ssyncadd.s32 $0xFFFFFF80  }
0x2a7: {  	_ =	swait.ge [sflag:s9], $0x80  }
0x2a8: {  	[sflag:s9] =	ssyncset.done $0x0  }
0x2a9: {  	[sflag:s9] =	ssyncadd.s32 $0xFFFFFF80  }
0x2aa: {  	_ =	swait.ge [sflag:s9], $0x80  }
0x2ab: {  	[sflag:s9] =	ssyncset.done $0x0  }
0x2ac: {  	[sflag:s9] =	ssyncadd.s32 $0xFFFFFF80  }
0x2ad: {  	_ =	swait.ge [sflag:s9], $0x80  }
0x2ae: {  	[sflag:s9] =	ssyncset.done $0x0  }
0x2af: {  	[sflag:s9] =	ssyncadd.s32 $0xFFFFFF80  }
0x2b0: {  	_ =	swait.ge [sflag:s9], $0x80  }
0x2b1: {  	[sflag:s9] =	ssyncset.done $0x0  }
0x2b2: {  	[sflag:s9] =	ssyncadd.s32 $0xFFFFFF80  }
0x2b3: {  	_ =	swait.ge [sflag:s9], $0x80  }
0x2b4: {  	[sflag:s9] =	ssyncset.done $0x0  }
0x2b5: {  	[sflag:s9] =	ssyncadd.s32 $0xFFFFFF80  }
0x2b6: {  	_ =	swait.ge [sflag:s9], $0x80  }
0x2b7: {  	[sflag:s9] =	ssyncset.done $0x0  }
0x2b8: {  	[sflag:s9] =	ssyncadd.s32 $0xFFFFFF80  }
0x2b9: {  	_ =	swait.ge [sflag:s9], $0x80  }
0x2ba: {  	[sflag:s9] =	ssyncset.done $0x0  }
0x2bb: {  	[sflag:s9] =	ssyncadd.s32 $0xFFFFFF80  }
0x2bc: {  	_ =	swait.ge [sflag:s9], $0x80  }
0x2bd: {  	[sflag:s9] =	ssyncset.done $0x0  }
0x2be: {  	[sflag:s9] =	ssyncadd.s32 $0xFFFFFF80  }
0x2bf: {  	_ =	swait.ge [sflag:s9], $0x80  }
0x2c0: {  	[sflag:s9] =	ssyncset.done $0x0  }
0x2c1: {  	s2 =	sadd.s32 s20, s2;
	s8 =	rddreg [dreg:$0xc];
	[sflag:s9] =	ssyncadd.s32 $0xFFFFFF80  }
0x2c2: {  	[tilespmem:s3], [sflag:$0x1] =	stream.linear.gather [hbm4b:s2+s3], $0x3E80, $0x38;
	[tilespmem:$0x1E000] =	vst v63  }
0x2c3: {  	s20 =	simm.s32 $0x1D000;
	s0 =	sadd.s32 s25, s8;
	s2 =	sld [smem:$0x7EF]  }
0x2c4: {  	[tilespmem:s20], [sflag:$0x1] =	stream.linear.gather [hbm4b:s0+s3], $0x80, $0x38;
	[tilespmem:$0x1E000] =	vst v63  }
0x2c5: {  	s24 =	sadd.s32 $0x40, s24;
	s8 =	rddreg [dreg:$0xc];
	s25 =	simm.s32 $0x1D080  }
0x2c6: {  	[tilespmem:s25], [sflag:$0x1] =	stream.linear.gather [hbm4b:s24+s3], $0x80, $0x38;
	[tilespmem:$0x1E000] =	vst v63  }
0x2c7: {  	s20 =	simm.s32 $0x1D100;
	s0 =	sadd.s32 s2, s8  }
0x2c8: {  	[tilespmem:s20], [sflag:$0x1] =	stream.linear.gather [hbm4b:s0+s3], $0x80, $0x38;
	[tilespmem:$0x1E000] =	vst v63  }
0x2c9: {  	s0 =	sadd.s32 $0x40, s21;
	s21 =	sld [smem:$0x7F0];
	_ =	sdelay $0x2  }
0x2ca: {  	s24 =	simm.s32 $0x1D180;
	s2 =	smul.u32 $0x280, s21  }
0x2cb: {  	[tilespmem:s24], [sflag:$0x1] =	stream.linear.gather [hbm4b:s0+s3], $0x80, $0x38;
	[tilespmem:$0x1E000] =	vst v63  }
0x2cc: {  	s21 =	sshrl.u32 s2, $0x3  }
0x2cd: {  	s2 =	sld [smem:$0x7F1];
	s0 =	sadd.s32 s5, s21  }
0x2ce: {  	s24 =	simm.s32 $0x1D200;
	s0 =	sadd.s32 $0x40, s0  }
0x2cf: {  	[tilespmem:s24], [sflag:$0x1] =	stream.linear.gather [hbm4b:s0+s3], $0x80, $0x38;
	[tilespmem:$0x1E000] =	vst v63  }
0x2d0: {  	s0 =	sadd.s32 s2, s8  }
0x2d1: {  	[tilespmem:s29], [sflag:$0x1] =	stream.linear.gather [hbm4b:s0+s3], $0x80, $0x38;
	[tilespmem:$0x1E000] =	vst v63  }
0x2d2: {  	s11 =	sadd.s32 $0x40, s11  }
0x2d3: {  	[tilespmem:s13], [sflag:$0x1] =	stream.linear.gather [hbm4b:s11+s3], $0x80, $0x38;
	[tilespmem:$0x1E000] =	vst v63  }
0x2d4: {  	s13 =	sld [smem:$0x7F2];
	_ =	sdelay $0x2  }
0x2d5: {  	s0 =	sadd.s32 s13, s8  }
0x2d6: {  	[tilespmem:s16], [sflag:$0x1] =	stream.linear.gather [hbm4b:s0+s3], $0x80, $0x38;
	[tilespmem:$0x1E000] =	vst v63  }
0x2d7: {  	s2 =	sld [smem:$0x7F3];
	s16 =	sadd.s32 s23, s8  }
0x2d8: {  	[tilespmem:s18], [sflag:$0x1] =	stream.linear.gather [hbm4b:s16+s3], $0x80, $0x38;
	[tilespmem:$0x1E000] =	vst v63  }
0x2d9: {  	s23 =	sadd.s32 $0x40, s4  }
0x2da: {  	[tilespmem:s31], [sflag:$0x1] =	stream.linear.gather [hbm4b:s23+s3], $0x80, $0x38;
	[tilespmem:$0x1E000] =	vst v63  }
0x2db: {  	s0 =	sadd.s32 s2, s8  }
0x2dc: {  	[tilespmem:s6], [sflag:$0x1] =	stream.linear.gather [hbm4b:s0+s3], $0x80, $0x38;
	[tilespmem:$0x1E000] =	vst v63  }
0x2dd: {  	s6 =	sld [smem:$0x7F4];
	_ =	sdelay $0x2  }
0x2de: {  	s4 =	sadd.s32 $0x40, s30;
	s2 =	smul.u32 $0x280, s6  }
0x2df: {  	[tilespmem:s12], [sflag:$0x1] =	stream.linear.gather [hbm4b:s4+s3], $0x80, $0x38;
	[tilespmem:$0x1E000] =	vst v63  }
0x2e0: {  	s17 =	rddreg [dreg:$0x4];
	s13 =	sshrl.u32 s2, $0x3  }
0x2e1: {  	s30 =	sld [smem:$0x7F5];
	s0 =	sadd.s32 s5, s13  }
0x2e2: {  	s25 =	rddreg [dreg:$0x13];
	s0 =	sadd.s32 $0x40, s0  }
0x2e3: {  	[tilespmem:s26], [sflag:$0x1] =	stream.linear.gather [hbm4b:s0+s3], $0x80, $0x38;
	[tilespmem:$0x1E000] =	vst v63  }
0x2e4: {  	s6 =	sld [smem:$0x7F6];
	s0 =	sadd.s32 s30, s8  }
0x2e5: {  	[tilespmem:s28], [sflag:$0x1] =	stream.linear.gather [hbm4b:s0+s3], $0x80, $0x38;
	[tilespmem:$0x1E000] =	vst v63  }
0x2e6: {  	s24 =	rddreg [dreg:$0xd];
	s2 =	sadd.s32 $0x40, s10  }
0x2e7: {  	[tilespmem:s22], [sflag:$0x1] =	stream.linear.gather [hbm4b:s2+s3], $0x80, $0x38;
	[tilespmem:$0x1E000] =	vst v63  }
0x2e8: {  	s29 =	rddreg [dreg:$0x14];
	s0 =	sadd.s32 s6, s8  }
0x2e9: {  	[tilespmem:s15], [sflag:$0x1] =	stream.linear.gather [hbm4b:s0+s3], $0x80, $0x38;
	[tilespmem:$0x1E000] =	vst v63  }
0x2ea: {  	s31 =	rddreg [dreg:$0x15];
	s15 =	simm.s32 $0x1D800  }
0x2eb: {  	[spmem:s1] =	stream.indirect.scatter.add.f32 [tilespmem:s19], [sflag:$0x2], $0x80, s15, s7, $0xb8;
	[tilespmem:$0x1E000] =	vst v63  }
0x2ec: {  	s10 =	rddreg [dreg:$0xf];
	_ =	swait.ge [sflag:s14], $0x4000  }
0x2ed: {  	[sflag:s14] =	ssyncset.done $0x0  }
0x2ee: {  	s22 =	simm.s32 $0x1D880;
	[sflag:s14] =	ssyncadd.s32 $0xFFFFC000  }
0x2ef: {  	[spmem:s1] =	stream.indirect.scatter.add.f32 [tilespmem:s19], [sflag:$0x2], $0x80, s22, s7, $0xb8;
	[tilespmem:$0x1E000] =	vst v63  }
0x2f0: {  	_ =	swait.ge [sflag:s14], $0x4000  }
0x2f1: {  	[sflag:s14] =	ssyncset.done $0x0  }
0x2f2: {  	s26 =	simm.s32 $0x1D900;
	[sflag:s14] =	ssyncadd.s32 $0xFFFFC000  }
0x2f3: {  	[spmem:s1] =	stream.indirect.scatter.add.f32 [tilespmem:s19], [sflag:$0x2], $0x80, s26, s7, $0xb8;
	[tilespmem:$0x1E000] =	vst v63  }
0x2f4: {  	_ =	swait.ge [sflag:s14], $0x4000  }
0x2f5: {  	[sflag:s14] =	ssyncset.done $0x0  }
0x2f6: {  	s28 =	simm.s32 $0x1D980;
	[sflag:s14] =	ssyncadd.s32 $0xFFFFC000  }
0x2f7: {  	[spmem:s1] =	stream.indirect.scatter.add.f32 [tilespmem:s19], [sflag:$0x2], $0x80, s28, s7, $0xb8;
	[tilespmem:$0x1E000] =	vst v63  }
0x2f8: {  	_ =	swait.ge [sflag:s14], $0x4000  }
0x2f9: {  	[sflag:s14] =	ssyncset.done $0x0  }
0x2fa: {  	s30 =	simm.s32 $0x1DA00;
	[sflag:s14] =	ssyncadd.s32 $0xFFFFC000  }
0x2fb: {  	[spmem:s1] =	stream.indirect.scatter.add.f32 [tilespmem:s19], [sflag:$0x2], $0x80, s30, s7, $0xb8;
	[tilespmem:$0x1E000] =	vst v63  }
0x2fc: {  	_ =	swait.ge [sflag:s14], $0x4000  }
0x2fd: {  	[sflag:s14] =	ssyncset.done $0x0  }
0x2fe: {  	s8 =	simm.s32 $0x1DA80;
	[sflag:s14] =	ssyncadd.s32 $0xFFFFC000  }
0x2ff: {  	[spmem:s1] =	stream.indirect.scatter.add.f32 [tilespmem:s19], [sflag:$0x2], $0x80, s8, s7, $0xb8;
	[tilespmem:$0x1E000] =	vst v63  }
0x300: {  	_ =	swait.ge [sflag:s14], $0x4000  }
0x301: {  	[sflag:s14] =	ssyncset.done $0x0  }
0x302: {  	s15 =	simm.s32 $0x1DB00;
	[sflag:s14] =	ssyncadd.s32 $0xFFFFC000  }
0x303: {  	[spmem:s1] =	stream.indirect.scatter.add.f32 [tilespmem:s19], [sflag:$0x2], $0x80, s15, s7, $0xb8;
	[tilespmem:$0x1E000] =	vst v63  }
0x304: {  	_ =	swait.ge [sflag:s14], $0x4000  }
0x305: {  	[sflag:s14] =	ssyncset.done $0x0  }
0x306: {  	s22 =	simm.s32 $0x1DB80;
	[sflag:s14] =	ssyncadd.s32 $0xFFFFC000  }
0x307: {  	[spmem:s1] =	stream.indirect.scatter.add.f32 [tilespmem:s19], [sflag:$0x2], $0x80, s22, s7, $0xb8;
	[tilespmem:$0x1E000] =	vst v63  }
0x308: {  	_ =	swait.ge [sflag:s14], $0x4000  }
0x309: {  	[sflag:s14] =	ssyncset.done $0x0  }
0x30a: {  	s26 =	simm.s32 $0x1DC00;
	[sflag:s14] =	ssyncadd.s32 $0xFFFFC000  }
0x30b: {  	[spmem:s1] =	stream.indirect.scatter.add.f32 [tilespmem:s19], [sflag:$0x2], $0x80, s26, s7, $0xb8;
	[tilespmem:$0x1E000] =	vst v63  }
0x30c: {  	_ =	swait.ge [sflag:s14], $0x4000  }
0x30d: {  	[sflag:s14] =	ssyncset.done $0x0  }
0x30e: {  	s28 =	simm.s32 $0x1DC80;
	[sflag:s14] =	ssyncadd.s32 $0xFFFFC000  }
0x30f: {  	[spmem:s1] =	stream.indirect.scatter.add.f32 [tilespmem:s19], [sflag:$0x2], $0x80, s28, s7, $0xb8;
	[tilespmem:$0x1E000] =	vst v63  }
0x310: {  	_ =	swait.ge [sflag:s14], $0x4000  }
0x311: {  	[sflag:s14] =	ssyncset.done $0x0  }
0x312: {  	s30 =	simm.s32 $0x1DD00;
	[sflag:s14] =	ssyncadd.s32 $0xFFFFC000  }
0x313: {  	[spmem:s1] =	stream.indirect.scatter.add.f32 [tilespmem:s19], [sflag:$0x2], $0x80, s30, s7, $0xb8;
	[tilespmem:$0x1E000] =	vst v63  }
0x314: {  	_ =	swait.ge [sflag:s14], $0x4000  }
0x315: {  	[sflag:s14] =	ssyncset.done $0x0  }
0x316: {  	s8 =	simm.s32 $0x1DD80;
	[sflag:s14] =	ssyncadd.s32 $0xFFFFC000  }
0x317: {  	[spmem:s1] =	stream.indirect.scatter.add.f32 [tilespmem:s19], [sflag:$0x2], $0x80, s8, s7, $0xb8;
	[tilespmem:$0x1E000] =	vst v63  }
0x318: {  	_ =	swait.ge [sflag:s14], $0x4000  }
0x319: {  	[sflag:s14] =	ssyncset.done $0x0  }
0x31a: {  	s15 =	simm.s32 $0x1DE00;
	[sflag:s14] =	ssyncadd.s32 $0xFFFFC000  }
0x31b: {  	[spmem:s1] =	stream.indirect.scatter.add.f32 [tilespmem:s19], [sflag:$0x2], $0x80, s15, s7, $0xb8;
	[tilespmem:$0x1E000] =	vst v63  }
0x31c: {  	_ =	swait.ge [sflag:s14], $0x4000  }
0x31d: {  	[sflag:s14] =	ssyncset.done $0x0  }
0x31e: {  	s22 =	simm.s32 $0x1DE80;
	[sflag:s14] =	ssyncadd.s32 $0xFFFFC000  }
0x31f: {  	[spmem:s1] =	stream.indirect.scatter.add.f32 [tilespmem:s19], [sflag:$0x2], $0x80, s22, s7, $0xb8;
	[tilespmem:$0x1E000] =	vst v63  }
0x320: {  	_ =	swait.ge [sflag:s14], $0x4000  }
0x321: {  	[sflag:s14] =	ssyncset.done $0x0  }
0x322: {  	s26 =	simm.s32 $0x1DF00;
	[sflag:s14] =	ssyncadd.s32 $0xFFFFC000  }
0x323: {  	[spmem:s1] =	stream.indirect.scatter.add.f32 [tilespmem:s19], [sflag:$0x2], $0x80, s26, s7, $0xb8;
	[tilespmem:$0x1E000] =	vst v63  }
0x324: {  	_ =	swait.ge [sflag:s14], $0x4000  }
0x325: {  	[sflag:s14] =	ssyncset.done $0x0  }
0x326: {  	s28 =	simm.s32 $0x1DF80;
	[sflag:s14] =	ssyncadd.s32 $0xFFFFC000  }
0x327: {  	[spmem:s1] =	stream.indirect.scatter.add.f32 [tilespmem:s19], [sflag:$0x2], $0x80, s28, s7, $0xb8;
	[tilespmem:$0x1E000] =	vst v63  }
0x328: {  	_ =	swait.ge [sflag:s14], $0x4000  }
0x329: {  	[sflag:s14] =	ssyncset.done $0x0  }
0x32a: {  	[sflag:s14] =	ssyncadd.s32 $0xFFFFC000  }
0x32b: {  	_ =	swait.ge [sflag:s9], $0x3E80  }
0x32c: {  	[sflag:s9] =	ssyncset.done $0x0  }
0x32d: {  	[sflag:s9] =	ssyncadd.s32 $0xFFFFC180  }
0x32e: {  	_ =	swait.ge [sflag:s9], $0x80  }
0x32f: {  	[sflag:s9] =	ssyncset.done $0x0  }
0x330: {  	[sflag:s9] =	ssyncadd.s32 $0xFFFFFF80  }
0x331: {  	_ =	swait.ge [sflag:s9], $0x80  }
0x332: {  	[sflag:s9] =	ssyncset.done $0x0  }
0x333: {  	[sflag:s9] =	ssyncadd.s32 $0xFFFFFF80  }
0x334: {  	_ =	swait.ge [sflag:s9], $0x80  }
0x335: {  	[sflag:s9] =	ssyncset.done $0x0  }
0x336: {  	[sflag:s9] =	ssyncadd.s32 $0xFFFFFF80  }
0x337: {  	_ =	swait.ge [sflag:s9], $0x80  }
0x338: {  	[sflag:s9] =	ssyncset.done $0x0  }
0x339: {  	[sflag:s9] =	ssyncadd.s32 $0xFFFFFF80  }
0x33a: {  	_ =	swait.ge [sflag:s9], $0x80  }
0x33b: {  	[sflag:s9] =	ssyncset.done $0x0  }
0x33c: {  	[sflag:s9] =	ssyncadd.s32 $0xFFFFFF80  }
0x33d: {  	_ =	swait.ge [sflag:s9], $0x80  }
0x33e: {  	[sflag:s9] =	ssyncset.done $0x0  }
0x33f: {  	[sflag:s9] =	ssyncadd.s32 $0xFFFFFF80  }
0x340: {  	_ =	swait.ge [sflag:s9], $0x80  }
0x341: {  	[sflag:s9] =	ssyncset.done $0x0  }
0x342: {  	[sflag:s9] =	ssyncadd.s32 $0xFFFFFF80  }
0x343: {  	_ =	swait.ge [sflag:s9], $0x80  }
0x344: {  	[sflag:s9] =	ssyncset.done $0x0  }
0x345: {  	[sflag:s9] =	ssyncadd.s32 $0xFFFFFF80  }
0x346: {  	_ =	swait.ge [sflag:s9], $0x80  }
0x347: {  	[sflag:s9] =	ssyncset.done $0x0  }
0x348: {  	[sflag:s9] =	ssyncadd.s32 $0xFFFFFF80  }
0x349: {  	_ =	swait.ge [sflag:s9], $0x80  }
0x34a: {  	[sflag:s9] =	ssyncset.done $0x0  }
0x34b: {  	[sflag:s9] =	ssyncadd.s32 $0xFFFFFF80  }
0x34c: {  	_ =	swait.ge [sflag:s9], $0x80  }
0x34d: {  	[sflag:s9] =	ssyncset.done $0x0  }
0x34e: {  	[sflag:s9] =	ssyncadd.s32 $0xFFFFFF80  }
0x34f: {  	_ =	swait.ge [sflag:s9], $0x80  }
0x350: {  	[sflag:s9] =	ssyncset.done $0x0  }
0x351: {  	[sflag:s9] =	ssyncadd.s32 $0xFFFFFF80  }
0x352: {  	_ =	swait.ge [sflag:s9], $0x80  }
0x353: {  	[sflag:s9] =	ssyncset.done $0x0  }
0x354: {  	[sflag:s9] =	ssyncadd.s32 $0xFFFFFF80  }
0x355: {  	_ =	swait.ge [sflag:s9], $0x80  }
0x356: {  	[sflag:s9] =	ssyncset.done $0x0  }
0x357: {  	[sflag:s9] =	ssyncadd.s32 $0xFFFFFF80  }
0x358: {  	_ =	swait.ge [sflag:s9], $0x80  }
0x359: {  	[sflag:s9] =	ssyncset.done $0x0  }
0x35a: {  	[sflag:s9] =	ssyncadd.s32 $0xFFFFFF80  }
0x35b: {  	_ =	swait.ge [sflag:s9], $0x80  }
0x35c: {  	[sflag:s9] =	ssyncset.done $0x0  }
0x35d: {  	s30 =	simm.s32 $0x1D000;
	[sflag:s9] =	ssyncadd.s32 $0xFFFFFF80  }
0x35e: {  	[spmem:s1] =	stream.indirect.scatter.add.f32 [tilespmem:s3], [sflag:$0x2], $0x80, s30, s7, $0xb8;
	[tilespmem:$0x1E000] =	vst v63  }
0x35f: {  	_ =	swait.ge [sflag:s14], $0x4000  }
0x360: {  	[sflag:s14] =	ssyncset.done $0x0  }
0x361: {  	s8 =	simm.s32 $0x1D080;
	[sflag:s14] =	ssyncadd.s32 $0xFFFFC000  }
0x362: {  	[spmem:s1] =	stream.indirect.scatter.add.f32 [tilespmem:s3], [sflag:$0x2], $0x80, s8, s7, $0xb8;
	[tilespmem:$0x1E000] =	vst v63  }
0x363: {  	_ =	swait.ge [sflag:s14], $0x4000  }
0x364: {  	[sflag:s14] =	ssyncset.done $0x0  }
0x365: {  	s20 =	simm.s32 $0x1D100;
	[sflag:s14] =	ssyncadd.s32 $0xFFFFC000  }
0x366: {  	[spmem:s1] =	stream.indirect.scatter.add.f32 [tilespmem:s3], [sflag:$0x2], $0x80, s20, s7, $0xb8;
	[tilespmem:$0x1E000] =	vst v63  }
0x367: {  	_ =	swait.ge [sflag:s14], $0x4000  }
0x368: {  	[sflag:s14] =	ssyncset.done $0x0  }
0x369: {  	s15 =	simm.s32 $0x1D180;
	[sflag:s14] =	ssyncadd.s32 $0xFFFFC000  }
0x36a: {  	[spmem:s1] =	stream.indirect.scatter.add.f32 [tilespmem:s3], [sflag:$0x2], $0x80, s15, s7, $0xb8;
	[tilespmem:$0x1E000] =	vst v63  }
0x36b: {  	_ =	swait.ge [sflag:s14], $0x4000  }
0x36c: {  	[sflag:s14] =	ssyncset.done $0x0  }
0x36d: {  	s20 =	simm.s32 $0x1D200;
	[sflag:s14] =	ssyncadd.s32 $0xFFFFC000  }
0x36e: {  	[spmem:s1] =	stream.indirect.scatter.add.f32 [tilespmem:s3], [sflag:$0x2], $0x80, s20, s7, $0xb8;
	[tilespmem:$0x1E000] =	vst v63  }
0x36f: {  	_ =	swait.ge [sflag:s14], $0x4000  }
0x370: {  	[sflag:s14] =	ssyncset.done $0x0  }
0x371: {  	s21 =	simm.s32 $0x1D280;
	[sflag:s14] =	ssyncadd.s32 $0xFFFFC000  }
0x372: {  	[spmem:s1] =	stream.indirect.scatter.add.f32 [tilespmem:s3], [sflag:$0x2], $0x80, s21, s7, $0xb8;
	[tilespmem:$0x1E000] =	vst v63  }
0x373: {  	_ =	swait.ge [sflag:s14], $0x4000  }
0x374: {  	[sflag:s14] =	ssyncset.done $0x0  }
0x375: {  	s22 =	simm.s32 $0x1D300;
	[sflag:s14] =	ssyncadd.s32 $0xFFFFC000  }
0x376: {  	[spmem:s1] =	stream.indirect.scatter.add.f32 [tilespmem:s3], [sflag:$0x2], $0x80, s22, s7, $0xb8;
	[tilespmem:$0x1E000] =	vst v63  }
0x377: {  	_ =	swait.ge [sflag:s14], $0x4000  }
0x378: {  	[sflag:s14] =	ssyncset.done $0x0  }
0x379: {  	s11 =	simm.s32 $0x1D380;
	[sflag:s14] =	ssyncadd.s32 $0xFFFFC000  }
0x37a: {  	[spmem:s1] =	stream.indirect.scatter.add.f32 [tilespmem:s3], [sflag:$0x2], $0x80, s11, s7, $0xb8;
	[tilespmem:$0x1E000] =	vst v63  }
0x37b: {  	_ =	swait.ge [sflag:s14], $0x4000  }
0x37c: {  	[sflag:s14] =	ssyncset.done $0x0  }
0x37d: {  	s16 =	simm.s32 $0x1D400;
	[sflag:s14] =	ssyncadd.s32 $0xFFFFC000  }
0x37e: {  	[spmem:s1] =	stream.indirect.scatter.add.f32 [tilespmem:s3], [sflag:$0x2], $0x80, s16, s7, $0xb8;
	[tilespmem:$0x1E000] =	vst v63  }
0x37f: {  	_ =	swait.ge [sflag:s14], $0x4000  }
0x380: {  	[sflag:s14] =	ssyncset.done $0x0  }
0x381: {  	s23 =	simm.s32 $0x1D480;
	[sflag:s14] =	ssyncadd.s32 $0xFFFFC000  }
0x382: {  	[spmem:s1] =	stream.indirect.scatter.add.f32 [tilespmem:s3], [sflag:$0x2], $0x80, s23, s7, $0xb8;
	[tilespmem:$0x1E000] =	vst v63  }
0x383: {  	_ =	swait.ge [sflag:s14], $0x4000  }
0x384: {  	[sflag:s14] =	ssyncset.done $0x0  }
0x385: {  	s18 =	simm.s32 $0x1D500;
	[sflag:s14] =	ssyncadd.s32 $0xFFFFC000  }
0x386: {  	[spmem:s1] =	stream.indirect.scatter.add.f32 [tilespmem:s3], [sflag:$0x2], $0x80, s18, s7, $0xb8;
	[tilespmem:$0x1E000] =	vst v63  }
0x387: {  	_ =	swait.ge [sflag:s14], $0x4000  }
0x388: {  	[sflag:s14] =	ssyncset.done $0x0  }
0x389: {  	s12 =	simm.s32 $0x1D580;
	[sflag:s14] =	ssyncadd.s32 $0xFFFFC000  }
0x38a: {  	[spmem:s1] =	stream.indirect.scatter.add.f32 [tilespmem:s3], [sflag:$0x2], $0x80, s12, s7, $0xb8;
	[tilespmem:$0x1E000] =	vst v63  }
0x38b: {  	_ =	swait.ge [sflag:s14], $0x4000  }
0x38c: {  	[sflag:s14] =	ssyncset.done $0x0  }
0x38d: {  	s4 =	simm.s32 $0x1D600;
	[sflag:s14] =	ssyncadd.s32 $0xFFFFC000  }
0x38e: {  	[spmem:s1] =	stream.indirect.scatter.add.f32 [tilespmem:s3], [sflag:$0x2], $0x80, s4, s7, $0xb8;
	[tilespmem:$0x1E000] =	vst v63  }
0x38f: {  	_ =	swait.ge [sflag:s14], $0x4000  }
0x390: {  	[sflag:s14] =	ssyncset.done $0x0  }
0x391: {  	s13 =	simm.s32 $0x1D680;
	[sflag:s14] =	ssyncadd.s32 $0xFFFFC000  }
0x392: {  	[spmem:s1] =	stream.indirect.scatter.add.f32 [tilespmem:s3], [sflag:$0x2], $0x80, s13, s7, $0xb8;
	[tilespmem:$0x1E000] =	vst v63  }
0x393: {  	_ =	swait.ge [sflag:s14], $0x4000  }
0x394: {  	[sflag:s14] =	ssyncset.done $0x0  }
0x395: {  	s2 =	simm.s32 $0x1D700;
	[sflag:s14] =	ssyncadd.s32 $0xFFFFC000  }
0x396: {  	[spmem:s1] =	stream.indirect.scatter.add.f32 [tilespmem:s3], [sflag:$0x2], $0x80, s2, s7, $0xb8;
	[tilespmem:$0x1E000] =	vst v63  }
0x397: {  	_ =	swait.ge [sflag:s14], $0x4000  }
0x398: {  	[sflag:s14] =	ssyncset.done $0x0  }
0x399: {  	s0 =	simm.s32 $0x1D780;
	[sflag:s14] =	ssyncadd.s32 $0xFFFFC000  }
0x39a: {  	[spmem:s1] =	stream.indirect.scatter.add.f32 [tilespmem:s3], [sflag:$0x2], $0x80, s0, s7, $0xb8;
	[tilespmem:$0x1E000] =	vst v63  }
0x39b: {  	_ =	swait.ge [sflag:s14], $0x4000  }
0x39c: {  	s23 =	sld [smem:$0x7F7];
	_ =	sdelay $0x2  }
0x39d: {  	[sflag:s14] =	ssyncset.done $0x0;
	s0 =	smul.u32 $0x140000, s23  }
0x39e: {  	p1 =	por p0, p0;
	[sflag:s14] =	ssyncadd.s32 $0xFFFFC000  }
0x39f: {  	s26 =	stileid.u32;
	[bflag:$0x0] =	sbarrier.arrive $0xFFFF;
	s0 =	sadd.s32 s24, s0  }
0x3a0: {  	s2 =	sshll.u32 s26, $0x6;
	s28 =	rddreg [dreg:$0x6];
	s0 =	sshrl.u32 s0, $0x3  }
0x3a1: {  	s2 =	sor.u32 $0x1C02, s2;
	s30 =	sshrl.u32 s28, $0x3;
	s0 =	sadd.s32 s17, s0  }
0x3a2: {  	[hbm:s0], [sflag:s2] =	dma.local [spmem:s30], $0x2800  }
.Ltmp1:
0x3a3: {  	s6 =	rddreg [dreg:$0x7];
	_ =	swait.ge [sflag:s14], $0x2800;
	(pc) =	sbr.rel @p1 .LBB2_4-.Ltmp1, $4  }
0x3a4: {  	[sflag:s14] =	ssyncset.done $0x0  }
0x3a5: {  	[sflag:s14] =	ssyncadd.s32 $0xFFFFD800  }
0x3a6: {  	[bflag:$0x0] =	sbarrier.arrive $0xFFFF  }
0x3a7: {  	p0 =	por $0x0, $0x0;
	s15 =	stileid.u32;
	s13 =	smov.u32 s28  }
0x3a8: {  	s2 =	sld [smem:$0x7F8];
	_ =	sdelay $0x2  }
0x3a9: {  	s0 =	rddreg [dreg:$0xe];
	s2 =	sadd.s32 $0x1, s2  }
0x3aa: {  	p0 =	sne.s32 s2, s0  }
.Ltmp2:
0x3ab: {  	_ = 	snop;
	(pc) =	sbr.rel @p0 .LBB2_1-.Ltmp2, $1  }
0x3ac: {  	_ =	sdelay $0x3  }
0x3ad: {  	_ =	sfence.sel $0x180000  }
0x3ae: {  	[bflag:$0x0] =	sbarrier.arrive $0xFFFF  }
0x3af: {  	_ =	strace $0x9000004A  }
0x3b0: {  	[bflag:$0x2] =	sbarrier.arrive $0xFFFF  }
0x3b1: {  	p0 =	sne.s32 s15, $0x0;
	s0 =	rddreg [dreg:$0x2]  }
0x3b2: {  	s0 =	sadd.s32 @!p0 $0x100000, s0  }
0x3b3: {  	[sflag:s0] =	ssyncadd.tile.s32 @!p0 $0x1;
	_ =	shalt  }
.Lfunc_end2:
_tile_overlayer_lowered:
.L_overlay_start_2:
0x3b4: {  	(tag) =	ssettag $0x2  }
0x3b5: {  	s0 =	rddreg [dreg:$0x0];
	s2 =	stileid.u32  }
0x3b6: {  	s1 =	rddreg [dreg:$0x1];
	p0 =	sne.s32 s2, $0x0  }
0x3b7: {  	s3 =	rddreg [dreg:$0x2];
	[bflag:$0x3] =	sbarrier.arrive $0xFFFF;
	s2 =	simm.s32 @!p0 $0x1C02  }
0x3b8: {  	[timem:s3], [sflag:s2] =	dma.local @!p0 [hbm:s0], s1  }
0x3b9: {  	s0 =	simm.s32 @!p0 $0x2  }
0x3ba: {  	_ =	swait.ge @!p0 [sflag:s0], s1  }
0x3bb: {  	s1 =	ssub.s32 @!p0 $0x0, s1;
	[sflag:s0] =	ssyncset.done @!p0 $0x0  }
0x3bc: {  	[sflag:s0] =	ssyncadd.s32 @!p0 s1  }
0x3bd: {  	[bflag:$0x3] =	sbarrier.arrive $0xFFFF  }
0x3be: {  	_ =	shalt  }

// kernel: kernel.7.cloned.1.call-start
scs
__scs_entry_jumppad:
0x0: {  	(pc) =	sbr.rel $0x88, $3  }
0x1: {  	(tag) =	ssettag $0x0;
	lr =	simm.s32 $0x1  }
0x2: {  	[smem:$0x3F99] =	sst lr;
	_ =	strace $0xD0000000  }
0x3: {  	_ = 	snop  }
0x4: {  	_ = 	snop  }
0x5: {  	_ = 	snop  }
0x6: {  	_ = 	snop  }
0x7: {  	_ = 	snop  }
__scs_overlays_trampoline_lowered:
0x8: {  	[smem:$0x3FA8] =	sst s0  }
0x9: {  	[smem:$0x3FA9] =	sst s1  }
0xa: {  	[smem:$0x3FAA] =	sst s2  }
0xb: {  	[smem:$0x3FAB] =	sst s3  }
0xc: {  	[smem:$0x3FAC] =	sst s4  }
0xd: {  	[smem:$0x3FAD] =	sst s5  }
0xe: {  	[smem:$0x3FAE] =	sst s6  }
0xf: {  	[smem:$0x3FAF] =	sst s7  }
0x10: {  	[smem:$0x3FB0] =	sst s8  }
0x11: {  	[smem:$0x3FB1] =	sst s9;
	s0 =	simm.s32 @!p0 $0x0  }
0x12: {  	s1 =	sld [smem:$0x3F97];
	s0 =	simm.s32 @p0 $0x1  }
0x13: {  	[smem:$0x3FB2] =	sst s0;
	s0 =	simm.s32 @!p1 $0x0  }
0x14: {  	s2 =	sld [smem:$0x3F96];
	s0 =	simm.s32 @p1 $0x1  }
0x15: {  	[smem:$0x3FB3] =	sst s0;
	s0 =	simm.s32 @!p2 $0x0  }
0x16: {  	s3 =	sld [smem:$0x3FDB];
	s0 =	simm.s32 @p2 $0x1  }
0x17: {  	s4 =	simm.s32 $0x1BF5;
	[smem:$0x3FB5] =	sst s0  }
0x18: {  	s0 =	sld [smem:$0x3F98];
	_ =	swait.ge [sflag:s4], $0x0  }
0x19: {  	s7 =	sld [smem:$0x3F99]  }
0x1a: {  	s8 =	sadd.s32 $0xFFFFE003, lr  }
0x1b: {  	s9 =	sadd.s32 $0xFFFFFEF7, lr;
	s5 =	simm.s32 $0xFFFFFFFF;
	p2 =	slt.u32 s8, $0xFFFFF086  }
0x1c: {  	p1 =	slt.u32 s9, $0xF7A;
	s5 =	simm.s32 @!p2 $0x0  }
0x1d: {  	s5 =	simm.s32 @p1 $0x1;
	p0 =	seq.s32 s7, s2  }
0x1e: {  	s7 =	smul.u32 @!p0 $0xF7A, s2;
	p2 =	seq.s32 @!p0 s5, $0x0  }
0x1f: {  	s9 =	smul.u32 $0xF7A, s1;
	s8 =	simm.s32 @!p0 $0x1BF5;
	p2 =	por !p2, p0  }
0x20: {  	[sflag:s8] =	ssyncset.s32 @!p0 $0xFFFFF086;
	s6 =	sadd.s32 @!p0 s3, s7;
	s7 =	simm.s32 @!p0 $0x108  }
0x21: {  	s3 =	sadd.s32 s3, s9;
	s6 =	sadd.s32 @!p0 $0x88, s6;
	s7 =	simm.s32 @p2 $0x1082  }
0x22: {  	[simem:s7], [sflag:s8] =	dma.local @!p0 [hbm:s6], $0xF7A  }
0x23: {  	s9 =	sor.u32 $0xD0000000, s2;
	s6 =	simm.s32 $0x108;
	_ =	swait.ge @!p0 [sflag:s8], $0x0  }
0x24: {  	s3 =	sadd.s32 $0x88, s3;
	s6 =	simm.s32 @!p1 $0x1082;
	[sflag:s4] =	ssyncset.s32 $0xFFFFF086  }
0x25: {  	[simem:s6], [sflag:s4] =	dma.local [hbm:s3], $0xF7A  }
0x26: {  	[smem:$0x3F99] =	sst s1;
	(tag) =	ssettag s2;
	_ =	strace s9  }
0x27: {  	s1 =	sld [smem:$0x3FA9]  }
0x28: {  	s2 =	sld [smem:$0x3FAA]  }
0x29: {  	s4 =	sld [smem:$0x3FAC]  }
0x2a: {  	p0 =	seq.s32 s5, $0x0;
	s5 =	sld [smem:$0x3FAD]  }
0x2b: {  	s6 =	sld [smem:$0x3FAE]  }
0x2c: {  	s7 =	sld [smem:$0x3FAF]  }
0x2d: {  	s3 =	simm.s32 $0x108;
	s8 =	sld [smem:$0x3FB0]  }
0x2e: {  	s3 =	simm.s32 @!p0 $0x1082;
	s9 =	sld [smem:$0x3FB1]  }
0x2f: {  	lr =	sadd.s32 s0, s3;
	s0 =	sld [smem:$0x3FA8]  }
0x30: {  	s3 =	sld [smem:$0x3FAB]  }
0x31: {  	[smem:$0x3FB4] =	sst s10  }
0x32: {  	s10 =	sld [smem:$0x3FB2];
	_ =	sdelay $0x3  }
0x33: {  	p0 =	seq.s32 s10, $0x1;
	s10 =	sld [smem:$0x3FB4];
	_ =	sdelay $0x3  }
0x34: {  	[smem:$0x3FB4] =	sst s10  }
0x35: {  	s10 =	sld [smem:$0x3FB3];
	_ =	sdelay $0x3  }
0x36: {  	p1 =	seq.s32 s10, $0x1;
	s10 =	sld [smem:$0x3FB4];
	_ =	sdelay $0x3  }
0x37: {  	[smem:$0x3FB4] =	sst s10  }
0x38: {  	s10 =	sld [smem:$0x3FB5]  }
0x39: {  	_ = 	snop;
	(pc) =	sbr.ind lr, $3  }
0x3a: {  	_ = 	snop  }
0x3b: {  	_ = 	snop  }
0x3c: {  	p2 =	seq.s32 s10, $0x1;
	s10 =	sld [smem:$0x3FB4]  }
0x3d: {  	_ =	shalt  }
0x3e: {  	_ =	shalt  }
0x3f: {  	_ =	shalt  }
0x40: {  	_ =	shalt  }
0x41: {  	_ =	shalt  }
0x42: {  	_ =	shalt  }
0x43: {  	_ =	shalt  }
0x44: {  	_ =	shalt  }
0x45: {  	_ =	shalt  }
0x46: {  	_ =	shalt  }
0x47: {  	_ =	shalt  }
0x48: {  	_ =	shalt  }
0x49: {  	_ =	shalt  }
0x4a: {  	_ =	shalt  }
0x4b: {  	_ =	shalt  }
0x4c: {  	_ =	shalt  }
0x4d: {  	_ =	shalt  }
0x4e: {  	_ =	shalt  }
0x4f: {  	_ =	shalt  }
0x50: {  	_ =	shalt  }
0x51: {  	_ =	shalt  }
0x52: {  	_ =	shalt  }
0x53: {  	_ =	shalt  }
0x54: {  	_ =	shalt  }
0x55: {  	_ =	shalt  }
0x56: {  	_ =	shalt  }
0x57: {  	_ =	shalt  }
0x58: {  	_ =	shalt  }
0x59: {  	_ =	shalt  }
0x5a: {  	_ =	shalt  }
0x5b: {  	_ =	shalt  }
0x5c: {  	_ =	shalt  }
0x5d: {  	_ =	shalt  }
0x5e: {  	_ =	shalt  }
0x5f: {  	_ =	shalt  }
0x60: {  	_ =	shalt  }
0x61: {  	_ =	shalt  }
0x62: {  	_ =	shalt  }
0x63: {  	_ =	shalt  }
0x64: {  	_ =	shalt  }
0x65: {  	_ =	shalt  }
0x66: {  	_ =	shalt  }
0x67: {  	_ =	shalt  }
0x68: {  	_ =	shalt  }
0x69: {  	_ =	shalt  }
0x6a: {  	_ =	shalt  }
0x6b: {  	_ =	shalt  }
0x6c: {  	_ =	shalt  }
0x6d: {  	_ =	shalt  }
0x6e: {  	_ =	shalt  }
0x6f: {  	_ =	shalt  }
0x70: {  	_ =	shalt  }
0x71: {  	_ =	shalt  }
0x72: {  	_ =	shalt  }
0x73: {  	_ =	shalt  }
0x74: {  	_ =	shalt  }
0x75: {  	_ =	shalt  }
0x76: {  	_ =	shalt  }
0x77: {  	_ =	shalt  }
0x78: {  	_ =	shalt  }
0x79: {  	_ =	shalt  }
0x7a: {  	_ =	shalt  }
0x7b: {  	_ =	shalt  }
0x7c: {  	_ =	shalt  }
0x7d: {  	_ =	shalt  }
0x7e: {  	_ =	shalt  }
0x7f: {  	_ =	shalt  }
0x80: {  	_ =	shalt  }
0x81: {  	_ =	shalt  }
0x82: {  	_ =	shalt  }
0x83: {  	_ =	shalt  }
0x84: {  	_ =	shalt  }
0x85: {  	_ =	shalt  }
0x86: {  	_ =	shalt  }
0x87: {  	_ =	shalt  }
.Lfunc_end0:
.L_simem_size_0:
called_computation_lowered:
.L_overlay_start_0:
0x88: {  	s2 =	sld [smem:$0x3FD9]  }
0x89: {  	s3 =	sld [smem:$0x3FFE];
	_ =	sdelay $0x1  }
0x8a: {  	s1 =	srdreg.scid  }
0x8b: {  	s0 =	sand.u32 $0x1, s1  }
0x8c: {  	s17 =	sshll.u32 s0, $0xA;
	s2 =	sadd.s32 s3, s2  }
0x8d: {  	s2 =	sadd.s32 s2, s17  }
0x8e: {  	[smem:$0x3FC0] =	sst s2  }
0x8f: {  	_ = 	snop  }
0x90: {  	s2 =	sld [smem:$0x3FD0];
	(tm) =	ssettm $0x1  }
0x91: {  	s18 =	sld [smem:$0x3FFB];
	_ =	sdelay $0x3  }
0x92: {  	_ =	strace s18  }
0x93: {  	s3 =	sld [smem:$0x3FFC];
	_ =	sdelay $0x3  }
0x94: {  	_ =	strace s3  }
0x95: {  	s3 =	sld [smem:$0x3FFD];
	_ =	sdelay $0x3  }
0x96: {  	_ =	strace s3  }
0x97: {  	_ =	strace $0x8FFFFFFF  }
0x98: {  	s19 =	sld [smem:$0x3FDB];
	_ =	sdelay $0x1  }
0x99: {  	s4 =	simm.s32 $_scs_section_size  }
0x9a: {  	s5 =	simm.s32 $_size__tile_overlayer_lowered;
	s6 =	simm.s32 $_tile_overlayer_lowered  }
0x9b: {  	s22 =	simm.s32 $0x1BFF;
	s21 =	sshll.u32 s6, $0x1;
	s3 =	sadd.s32 s4, s19  }
0x9c: {  	s7 =	simm.s32 $0x0;
	s20 =	sshll.u32 s5, $0x1;
	s5 =	sadd.s32 s21, s3  }
0x9d: {  	[timem:s7], [sflag:s22] =	dma.local [hbm:s5], s20  }
0x9e: {  	_ =	swait.ge [sflag:s22], s20  }
0x9f: {  	s4 =	ssub.s32 $0x0, s20;
	[sflag:s22] =	ssyncset.done $0x0  }
0xa0: {  	[sflag:s22] =	ssyncadd.s32 s4;
	_ =	sdelay $0x1  }
0xa1: {  	s23 =	simm.s32 $0x1B8B  }
0xa2: {  	_ =	swait.ge [sflag:s23], $0x1  }
0xa3: {  	[sflag:s23] =	ssyncset.done $0x0  }
0xa4: {  	s25 =	simm.s32 $0x1B8E;
	s24 =	sld [smem:$0x3FFE];
	[sflag:s23] =	ssyncadd.s32 $0xFFFFFFFF  }
0xa5: {  	s26 =	simm.s32 $execute0_lowered;
	[smem:$0x3FD2] =	sst s25  }
0xa6: {  	s5 =	sshll.u32 s26, $0x1;
	_ =	strace $0x80000046;
	[dreg:$0x1] =	wrdreg $0xFFFFFFFF  }
0xa7: {  	s28 =	simm.s32 $_size_execute0_lowered;
	s3 =	sadd.s32 s3, s5;
	[dreg:$0x0] =	wrdreg $0x0  }
0xa8: {  	s5 =	sshll.u32 s28, $0x1;
	[dreg:$0x2] =	wrdreg s3  }
0xa9: {  	[dreg:$0x3] =	wrdreg s5  }
0xaa: {  	[dreg:$0x4] =	wrdreg $0xC0  }
0xab: {  	_ =	task [dreg:s7], $0x5FFFF  }
0xac: {  	[dreg:$0x1] =	wrdreg $0xFFFFFFFF  }
0xad: {  	[dreg:$0x0] =	wrdreg $0x60  }
0xae: {  	[dreg:$0x2] =	wrdreg s2  }
0xaf: {  	[dreg:$0x3] =	wrdreg s24  }
0xb0: {  	[dreg:$0x4] =	wrdreg $0x191000  }
0xb1: {  	[dreg:$0x5] =	wrdreg $0x9  }
0xb2: {  	_ =	task.clear_ibuf [dreg:s7], $0x6FFFF;
	_ =	strace $0x90000046  }
0xb3: {  	s29 =	simm.s32 $0x9;
	_ =	strace $0x80000048  }
0xb4: {  	_ =	swait.ge [sflag:s29], $0x1  }
0xb5: {  	[sflag:s29] =	ssyncadd.s32 $0xFFFFFFFF  }
0xb6: {  	_ =	strace $0x90000048  }
0xb7: {  	_ =	sfence  }
0xb8: {  	s30 =	sld [smem:$0x0];
	_ =	sdelay $0x2  }
0xb9: {  	s31 =	sshll.u32 s1, $0xD;
	s1 =	sshrl.u32 s1, $0x2  }
0xba: {  	s3 =	sand.u32 $0x4000, s31;
	s1 =	sadd.s32 s1, s30  }
0xbb: {  	s0 =	sor.u32 s3, s0;
	s1 =	sshll.u32 s1, $0x11  }
0xbc: {  	s0 =	sor.u32 s1, s0  }
0xbd: {  	s0 =	sadd.s32 $0x8F2B, s0  }
0xbe: {  	[sflag:s0] =	ssyncadd.remote.s32 $0x1  }
0xbf: {  	_ =	sfence.sel $0xFFFF  }
0xc0: {  	[dreg:$0x0] =	wrdreg $0xFFFFFFFF;
	(pc) =	sbr.abs _section_cstart, $3  }
0xc1: {  	[dreg:$0x1] =	wrdreg $0xFFFFFFFF  }
0xc2: {  	_ =	task.clear_ibuf [dreg:s7], $0x2FFFF;
	_ =	strace $0x9FFFFFFF  }
0xc3: {  	(tm) =	ssettm $0x7FFFFFFF  }
tec
execute0_lowered:
.L_overlay_start_1:
0x0: {  	(tag) =	ssettag $0x1  }
0x1: {  	s4 =	rddreg [dreg:$0x0];
	s1 =	srdreg.scid  }
0x2: {  	s3 =	rddreg [dreg:$0x1];
	s0 =	stileid.u32  }
0x3: {  	s6 =	rddreg [dreg:$0x2];
	s5 =	sand.u32 $0x1, s1;
	s7 =	sshrl.u32 s0, $0x3  }
0x4: {  	s1 =	rddreg [dreg:$0x3];
	s9 =	sand.u32 $0x7, s0;
	s31 =	sshll.u32 s0, $0x6  }
0x5: {  	s2 =	sshll.u32 s5, $0x1;
	s11 =	smul.u32 $0x2800, s9;
	s5 =	ssub.s32 $0x2, s5  }
0x6: {  	s12 =	smul.u32 $0xA000, s9;
	p0 =	sne.s32 s9, $0x0;
	s8 =	sor.u32 s7, s2  }
0x7: {  	s2 =	simm.s32 $0x0;
	s7 =	smul.u32 $0x50000, s7;
	s28 =	sshrl.u32 s5, $0x1  }
0x8: {  	s10 =	smul.u32 $0x14000, s8;
	[smem:$0x7FF] =	sst s2;
	s8 =	sshll.u32 s8, $0x3  }
0x9: {  	s30 =	sshrl.u32 s12, $0x2;
	s12 =	sor.u32 $0x1C02, s31;
	_ =	strace $0x80000047  }
0xa: {  	s8 =	sor.u32 s9, s8;
	s29 =	sshrl.u32 s7, $0x2;
	s10 =	sadd.s32 s11, s10  }
0xb: {  	s7 =	simm.s32 $0x1;
	s8 =	smul.u32 $0x9C4, s8;
	s10 =	sshrl.u32 s10, $0x3  }
0xc: {  	s9 =	simm.s32 $0x280;
	s11 =	ssub.s32 s5, s28;
	s10 =	sadd.s32 s10, s3  }
0xd: {  	s3 =	sadd.s32 s29, s6;
	s4 =	sadd.s32 s4, s8;
	s6 =	smax.u32 s11, $0x1  }
0xe: {  	s8 =	simm.s32 $0x4E80;
	s11 =	simm.s32 $0x2;
	s13 =	sadd.s32 s30, s3  }
0xf: {  	v0 =	vimm.s32 $0x0;
	v1 =	vlaneseq.u32;
	v2 =	vimm.s32 $0x1;
	s5 =	sadd.s32 $0x1800, s10;
	s10 =	simm.s32 $0x18E80;
	s13 =	sshrl.u32 s13, $0x3  }
.LBB2_1:
0x10: {  	s14 =	simm.s32 $0x0  }
.LBB2_2:
0x11: {  	p1 =	sne.s32 s14, $0x4FE00  }
.Ltmp0:
0x12: {  	_ = 	snop;
	(pc) =	sbr.rel @p1 .LBB2_2-.Ltmp0, $3  }
0x13: {  	_ =	sdelay $0x1  }
0x14: {  	s15 =	sshra.s32 s14, $0x2  }
0x15: {  	s14 =	sadd.s32 $0x200, s14;
	[tilespmem:s15+$0x4E80] =	vst v0  }
0x16: {  	s15 =	simm.s32 $0x0  }
0x17: {  	s14 =	simm.s32 $0x18E80;
	v3 =	vor.u32 s15, v1  }
0x18: {  	s15 =	simm.s32 $0x10;
	[tilespmem:s14+$0x0] =	vst v3  }
.LBB2_4:
0x19: {  	p1 =	sne.s32 s15, $0x270  }
.Ltmp1:
0x1a: {  	_ = 	snop;
	(pc) =	sbr.rel @p1 .LBB2_4-.Ltmp1, $3  }
0x1b: {  	_ =	sdelay $0x1  }
0x1c: {  	v3 =	vor.u32 s15, v1;
	s15 =	sadd.s32 $0x10, s15;
	s14 =	sadd.s32 $0x10, s14  }
0x1d: {  	[tilespmem:s14+$0x0] =	vst v3  }
0x1e: {  	s14 =	simm.s32 @!p0 $0x4E80  }
0x1f: {  	[spmem:s3] =	stream.linear.scatter @!p0 [tilespmem:s14], [sflag:$0x2], $0x14000, $0x38;
	[tilespmem:$0x19600] =	vst v63  }
0x20: {  	s14 =	simm.s32 @!p0 $0x2  }
0x21: {  	_ =	swait.ge @!p0 [sflag:s14], $0x14000  }
0x22: {  	[sflag:s14] =	ssyncset.done @!p0 $0x0  }
0x23: {  	s31 =	simm.s32 $0x0;
	[sflag:s14] =	ssyncadd.s32 @!p0 $0xFFFEC000  }
0x24: {  	[tilespmem:s31], [sflag:$0x1] =	stream.linear.gather [hbm4b:s4+s31], $0x4E20, $0x38;
	[tilespmem:$0x19600] =	vst v63  }
0x25: {  	_ =	swait.ge [sflag:s7], $0x4E20  }
0x26: {  	[sflag:s7] =	ssyncset.done $0x0  }
0x27: {  	[sflag:s7] =	ssyncadd.s32 $0xFFFFB1E0  }
0x28: {  	s15 =	simm.s32 $0x0;
	s14 =	simm.s32 $0x40;
	[bflag:$0x0] =	sbarrier.arrive $0xFFFF  }
.LBB2_6:
0x29: {  	p1 =	sne.s32 s14, $0x13840;
	v3 =	vld [tilespmem:s15+$0x0];
	_ =	sdelay $0x4  }
0x2a: {  	v4 =	vshll.u32 v3, $0x3  }
0x2b: {  	v3 =	vand.u32 $0xF, v3;
	v4 =	vand.u32 $0xFFFFFF80, v4  }
0x2c: {  	v3 =	vor.u32 v3, v4  }
.Ltmp2:
0x2d: {  	(pc) =	sbr.rel @p1 .LBB2_6-.Ltmp2, $2  }
0x2e: {  	_ =	sdelay $0x2  }
0x2f: {  	s15 =	sshra.s32 s14, $0x2;
	s14 =	sadd.s32 $0x40, s14;
	[tilespmem:v3+s8+$0x0] =	vst.idx.add.s32.msk $0xffff, v2  }
0x30: {  	v3 =	vld [tilespmem:s15+$0x0];
	_ =	sdelay $0x4  }
0x31: {  	v4 =	vshll.u32 v3, $0x3  }
0x32: {  	v3 =	vand.u32 $0xF, v3;
	v4 =	vand.u32 $0xFFFFFF80, v4  }
0x33: {  	v3 =	vor.u32 v3, v4;
	_ =	sdelay $0x4  }
0x34: {  	[tilespmem:v3+s8+$0x0] =	vst.idx.add.s32.msk $0xffff, v2  }
0x35: {  	[spmem:s3] =	stream.indirect.scatter.add.s32 [tilespmem:s8], [sflag:$0x2], $0x10, s10, s9, $0xb8;
	[tilespmem:$0x19600] =	vst v63  }
0x36: {  	_ =	swait.ge [sflag:s11], $0x2800  }
0x37: {  	s2 =	sadd.s32 $0x1, s2;
	[sflag:s11] =	ssyncset.done $0x0  }
0x38: {  	p1 =	sne.s32 s2, s6;
	[sflag:s11] =	ssyncadd.s32 $0xFFFFD800  }
.Ltmp3:
0x39: {  	[bflag:$0x0] =	sbarrier.arrive $0xFFFF;
	(pc) =	sbr.rel @p1 .LBB2_1-.Ltmp3, $4  }
0x3a: {  	[hbm:s5], [sflag:s12] =	dma.local [spmem:s13], $0x500  }
0x3b: {  	_ =	swait.ge [sflag:s11], $0x500  }
0x3c: {  	[sflag:s11] =	ssyncset.done $0x0  }
0x3d: {  	[sflag:s11] =	ssyncadd.s32 $0xFFFFFB00  }
0x3e: {  	_ =	sfence.sel $0x180000  }
0x3f: {  	[bflag:$0x0] =	sbarrier.arrive $0xFFFF  }
0x40: {  	p0 =	sne.s32 s0, $0x0;
	_ =	strace $0x90000047  }
0x41: {  	s0 =	sadd.s32 @!p0 $0x100000, s1;
	[bflag:$0x2] =	sbarrier.arrive $0xFFFF  }
0x42: {  	[sflag:s0] =	ssyncadd.tile.s32 @!p0 $0x1;
	_ =	shalt  }
.Lfunc_end2:
_tile_overlayer_lowered:
.L_overlay_start_2:
0x43: {  	(tag) =	ssettag $0x2  }
0x44: {  	s0 =	rddreg [dreg:$0x0];
	s2 =	stileid.u32  }
0x45: {  	s1 =	rddreg [dreg:$0x1];
	p0 =	sne.s32 s2, $0x0  }
0x46: {  	s3 =	rddreg [dreg:$0x2];
	[bflag:$0x3] =	sbarrier.arrive $0xFFFF;
	s2 =	simm.s32 @!p0 $0x1C02  }
0x47: {  	[timem:s3], [sflag:s2] =	dma.local @!p0 [hbm:s0], s1  }
0x48: {  	s0 =	simm.s32 @!p0 $0x2  }
0x49: {  	_ =	swait.ge @!p0 [sflag:s0], s1  }
0x4a: {  	s1 =	ssub.s32 @!p0 $0x0, s1;
	[sflag:s0] =	ssyncset.done @!p0 $0x0  }
0x4b: {  	[sflag:s0] =	ssyncadd.s32 @!p0 s1  }
0x4c: {  	[bflag:$0x3] =	sbarrier.arrive $0xFFFF  }
0x4d: {  	_ =	shalt  }

</sc_bundles>
